<compile_context>
chip_gen: v7x
topology: tpu7x:2x2x1
jax: 0.10.2.dev20260603
libtpu: 0.0.44.dev20260713+nightly
codegen_flags: <defaults>
</compile_context>

<pallas_src>
import jax
import jax.numpy as jnp
from jax import lax
from jax.experimental import pallas as pl
from jax.experimental.pallas import tpu as pltpu
from jax.experimental.pallas import tpu_sc as plsc

N_ROWS = 1000000
N_F = 64
BATCH = 16384

NC = 2
NS = 16
L = 16
NW = NC * NS
B_PER_W = BATCH // NW

SPLIT = 499968
MAIN_ROWS = 2 * SPLIT
TAIL = N_ROWS - MAIN_ROWS
BCOLS = 16128
NBLK = SPLIT // BCOLS
PACKED_ROWS = (NBLK + 1) * BCOLS
HALF = B_PER_W // 2


def _tc_pack_body(x1_ref, x2_ref, tail_ref, out_ref):
    j = pl.program_id(0)
    ident = (lax.broadcasted_iota(jnp.int32, (128, 128), 0)
             == lax.broadcasted_iota(jnp.int32, (128, 128), 1)
             ).astype(jnp.bfloat16)

    def tpose(x):
        return lax.dot_general(ident, x.astype(jnp.bfloat16),
                               (((1,), (1,)), ((), ())),
                               preferred_element_type=jnp.float32)

    @pl.when(j < NBLK)
    def _():
        for c in range(BCOLS // 128):
            sl = pl.ds(c * 128, 128)
            out_ref[sl, :] = jnp.concatenate(
                [tpose(x1_ref[:, sl]), tpose(x2_ref[:, sl])], axis=1)

    @pl.when(j == NBLK)
    def _():
        out_ref[...] = jnp.concatenate(
            [tail_ref[...], jnp.zeros((BCOLS - TAIL, 128), jnp.float32)],
            axis=0)


def _tc_pack(table_t, tail):
    return pl.pallas_call(
        _tc_pack_body,
        grid=(NBLK + 1,),
        in_specs=[
            pl.BlockSpec((N_F, BCOLS), lambda j: (0, jnp.minimum(j, NBLK - 1))),
            pl.BlockSpec((N_F, BCOLS),
                         lambda j: (0, jnp.minimum(j, NBLK - 1) + NBLK)),
            pl.BlockSpec((TAIL, 128), lambda j: (0, 0)),
        ],
        out_specs=pl.BlockSpec((BCOLS, 128), lambda j: (j, 0)),
        out_shape=jax.ShapeDtypeStruct((PACKED_ROWS, 128), jnp.float32),
    )(table_t, table_t, tail)


def _dots_body(user_hbm, item_hbm, gm_hbm, pku_hbm, pki_hbm, bu_hbm, bi_hbm,
               out_hbm,
               uidx_v, iidx_v, upk_v, ipk_v, urows_v, irows_v,
               bu_v, bi_v, gm_v, out_v, sem):
    wid = lax.axis_index("s") * NC + lax.axis_index("c")
    base = wid * B_PER_W
    lanes = lax.iota(jnp.int32, L)

    pltpu.sync_copy(user_hbm.at[pl.ds(base, B_PER_W)], uidx_v)
    pltpu.sync_copy(item_hbm.at[pl.ds(base, B_PER_W)], iidx_v)
    pltpu.sync_copy(gm_hbm, gm_v)

    cb = pltpu.async_copy(bu_hbm.at[uidx_v], bu_v, sem)
    ci = pltpu.async_copy(bi_hbm.at[iidx_v], bi_v, sem)

    def mkpk(c, carry):
        u = uidx_v[pl.ds(c * L, L)]
        upk_v[pl.ds(c * L, L)] = jnp.where(u >= SPLIT, u - SPLIT, u)
        it = iidx_v[pl.ds(c * L, L)]
        ipk_v[pl.ds(c * L, L)] = jnp.where(it >= SPLIT, it - SPLIT, it)
        return carry
    lax.fori_loop(0, B_PER_W // L, mkpk, 0)

    cb.wait()
    ci.wait()
    gm = gm_v[...]

    for h in range(2):
        hb = h * HALF
        cu = pltpu.async_copy(pku_hbm.at[upk_v.at[pl.ds(hb, HALF)]],
                              urows_v, sem)
        ci2 = pltpu.async_copy(pki_hbm.at[ipk_v.at[pl.ds(hb, HALF)]],
                               irows_v, sem)
        cu.wait()
        ci2.wait()

        def group(g, carry):
            k0 = g * L
            rows = k0 + lanes
            u = uidx_v[pl.ds(hb + k0, L)]
            uo = jnp.where((u >= SPLIT) & (u < MAIN_ROWS), N_F, 0)
            it = iidx_v[pl.ds(hb + k0, L)]
            io = jnp.where((it >= SPLIT) & (it < MAIN_ROWS), N_F, 0)
            acc = jnp.zeros((L,), jnp.float32)
            for j in range(N_F):
                uv = plsc.load_gather(urows_v, [rows, uo + j])
                iv = plsc.load_gather(irows_v, [rows, io + j])
                acc = acc + uv * iv
            out_v[pl.ds(hb + k0, L)] = (acc + bu_v[pl.ds(hb + k0, L)]
                                        + bi_v[pl.ds(hb + k0, L)] + gm)
            return carry
        lax.fori_loop(0, HALF // L, group, 0)

    pltpu.sync_copy(out_v, out_hbm.at[pl.ds(base, B_PER_W)])


@jax.jit
def _run(user, item, gm16, WPUT, WPIT, tail_u, tail_i, BU, BI):
    mesh = plsc.VectorSubcoreMesh(core_axis_name="c", subcore_axis_name="s")
    pku = _tc_pack(WPUT, tail_u)
    pki = _tc_pack(WPIT, tail_i)

    dots = pl.kernel(
        _dots_body,
        out_type=jax.ShapeDtypeStruct((BATCH,), jnp.float32),
        mesh=mesh,
        scratch_types=[
            pltpu.VMEM((B_PER_W,), jnp.int32),
            pltpu.VMEM((B_PER_W,), jnp.int32),
            pltpu.VMEM((B_PER_W,), jnp.int32),
            pltpu.VMEM((B_PER_W,), jnp.int32),
            pltpu.VMEM((HALF, 128), jnp.float32),
            pltpu.VMEM((HALF, 128), jnp.float32),
            pltpu.VMEM((B_PER_W,), jnp.float32),
            pltpu.VMEM((B_PER_W,), jnp.float32),
            pltpu.VMEM((L,), jnp.float32),
            pltpu.VMEM((B_PER_W,), jnp.float32),
            pltpu.SemaphoreType.DMA,
        ],
        compiler_params=pltpu.CompilerParams(needs_layout_passes=False),
    )
    return dots(user, item, gm16, pku, pki, BU, BI)


def kernel(user, item, global_mean, WPU, WPI, BU, BI):
    user = user.astype(jnp.int32)
    item = item.astype(jnp.int32)
    gm16 = jnp.broadcast_to(global_mean.astype(jnp.float32), (L,))
    WPUT = WPU.T
    WPIT = WPI.T
    tail_u = jnp.pad(WPU[MAIN_ROWS:], ((0, 0), (0, 128 - N_F)))
    tail_i = jnp.pad(WPI[MAIN_ROWS:], ((0, 0), (0, 128 - N_F)))
    return _run(user, item, gm16, WPUT, WPIT, tail_u, tail_i, BU, BI)

# --- scband reference (transcript-rebuilt; emitter-appended) ---
"""Pipeline reference for scband-recommandation-model-47648367181885 (READ-ONLY COPY).

The authoritative reference and input builder live on the scoring server;
editing this copy changes nothing except your own understanding.
"""

import jax, jax.numpy as jnp
import numpy as np

N_USERS = 1000000
N_ITEMS = 1000000
N_F = 64
BATCH = 16384

def setup_inputs(seed: int = 0) -> dict:
    key = jax.random.key(seed)
    k1, k2, k3, k4, k5, k6 = jax.random.split(key, 6)
    user = jax.random.randint(k1, (BATCH,), 0, N_USERS, dtype=jnp.int64 if jax.config.jax_enable_x64 else jnp.int32)
    item = jax.random.randint(k2, (BATCH,), 0, N_ITEMS, dtype=jnp.int64 if jax.config.jax_enable_x64 else jnp.int32)
    global_mean = jax.random.uniform(k3, (1,), dtype=jnp.float32)
    # Xavier-style init for factor matrices, zeros for biases (matching the TF model)
    scale_u = np.sqrt(6.0 / (N_USERS + N_F)).astype(np.float32)
    scale_i = np.sqrt(6.0 / (N_ITEMS + N_F)).astype(np.float32)
    WPU = jax.random.uniform(k4, (N_USERS, N_F), dtype=jnp.float32, minval=-scale_u, maxval=scale_u)
    WPI = jax.random.uniform(k5, (N_ITEMS, N_F), dtype=jnp.float32, minval=-scale_i, maxval=scale_i)
    BU = jnp.zeros((N_USERS,), dtype=jnp.float32)
    BI = jnp.zeros((N_ITEMS,), dtype=jnp.float32)
    return {"user": user, "item": item, "global_mean": global_mean,
            "WPU": WPU, "WPI": WPI, "BU": BU, "BI": BI}

def reference(user, item, global_mean, WPU, WPI, BU, BI):
    # Faithful translation of add_prediction_op:
    # pred = global_mean + BU[user] + BI[item] + sum(WPU[user] * WPI[item], axis=1)
    bias_user = jnp.take(BU, user, axis=0)
    bias_item = jnp.take(BI, item, axis=0)
    user_vector = jnp.take(WPU, user, axis=0)
    item_vector = jnp.take(WPI, item, axis=0)
    bias_vector = jnp.sum(user_vector * item_vector, axis=1)
    pred = global_mean[0] + bias_user
    pred = pred + bias_item
    pred = pred + bias_vector
    return pred

if __name__ == "__main__":
    import jax
    _d = setup_inputs()
    print(jax.jit(kernel)(*tuple(_d.values())))

</pallas_src>

<mosaic_0001>
#map = affine_map<(d0, d1) -> (0)>
#map1 = affine_map<(d0, d1) -> (0, 0)>
module attributes {stable_mosaic.version = 14 : i64} {
  func.func @_dots_body(%arg0: i32, %arg1: i32, %arg2: memref<16384xi32, #tpu.memory_space<hbm>>, %arg3: memref<16384xi32, #tpu.memory_space<hbm>>, %arg4: memref<16xf32, #tpu.memory_space<hbm>>, %arg5: memref<516096x128xf32, #tpu.memory_space<hbm>>, %arg6: memref<516096x128xf32, #tpu.memory_space<hbm>>, %arg7: memref<1000000xf32, #tpu.memory_space<hbm>>, %arg8: memref<1000000xf32, #tpu.memory_space<hbm>>, %arg9: memref<16384xf32, #tpu.memory_space<hbm>>, %arg10: memref<512xi32, #tpu.memory_space<vmem>>, %arg11: memref<512xi32, #tpu.memory_space<vmem>>, %arg12: memref<512xi32, #tpu.memory_space<vmem>>, %arg13: memref<512xi32, #tpu.memory_space<vmem>>, %arg14: memref<256x128xf32, #tpu.memory_space<vmem>>, %arg15: memref<256x128xf32, #tpu.memory_space<vmem>>, %arg16: memref<512xf32, #tpu.memory_space<vmem>>, %arg17: memref<512xf32, #tpu.memory_space<vmem>>, %arg18: memref<16xf32, #tpu.memory_space<vmem>>, %arg19: memref<512xf32, #tpu.memory_space<vmem>>, %arg20: memref<!tpu.dma_semaphore, #tpu.memory_space<semaphore_mem>>) attributes {dimension_semantics = [#tpu.dimension_semantics<core_parallel>, #tpu.dimension_semantics<subcore_parallel>], iteration_bounds = array<i64: 2, 16>, scalar_prefetch = 0 : i64, scratch_operands = 11 : i64, tpu.core_type = #tpu.core_type<sc_vector_subcore>, window_params = [{transform_indices = #map}, {transform_indices = #map}, {transform_indices = #map}, {transform_indices = #map1}, {transform_indices = #map1}, {transform_indices = #map}, {transform_indices = #map}, {transform_indices = #map}]} {
    %mul3A = arith.constant 2 : i32
    %mul3A_0 = arith.muli %arg1, %mul3A : i32
    %add3A = arith.addi %mul3A_0, %arg0 : i32
    %mul3A_1 = arith.constant 512 : i32
    %mul3A_2 = arith.muli %add3A, %mul3A_1 : i32
    %iota3A = tpu.iota {dimensions = array<i32: 0>} : vector<16xi32>
    "tpu.region"() ({
      %run_scoped3A = tpu.sem_alloc : memref<!tpu.dma_semaphore, #tpu.memory_space<semaphore_mem>>
      %dma_start3A_67 = tpu.memref_slice %arg2[%mul3A_2] : memref<16384xi32, #tpu.memory_space<hbm>> -> memref<512xi32, #tpu.memory_space<hbm>>
      %dma_start3A_68 = tpu.memref_slice %arg2[%mul3A_2] : memref<16384xi32, #tpu.memory_space<hbm>> -> memref<512xi32, #tpu.memory_space<hbm>>
      tpu.enqueue_dma source(%dma_start3A_68 : memref<512xi32, #tpu.memory_space<hbm>>) target(%arg10 : memref<512xi32, #tpu.memory_space<vmem>>) target_semaphore(%run_scoped3A : memref<!tpu.dma_semaphore, #tpu.memory_space<semaphore_mem>>)
      %dma_wait3A_69 = tpu.memref_slice %arg2[%mul3A_2] : memref<16384xi32, #tpu.memory_space<hbm>> -> memref<512xi32, #tpu.memory_space<hbm>>
      %dma_wait3A_70 = tpu.memref_slice %arg2[%mul3A_2] : memref<16384xi32, #tpu.memory_space<hbm>> -> memref<512xi32, #tpu.memory_space<hbm>>
      tpu.wait_dma2 semaphore(%run_scoped3A : memref<!tpu.dma_semaphore, #tpu.memory_space<semaphore_mem>>) src(%dma_wait3A_70 : memref<512xi32, #tpu.memory_space<hbm>>) dst(%arg10 : memref<512xi32, #tpu.memory_space<vmem>>)
      tpu.yield
    }) : () -> ()
    "tpu.region"() ({
      %run_scoped3A = tpu.sem_alloc : memref<!tpu.dma_semaphore, #tpu.memory_space<semaphore_mem>>
      %dma_start3A_67 = tpu.memref_slice %arg3[%mul3A_2] : memref<16384xi32, #tpu.memory_space<hbm>> -> memref<512xi32, #tpu.memory_space<hbm>>
      %dma_start3A_68 = tpu.memref_slice %arg3[%mul3A_2] : memref<16384xi32, #tpu.memory_space<hbm>> -> memref<512xi32, #tpu.memory_space<hbm>>
      tpu.enqueue_dma source(%dma_start3A_68 : memref<512xi32, #tpu.memory_space<hbm>>) target(%arg11 : memref<512xi32, #tpu.memory_space<vmem>>) target_semaphore(%run_scoped3A : memref<!tpu.dma_semaphore, #tpu.memory_space<semaphore_mem>>)
      %dma_wait3A_69 = tpu.memref_slice %arg3[%mul3A_2] : memref<16384xi32, #tpu.memory_space<hbm>> -> memref<512xi32, #tpu.memory_space<hbm>>
      %dma_wait3A_70 = tpu.memref_slice %arg3[%mul3A_2] : memref<16384xi32, #tpu.memory_space<hbm>> -> memref<512xi32, #tpu.memory_space<hbm>>
      tpu.wait_dma2 semaphore(%run_scoped3A : memref<!tpu.dma_semaphore, #tpu.memory_space<semaphore_mem>>) src(%dma_wait3A_70 : memref<512xi32, #tpu.memory_space<hbm>>) dst(%arg11 : memref<512xi32, #tpu.memory_space<vmem>>)
      tpu.yield
    }) : () -> ()
    "tpu.region"() ({
      %run_scoped3A = tpu.sem_alloc : memref<!tpu.dma_semaphore, #tpu.memory_space<semaphore_mem>>
      tpu.enqueue_dma source(%arg4 : memref<16xf32, #tpu.memory_space<hbm>>) target(%arg18 : memref<16xf32, #tpu.memory_space<vmem>>) target_semaphore(%run_scoped3A : memref<!tpu.dma_semaphore, #tpu.memory_space<semaphore_mem>>)
      tpu.wait_dma2 semaphore(%run_scoped3A : memref<!tpu.dma_semaphore, #tpu.memory_space<semaphore_mem>>) src(%arg4 : memref<16xf32, #tpu.memory_space<hbm>>) dst(%arg18 : memref<16xf32, #tpu.memory_space<vmem>>)
      tpu.yield
    }) : () -> ()
    %dma_start3A = arith.constant 0 : i32
    %dma_start3A_3 = tpu.memref_slice %arg7[%dma_start3A] : memref<1000000xf32, #tpu.memory_space<hbm>> -> memref<1000000xf32, #tpu.memory_space<hbm>>
    tpu.enqueue_indirect_dma source(%dma_start3A_3 : memref<1000000xf32, #tpu.memory_space<hbm>>) target(%arg16 : memref<512xf32, #tpu.memory_space<vmem>>) offsets(%arg10 : memref<512xi32, #tpu.memory_space<vmem>>) semaphore(%arg20 : memref<!tpu.dma_semaphore, #tpu.memory_space<semaphore_mem>>)
    %dma_start3A_4 = arith.constant 0 : i32
    %dma_start3A_5 = tpu.memref_slice %arg8[%dma_start3A_4] : memref<1000000xf32, #tpu.memory_space<hbm>> -> memref<1000000xf32, #tpu.memory_space<hbm>>
    tpu.enqueue_indirect_dma source(%dma_start3A_5 : memref<1000000xf32, #tpu.memory_space<hbm>>) target(%arg17 : memref<512xf32, #tpu.memory_space<vmem>>) offsets(%arg11 : memref<512xi32, #tpu.memory_space<vmem>>) semaphore(%arg20 : memref<!tpu.dma_semaphore, #tpu.memory_space<semaphore_mem>>)
    %scan3A = arith.constant 0 : i32
    %scan3A_6 = arith.constant 0 : i32
    %scan3A_7 = arith.constant 32 : i32
    %scan3A_8 = arith.addi %scan3A_6, %scan3A_7 : i32
    %scan3A_9 = arith.constant 1 : i32
    scf.for %scan3A_67 = %scan3A_6 to %scan3A_8 step %scan3A_9  : i32 {
      %mul3A_68 = arith.constant 16 : i32
      %mul3A_69 = arith.muli %scan3A_67, %mul3A_68 : i32
      %get3A_70 = arith.index_cast %mul3A_69 : i32 to index
      %get3A_71 = tpu.vector_load %arg10[%get3A_70] {strides = array<i32>} : memref<512xi32, #tpu.memory_space<vmem>>, vector<16xi32>,
      %ge3A = arith.constant 499968 : i32
      %ge3A_72 = vector.broadcast %ge3A : i32 to vector<16xi32>
      %ge3A_73 = arith.cmpi sge, %get3A_71, %ge3A_72 : vector<16xi32>
      %sub3A = arith.constant 499968 : i32
      %sub3A_74 = vector.broadcast %sub3A : i32 to vector<16xi32>
      %sub3A_75 = arith.subi %get3A_71, %sub3A_74 : vector<16xi32>
      %select_n3A = arith.select %ge3A_73, %sub3A_75, %get3A_71 : vector<16xi1>, vector<16xi32>
      %mul3A_76 = arith.constant 16 : i32
      %mul3A_77 = arith.muli %scan3A_67, %mul3A_76 : i32
      %swap3A = arith.index_cast %mul3A_77 : i32 to index
      %swap3A_78 = tpu.vector_load %arg12[%swap3A] {strides = array<i32>} : memref<512xi32, #tpu.memory_space<vmem>>, vector<16xi32>,
      tpu.vector_store %arg12[%swap3A], %select_n3A {strides = array<i32>} : memref<512xi32, #tpu.memory_space<vmem>>, vector<16xi32>,
      %mul3A_79 = arith.constant 16 : i32
      %mul3A_80 = arith.muli %scan3A_67, %mul3A_79 : i32
      %get3A_81 = arith.index_cast %mul3A_80 : i32 to index
      %get3A_82 = tpu.vector_load %arg11[%get3A_81] {strides = array<i32>} : memref<512xi32, #tpu.memory_space<vmem>>, vector<16xi32>,
      %ge3A_83 = arith.constant 499968 : i32
      %ge3A_84 = vector.broadcast %ge3A_83 : i32 to vector<16xi32>
      %ge3A_85 = arith.cmpi sge, %get3A_82, %ge3A_84 : vector<16xi32>
      %sub3A_86 = arith.constant 499968 : i32
      %sub3A_87 = vector.broadcast %sub3A_86 : i32 to vector<16xi32>
      %sub3A_88 = arith.subi %get3A_82, %sub3A_87 : vector<16xi32>
      %select_n3A_89 = arith.select %ge3A_85, %sub3A_88, %get3A_82 : vector<16xi1>, vector<16xi32>
      %mul3A_90 = arith.constant 16 : i32
      %mul3A_91 = arith.muli %scan3A_67, %mul3A_90 : i32
      %swap3A_92 = arith.index_cast %mul3A_91 : i32 to index
      %swap3A_93 = tpu.vector_load %arg13[%swap3A_92] {strides = array<i32>} : memref<512xi32, #tpu.memory_space<vmem>>, vector<16xi32>,
      tpu.vector_store %arg13[%swap3A_92], %select_n3A_89 {strides = array<i32>} : memref<512xi32, #tpu.memory_space<vmem>>, vector<16xi32>,
    }
    %scan3A_10 = arith.constant 32 : i32
    %dma_wait3A = arith.constant 0 : i32
    %dma_wait3A_11 = tpu.memref_slice %arg7[%dma_wait3A] : memref<1000000xf32, #tpu.memory_space<hbm>> -> memref<1000000xf32, #tpu.memory_space<hbm>>
    tpu.wait_indirect_dma semaphore(%arg20 : memref<!tpu.dma_semaphore, #tpu.memory_space<semaphore_mem>>) src(%dma_wait3A_11 : memref<1000000xf32, #tpu.memory_space<hbm>>) dst(%arg16 : memref<512xf32, #tpu.memory_space<vmem>>)
    %dma_wait3A_12 = arith.constant 0 : i32
    %dma_wait3A_13 = tpu.memref_slice %arg8[%dma_wait3A_12] : memref<1000000xf32, #tpu.memory_space<hbm>> -> memref<1000000xf32, #tpu.memory_space<hbm>>
    tpu.wait_indirect_dma semaphore(%arg20 : memref<!tpu.dma_semaphore, #tpu.memory_space<semaphore_mem>>) src(%dma_wait3A_13 : memref<1000000xf32, #tpu.memory_space<hbm>>) dst(%arg17 : memref<512xf32, #tpu.memory_space<vmem>>)
    %get3A = arith.constant 0 : index
    %get3A_14 = tpu.vector_load %arg18[%get3A] {strides = array<i32>} : memref<16xf32, #tpu.memory_space<vmem>>, vector<16xf32>,
    %dma_start3A_15 = arith.constant 0 : i32
    %dma_start3A_16 = tpu.memref_slice %arg12[%dma_start3A_15] : memref<512xi32, #tpu.memory_space<vmem>> -> memref<256xi32, #tpu.memory_space<vmem>>
    %dma_start3A_17 = arith.constant 0 : i32
    %dma_start3A_18 = arith.constant 0 : i32
    %dma_start3A_19 = tpu.memref_slice %arg5[%dma_start3A_17, %dma_start3A_18] : memref<516096x128xf32, #tpu.memory_space<hbm>> -> memref<516096x128xf32, #tpu.memory_space<hbm>>
    tpu.enqueue_indirect_dma source(%dma_start3A_19 : memref<516096x128xf32, #tpu.memory_space<hbm>>) target(%arg14 : memref<256x128xf32, #tpu.memory_space<vmem>>) offsets(%dma_start3A_16 : memref<256xi32, #tpu.memory_space<vmem>>) semaphore(%arg20 : memref<!tpu.dma_semaphore, #tpu.memory_space<semaphore_mem>>)
    %dma_start3A_20 = arith.constant 0 : i32
    %dma_start3A_21 = tpu.memref_slice %arg13[%dma_start3A_20] : memref<512xi32, #tpu.memory_space<vmem>> -> memref<256xi32, #tpu.memory_space<vmem>>
    %dma_start3A_22 = arith.constant 0 : i32
    %dma_start3A_23 = arith.constant 0 : i32
    %dma_start3A_24 = tpu.memref_slice %arg6[%dma_start3A_22, %dma_start3A_23] : memref<516096x128xf32, #tpu.memory_space<hbm>> -> memref<516096x128xf32, #tpu.memory_space<hbm>>
    tpu.enqueue_indirect_dma source(%dma_start3A_24 : memref<516096x128xf32, #tpu.memory_space<hbm>>) target(%arg15 : memref<256x128xf32, #tpu.memory_space<vmem>>) offsets(%dma_start3A_21 : memref<256xi32, #tpu.memory_space<vmem>>) semaphore(%arg20 : memref<!tpu.dma_semaphore, #tpu.memory_space<semaphore_mem>>)
    %dma_wait3A_25 = arith.constant 0 : i32
    %dma_wait3A_26 = tpu.memref_slice %arg12[%dma_wait3A_25] : memref<512xi32, #tpu.memory_space<vmem>> -> memref<256xi32, #tpu.memory_space<vmem>>
    %dma_wait3A_27 = arith.constant 0 : i32
    %dma_wait3A_28 = arith.constant 0 : i32
    %dma_wait3A_29 = tpu.memref_slice %arg5[%dma_wait3A_27, %dma_wait3A_28] : memref<516096x128xf32, #tpu.memory_space<hbm>> -> memref<516096x128xf32, #tpu.memory_space<hbm>>
    tpu.wait_indirect_dma semaphore(%arg20 : memref<!tpu.dma_semaphore, #tpu.memory_space<semaphore_mem>>) src(%dma_wait3A_29 : memref<516096x128xf32, #tpu.memory_space<hbm>>) dst(%arg14 : memref<256x128xf32, #tpu.memory_space<vmem>>)
    %dma_wait3A_30 = arith.constant 0 : i32
    %dma_wait3A_31 = tpu.memref_slice %arg13[%dma_wait3A_30] : memref<512xi32, #tpu.memory_space<vmem>> -> memref<256xi32, #tpu.memory_space<vmem>>
    %dma_wait3A_32 = arith.constant 0 : i32
    %dma_wait3A_33 = arith.constant 0 : i32
    %dma_wait3A_34 = tpu.memref_slice %arg6[%dma_wait3A_32, %dma_wait3A_33] : memref<516096x128xf32, #tpu.memory_space<hbm>> -> memref<516096x128xf32, #tpu.memory_space<hbm>>
    tpu.wait_indirect_dma semaphore(%arg20 : memref<!tpu.dma_semaphore, #tpu.memory_space<semaphore_mem>>) src(%dma_wait3A_34 : memref<516096x128xf32, #tpu.memory_space<hbm>>) dst(%arg15 : memref<256x128xf32, #tpu.memory_space<vmem>>)
    %scan3A_35 = arith.constant 0 : i32
    %scan3A_36 = arith.constant 0 : i32
    %scan3A_37 = arith.constant 16 : i32
    %scan3A_38 = arith.addi %scan3A_36, %scan3A_37 : i32
    %scan3A_39 = arith.constant 1 : i32
    scf.for %scan3A_67 = %scan3A_36 to %scan3A_38 step %scan3A_39  : i32 {
      %mul3A_68 = arith.constant 16 : i32
      %mul3A_69 = arith.muli %scan3A_67, %mul3A_68 : i32
      %add3A_70 = vector.broadcast %mul3A_69 : i32 to vector<16xi32>
      %add3A_71 = arith.addi %add3A_70, %iota3A : vector<16xi32>
      %add3A_72 = arith.constant 0 : i32
      %add3A_73 = arith.addi %add3A_72, %mul3A_69 : i32
      %get3A_74 = arith.index_cast %add3A_73 : i32 to index
      %get3A_75 = tpu.vector_load %arg10[%get3A_74] {strides = array<i32>} : memref<512xi32, #tpu.memory_space<vmem>>, vector<16xi32>,
      %ge3A = arith.constant 499968 : i32
      %ge3A_76 = vector.broadcast %ge3A : i32 to vector<16xi32>
      %ge3A_77 = arith.cmpi sge, %get3A_75, %ge3A_76 : vector<16xi32>
      %lt3A = arith.constant 999936 : i32
      %lt3A_78 = vector.broadcast %lt3A : i32 to vector<16xi32>
      %lt3A_79 = arith.cmpi slt, %get3A_75, %lt3A_78 : vector<16xi32>
      %and3A = arith.andi %ge3A_77, %lt3A_79 : vector<16xi1>
      %jit3A = arith.constant 64 : i32
      %jit3A_80 = arith.constant 0 : i32
      %broadcast_in_dim3A = vector.broadcast %jit3A : i32 to vector<16xi32>
      %broadcast_in_dim3A_81 = vector.broadcast %jit3A_80 : i32 to vector<16xi32>
      %select_n3A = arith.select %and3A, %broadcast_in_dim3A, %broadcast_in_dim3A_81 : vector<16xi1>, vector<16xi32>
      %add3A_82 = arith.constant 0 : i32
      %add3A_83 = arith.addi %add3A_82, %mul3A_69 : i32
      %get3A_84 = arith.index_cast %add3A_83 : i32 to index
      %get3A_85 = tpu.vector_load %arg11[%get3A_84] {strides = array<i32>} : memref<512xi32, #tpu.memory_space<vmem>>, vector<16xi32>,
      %ge3A_86 = arith.constant 499968 : i32
      %ge3A_87 = vector.broadcast %ge3A_86 : i32 to vector<16xi32>
      %ge3A_88 = arith.cmpi sge, %get3A_85, %ge3A_87 : vector<16xi32>
      %lt3A_89 = arith.constant 999936 : i32
      %lt3A_90 = vector.broadcast %lt3A_89 : i32 to vector<16xi32>
      %lt3A_91 = arith.cmpi slt, %get3A_85, %lt3A_90 : vector<16xi32>
      %and3A_92 = arith.andi %ge3A_88, %lt3A_91 : vector<16xi1>
      %jit3A_93 = arith.constant 64 : i32
      %jit3A_94 = arith.constant 0 : i32
      %broadcast_in_dim3A_95 = vector.broadcast %jit3A_93 : i32 to vector<16xi32>
      %broadcast_in_dim3A_96 = vector.broadcast %jit3A_94 : i32 to vector<16xi32>
      %select_n3A_97 = arith.select %and3A_92, %broadcast_in_dim3A_95, %broadcast_in_dim3A_96 : vector<16xi1>, vector<16xi32>
      %broadcast_in_dim3A_98 = arith.constant 0.000000e+00 : f32
      %broadcast_in_dim3A_99 = vector.broadcast %broadcast_in_dim3A_98 : f32 to vector<16xf32>
      %add3A_100 = arith.constant 0 : i32
      %add3A_101 = vector.broadcast %add3A_100 : i32 to vector<16xi32>
      %add3A_102 = arith.addi %select_n3A, %add3A_101 : vector<16xi32>
      %gather3A = tpu.vector_load_idx %arg14[%add3A_71, %add3A_102] : memref<256x128xf32, #tpu.memory_space<vmem>>[vector<16xi32>, vector<16xi32>], vector<16xf32>,
      %add3A_103 = arith.constant 0 : i32
      %add3A_104 = vector.broadcast %add3A_103 : i32 to vector<16xi32>
      %add3A_105 = arith.addi %select_n3A_97, %add3A_104 : vector<16xi32>
      %gather3A_106 = tpu.vector_load_idx %arg15[%add3A_71, %add3A_105] : memref<256x128xf32, #tpu.memory_space<vmem>>[vector<16xi32>, vector<16xi32>], vector<16xf32>,
      %mul3A_107 = arith.mulf %gather3A, %gather3A_106 : vector<16xf32>
      %add3A_108 = arith.addf %broadcast_in_dim3A_99, %mul3A_107 : vector<16xf32>
      %add3A_109 = arith.constant 1 : i32
      %add3A_110 = vector.broadcast %add3A_109 : i32 to vector<16xi32>
      %add3A_111 = arith.addi %select_n3A, %add3A_110 : vector<16xi32>
      %gather3A_112 = tpu.vector_load_idx %arg14[%add3A_71, %add3A_111] : memref<256x128xf32, #tpu.memory_space<vmem>>[vector<16xi32>, vector<16xi32>], vector<16xf32>,
      %add3A_113 = arith.constant 1 : i32
      %add3A_114 = vector.broadcast %add3A_113 : i32 to vector<16xi32>
      %add3A_115 = arith.addi %select_n3A_97, %add3A_114 : vector<16xi32>
      %gather3A_116 = tpu.vector_load_idx %arg15[%add3A_71, %add3A_115] : memref<256x128xf32, #tpu.memory_space<vmem>>[vector<16xi32>, vector<16xi32>], vector<16xf32>,
      %mul3A_117 = arith.mulf %gather3A_112, %gather3A_116 : vector<16xf32>
      %add3A_118 = arith.addf %add3A_108, %mul3A_117 : vector<16xf32>
      %add3A_119 = arith.constant 2 : i32
      %add3A_120 = vector.broadcast %add3A_119 : i32 to vector<16xi32>
      %add3A_121 = arith.addi %select_n3A, %add3A_120 : vector<16xi32>
      %gather3A_122 = tpu.vector_load_idx %arg14[%add3A_71, %add3A_121] : memref<256x128xf32, #tpu.memory_space<vmem>>[vector<16xi32>, vector<16xi32>], vector<16xf32>,
      %add3A_123 = arith.constant 2 : i32
      %add3A_124 = vector.broadcast %add3A_123 : i32 to vector<16xi32>
      %add3A_125 = arith.addi %select_n3A_97, %add3A_124 : vector<16xi32>
      %gather3A_126 = tpu.vector_load_idx %arg15[%add3A_71, %add3A_125] : memref<256x128xf32, #tpu.memory_space<vmem>>[vector<16xi32>, vector<16xi32>], vector<16xf32>,
      %mul3A_127 = arith.mulf %gather3A_122, %gather3A_126 : vector<16xf32>
      %add3A_128 = arith.addf %add3A_118, %mul3A_127 : vector<16xf32>
      %add3A_129 = arith.constant 3 : i32
      %add3A_130 = vector.broadcast %add3A_129 : i32 to vector<16xi32>
      %add3A_131 = arith.addi %select_n3A, %add3A_130 : vector<16xi32>
      %gather3A_132 = tpu.vector_load_idx %arg14[%add3A_71, %add3A_131] : memref<256x128xf32, #tpu.memory_space<vmem>>[vector<16xi32>, vector<16xi32>], vector<16xf32>,
      %add3A_133 = arith.constant 3 : i32
      %add3A_134 = vector.broadcast %add3A_133 : i32 to vector<16xi32>
      %add3A_135 = arith.addi %select_n3A_97, %add3A_134 : vector<16xi32>
      %gather3A_136 = tpu.vector_load_idx %arg15[%add3A_71, %add3A_135] : memref<256x128xf32, #tpu.memory_space<vmem>>[vector<16xi32>, vector<16xi32>], vector<16xf32>,
      %mul3A_137 = arith.mulf %gather3A_132, %gather3A_136 : vector<16xf32>
      %add3A_138 = arith.addf %add3A_128, %mul3A_137 : vector<16xf32>
      %add3A_139 = arith.constant 4 : i32
      %add3A_140 = vector.broadcast %add3A_139 : i32 to vector<16xi32>
      %add3A_141 = arith.addi %select_n3A, %add3A_140 : vector<16xi32>
      %gather3A_142 = tpu.vector_load_idx %arg14[%add3A_71, %add3A_141] : memref<256x128xf32, #tpu.memory_space<vmem>>[vector<16xi32>, vector<16xi32>], vector<16xf32>,
      %add3A_143 = arith.constant 4 : i32
      %add3A_144 = vector.broadcast %add3A_143 : i32 to vector<16xi32>
      %add3A_145 = arith.addi %select_n3A_97, %add3A_144 : vector<16xi32>
      %gather3A_146 = tpu.vector_load_idx %arg15[%add3A_71, %add3A_145] : memref<256x128xf32, #tpu.memory_space<vmem>>[vector<16xi32>, vector<16xi32>], vector<16xf32>,
      %mul3A_147 = arith.mulf %gather3A_142, %gather3A_146 : vector<16xf32>
      %add3A_148 = arith.addf %add3A_138, %mul3A_147 : vector<16xf32>
      %add3A_149 = arith.constant 5 : i32
      %add3A_150 = vector.broadcast %add3A_149 : i32 to vector<16xi32>
      %add3A_151 = arith.addi %select_n3A, %add3A_150 : vector<16xi32>
      %gather3A_152 = tpu.vector_load_idx %arg14[%add3A_71, %add3A_151] : memref<256x128xf32, #tpu.memory_space<vmem>>[vector<16xi32>, vector<16xi32>], vector<16xf32>,
      %add3A_153 = arith.constant 5 : i32
      %add3A_154 = vector.broadcast %add3A_153 : i32 to vector<16xi32>
      %add3A_155 = arith.addi %select_n3A_97, %add3A_154 : vector<16xi32>
      %gather3A_156 = tpu.vector_load_idx %arg15[%add3A_71, %add3A_155] : memref<256x128xf32, #tpu.memory_space<vmem>>[vector<16xi32>, vector<16xi32>], vector<16xf32>,
      %mul3A_157 = arith.mulf %gather3A_152, %gather3A_156 : vector<16xf32>
      %add3A_158 = arith.addf %add3A_148, %mul3A_157 : vector<16xf32>
      %add3A_159 = arith.constant 6 : i32
      %add3A_160 = vector.broadcast %add3A_159 : i32 to vector<16xi32>
      %add3A_161 = arith.addi %select_n3A, %add3A_160 : vector<16xi32>
      %gather3A_162 = tpu.vector_load_idx %arg14[%add3A_71, %add3A_161] : memref<256x128xf32, #tpu.memory_space<vmem>>[vector<16xi32>, vector<16xi32>], vector<16xf32>,
      %add3A_163 = arith.constant 6 : i32
      %add3A_164 = vector.broadcast %add3A_163 : i32 to vector<16xi32>
      %add3A_165 = arith.addi %select_n3A_97, %add3A_164 : vector<16xi32>
      %gather3A_166 = tpu.vector_load_idx %arg15[%add3A_71, %add3A_165] : memref<256x128xf32, #tpu.memory_space<vmem>>[vector<16xi32>, vector<16xi32>], vector<16xf32>,
      %mul3A_167 = arith.mulf %gather3A_162, %gather3A_166 : vector<16xf32>
      %add3A_168 = arith.addf %add3A_158, %mul3A_167 : vector<16xf32>
      %add3A_169 = arith.constant 7 : i32
      %add3A_170 = vector.broadcast %add3A_169 : i32 to vector<16xi32>
      %add3A_171 = arith.addi %select_n3A, %add3A_170 : vector<16xi32>
      %gather3A_172 = tpu.vector_load_idx %arg14[%add3A_71, %add3A_171] : memref<256x128xf32, #tpu.memory_space<vmem>>[vector<16xi32>, vector<16xi32>], vector<16xf32>,
      %add3A_173 = arith.constant 7 : i32
      %add3A_174 = vector.broadcast %add3A_173 : i32 to vector<16xi32>
      %add3A_175 = arith.addi %select_n3A_97, %add3A_174 : vector<16xi32>
      %gather3A_176 = tpu.vector_load_idx %arg15[%add3A_71, %add3A_175] : memref<256x128xf32, #tpu.memory_space<vmem>>[vector<16xi32>, vector<16xi32>], vector<16xf32>,
      %mul3A_177 = arith.mulf %gather3A_172, %gather3A_176 : vector<16xf32>
      %add3A_178 = arith.addf %add3A_168, %mul3A_177 : vector<16xf32>
      %add3A_179 = arith.constant 8 : i32
      %add3A_180 = vector.broadcast %add3A_179 : i32 to vector<16xi32>
      %add3A_181 = arith.addi %select_n3A, %add3A_180 : vector<16xi32>
      %gather3A_182 = tpu.vector_load_idx %arg14[%add3A_71, %add3A_181] : memref<256x128xf32, #tpu.memory_space<vmem>>[vector<16xi32>, vector<16xi32>], vector<16xf32>,
      %add3A_183 = arith.constant 8 : i32
      %add3A_184 = vector.broadcast %add3A_183 : i32 to vector<16xi32>
      %add3A_185 = arith.addi %select_n3A_97, %add3A_184 : vector<16xi32>
      %gather3A_186 = tpu.vector_load_idx %arg15[%add3A_71, %add3A_185] : memref<256x128xf32, #tpu.memory_space<vmem>>[vector<16xi32>, vector<16xi32>], vector<16xf32>,
      %mul3A_187 = arith.mulf %gather3A_182, %gather3A_186 : vector<16xf32>
      %add3A_188 = arith.addf %add3A_178, %mul3A_187 : vector<16xf32>
      %add3A_189 = arith.constant 9 : i32
      %add3A_190 = vector.broadcast %add3A_189 : i32 to vector<16xi32>
      %add3A_191 = arith.addi %select_n3A, %add3A_190 : vector<16xi32>
      %gather3A_192 = tpu.vector_load_idx %arg14[%add3A_71, %add3A_191] : memref<256x128xf32, #tpu.memory_space<vmem>>[vector<16xi32>, vector<16xi32>], vector<16xf32>,
      %add3A_193 = arith.constant 9 : i32
      %add3A_194 = vector.broadcast %add3A_193 : i32 to vector<16xi32>
      %add3A_195 = arith.addi %select_n3A_97, %add3A_194 : vector<16xi32>
      %gather3A_196 = tpu.vector_load_idx %arg15[%add3A_71, %add3A_195] : memref<256x128xf32, #tpu.memory_space<vmem>>[vector<16xi32>, vector<16xi32>], vector<16xf32>,
      %mul3A_197 = arith.mulf %gather3A_192, %gather3A_196 : vector<16xf32>
      %add3A_198 = arith.addf %add3A_188, %mul3A_197 : vector<16xf32>
      %add3A_199 = arith.constant 10 : i32
      %add3A_200 = vector.broadcast %add3A_199 : i32 to vector<16xi32>
      %add3A_201 = arith.addi %select_n3A, %add3A_200 : vector<16xi32>
      %gather3A_202 = tpu.vector_load_idx %arg14[%add3A_71, %add3A_201] : memref<256x128xf32, #tpu.memory_space<vmem>>[vector<16xi32>, vector<16xi32>], vector<16xf32>,
      %add3A_203 = arith.constant 10 : i32
      %add3A_204 = vector.broadcast %add3A_203 : i32 to vector<16xi32>
      %add3A_205 = arith.addi %select_n3A_97, %add3A_204 : vector<16xi32>
      %gather3A_206 = tpu.vector_load_idx %arg15[%add3A_71, %add3A_205] : memref<256x128xf32, #tpu.memory_space<vmem>>[vector<16xi32>, vector<16xi32>], vector<16xf32>,
      %mul3A_207 = arith.mulf %gather3A_202, %gather3A_206 : vector<16xf32>
      %add3A_208 = arith.addf %add3A_198, %mul3A_207 : vector<16xf32>
      %add3A_209 = arith.constant 11 : i32
      %add3A_210 = vector.broadcast %add3A_209 : i32 to vector<16xi32>
      %add3A_211 = arith.addi %select_n3A, %add3A_210 : vector<16xi32>
      %gather3A_212 = tpu.vector_load_idx %arg14[%add3A_71, %add3A_211] : memref<256x128xf32, #tpu.memory_space<vmem>>[vector<16xi32>, vector<16xi32>], vector<16xf32>,
      %add3A_213 = arith.constant 11 : i32
      %add3A_214 = vector.broadcast %add3A_213 : i32 to vector<16xi32>
      %add3A_215 = arith.addi %select_n3A_97, %add3A_214 : vector<16xi32>
      %gather3A_216 = tpu.vector_load_idx %arg15[%add3A_71, %add3A_215] : memref<256x128xf32, #tpu.memory_space<vmem>>[vector<16xi32>, vector<16xi32>], vector<16xf32>,
      %mul3A_217 = arith.mulf %gather3A_212, %gather3A_216 : vector<16xf32>
      %add3A_218 = arith.addf %add3A_208, %mul3A_217 : vector<16xf32>
      %add3A_219 = arith.constant 12 : i32
      %add3A_220 = vector.broadcast %add3A_219 : i32 to vector<16xi32>
      %add3A_221 = arith.addi %select_n3A, %add3A_220 : vector<16xi32>
      %gather3A_222 = tpu.vector_load_idx %arg14[%add3A_71, %add3A_221] : memref<256x128xf32, #tpu.memory_space<vmem>>[vector<16xi32>, vector<16xi32>], vector<16xf32>,
      %add3A_223 = arith.constant 12 : i32
      %add3A_224 = vector.broadcast %add3A_223 : i32 to vector<16xi32>
      %add3A_225 = arith.addi %select_n3A_97, %add3A_224 : vector<16xi32>
      %gather3A_226 = tpu.vector_load_idx %arg15[%add3A_71, %add3A_225] : memref<256x128xf32, #tpu.memory_space<vmem>>[vector<16xi32>, vector<16xi32>], vector<16xf32>,
      %mul3A_227 = arith.mulf %gather3A_222, %gather3A_226 : vector<16xf32>
      %add3A_228 = arith.addf %add3A_218, %mul3A_227 : vector<16xf32>
      %add3A_229 = arith.constant 13 : i32
      %add3A_230 = vector.broadcast %add3A_229 : i32 to vector<16xi32>
      %add3A_231 = arith.addi %select_n3A, %add3A_230 : vector<16xi32>
      %gather3A_232 = tpu.vector_load_idx %arg14[%add3A_71, %add3A_231] : memref<256x128xf32, #tpu.memory_space<vmem>>[vector<16xi32>, vector<16xi32>], vector<16xf32>,
      %add3A_233 = arith.constant 13 : i32
      %add3A_234 = vector.broadcast %add3A_233 : i32 to vector<16xi32>
      %add3A_235 = arith.addi %select_n3A_97, %add3A_234 : vector<16xi32>
      %gather3A_236 = tpu.vector_load_idx %arg15[%add3A_71, %add3A_235] : memref<256x128xf32, #tpu.memory_space<vmem>>[vector<16xi32>, vector<16xi32>], vector<16xf32>,
      %mul3A_237 = arith.mulf %gather3A_232, %gather3A_236 : vector<16xf32>
      %add3A_238 = arith.addf %add3A_228, %mul3A_237 : vector<16xf32>
      %add3A_239 = arith.constant 14 : i32
      %add3A_240 = vector.broadcast %add3A_239 : i32 to vector<16xi32>
      %add3A_241 = arith.addi %select_n3A, %add3A_240 : vector<16xi32>
      %gather3A_242 = tpu.vector_load_idx %arg14[%add3A_71, %add3A_241] : memref<256x128xf32, #tpu.memory_space<vmem>>[vector<16xi32>, vector<16xi32>], vector<16xf32>,
      %add3A_243 = arith.constant 14 : i32
      %add3A_244 = vector.broadcast %add3A_243 : i32 to vector<16xi32>
      %add3A_245 = arith.addi %select_n3A_97, %add3A_244 : vector<16xi32>
      %gather3A_246 = tpu.vector_load_idx %arg15[%add3A_71, %add3A_245] : memref<256x128xf32, #tpu.memory_space<vmem>>[vector<16xi32>, vector<16xi32>], vector<16xf32>,
      %mul3A_247 = arith.mulf %gather3A_242, %gather3A_246 : vector<16xf32>
      %add3A_248 = arith.addf %add3A_238, %mul3A_247 : vector<16xf32>
      %add3A_249 = arith.constant 15 : i32
      %add3A_250 = vector.broadcast %add3A_249 : i32 to vector<16xi32>
      %add3A_251 = arith.addi %select_n3A, %add3A_250 : vector<16xi32>
      %gather3A_252 = tpu.vector_load_idx %arg14[%add3A_71, %add3A_251] : memref<256x128xf32, #tpu.memory_space<vmem>>[vector<16xi32>, vector<16xi32>], vector<16xf32>,
      %add3A_253 = arith.constant 15 : i32
      %add3A_254 = vector.broadcast %add3A_253 : i32 to vector<16xi32>
      %add3A_255 = arith.addi %select_n3A_97, %add3A_254 : vector<16xi32>
      %gather3A_256 = tpu.vector_load_idx %arg15[%add3A_71, %add3A_255] : memref<256x128xf32, #tpu.memory_space<vmem>>[vector<16xi32>, vector<16xi32>], vector<16xf32>,
      %mul3A_257 = arith.mulf %gather3A_252, %gather3A_256 : vector<16xf32>
      %add3A_258 = arith.addf %add3A_248, %mul3A_257 : vector<16xf32>
      %add3A_259 = arith.constant 16 : i32
      %add3A_260 = vector.broadcast %add3A_259 : i32 to vector<16xi32>
      %add3A_261 = arith.addi %select_n3A, %add3A_260 : vector<16xi32>
      %gather3A_262 = tpu.vector_load_idx %arg14[%add3A_71, %add3A_261] : memref<256x128xf32, #tpu.memory_space<vmem>>[vector<16xi32>, vector<16xi32>], vector<16xf32>,
      %add3A_263 = arith.constant 16 : i32
      %add3A_264 = vector.broadcast %add3A_263 : i32 to vector<16xi32>
      %add3A_265 = arith.addi %select_n3A_97, %add3A_264 : vector<16xi32>
      %gather3A_266 = tpu.vector_load_idx %arg15[%add3A_71, %add3A_265] : memref<256x128xf32, #tpu.memory_space<vmem>>[vector<16xi32>, vector<16xi32>], vector<16xf32>,
      %mul3A_267 = arith.mulf %gather3A_262, %gather3A_266 : vector<16xf32>
      %add3A_268 = arith.addf %add3A_258, %mul3A_267 : vector<16xf32>
      %add3A_269 = arith.constant 17 : i32
      %add3A_270 = vector.broadcast %add3A_269 : i32 to vector<16xi32>
      %add3A_271 = arith.addi %select_n3A, %add3A_270 : vector<16xi32>
      %gather3A_272 = tpu.vector_load_idx %arg14[%add3A_71, %add3A_271] : memref<256x128xf32, #tpu.memory_space<vmem>>[vector<16xi32>, vector<16xi32>], vector<16xf32>,
      %add3A_273 = arith.constant 17 : i32
      %add3A_274 = vector.broadcast %add3A_273 : i32 to vector<16xi32>
      %add3A_275 = arith.addi %select_n3A_97, %add3A_274 : vector<16xi32>
      %gather3A_276 = tpu.vector_load_idx %arg15[%add3A_71, %add3A_275] : memref<256x128xf32, #tpu.memory_space<vmem>>[vector<16xi32>, vector<16xi32>], vector<16xf32>,
      %mul3A_277 = arith.mulf %gather3A_272, %gather3A_276 : vector<16xf32>
      %add3A_278 = arith.addf %add3A_268, %mul3A_277 : vector<16xf32>
      %add3A_279 = arith.constant 18 : i32
      %add3A_280 = vector.broadcast %add3A_279 : i32 to vector<16xi32>
      %add3A_281 = arith.addi %select_n3A, %add3A_280 : vector<16xi32>
      %gather3A_282 = tpu.vector_load_idx %arg14[%add3A_71, %add3A_281] : memref<256x128xf32, #tpu.memory_space<vmem>>[vector<16xi32>, vector<16xi32>], vector<16xf32>,
      %add3A_283 = arith.constant 18 : i32
      %add3A_284 = vector.broadcast %add3A_283 : i32 to vector<16xi32>
      %add3A_285 = arith.addi %select_n3A_97, %add3A_284 : vector<16xi32>
      %gather3A_286 = tpu.vector_load_idx %arg15[%add3A_71, %add3A_285] : memref<256x128xf32, #tpu.memory_space<vmem>>[vector<16xi32>, vector<16xi32>], vector<16xf32>,
      %mul3A_287 = arith.mulf %gather3A_282, %gather3A_286 : vector<16xf32>
      %add3A_288 = arith.addf %add3A_278, %mul3A_287 : vector<16xf32>
      %add3A_289 = arith.constant 19 : i32
      %add3A_290 = vector.broadcast %add3A_289 : i32 to vector<16xi32>
      %add3A_291 = arith.addi %select_n3A, %add3A_290 : vector<16xi32>
      %gather3A_292 = tpu.vector_load_idx %arg14[%add3A_71, %add3A_291] : memref<256x128xf32, #tpu.memory_space<vmem>>[vector<16xi32>, vector<16xi32>], vector<16xf32>,
      %add3A_293 = arith.constant 19 : i32
      %add3A_294 = vector.broadcast %add3A_293 : i32 to vector<16xi32>
      %add3A_295 = arith.addi %select_n3A_97, %add3A_294 : vector<16xi32>
      %gather3A_296 = tpu.vector_load_idx %arg15[%add3A_71, %add3A_295] : memref<256x128xf32, #tpu.memory_space<vmem>>[vector<16xi32>, vector<16xi32>], vector<16xf32>,
      %mul3A_297 = arith.mulf %gather3A_292, %gather3A_296 : vector<16xf32>
      %add3A_298 = arith.addf %add3A_288, %mul3A_297 : vector<16xf32>
      %add3A_299 = arith.constant 20 : i32
      %add3A_300 = vector.broadcast %add3A_299 : i32 to vector<16xi32>
      %add3A_301 = arith.addi %select_n3A, %add3A_300 : vector<16xi32>
      %gather3A_302 = tpu.vector_load_idx %arg14[%add3A_71, %add3A_301] : memref<256x128xf32, #tpu.memory_space<vmem>>[vector<16xi32>, vector<16xi32>], vector<16xf32>,
      %add3A_303 = arith.constant 20 : i32
      %add3A_304 = vector.broadcast %add3A_303 : i32 to vector<16xi32>
      %add3A_305 = arith.addi %select_n3A_97, %add3A_304 : vector<16xi32>
      %gather3A_306 = tpu.vector_load_idx %arg15[%add3A_71, %add3A_305] : memref<256x128xf32, #tpu.memory_space<vmem>>[vector<16xi32>, vector<16xi32>], vector<16xf32>,
      %mul3A_307 = arith.mulf %gather3A_302, %gather3A_306 : vector<16xf32>
      %add3A_308 = arith.addf %add3A_298, %mul3A_307 : vector<16xf32>
      %add3A_309 = arith.constant 21 : i32
      %add3A_310 = vector.broadcast %add3A_309 : i32 to vector<16xi32>
      %add3A_311 = arith.addi %select_n3A, %add3A_310 : vector<16xi32>
      %gather3A_312 = tpu.vector_load_idx %arg14[%add3A_71, %add3A_311] : memref<256x128xf32, #tpu.memory_space<vmem>>[vector<16xi32>, vector<16xi32>], vector<16xf32>,
      %add3A_313 = arith.constant 21 : i32
      %add3A_314 = vector.broadcast %add3A_313 : i32 to vector<16xi32>
      %add3A_315 = arith.addi %select_n3A_97, %add3A_314 : vector<16xi32>
      %gather3A_316 = tpu.vector_load_idx %arg15[%add3A_71, %add3A_315] : memref<256x128xf32, #tpu.memory_space<vmem>>[vector<16xi32>, vector<16xi32>], vector<16xf32>,
      %mul3A_317 = arith.mulf %gather3A_312, %gather3A_316 : vector<16xf32>
      %add3A_318 = arith.addf %add3A_308, %mul3A_317 : vector<16xf32>
      %add3A_319 = arith.constant 22 : i32
      %add3A_320 = vector.broadcast %add3A_319 : i32 to vector<16xi32>
      %add3A_321 = arith.addi %select_n3A, %add3A_320 : vector<16xi32>
      %gather3A_322 = tpu.vector_load_idx %arg14[%add3A_71, %add3A_321] : memref<256x128xf32, #tpu.memory_space<vmem>>[vector<16xi32>, vector<16xi32>], vector<16xf32>,
      %add3A_323 = arith.constant 22 : i32
      %add3A_324 = vector.broadcast %add3A_323 : i32 to vector<16xi32>
      %add3A_325 = arith.addi %select_n3A_97, %add3A_324 : vector<16xi32>
      %gather3A_326 = tpu.vector_load_idx %arg15[%add3A_71, %add3A_325] : memref<256x128xf32, #tpu.memory_space<vmem>>[vector<16xi32>, vector<16xi32>], vector<16xf32>,
      %mul3A_327 = arith.mulf %gather3A_322, %gather3A_326 : vector<16xf32>
      %add3A_328 = arith.addf %add3A_318, %mul3A_327 : vector<16xf32>
      %add3A_329 = arith.constant 23 : i32
      %add3A_330 = vector.broadcast %add3A_329 : i32 to vector<16xi32>
      %add3A_331 = arith.addi %select_n3A, %add3A_330 : vector<16xi32>
      %gather3A_332 = tpu.vector_load_idx %arg14[%add3A_71, %add3A_331] : memref<256x128xf32, #tpu.memory_space<vmem>>[vector<16xi32>, vector<16xi32>], vector<16xf32>,
      %add3A_333 = arith.constant 23 : i32
      %add3A_334 = vector.broadcast %add3A_333 : i32 to vector<16xi32>
      %add3A_335 = arith.addi %select_n3A_97, %add3A_334 : vector<16xi32>
      %gather3A_336 = tpu.vector_load_idx %arg15[%add3A_71, %add3A_335] : memref<256x128xf32, #tpu.memory_space<vmem>>[vector<16xi32>, vector<16xi32>], vector<16xf32>,
      %mul3A_337 = arith.mulf %gather3A_332, %gather3A_336 : vector<16xf32>
      %add3A_338 = arith.addf %add3A_328, %mul3A_337 : vector<16xf32>
      %add3A_339 = arith.constant 24 : i32
      %add3A_340 = vector.broadcast %add3A_339 : i32 to vector<16xi32>
      %add3A_341 = arith.addi %select_n3A, %add3A_340 : vector<16xi32>
      %gather3A_342 = tpu.vector_load_idx %arg14[%add3A_71, %add3A_341] : memref<256x128xf32, #tpu.memory_space<vmem>>[vector<16xi32>, vector<16xi32>], vector<16xf32>,
      %add3A_343 = arith.constant 24 : i32
      %add3A_344 = vector.broadcast %add3A_343 : i32 to vector<16xi32>
      %add3A_345 = arith.addi %select_n3A_97, %add3A_344 : vector<16xi32>
      %gather3A_346 = tpu.vector_load_idx %arg15[%add3A_71, %add3A_345] : memref<256x128xf32, #tpu.memory_space<vmem>>[vector<16xi32>, vector<16xi32>], vector<16xf32>,
      %mul3A_347 = arith.mulf %gather3A_342, %gather3A_346 : vector<16xf32>
      %add3A_348 = arith.addf %add3A_338, %mul3A_347 : vector<16xf32>
      %add3A_349 = arith.constant 25 : i32
      %add3A_350 = vector.broadcast %add3A_349 : i32 to vector<16xi32>
      %add3A_351 = arith.addi %select_n3A, %add3A_350 : vector<16xi32>
      %gather3A_352 = tpu.vector_load_idx %arg14[%add3A_71, %add3A_351] : memref<256x128xf32, #tpu.memory_space<vmem>>[vector<16xi32>, vector<16xi32>], vector<16xf32>,
      %add3A_353 = arith.constant 25 : i32
      %add3A_354 = vector.broadcast %add3A_353 : i32 to vector<16xi32>
      %add3A_355 = arith.addi %select_n3A_97, %add3A_354 : vector<16xi32>
      %gather3A_356 = tpu.vector_load_idx %arg15[%add3A_71, %add3A_355] : memref<256x128xf32, #tpu.memory_space<vmem>>[vector<16xi32>, vector<16xi32>], vector<16xf32>,
      %mul3A_357 = arith.mulf %gather3A_352, %gather3A_356 : vector<16xf32>
      %add3A_358 = arith.addf %add3A_348, %mul3A_357 : vector<16xf32>
      %add3A_359 = arith.constant 26 : i32
      %add3A_360 = vector.broadcast %add3A_359 : i32 to vector<16xi32>
      %add3A_361 = arith.addi %select_n3A, %add3A_360 : vector<16xi32>
      %gather3A_362 = tpu.vector_load_idx %arg14[%add3A_71, %add3A_361] : memref<256x128xf32, #tpu.memory_space<vmem>>[vector<16xi32>, vector<16xi32>], vector<16xf32>,
      %add3A_363 = arith.constant 26 : i32
      %add3A_364 = vector.broadcast %add3A_363 : i32 to vector<16xi32>
      %add3A_365 = arith.addi %select_n3A_97, %add3A_364 : vector<16xi32>
      %gather3A_366 = tpu.vector_load_idx %arg15[%add3A_71, %add3A_365] : memref<256x128xf32, #tpu.memory_space<vmem>>[vector<16xi32>, vector<16xi32>], vector<16xf32>,
      %mul3A_367 = arith.mulf %gather3A_362, %gather3A_366 : vector<16xf32>
      %add3A_368 = arith.addf %add3A_358, %mul3A_367 : vector<16xf32>
      %add3A_369 = arith.constant 27 : i32
      %add3A_370 = vector.broadcast %add3A_369 : i32 to vector<16xi32>
      %add3A_371 = arith.addi %select_n3A, %add3A_370 : vector<16xi32>
      %gather3A_372 = tpu.vector_load_idx %arg14[%add3A_71, %add3A_371] : memref<256x128xf32, #tpu.memory_space<vmem>>[vector<16xi32>, vector<16xi32>], vector<16xf32>,
      %add3A_373 = arith.constant 27 : i32
      %add3A_374 = vector.broadcast %add3A_373 : i32 to vector<16xi32>
      %add3A_375 = arith.addi %select_n3A_97, %add3A_374 : vector<16xi32>
      %gather3A_376 = tpu.vector_load_idx %arg15[%add3A_71, %add3A_375] : memref<256x128xf32, #tpu.memory_space<vmem>>[vector<16xi32>, vector<16xi32>], vector<16xf32>,
      %mul3A_377 = arith.mulf %gather3A_372, %gather3A_376 : vector<16xf32>
      %add3A_378 = arith.addf %add3A_368, %mul3A_377 : vector<16xf32>
      %add3A_379 = arith.constant 28 : i32
      %add3A_380 = vector.broadcast %add3A_379 : i32 to vector<16xi32>
      %add3A_381 = arith.addi %select_n3A, %add3A_380 : vector<16xi32>
      %gather3A_382 = tpu.vector_load_idx %arg14[%add3A_71, %add3A_381] : memref<256x128xf32, #tpu.memory_space<vmem>>[vector<16xi32>, vector<16xi32>], vector<16xf32>,
      %add3A_383 = arith.constant 28 : i32
      %add3A_384 = vector.broadcast %add3A_383 : i32 to vector<16xi32>
      %add3A_385 = arith.addi %select_n3A_97, %add3A_384 : vector<16xi32>
      %gather3A_386 = tpu.vector_load_idx %arg15[%add3A_71, %add3A_385] : memref<256x128xf32, #tpu.memory_space<vmem>>[vector<16xi32>, vector<16xi32>], vector<16xf32>,
      %mul3A_387 = arith.mulf %gather3A_382, %gather3A_386 : vector<16xf32>
      %add3A_388 = arith.addf %add3A_378, %mul3A_387 : vector<16xf32>
      %add3A_389 = arith.constant 29 : i32
      %add3A_390 = vector.broadcast %add3A_389 : i32 to vector<16xi32>
      %add3A_391 = arith.addi %select_n3A, %add3A_390 : vector<16xi32>
      %gather3A_392 = tpu.vector_load_idx %arg14[%add3A_71, %add3A_391] : memref<256x128xf32, #tpu.memory_space<vmem>>[vector<16xi32>, vector<16xi32>], vector<16xf32>,
      %add3A_393 = arith.constant 29 : i32
      %add3A_394 = vector.broadcast %add3A_393 : i32 to vector<16xi32>
      %add3A_395 = arith.addi %select_n3A_97, %add3A_394 : vector<16xi32>
      %gather3A_396 = tpu.vector_load_idx %arg15[%add3A_71, %add3A_395] : memref<256x128xf32, #tpu.memory_space<vmem>>[vector<16xi32>, vector<16xi32>], vector<16xf32>,
      %mul3A_397 = arith.mulf %gather3A_392, %gather3A_396 : vector<16xf32>
      %add3A_398 = arith.addf %add3A_388, %mul3A_397 : vector<16xf32>
      %add3A_399 = arith.constant 30 : i32
      %add3A_400 = vector.broadcast %add3A_399 : i32 to vector<16xi32>
      %add3A_401 = arith.addi %select_n3A, %add3A_400 : vector<16xi32>
      %gather3A_402 = tpu.vector_load_idx %arg14[%add3A_71, %add3A_401] : memref<256x128xf32, #tpu.memory_space<vmem>>[vector<16xi32>, vector<16xi32>], vector<16xf32>,
      %add3A_403 = arith.constant 30 : i32
      %add3A_404 = vector.broadcast %add3A_403 : i32 to vector<16xi32>
      %add3A_405 = arith.addi %select_n3A_97, %add3A_404 : vector<16xi32>
      %gather3A_406 = tpu.vector_load_idx %arg15[%add3A_71, %add3A_405] : memref<256x128xf32, #tpu.memory_space<vmem>>[vector<16xi32>, vector<16xi32>], vector<16xf32>,
      %mul3A_407 = arith.mulf %gather3A_402, %gather3A_406 : vector<16xf32>
      %add3A_408 = arith.addf %add3A_398, %mul3A_407 : vector<16xf32>
      %add3A_409 = arith.constant 31 : i32
      %add3A_410 = vector.broadcast %add3A_409 : i32 to vector<16xi32>
      %add3A_411 = arith.addi %select_n3A, %add3A_410 : vector<16xi32>
      %gather3A_412 = tpu.vector_load_idx %arg14[%add3A_71, %add3A_411] : memref<256x128xf32, #tpu.memory_space<vmem>>[vector<16xi32>, vector<16xi32>], vector<16xf32>,
      %add3A_413 = arith.constant 31 : i32
      %add3A_414 = vector.broadcast %add3A_413 : i32 to vector<16xi32>
      %add3A_415 = arith.addi %select_n3A_97, %add3A_414 : vector<16xi32>
      %gather3A_416 = tpu.vector_load_idx %arg15[%add3A_71, %add3A_415] : memref<256x128xf32, #tpu.memory_space<vmem>>[vector<16xi32>, vector<16xi32>], vector<16xf32>,
      %mul3A_417 = arith.mulf %gather3A_412, %gather3A_416 : vector<16xf32>
      %add3A_418 = arith.addf %add3A_408, %mul3A_417 : vector<16xf32>
      %add3A_419 = arith.constant 32 : i32
      %add3A_420 = vector.broadcast %add3A_419 : i32 to vector<16xi32>
      %add3A_421 = arith.addi %select_n3A, %add3A_420 : vector<16xi32>
      %gather3A_422 = tpu.vector_load_idx %arg14[%add3A_71, %add3A_421] : memref<256x128xf32, #tpu.memory_space<vmem>>[vector<16xi32>, vector<16xi32>], vector<16xf32>,
      %add3A_423 = arith.constant 32 : i32
      %add3A_424 = vector.broadcast %add3A_423 : i32 to vector<16xi32>
      %add3A_425 = arith.addi %select_n3A_97, %add3A_424 : vector<16xi32>
      %gather3A_426 = tpu.vector_load_idx %arg15[%add3A_71, %add3A_425] : memref<256x128xf32, #tpu.memory_space<vmem>>[vector<16xi32>, vector<16xi32>], vector<16xf32>,
      %mul3A_427 = arith.mulf %gather3A_422, %gather3A_426 : vector<16xf32>
      %add3A_428 = arith.addf %add3A_418, %mul3A_427 : vector<16xf32>
      %add3A_429 = arith.constant 33 : i32
      %add3A_430 = vector.broadcast %add3A_429 : i32 to vector<16xi32>
      %add3A_431 = arith.addi %select_n3A, %add3A_430 : vector<16xi32>
      %gather3A_432 = tpu.vector_load_idx %arg14[%add3A_71, %add3A_431] : memref<256x128xf32, #tpu.memory_space<vmem>>[vector<16xi32>, vector<16xi32>], vector<16xf32>,
      %add3A_433 = arith.constant 33 : i32
      %add3A_434 = vector.broadcast %add3A_433 : i32 to vector<16xi32>
      %add3A_435 = arith.addi %select_n3A_97, %add3A_434 : vector<16xi32>
      %gather3A_436 = tpu.vector_load_idx %arg15[%add3A_71, %add3A_435] : memref<256x128xf32, #tpu.memory_space<vmem>>[vector<16xi32>, vector<16xi32>], vector<16xf32>,
      %mul3A_437 = arith.mulf %gather3A_432, %gather3A_436 : vector<16xf32>
      %add3A_438 = arith.addf %add3A_428, %mul3A_437 : vector<16xf32>
      %add3A_439 = arith.constant 34 : i32
      %add3A_440 = vector.broadcast %add3A_439 : i32 to vector<16xi32>
      %add3A_441 = arith.addi %select_n3A, %add3A_440 : vector<16xi32>
      %gather3A_442 = tpu.vector_load_idx %arg14[%add3A_71, %add3A_441] : memref<256x128xf32, #tpu.memory_space<vmem>>[vector<16xi32>, vector<16xi32>], vector<16xf32>,
      %add3A_443 = arith.constant 34 : i32
      %add3A_444 = vector.broadcast %add3A_443 : i32 to vector<16xi32>
      %add3A_445 = arith.addi %select_n3A_97, %add3A_444 : vector<16xi32>
      %gather3A_446 = tpu.vector_load_idx %arg15[%add3A_71, %add3A_445] : memref<256x128xf32, #tpu.memory_space<vmem>>[vector<16xi32>, vector<16xi32>], vector<16xf32>,
      %mul3A_447 = arith.mulf %gather3A_442, %gather3A_446 : vector<16xf32>
      %add3A_448 = arith.addf %add3A_438, %mul3A_447 : vector<16xf32>
      %add3A_449 = arith.constant 35 : i32
      %add3A_450 = vector.broadcast %add3A_449 : i32 to vector<16xi32>
      %add3A_451 = arith.addi %select_n3A, %add3A_450 : vector<16xi32>
      %gather3A_452 = tpu.vector_load_idx %arg14[%add3A_71, %add3A_451] : memref<256x128xf32, #tpu.memory_space<vmem>>[vector<16xi32>, vector<16xi32>], vector<16xf32>,
      %add3A_453 = arith.constant 35 : i32
      %add3A_454 = vector.broadcast %add3A_453 : i32 to vector<16xi32>
      %add3A_455 = arith.addi %select_n3A_97, %add3A_454 : vector<16xi32>
      %gather3A_456 = tpu.vector_load_idx %arg15[%add3A_71, %add3A_455] : memref<256x128xf32, #tpu.memory_space<vmem>>[vector<16xi32>, vector<16xi32>], vector<16xf32>,
      %mul3A_457 = arith.mulf %gather3A_452, %gather3A_456 : vector<16xf32>
      %add3A_458 = arith.addf %add3A_448, %mul3A_457 : vector<16xf32>
      %add3A_459 = arith.constant 36 : i32
      %add3A_460 = vector.broadcast %add3A_459 : i32 to vector<16xi32>
      %add3A_461 = arith.addi %select_n3A, %add3A_460 : vector<16xi32>
      %gather3A_462 = tpu.vector_load_idx %arg14[%add3A_71, %add3A_461] : memref<256x128xf32, #tpu.memory_space<vmem>>[vector<16xi32>, vector<16xi32>], vector<16xf32>,
      %add3A_463 = arith.constant 36 : i32
      %add3A_464 = vector.broadcast %add3A_463 : i32 to vector<16xi32>
      %add3A_465 = arith.addi %select_n3A_97, %add3A_464 : vector<16xi32>
      %gather3A_466 = tpu.vector_load_idx %arg15[%add3A_71, %add3A_465] : memref<256x128xf32, #tpu.memory_space<vmem>>[vector<16xi32>, vector<16xi32>], vector<16xf32>,
      %mul3A_467 = arith.mulf %gather3A_462, %gather3A_466 : vector<16xf32>
      %add3A_468 = arith.addf %add3A_458, %mul3A_467 : vector<16xf32>
      %add3A_469 = arith.constant 37 : i32
      %add3A_470 = vector.broadcast %add3A_469 : i32 to vector<16xi32>
      %add3A_471 = arith.addi %select_n3A, %add3A_470 : vector<16xi32>
      %gather3A_472 = tpu.vector_load_idx %arg14[%add3A_71, %add3A_471] : memref<256x128xf32, #tpu.memory_space<vmem>>[vector<16xi32>, vector<16xi32>], vector<16xf32>,
      %add3A_473 = arith.constant 37 : i32
      %add3A_474 = vector.broadcast %add3A_473 : i32 to vector<16xi32>
      %add3A_475 = arith.addi %select_n3A_97, %add3A_474 : vector<16xi32>
      %gather3A_476 = tpu.vector_load_idx %arg15[%add3A_71, %add3A_475] : memref<256x128xf32, #tpu.memory_space<vmem>>[vector<16xi32>, vector<16xi32>], vector<16xf32>,
      %mul3A_477 = arith.mulf %gather3A_472, %gather3A_476 : vector<16xf32>
      %add3A_478 = arith.addf %add3A_468, %mul3A_477 : vector<16xf32>
      %add3A_479 = arith.constant 38 : i32
      %add3A_480 = vector.broadcast %add3A_479 : i32 to vector<16xi32>
      %add3A_481 = arith.addi %select_n3A, %add3A_480 : vector<16xi32>
      %gather3A_482 = tpu.vector_load_idx %arg14[%add3A_71, %add3A_481] : memref<256x128xf32, #tpu.memory_space<vmem>>[vector<16xi32>, vector<16xi32>], vector<16xf32>,
      %add3A_483 = arith.constant 38 : i32
      %add3A_484 = vector.broadcast %add3A_483 : i32 to vector<16xi32>
      %add3A_485 = arith.addi %select_n3A_97, %add3A_484 : vector<16xi32>
      %gather3A_486 = tpu.vector_load_idx %arg15[%add3A_71, %add3A_485] : memref<256x128xf32, #tpu.memory_space<vmem>>[vector<16xi32>, vector<16xi32>], vector<16xf32>,
      %mul3A_487 = arith.mulf %gather3A_482, %gather3A_486 : vector<16xf32>
      %add3A_488 = arith.addf %add3A_478, %mul3A_487 : vector<16xf32>
      %add3A_489 = arith.constant 39 : i32
      %add3A_490 = vector.broadcast %add3A_489 : i32 to vector<16xi32>
      %add3A_491 = arith.addi %select_n3A, %add3A_490 : vector<16xi32>
      %gather3A_492 = tpu.vector_load_idx %arg14[%add3A_71, %add3A_491] : memref<256x128xf32, #tpu.memory_space<vmem>>[vector<16xi32>, vector<16xi32>], vector<16xf32>,
      %add3A_493 = arith.constant 39 : i32
      %add3A_494 = vector.broadcast %add3A_493 : i32 to vector<16xi32>
      %add3A_495 = arith.addi %select_n3A_97, %add3A_494 : vector<16xi32>
      %gather3A_496 = tpu.vector_load_idx %arg15[%add3A_71, %add3A_495] : memref<256x128xf32, #tpu.memory_space<vmem>>[vector<16xi32>, vector<16xi32>], vector<16xf32>,
      %mul3A_497 = arith.mulf %gather3A_492, %gather3A_496 : vector<16xf32>
      %add3A_498 = arith.addf %add3A_488, %mul3A_497 : vector<16xf32>
      %add3A_499 = arith.constant 40 : i32
      %add3A_500 = vector.broadcast %add3A_499 : i32 to vector<16xi32>
      %add3A_501 = arith.addi %select_n3A, %add3A_500 : vector<16xi32>
      %gather3A_502 = tpu.vector_load_idx %arg14[%add3A_71, %add3A_501] : memref<256x128xf32, #tpu.memory_space<vmem>>[vector<16xi32>, vector<16xi32>], vector<16xf32>,
      %add3A_503 = arith.constant 40 : i32
      %add3A_504 = vector.broadcast %add3A_503 : i32 to vector<16xi32>
      %add3A_505 = arith.addi %select_n3A_97, %add3A_504 : vector<16xi32>
      %gather3A_506 = tpu.vector_load_idx %arg15[%add3A_71, %add3A_505] : memref<256x128xf32, #tpu.memory_space<vmem>>[vector<16xi32>, vector<16xi32>], vector<16xf32>,
      %mul3A_507 = arith.mulf %gather3A_502, %gather3A_506 : vector<16xf32>
      %add3A_508 = arith.addf %add3A_498, %mul3A_507 : vector<16xf32>
      %add3A_509 = arith.constant 41 : i32
      %add3A_510 = vector.broadcast %add3A_509 : i32 to vector<16xi32>
      %add3A_511 = arith.addi %select_n3A, %add3A_510 : vector<16xi32>
      %gather3A_512 = tpu.vector_load_idx %arg14[%add3A_71, %add3A_511] : memref<256x128xf32, #tpu.memory_space<vmem>>[vector<16xi32>, vector<16xi32>], vector<16xf32>,
      %add3A_513 = arith.constant 41 : i32
      %add3A_514 = vector.broadcast %add3A_513 : i32 to vector<16xi32>
      %add3A_515 = arith.addi %select_n3A_97, %add3A_514 : vector<16xi32>
      %gather3A_516 = tpu.vector_load_idx %arg15[%add3A_71, %add3A_515] : memref<256x128xf32, #tpu.memory_space<vmem>>[vector<16xi32>, vector<16xi32>], vector<16xf32>,
      %mul3A_517 = arith.mulf %gather3A_512, %gather3A_516 : vector<16xf32>
      %add3A_518 = arith.addf %add3A_508, %mul3A_517 : vector<16xf32>
      %add3A_519 = arith.constant 42 : i32
      %add3A_520 = vector.broadcast %add3A_519 : i32 to vector<16xi32>
      %add3A_521 = arith.addi %select_n3A, %add3A_520 : vector<16xi32>
      %gather3A_522 = tpu.vector_load_idx %arg14[%add3A_71, %add3A_521] : memref<256x128xf32, #tpu.memory_space<vmem>>[vector<16xi32>, vector<16xi32>], vector<16xf32>,
      %add3A_523 = arith.constant 42 : i32
      %add3A_524 = vector.broadcast %add3A_523 : i32 to vector<16xi32>
      %add3A_525 = arith.addi %select_n3A_97, %add3A_524 : vector<16xi32>
      %gather3A_526 = tpu.vector_load_idx %arg15[%add3A_71, %add3A_525] : memref<256x128xf32, #tpu.memory_space<vmem>>[vector<16xi32>, vector<16xi32>], vector<16xf32>,
      %mul3A_527 = arith.mulf %gather3A_522, %gather3A_526 : vector<16xf32>
      %add3A_528 = arith.addf %add3A_518, %mul3A_527 : vector<16xf32>
      %add3A_529 = arith.constant 43 : i32
      %add3A_530 = vector.broadcast %add3A_529 : i32 to vector<16xi32>
      %add3A_531 = arith.addi %select_n3A, %add3A_530 : vector<16xi32>
      %gather3A_532 = tpu.vector_load_idx %arg14[%add3A_71, %add3A_531] : memref<256x128xf32, #tpu.memory_space<vmem>>[vector<16xi32>, vector<16xi32>], vector<16xf32>,
      %add3A_533 = arith.constant 43 : i32
      %add3A_534 = vector.broadcast %add3A_533 : i32 to vector<16xi32>
      %add3A_535 = arith.addi %select_n3A_97, %add3A_534 : vector<16xi32>
      %gather3A_536 = tpu.vector_load_idx %arg15[%add3A_71, %add3A_535] : memref<256x128xf32, #tpu.memory_space<vmem>>[vector<16xi32>, vector<16xi32>], vector<16xf32>,
      %mul3A_537 = arith.mulf %gather3A_532, %gather3A_536 : vector<16xf32>
      %add3A_538 = arith.addf %add3A_528, %mul3A_537 : vector<16xf32>
      %add3A_539 = arith.constant 44 : i32
      %add3A_540 = vector.broadcast %add3A_539 : i32 to vector<16xi32>
      %add3A_541 = arith.addi %select_n3A, %add3A_540 : vector<16xi32>
      %gather3A_542 = tpu.vector_load_idx %arg14[%add3A_71, %add3A_541] : memref<256x128xf32, #tpu.memory_space<vmem>>[vector<16xi32>, vector<16xi32>], vector<16xf32>,
      %add3A_543 = arith.constant 44 : i32
      %add3A_544 = vector.broadcast %add3A_543 : i32 to vector<16xi32>
      %add3A_545 = arith.addi %select_n3A_97, %add3A_544 : vector<16xi32>
      %gather3A_546 = tpu.vector_load_idx %arg15[%add3A_71, %add3A_545] : memref<256x128xf32, #tpu.memory_space<vmem>>[vector<16xi32>, vector<16xi32>], vector<16xf32>,
      %mul3A_547 = arith.mulf %gather3A_542, %gather3A_546 : vector<16xf32>
      %add3A_548 = arith.addf %add3A_538, %mul3A_547 : vector<16xf32>
      %add3A_549 = arith.constant 45 : i32
      %add3A_550 = vector.broadcast %add3A_549 : i32 to vector<16xi32>
      %add3A_551 = arith.addi %select_n3A, %add3A_550 : vector<16xi32>
      %gather3A_552 = tpu.vector_load_idx %arg14[%add3A_71, %add3A_551] : memref<256x128xf32, #tpu.memory_space<vmem>>[vector<16xi32>, vector<16xi32>], vector<16xf32>,
      %add3A_553 = arith.constant 45 : i32
      %add3A_554 = vector.broadcast %add3A_553 : i32 to vector<16xi32>
      %add3A_555 = arith.addi %select_n3A_97, %add3A_554 : vector<16xi32>
      %gather3A_556 = tpu.vector_load_idx %arg15[%add3A_71, %add3A_555] : memref<256x128xf32, #tpu.memory_space<vmem>>[vector<16xi32>, vector<16xi32>], vector<16xf32>,
      %mul3A_557 = arith.mulf %gather3A_552, %gather3A_556 : vector<16xf32>
      %add3A_558 = arith.addf %add3A_548, %mul3A_557 : vector<16xf32>
      %add3A_559 = arith.constant 46 : i32
      %add3A_560 = vector.broadcast %add3A_559 : i32 to vector<16xi32>
      %add3A_561 = arith.addi %select_n3A, %add3A_560 : vector<16xi32>
      %gather3A_562 = tpu.vector_load_idx %arg14[%add3A_71, %add3A_561] : memref<256x128xf32, #tpu.memory_space<vmem>>[vector<16xi32>, vector<16xi32>], vector<16xf32>,
      %add3A_563 = arith.constant 46 : i32
      %add3A_564 = vector.broadcast %add3A_563 : i32 to vector<16xi32>
      %add3A_565 = arith.addi %select_n3A_97, %add3A_564 : vector<16xi32>
      %gather3A_566 = tpu.vector_load_idx %arg15[%add3A_71, %add3A_565] : memref<256x128xf32, #tpu.memory_space<vmem>>[vector<16xi32>, vector<16xi32>], vector<16xf32>,
      %mul3A_567 = arith.mulf %gather3A_562, %gather3A_566 : vector<16xf32>
      %add3A_568 = arith.addf %add3A_558, %mul3A_567 : vector<16xf32>
      %add3A_569 = arith.constant 47 : i32
      %add3A_570 = vector.broadcast %add3A_569 : i32 to vector<16xi32>
      %add3A_571 = arith.addi %select_n3A, %add3A_570 : vector<16xi32>
      %gather3A_572 = tpu.vector_load_idx %arg14[%add3A_71, %add3A_571] : memref<256x128xf32, #tpu.memory_space<vmem>>[vector<16xi32>, vector<16xi32>], vector<16xf32>,
      %add3A_573 = arith.constant 47 : i32
      %add3A_574 = vector.broadcast %add3A_573 : i32 to vector<16xi32>
      %add3A_575 = arith.addi %select_n3A_97, %add3A_574 : vector<16xi32>
      %gather3A_576 = tpu.vector_load_idx %arg15[%add3A_71, %add3A_575] : memref<256x128xf32, #tpu.memory_space<vmem>>[vector<16xi32>, vector<16xi32>], vector<16xf32>,
      %mul3A_577 = arith.mulf %gather3A_572, %gather3A_576 : vector<16xf32>
      %add3A_578 = arith.addf %add3A_568, %mul3A_577 : vector<16xf32>
      %add3A_579 = arith.constant 48 : i32
      %add3A_580 = vector.broadcast %add3A_579 : i32 to vector<16xi32>
      %add3A_581 = arith.addi %select_n3A, %add3A_580 : vector<16xi32>
      %gather3A_582 = tpu.vector_load_idx %arg14[%add3A_71, %add3A_581] : memref<256x128xf32, #tpu.memory_space<vmem>>[vector<16xi32>, vector<16xi32>], vector<16xf32>,
      %add3A_583 = arith.constant 48 : i32
      %add3A_584 = vector.broadcast %add3A_583 : i32 to vector<16xi32>
      %add3A_585 = arith.addi %select_n3A_97, %add3A_584 : vector<16xi32>
      %gather3A_586 = tpu.vector_load_idx %arg15[%add3A_71, %add3A_585] : memref<256x128xf32, #tpu.memory_space<vmem>>[vector<16xi32>, vector<16xi32>], vector<16xf32>,
      %mul3A_587 = arith.mulf %gather3A_582, %gather3A_586 : vector<16xf32>
      %add3A_588 = arith.addf %add3A_578, %mul3A_587 : vector<16xf32>
      %add3A_589 = arith.constant 49 : i32
      %add3A_590 = vector.broadcast %add3A_589 : i32 to vector<16xi32>
      %add3A_591 = arith.addi %select_n3A, %add3A_590 : vector<16xi32>
      %gather3A_592 = tpu.vector_load_idx %arg14[%add3A_71, %add3A_591] : memref<256x128xf32, #tpu.memory_space<vmem>>[vector<16xi32>, vector<16xi32>], vector<16xf32>,
      %add3A_593 = arith.constant 49 : i32
      %add3A_594 = vector.broadcast %add3A_593 : i32 to vector<16xi32>
      %add3A_595 = arith.addi %select_n3A_97, %add3A_594 : vector<16xi32>
      %gather3A_596 = tpu.vector_load_idx %arg15[%add3A_71, %add3A_595] : memref<256x128xf32, #tpu.memory_space<vmem>>[vector<16xi32>, vector<16xi32>], vector<16xf32>,
      %mul3A_597 = arith.mulf %gather3A_592, %gather3A_596 : vector<16xf32>
      %add3A_598 = arith.addf %add3A_588, %mul3A_597 : vector<16xf32>
      %add3A_599 = arith.constant 50 : i32
      %add3A_600 = vector.broadcast %add3A_599 : i32 to vector<16xi32>
      %add3A_601 = arith.addi %select_n3A, %add3A_600 : vector<16xi32>
      %gather3A_602 = tpu.vector_load_idx %arg14[%add3A_71, %add3A_601] : memref<256x128xf32, #tpu.memory_space<vmem>>[vector<16xi32>, vector<16xi32>], vector<16xf32>,
      %add3A_603 = arith.constant 50 : i32
      %add3A_604 = vector.broadcast %add3A_603 : i32 to vector<16xi32>
      %add3A_605 = arith.addi %select_n3A_97, %add3A_604 : vector<16xi32>
      %gather3A_606 = tpu.vector_load_idx %arg15[%add3A_71, %add3A_605] : memref<256x128xf32, #tpu.memory_space<vmem>>[vector<16xi32>, vector<16xi32>], vector<16xf32>,
      %mul3A_607 = arith.mulf %gather3A_602, %gather3A_606 : vector<16xf32>
      %add3A_608 = arith.addf %add3A_598, %mul3A_607 : vector<16xf32>
      %add3A_609 = arith.constant 51 : i32
      %add3A_610 = vector.broadcast %add3A_609 : i32 to vector<16xi32>
      %add3A_611 = arith.addi %select_n3A, %add3A_610 : vector<16xi32>
      %gather3A_612 = tpu.vector_load_idx %arg14[%add3A_71, %add3A_611] : memref<256x128xf32, #tpu.memory_space<vmem>>[vector<16xi32>, vector<16xi32>], vector<16xf32>,
      %add3A_613 = arith.constant 51 : i32
      %add3A_614 = vector.broadcast %add3A_613 : i32 to vector<16xi32>
      %add3A_615 = arith.addi %select_n3A_97, %add3A_614 : vector<16xi32>
      %gather3A_616 = tpu.vector_load_idx %arg15[%add3A_71, %add3A_615] : memref<256x128xf32, #tpu.memory_space<vmem>>[vector<16xi32>, vector<16xi32>], vector<16xf32>,
      %mul3A_617 = arith.mulf %gather3A_612, %gather3A_616 : vector<16xf32>
      %add3A_618 = arith.addf %add3A_608, %mul3A_617 : vector<16xf32>
      %add3A_619 = arith.constant 52 : i32
      %add3A_620 = vector.broadcast %add3A_619 : i32 to vector<16xi32>
      %add3A_621 = arith.addi %select_n3A, %add3A_620 : vector<16xi32>
      %gather3A_622 = tpu.vector_load_idx %arg14[%add3A_71, %add3A_621] : memref<256x128xf32, #tpu.memory_space<vmem>>[vector<16xi32>, vector<16xi32>], vector<16xf32>,
      %add3A_623 = arith.constant 52 : i32
      %add3A_624 = vector.broadcast %add3A_623 : i32 to vector<16xi32>
      %add3A_625 = arith.addi %select_n3A_97, %add3A_624 : vector<16xi32>
      %gather3A_626 = tpu.vector_load_idx %arg15[%add3A_71, %add3A_625] : memref<256x128xf32, #tpu.memory_space<vmem>>[vector<16xi32>, vector<16xi32>], vector<16xf32>,
      %mul3A_627 = arith.mulf %gather3A_622, %gather3A_626 : vector<16xf32>
      %add3A_628 = arith.addf %add3A_618, %mul3A_627 : vector<16xf32>
      %add3A_629 = arith.constant 53 : i32
      %add3A_630 = vector.broadcast %add3A_629 : i32 to vector<16xi32>
      %add3A_631 = arith.addi %select_n3A, %add3A_630 : vector<16xi32>
      %gather3A_632 = tpu.vector_load_idx %arg14[%add3A_71, %add3A_631] : memref<256x128xf32, #tpu.memory_space<vmem>>[vector<16xi32>, vector<16xi32>], vector<16xf32>,
      %add3A_633 = arith.constant 53 : i32
      %add3A_634 = vector.broadcast %add3A_633 : i32 to vector<16xi32>
      %add3A_635 = arith.addi %select_n3A_97, %add3A_634 : vector<16xi32>
      %gather3A_636 = tpu.vector_load_idx %arg15[%add3A_71, %add3A_635] : memref<256x128xf32, #tpu.memory_space<vmem>>[vector<16xi32>, vector<16xi32>], vector<16xf32>,
      %mul3A_637 = arith.mulf %gather3A_632, %gather3A_636 : vector<16xf32>
      %add3A_638 = arith.addf %add3A_628, %mul3A_637 : vector<16xf32>
      %add3A_639 = arith.constant 54 : i32
      %add3A_640 = vector.broadcast %add3A_639 : i32 to vector<16xi32>
      %add3A_641 = arith.addi %select_n3A, %add3A_640 : vector<16xi32>
      %gather3A_642 = tpu.vector_load_idx %arg14[%add3A_71, %add3A_641] : memref<256x128xf32, #tpu.memory_space<vmem>>[vector<16xi32>, vector<16xi32>], vector<16xf32>,
      %add3A_643 = arith.constant 54 : i32
      %add3A_644 = vector.broadcast %add3A_643 : i32 to vector<16xi32>
      %add3A_645 = arith.addi %select_n3A_97, %add3A_644 : vector<16xi32>
      %gather3A_646 = tpu.vector_load_idx %arg15[%add3A_71, %add3A_645] : memref<256x128xf32, #tpu.memory_space<vmem>>[vector<16xi32>, vector<16xi32>], vector<16xf32>,
      %mul3A_647 = arith.mulf %gather3A_642, %gather3A_646 : vector<16xf32>
      %add3A_648 = arith.addf %add3A_638, %mul3A_647 : vector<16xf32>
      %add3A_649 = arith.constant 55 : i32
      %add3A_650 = vector.broadcast %add3A_649 : i32 to vector<16xi32>
      %add3A_651 = arith.addi %select_n3A, %add3A_650 : vector<16xi32>
      %gather3A_652 = tpu.vector_load_idx %arg14[%add3A_71, %add3A_651] : memref<256x128xf32, #tpu.memory_space<vmem>>[vector<16xi32>, vector<16xi32>], vector<16xf32>,
      %add3A_653 = arith.constant 55 : i32
      %add3A_654 = vector.broadcast %add3A_653 : i32 to vector<16xi32>
      %add3A_655 = arith.addi %select_n3A_97, %add3A_654 : vector<16xi32>
      %gather3A_656 = tpu.vector_load_idx %arg15[%add3A_71, %add3A_655] : memref<256x128xf32, #tpu.memory_space<vmem>>[vector<16xi32>, vector<16xi32>], vector<16xf32>,
      %mul3A_657 = arith.mulf %gather3A_652, %gather3A_656 : vector<16xf32>
      %add3A_658 = arith.addf %add3A_648, %mul3A_657 : vector<16xf32>
      %add3A_659 = arith.constant 56 : i32
      %add3A_660 = vector.broadcast %add3A_659 : i32 to vector<16xi32>
      %add3A_661 = arith.addi %select_n3A, %add3A_660 : vector<16xi32>
      %gather3A_662 = tpu.vector_load_idx %arg14[%add3A_71, %add3A_661] : memref<256x128xf32, #tpu.memory_space<vmem>>[vector<16xi32>, vector<16xi32>], vector<16xf32>,
      %add3A_663 = arith.constant 56 : i32
      %add3A_664 = vector.broadcast %add3A_663 : i32 to vector<16xi32>
      %add3A_665 = arith.addi %select_n3A_97, %add3A_664 : vector<16xi32>
      %gather3A_666 = tpu.vector_load_idx %arg15[%add3A_71, %add3A_665] : memref<256x128xf32, #tpu.memory_space<vmem>>[vector<16xi32>, vector<16xi32>], vector<16xf32>,
      %mul3A_667 = arith.mulf %gather3A_662, %gather3A_666 : vector<16xf32>
      %add3A_668 = arith.addf %add3A_658, %mul3A_667 : vector<16xf32>
      %add3A_669 = arith.constant 57 : i32
      %add3A_670 = vector.broadcast %add3A_669 : i32 to vector<16xi32>
      %add3A_671 = arith.addi %select_n3A, %add3A_670 : vector<16xi32>
      %gather3A_672 = tpu.vector_load_idx %arg14[%add3A_71, %add3A_671] : memref<256x128xf32, #tpu.memory_space<vmem>>[vector<16xi32>, vector<16xi32>], vector<16xf32>,
      %add3A_673 = arith.constant 57 : i32
      %add3A_674 = vector.broadcast %add3A_673 : i32 to vector<16xi32>
      %add3A_675 = arith.addi %select_n3A_97, %add3A_674 : vector<16xi32>
      %gather3A_676 = tpu.vector_load_idx %arg15[%add3A_71, %add3A_675] : memref<256x128xf32, #tpu.memory_space<vmem>>[vector<16xi32>, vector<16xi32>], vector<16xf32>,
      %mul3A_677 = arith.mulf %gather3A_672, %gather3A_676 : vector<16xf32>
      %add3A_678 = arith.addf %add3A_668, %mul3A_677 : vector<16xf32>
      %add3A_679 = arith.constant 58 : i32
      %add3A_680 = vector.broadcast %add3A_679 : i32 to vector<16xi32>
      %add3A_681 = arith.addi %select_n3A, %add3A_680 : vector<16xi32>
      %gather3A_682 = tpu.vector_load_idx %arg14[%add3A_71, %add3A_681] : memref<256x128xf32, #tpu.memory_space<vmem>>[vector<16xi32>, vector<16xi32>], vector<16xf32>,
      %add3A_683 = arith.constant 58 : i32
      %add3A_684 = vector.broadcast %add3A_683 : i32 to vector<16xi32>
      %add3A_685 = arith.addi %select_n3A_97, %add3A_684 : vector<16xi32>
      %gather3A_686 = tpu.vector_load_idx %arg15[%add3A_71, %add3A_685] : memref<256x128xf32, #tpu.memory_space<vmem>>[vector<16xi32>, vector<16xi32>], vector<16xf32>,
      %mul3A_687 = arith.mulf %gather3A_682, %gather3A_686 : vector<16xf32>
      %add3A_688 = arith.addf %add3A_678, %mul3A_687 : vector<16xf32>
      %add3A_689 = arith.constant 59 : i32
      %add3A_690 = vector.broadcast %add3A_689 : i32 to vector<16xi32>
      %add3A_691 = arith.addi %select_n3A, %add3A_690 : vector<16xi32>
      %gather3A_692 = tpu.vector_load_idx %arg14[%add3A_71, %add3A_691] : memref<256x128xf32, #tpu.memory_space<vmem>>[vector<16xi32>, vector<16xi32>], vector<16xf32>,
      %add3A_693 = arith.constant 59 : i32
      %add3A_694 = vector.broadcast %add3A_693 : i32 to vector<16xi32>
      %add3A_695 = arith.addi %select_n3A_97, %add3A_694 : vector<16xi32>
      %gather3A_696 = tpu.vector_load_idx %arg15[%add3A_71, %add3A_695] : memref<256x128xf32, #tpu.memory_space<vmem>>[vector<16xi32>, vector<16xi32>], vector<16xf32>,
      %mul3A_697 = arith.mulf %gather3A_692, %gather3A_696 : vector<16xf32>
      %add3A_698 = arith.addf %add3A_688, %mul3A_697 : vector<16xf32>
      %add3A_699 = arith.constant 60 : i32
      %add3A_700 = vector.broadcast %add3A_699 : i32 to vector<16xi32>
      %add3A_701 = arith.addi %select_n3A, %add3A_700 : vector<16xi32>
      %gather3A_702 = tpu.vector_load_idx %arg14[%add3A_71, %add3A_701] : memref<256x128xf32, #tpu.memory_space<vmem>>[vector<16xi32>, vector<16xi32>], vector<16xf32>,
      %add3A_703 = arith.constant 60 : i32
      %add3A_704 = vector.broadcast %add3A_703 : i32 to vector<16xi32>
      %add3A_705 = arith.addi %select_n3A_97, %add3A_704 : vector<16xi32>
      %gather3A_706 = tpu.vector_load_idx %arg15[%add3A_71, %add3A_705] : memref<256x128xf32, #tpu.memory_space<vmem>>[vector<16xi32>, vector<16xi32>], vector<16xf32>,
      %mul3A_707 = arith.mulf %gather3A_702, %gather3A_706 : vector<16xf32>
      %add3A_708 = arith.addf %add3A_698, %mul3A_707 : vector<16xf32>
      %add3A_709 = arith.constant 61 : i32
      %add3A_710 = vector.broadcast %add3A_709 : i32 to vector<16xi32>
      %add3A_711 = arith.addi %select_n3A, %add3A_710 : vector<16xi32>
      %gather3A_712 = tpu.vector_load_idx %arg14[%add3A_71, %add3A_711] : memref<256x128xf32, #tpu.memory_space<vmem>>[vector<16xi32>, vector<16xi32>], vector<16xf32>,
      %add3A_713 = arith.constant 61 : i32
      %add3A_714 = vector.broadcast %add3A_713 : i32 to vector<16xi32>
      %add3A_715 = arith.addi %select_n3A_97, %add3A_714 : vector<16xi32>
      %gather3A_716 = tpu.vector_load_idx %arg15[%add3A_71, %add3A_715] : memref<256x128xf32, #tpu.memory_space<vmem>>[vector<16xi32>, vector<16xi32>], vector<16xf32>,
      %mul3A_717 = arith.mulf %gather3A_712, %gather3A_716 : vector<16xf32>
      %add3A_718 = arith.addf %add3A_708, %mul3A_717 : vector<16xf32>
      %add3A_719 = arith.constant 62 : i32
      %add3A_720 = vector.broadcast %add3A_719 : i32 to vector<16xi32>
      %add3A_721 = arith.addi %select_n3A, %add3A_720 : vector<16xi32>
      %gather3A_722 = tpu.vector_load_idx %arg14[%add3A_71, %add3A_721] : memref<256x128xf32, #tpu.memory_space<vmem>>[vector<16xi32>, vector<16xi32>], vector<16xf32>,
      %add3A_723 = arith.constant 62 : i32
      %add3A_724 = vector.broadcast %add3A_723 : i32 to vector<16xi32>
      %add3A_725 = arith.addi %select_n3A_97, %add3A_724 : vector<16xi32>
      %gather3A_726 = tpu.vector_load_idx %arg15[%add3A_71, %add3A_725] : memref<256x128xf32, #tpu.memory_space<vmem>>[vector<16xi32>, vector<16xi32>], vector<16xf32>,
      %mul3A_727 = arith.mulf %gather3A_722, %gather3A_726 : vector<16xf32>
      %add3A_728 = arith.addf %add3A_718, %mul3A_727 : vector<16xf32>
      %add3A_729 = arith.constant 63 : i32
      %add3A_730 = vector.broadcast %add3A_729 : i32 to vector<16xi32>
      %add3A_731 = arith.addi %select_n3A, %add3A_730 : vector<16xi32>
      %gather3A_732 = tpu.vector_load_idx %arg14[%add3A_71, %add3A_731] : memref<256x128xf32, #tpu.memory_space<vmem>>[vector<16xi32>, vector<16xi32>], vector<16xf32>,
      %add3A_733 = arith.constant 63 : i32
      %add3A_734 = vector.broadcast %add3A_733 : i32 to vector<16xi32>
      %add3A_735 = arith.addi %select_n3A_97, %add3A_734 : vector<16xi32>
      %gather3A_736 = tpu.vector_load_idx %arg15[%add3A_71, %add3A_735] : memref<256x128xf32, #tpu.memory_space<vmem>>[vector<16xi32>, vector<16xi32>], vector<16xf32>,
      %mul3A_737 = arith.mulf %gather3A_732, %gather3A_736 : vector<16xf32>
      %add3A_738 = arith.addf %add3A_728, %mul3A_737 : vector<16xf32>
      %add3A_739 = arith.constant 0 : i32
      %add3A_740 = arith.addi %add3A_739, %mul3A_69 : i32
      %get3A_741 = arith.index_cast %add3A_740 : i32 to index
      %get3A_742 = tpu.vector_load %arg16[%get3A_741] {strides = array<i32>} : memref<512xf32, #tpu.memory_space<vmem>>, vector<16xf32>,
      %add3A_743 = arith.addf %add3A_738, %get3A_742 : vector<16xf32>
      %add3A_744 = arith.constant 0 : i32
      %add3A_745 = arith.addi %add3A_744, %mul3A_69 : i32
      %get3A_746 = arith.index_cast %add3A_745 : i32 to index
      %get3A_747 = tpu.vector_load %arg17[%get3A_746] {strides = array<i32>} : memref<512xf32, #tpu.memory_space<vmem>>, vector<16xf32>,
      %add3A_748 = arith.addf %add3A_743, %get3A_747 : vector<16xf32>
      %add3A_749 = arith.addf %add3A_748, %get3A_14 : vector<16xf32>
      %add3A_750 = arith.constant 0 : i32
      %add3A_751 = arith.addi %add3A_750, %mul3A_69 : i32
      %swap3A = arith.index_cast %add3A_751 : i32 to index
      %swap3A_752 = tpu.vector_load %arg19[%swap3A] {strides = array<i32>} : memref<512xf32, #tpu.memory_space<vmem>>, vector<16xf32>,
      tpu.vector_store %arg19[%swap3A], %add3A_749 {strides = array<i32>} : memref<512xf32, #tpu.memory_space<vmem>>, vector<16xf32>,
    }
    %scan3A_40 = arith.constant 16 : i32
    %dma_start3A_41 = arith.constant 256 : i32
    %dma_start3A_42 = tpu.memref_slice %arg12[%dma_start3A_41] : memref<512xi32, #tpu.memory_space<vmem>> -> memref<256xi32, #tpu.memory_space<vmem>>
    %dma_start3A_43 = arith.constant 0 : i32
    %dma_start3A_44 = arith.constant 0 : i32
    %dma_start3A_45 = tpu.memref_slice %arg5[%dma_start3A_43, %dma_start3A_44] : memref<516096x128xf32, #tpu.memory_space<hbm>> -> memref<516096x128xf32, #tpu.memory_space<hbm>>
    tpu.enqueue_indirect_dma source(%dma_start3A_45 : memref<516096x128xf32, #tpu.memory_space<hbm>>) target(%arg14 : memref<256x128xf32, #tpu.memory_space<vmem>>) offsets(%dma_start3A_42 : memref<256xi32, #tpu.memory_space<vmem>>) semaphore(%arg20 : memref<!tpu.dma_semaphore, #tpu.memory_space<semaphore_mem>>)
    %dma_start3A_46 = arith.constant 256 : i32
    %dma_start3A_47 = tpu.memref_slice %arg13[%dma_start3A_46] : memref<512xi32, #tpu.memory_space<vmem>> -> memref<256xi32, #tpu.memory_space<vmem>>
    %dma_start3A_48 = arith.constant 0 : i32
    %dma_start3A_49 = arith.constant 0 : i32
    %dma_start3A_50 = tpu.memref_slice %arg6[%dma_start3A_48, %dma_start3A_49] : memref<516096x128xf32, #tpu.memory_space<hbm>> -> memref<516096x128xf32, #tpu.memory_space<hbm>>
    tpu.enqueue_indirect_dma source(%dma_start3A_50 : memref<516096x128xf32, #tpu.memory_space<hbm>>) target(%arg15 : memref<256x128xf32, #tpu.memory_space<vmem>>) offsets(%dma_start3A_47 : memref<256xi32, #tpu.memory_space<vmem>>) semaphore(%arg20 : memref<!tpu.dma_semaphore, #tpu.memory_space<semaphore_mem>>)
    %dma_wait3A_51 = arith.constant 256 : i32
    %dma_wait3A_52 = tpu.memref_slice %arg12[%dma_wait3A_51] : memref<512xi32, #tpu.memory_space<vmem>> -> memref<256xi32, #tpu.memory_space<vmem>>
    %dma_wait3A_53 = arith.constant 0 : i32
    %dma_wait3A_54 = arith.constant 0 : i32
    %dma_wait3A_55 = tpu.memref_slice %arg5[%dma_wait3A_53, %dma_wait3A_54] : memref<516096x128xf32, #tpu.memory_space<hbm>> -> memref<516096x128xf32, #tpu.memory_space<hbm>>
    tpu.wait_indirect_dma semaphore(%arg20 : memref<!tpu.dma_semaphore, #tpu.memory_space<semaphore_mem>>) src(%dma_wait3A_55 : memref<516096x128xf32, #tpu.memory_space<hbm>>) dst(%arg14 : memref<256x128xf32, #tpu.memory_space<vmem>>)
    %dma_wait3A_56 = arith.constant 256 : i32
    %dma_wait3A_57 = tpu.memref_slice %arg13[%dma_wait3A_56] : memref<512xi32, #tpu.memory_space<vmem>> -> memref<256xi32, #tpu.memory_space<vmem>>
    %dma_wait3A_58 = arith.constant 0 : i32
    %dma_wait3A_59 = arith.constant 0 : i32
    %dma_wait3A_60 = tpu.memref_slice %arg6[%dma_wait3A_58, %dma_wait3A_59] : memref<516096x128xf32, #tpu.memory_space<hbm>> -> memref<516096x128xf32, #tpu.memory_space<hbm>>
    tpu.wait_indirect_dma semaphore(%arg20 : memref<!tpu.dma_semaphore, #tpu.memory_space<semaphore_mem>>) src(%dma_wait3A_60 : memref<516096x128xf32, #tpu.memory_space<hbm>>) dst(%arg15 : memref<256x128xf32, #tpu.memory_space<vmem>>)
    %scan3A_61 = arith.constant 0 : i32
    %scan3A_62 = arith.constant 0 : i32
    %scan3A_63 = arith.constant 16 : i32
    %scan3A_64 = arith.addi %scan3A_62, %scan3A_63 : i32
    %scan3A_65 = arith.constant 1 : i32
    scf.for %scan3A_67 = %scan3A_62 to %scan3A_64 step %scan3A_65  : i32 {
      %mul3A_68 = arith.constant 16 : i32
      %mul3A_69 = arith.muli %scan3A_67, %mul3A_68 : i32
      %add3A_70 = vector.broadcast %mul3A_69 : i32 to vector<16xi32>
      %add3A_71 = arith.addi %add3A_70, %iota3A : vector<16xi32>
      %add3A_72 = arith.constant 256 : i32
      %add3A_73 = arith.addi %add3A_72, %mul3A_69 : i32
      %get3A_74 = arith.index_cast %add3A_73 : i32 to index
      %get3A_75 = tpu.vector_load %arg10[%get3A_74] {strides = array<i32>} : memref<512xi32, #tpu.memory_space<vmem>>, vector<16xi32>,
      %ge3A = arith.constant 499968 : i32
      %ge3A_76 = vector.broadcast %ge3A : i32 to vector<16xi32>
      %ge3A_77 = arith.cmpi sge, %get3A_75, %ge3A_76 : vector<16xi32>
      %lt3A = arith.constant 999936 : i32
      %lt3A_78 = vector.broadcast %lt3A : i32 to vector<16xi32>
      %lt3A_79 = arith.cmpi slt, %get3A_75, %lt3A_78 : vector<16xi32>
      %and3A = arith.andi %ge3A_77, %lt3A_79 : vector<16xi1>
      %jit3A = arith.constant 64 : i32
      %jit3A_80 = arith.constant 0 : i32
      %broadcast_in_dim3A = vector.broadcast %jit3A : i32 to vector<16xi32>
      %broadcast_in_dim3A_81 = vector.broadcast %jit3A_80 : i32 to vector<16xi32>
      %select_n3A = arith.select %and3A, %broadcast_in_dim3A, %broadcast_in_dim3A_81 : vector<16xi1>, vector<16xi32>
      %add3A_82 = arith.constant 256 : i32
      %add3A_83 = arith.addi %add3A_82, %mul3A_69 : i32
      %get3A_84 = arith.index_cast %add3A_83 : i32 to index
      %get3A_85 = tpu.vector_load %arg11[%get3A_84] {strides = array<i32>} : memref<512xi32, #tpu.memory_space<vmem>>, vector<16xi32>,
      %ge3A_86 = arith.constant 499968 : i32
      %ge3A_87 = vector.broadcast %ge3A_86 : i32 to vector<16xi32>
      %ge3A_88 = arith.cmpi sge, %get3A_85, %ge3A_87 : vector<16xi32>
      %lt3A_89 = arith.constant 999936 : i32
      %lt3A_90 = vector.broadcast %lt3A_89 : i32 to vector<16xi32>
      %lt3A_91 = arith.cmpi slt, %get3A_85, %lt3A_90 : vector<16xi32>
      %and3A_92 = arith.andi %ge3A_88, %lt3A_91 : vector<16xi1>
      %jit3A_93 = arith.constant 64 : i32
      %jit3A_94 = arith.constant 0 : i32
      %broadcast_in_dim3A_95 = vector.broadcast %jit3A_93 : i32 to vector<16xi32>
      %broadcast_in_dim3A_96 = vector.broadcast %jit3A_94 : i32 to vector<16xi32>
      %select_n3A_97 = arith.select %and3A_92, %broadcast_in_dim3A_95, %broadcast_in_dim3A_96 : vector<16xi1>, vector<16xi32>
      %broadcast_in_dim3A_98 = arith.constant 0.000000e+00 : f32
      %broadcast_in_dim3A_99 = vector.broadcast %broadcast_in_dim3A_98 : f32 to vector<16xf32>
      %add3A_100 = arith.constant 0 : i32
      %add3A_101 = vector.broadcast %add3A_100 : i32 to vector<16xi32>
      %add3A_102 = arith.addi %select_n3A, %add3A_101 : vector<16xi32>
      %gather3A = tpu.vector_load_idx %arg14[%add3A_71, %add3A_102] : memref<256x128xf32, #tpu.memory_space<vmem>>[vector<16xi32>, vector<16xi32>], vector<16xf32>,
      %add3A_103 = arith.constant 0 : i32
      %add3A_104 = vector.broadcast %add3A_103 : i32 to vector<16xi32>
      %add3A_105 = arith.addi %select_n3A_97, %add3A_104 : vector<16xi32>
      %gather3A_106 = tpu.vector_load_idx %arg15[%add3A_71, %add3A_105] : memref<256x128xf32, #tpu.memory_space<vmem>>[vector<16xi32>, vector<16xi32>], vector<16xf32>,
      %mul3A_107 = arith.mulf %gather3A, %gather3A_106 : vector<16xf32>
      %add3A_108 = arith.addf %broadcast_in_dim3A_99, %mul3A_107 : vector<16xf32>
      %add3A_109 = arith.constant 1 : i32
      %add3A_110 = vector.broadcast %add3A_109 : i32 to vector<16xi32>
      %add3A_111 = arith.addi %select_n3A, %add3A_110 : vector<16xi32>
      %gather3A_112 = tpu.vector_load_idx %arg14[%add3A_71, %add3A_111] : memref<256x128xf32, #tpu.memory_space<vmem>>[vector<16xi32>, vector<16xi32>], vector<16xf32>,
      %add3A_113 = arith.constant 1 : i32
      %add3A_114 = vector.broadcast %add3A_113 : i32 to vector<16xi32>
      %add3A_115 = arith.addi %select_n3A_97, %add3A_114 : vector<16xi32>
      %gather3A_116 = tpu.vector_load_idx %arg15[%add3A_71, %add3A_115] : memref<256x128xf32, #tpu.memory_space<vmem>>[vector<16xi32>, vector<16xi32>], vector<16xf32>,
      %mul3A_117 = arith.mulf %gather3A_112, %gather3A_116 : vector<16xf32>
      %add3A_118 = arith.addf %add3A_108, %mul3A_117 : vector<16xf32>
      %add3A_119 = arith.constant 2 : i32
      %add3A_120 = vector.broadcast %add3A_119 : i32 to vector<16xi32>
      %add3A_121 = arith.addi %select_n3A, %add3A_120 : vector<16xi32>
      %gather3A_122 = tpu.vector_load_idx %arg14[%add3A_71, %add3A_121] : memref<256x128xf32, #tpu.memory_space<vmem>>[vector<16xi32>, vector<16xi32>], vector<16xf32>,
      %add3A_123 = arith.constant 2 : i32
      %add3A_124 = vector.broadcast %add3A_123 : i32 to vector<16xi32>
      %add3A_125 = arith.addi %select_n3A_97, %add3A_124 : vector<16xi32>
      %gather3A_126 = tpu.vector_load_idx %arg15[%add3A_71, %add3A_125] : memref<256x128xf32, #tpu.memory_space<vmem>>[vector<16xi32>, vector<16xi32>], vector<16xf32>,
      %mul3A_127 = arith.mulf %gather3A_122, %gather3A_126 : vector<16xf32>
      %add3A_128 = arith.addf %add3A_118, %mul3A_127 : vector<16xf32>
      %add3A_129 = arith.constant 3 : i32
      %add3A_130 = vector.broadcast %add3A_129 : i32 to vector<16xi32>
      %add3A_131 = arith.addi %select_n3A, %add3A_130 : vector<16xi32>
      %gather3A_132 = tpu.vector_load_idx %arg14[%add3A_71, %add3A_131] : memref<256x128xf32, #tpu.memory_space<vmem>>[vector<16xi32>, vector<16xi32>], vector<16xf32>,
      %add3A_133 = arith.constant 3 : i32
      %add3A_134 = vector.broadcast %add3A_133 : i32 to vector<16xi32>
      %add3A_135 = arith.addi %select_n3A_97, %add3A_134 : vector<16xi32>
      %gather3A_136 = tpu.vector_load_idx %arg15[%add3A_71, %add3A_135] : memref<256x128xf32, #tpu.memory_space<vmem>>[vector<16xi32>, vector<16xi32>], vector<16xf32>,
      %mul3A_137 = arith.mulf %gather3A_132, %gather3A_136 : vector<16xf32>
      %add3A_138 = arith.addf %add3A_128, %mul3A_137 : vector<16xf32>
      %add3A_139 = arith.constant 4 : i32
      %add3A_140 = vector.broadcast %add3A_139 : i32 to vector<16xi32>
      %add3A_141 = arith.addi %select_n3A, %add3A_140 : vector<16xi32>
      %gather3A_142 = tpu.vector_load_idx %arg14[%add3A_71, %add3A_141] : memref<256x128xf32, #tpu.memory_space<vmem>>[vector<16xi32>, vector<16xi32>], vector<16xf32>,
      %add3A_143 = arith.constant 4 : i32
      %add3A_144 = vector.broadcast %add3A_143 : i32 to vector<16xi32>
      %add3A_145 = arith.addi %select_n3A_97, %add3A_144 : vector<16xi32>
      %gather3A_146 = tpu.vector_load_idx %arg15[%add3A_71, %add3A_145] : memref<256x128xf32, #tpu.memory_space<vmem>>[vector<16xi32>, vector<16xi32>], vector<16xf32>,
      %mul3A_147 = arith.mulf %gather3A_142, %gather3A_146 : vector<16xf32>
      %add3A_148 = arith.addf %add3A_138, %mul3A_147 : vector<16xf32>
      %add3A_149 = arith.constant 5 : i32
      %add3A_150 = vector.broadcast %add3A_149 : i32 to vector<16xi32>
      %add3A_151 = arith.addi %select_n3A, %add3A_150 : vector<16xi32>
      %gather3A_152 = tpu.vector_load_idx %arg14[%add3A_71, %add3A_151] : memref<256x128xf32, #tpu.memory_space<vmem>>[vector<16xi32>, vector<16xi32>], vector<16xf32>,
      %add3A_153 = arith.constant 5 : i32
      %add3A_154 = vector.broadcast %add3A_153 : i32 to vector<16xi32>
      %add3A_155 = arith.addi %select_n3A_97, %add3A_154 : vector<16xi32>
      %gather3A_156 = tpu.vector_load_idx %arg15[%add3A_71, %add3A_155] : memref<256x128xf32, #tpu.memory_space<vmem>>[vector<16xi32>, vector<16xi32>], vector<16xf32>,
      %mul3A_157 = arith.mulf %gather3A_152, %gather3A_156 : vector<16xf32>
      %add3A_158 = arith.addf %add3A_148, %mul3A_157 : vector<16xf32>
      %add3A_159 = arith.constant 6 : i32
      %add3A_160 = vector.broadcast %add3A_159 : i32 to vector<16xi32>
      %add3A_161 = arith.addi %select_n3A, %add3A_160 : vector<16xi32>
      %gather3A_162 = tpu.vector_load_idx %arg14[%add3A_71, %add3A_161] : memref<256x128xf32, #tpu.memory_space<vmem>>[vector<16xi32>, vector<16xi32>], vector<16xf32>,
      %add3A_163 = arith.constant 6 : i32
      %add3A_164 = vector.broadcast %add3A_163 : i32 to vector<16xi32>
      %add3A_165 = arith.addi %select_n3A_97, %add3A_164 : vector<16xi32>
      %gather3A_166 = tpu.vector_load_idx %arg15[%add3A_71, %add3A_165] : memref<256x128xf32, #tpu.memory_space<vmem>>[vector<16xi32>, vector<16xi32>], vector<16xf32>,
      %mul3A_167 = arith.mulf %gather3A_162, %gather3A_166 : vector<16xf32>
      %add3A_168 = arith.addf %add3A_158, %mul3A_167 : vector<16xf32>
      %add3A_169 = arith.constant 7 : i32
      %add3A_170 = vector.broadcast %add3A_169 : i32 to vector<16xi32>
      %add3A_171 = arith.addi %select_n3A, %add3A_170 : vector<16xi32>
      %gather3A_172 = tpu.vector_load_idx %arg14[%add3A_71, %add3A_171] : memref<256x128xf32, #tpu.memory_space<vmem>>[vector<16xi32>, vector<16xi32>], vector<16xf32>,
      %add3A_173 = arith.constant 7 : i32
      %add3A_174 = vector.broadcast %add3A_173 : i32 to vector<16xi32>
      %add3A_175 = arith.addi %select_n3A_97, %add3A_174 : vector<16xi32>
      %gather3A_176 = tpu.vector_load_idx %arg15[%add3A_71, %add3A_175] : memref<256x128xf32, #tpu.memory_space<vmem>>[vector<16xi32>, vector<16xi32>], vector<16xf32>,
      %mul3A_177 = arith.mulf %gather3A_172, %gather3A_176 : vector<16xf32>
      %add3A_178 = arith.addf %add3A_168, %mul3A_177 : vector<16xf32>
      %add3A_179 = arith.constant 8 : i32
      %add3A_180 = vector.broadcast %add3A_179 : i32 to vector<16xi32>
      %add3A_181 = arith.addi %select_n3A, %add3A_180 : vector<16xi32>
      %gather3A_182 = tpu.vector_load_idx %arg14[%add3A_71, %add3A_181] : memref<256x128xf32, #tpu.memory_space<vmem>>[vector<16xi32>, vector<16xi32>], vector<16xf32>,
      %add3A_183 = arith.constant 8 : i32
      %add3A_184 = vector.broadcast %add3A_183 : i32 to vector<16xi32>
      %add3A_185 = arith.addi %select_n3A_97, %add3A_184 : vector<16xi32>
      %gather3A_186 = tpu.vector_load_idx %arg15[%add3A_71, %add3A_185] : memref<256x128xf32, #tpu.memory_space<vmem>>[vector<16xi32>, vector<16xi32>], vector<16xf32>,
      %mul3A_187 = arith.mulf %gather3A_182, %gather3A_186 : vector<16xf32>
      %add3A_188 = arith.addf %add3A_178, %mul3A_187 : vector<16xf32>
      %add3A_189 = arith.constant 9 : i32
      %add3A_190 = vector.broadcast %add3A_189 : i32 to vector<16xi32>
      %add3A_191 = arith.addi %select_n3A, %add3A_190 : vector<16xi32>
      %gather3A_192 = tpu.vector_load_idx %arg14[%add3A_71, %add3A_191] : memref<256x128xf32, #tpu.memory_space<vmem>>[vector<16xi32>, vector<16xi32>], vector<16xf32>,
      %add3A_193 = arith.constant 9 : i32
      %add3A_194 = vector.broadcast %add3A_193 : i32 to vector<16xi32>
      %add3A_195 = arith.addi %select_n3A_97, %add3A_194 : vector<16xi32>
      %gather3A_196 = tpu.vector_load_idx %arg15[%add3A_71, %add3A_195] : memref<256x128xf32, #tpu.memory_space<vmem>>[vector<16xi32>, vector<16xi32>], vector<16xf32>,
      %mul3A_197 = arith.mulf %gather3A_192, %gather3A_196 : vector<16xf32>
      %add3A_198 = arith.addf %add3A_188, %mul3A_197 : vector<16xf32>
      %add3A_199 = arith.constant 10 : i32
      %add3A_200 = vector.broadcast %add3A_199 : i32 to vector<16xi32>
      %add3A_201 = arith.addi %select_n3A, %add3A_200 : vector<16xi32>
      %gather3A_202 = tpu.vector_load_idx %arg14[%add3A_71, %add3A_201] : memref<256x128xf32, #tpu.memory_space<vmem>>[vector<16xi32>, vector<16xi32>], vector<16xf32>,
      %add3A_203 = arith.constant 10 : i32
      %add3A_204 = vector.broadcast %add3A_203 : i32 to vector<16xi32>
      %add3A_205 = arith.addi %select_n3A_97, %add3A_204 : vector<16xi32>
      %gather3A_206 = tpu.vector_load_idx %arg15[%add3A_71, %add3A_205] : memref<256x128xf32, #tpu.memory_space<vmem>>[vector<16xi32>, vector<16xi32>], vector<16xf32>,
      %mul3A_207 = arith.mulf %gather3A_202, %gather3A_206 : vector<16xf32>
      %add3A_208 = arith.addf %add3A_198, %mul3A_207 : vector<16xf32>
      %add3A_209 = arith.constant 11 : i32
      %add3A_210 = vector.broadcast %add3A_209 : i32 to vector<16xi32>
      %add3A_211 = arith.addi %select_n3A, %add3A_210 : vector<16xi32>
      %gather3A_212 = tpu.vector_load_idx %arg14[%add3A_71, %add3A_211] : memref<256x128xf32, #tpu.memory_space<vmem>>[vector<16xi32>, vector<16xi32>], vector<16xf32>,
      %add3A_213 = arith.constant 11 : i32
      %add3A_214 = vector.broadcast %add3A_213 : i32 to vector<16xi32>
      %add3A_215 = arith.addi %select_n3A_97, %add3A_214 : vector<16xi32>
      %gather3A_216 = tpu.vector_load_idx %arg15[%add3A_71, %add3A_215] : memref<256x128xf32, #tpu.memory_space<vmem>>[vector<16xi32>, vector<16xi32>], vector<16xf32>,
      %mul3A_217 = arith.mulf %gather3A_212, %gather3A_216 : vector<16xf32>
      %add3A_218 = arith.addf %add3A_208, %mul3A_217 : vector<16xf32>
      %add3A_219 = arith.constant 12 : i32
      %add3A_220 = vector.broadcast %add3A_219 : i32 to vector<16xi32>
      %add3A_221 = arith.addi %select_n3A, %add3A_220 : vector<16xi32>
      %gather3A_222 = tpu.vector_load_idx %arg14[%add3A_71, %add3A_221] : memref<256x128xf32, #tpu.memory_space<vmem>>[vector<16xi32>, vector<16xi32>], vector<16xf32>,
      %add3A_223 = arith.constant 12 : i32
      %add3A_224 = vector.broadcast %add3A_223 : i32 to vector<16xi32>
      %add3A_225 = arith.addi %select_n3A_97, %add3A_224 : vector<16xi32>
      %gather3A_226 = tpu.vector_load_idx %arg15[%add3A_71, %add3A_225] : memref<256x128xf32, #tpu.memory_space<vmem>>[vector<16xi32>, vector<16xi32>], vector<16xf32>,
      %mul3A_227 = arith.mulf %gather3A_222, %gather3A_226 : vector<16xf32>
      %add3A_228 = arith.addf %add3A_218, %mul3A_227 : vector<16xf32>
      %add3A_229 = arith.constant 13 : i32
      %add3A_230 = vector.broadcast %add3A_229 : i32 to vector<16xi32>
      %add3A_231 = arith.addi %select_n3A, %add3A_230 : vector<16xi32>
      %gather3A_232 = tpu.vector_load_idx %arg14[%add3A_71, %add3A_231] : memref<256x128xf32, #tpu.memory_space<vmem>>[vector<16xi32>, vector<16xi32>], vector<16xf32>,
      %add3A_233 = arith.constant 13 : i32
      %add3A_234 = vector.broadcast %add3A_233 : i32 to vector<16xi32>
      %add3A_235 = arith.addi %select_n3A_97, %add3A_234 : vector<16xi32>
      %gather3A_236 = tpu.vector_load_idx %arg15[%add3A_71, %add3A_235] : memref<256x128xf32, #tpu.memory_space<vmem>>[vector<16xi32>, vector<16xi32>], vector<16xf32>,
      %mul3A_237 = arith.mulf %gather3A_232, %gather3A_236 : vector<16xf32>
      %add3A_238 = arith.addf %add3A_228, %mul3A_237 : vector<16xf32>
      %add3A_239 = arith.constant 14 : i32
      %add3A_240 = vector.broadcast %add3A_239 : i32 to vector<16xi32>
      %add3A_241 = arith.addi %select_n3A, %add3A_240 : vector<16xi32>
      %gather3A_242 = tpu.vector_load_idx %arg14[%add3A_71, %add3A_241] : memref<256x128xf32, #tpu.memory_space<vmem>>[vector<16xi32>, vector<16xi32>], vector<16xf32>,
      %add3A_243 = arith.constant 14 : i32
      %add3A_244 = vector.broadcast %add3A_243 : i32 to vector<16xi32>
      %add3A_245 = arith.addi %select_n3A_97, %add3A_244 : vector<16xi32>
      %gather3A_246 = tpu.vector_load_idx %arg15[%add3A_71, %add3A_245] : memref<256x128xf32, #tpu.memory_space<vmem>>[vector<16xi32>, vector<16xi32>], vector<16xf32>,
      %mul3A_247 = arith.mulf %gather3A_242, %gather3A_246 : vector<16xf32>
      %add3A_248 = arith.addf %add3A_238, %mul3A_247 : vector<16xf32>
      %add3A_249 = arith.constant 15 : i32
      %add3A_250 = vector.broadcast %add3A_249 : i32 to vector<16xi32>
      %add3A_251 = arith.addi %select_n3A, %add3A_250 : vector<16xi32>
      %gather3A_252 = tpu.vector_load_idx %arg14[%add3A_71, %add3A_251] : memref<256x128xf32, #tpu.memory_space<vmem>>[vector<16xi32>, vector<16xi32>], vector<16xf32>,
      %add3A_253 = arith.constant 15 : i32
      %add3A_254 = vector.broadcast %add3A_253 : i32 to vector<16xi32>
      %add3A_255 = arith.addi %select_n3A_97, %add3A_254 : vector<16xi32>
      %gather3A_256 = tpu.vector_load_idx %arg15[%add3A_71, %add3A_255] : memref<256x128xf32, #tpu.memory_space<vmem>>[vector<16xi32>, vector<16xi32>], vector<16xf32>,
      %mul3A_257 = arith.mulf %gather3A_252, %gather3A_256 : vector<16xf32>
      %add3A_258 = arith.addf %add3A_248, %mul3A_257 : vector<16xf32>
      %add3A_259 = arith.constant 16 : i32
      %add3A_260 = vector.broadcast %add3A_259 : i32 to vector<16xi32>
      %add3A_261 = arith.addi %select_n3A, %add3A_260 : vector<16xi32>
      %gather3A_262 = tpu.vector_load_idx %arg14[%add3A_71, %add3A_261] : memref<256x128xf32, #tpu.memory_space<vmem>>[vector<16xi32>, vector<16xi32>], vector<16xf32>,
      %add3A_263 = arith.constant 16 : i32
      %add3A_264 = vector.broadcast %add3A_263 : i32 to vector<16xi32>
      %add3A_265 = arith.addi %select_n3A_97, %add3A_264 : vector<16xi32>
      %gather3A_266 = tpu.vector_load_idx %arg15[%add3A_71, %add3A_265] : memref<256x128xf32, #tpu.memory_space<vmem>>[vector<16xi32>, vector<16xi32>], vector<16xf32>,
      %mul3A_267 = arith.mulf %gather3A_262, %gather3A_266 : vector<16xf32>
      %add3A_268 = arith.addf %add3A_258, %mul3A_267 : vector<16xf32>
      %add3A_269 = arith.constant 17 : i32
      %add3A_270 = vector.broadcast %add3A_269 : i32 to vector<16xi32>
      %add3A_271 = arith.addi %select_n3A, %add3A_270 : vector<16xi32>
      %gather3A_272 = tpu.vector_load_idx %arg14[%add3A_71, %add3A_271] : memref<256x128xf32, #tpu.memory_space<vmem>>[vector<16xi32>, vector<16xi32>], vector<16xf32>,
      %add3A_273 = arith.constant 17 : i32
      %add3A_274 = vector.broadcast %add3A_273 : i32 to vector<16xi32>
      %add3A_275 = arith.addi %select_n3A_97, %add3A_274 : vector<16xi32>
      %gather3A_276 = tpu.vector_load_idx %arg15[%add3A_71, %add3A_275] : memref<256x128xf32, #tpu.memory_space<vmem>>[vector<16xi32>, vector<16xi32>], vector<16xf32>,
      %mul3A_277 = arith.mulf %gather3A_272, %gather3A_276 : vector<16xf32>
      %add3A_278 = arith.addf %add3A_268, %mul3A_277 : vector<16xf32>
      %add3A_279 = arith.constant 18 : i32
      %add3A_280 = vector.broadcast %add3A_279 : i32 to vector<16xi32>
      %add3A_281 = arith.addi %select_n3A, %add3A_280 : vector<16xi32>
      %gather3A_282 = tpu.vector_load_idx %arg14[%add3A_71, %add3A_281] : memref<256x128xf32, #tpu.memory_space<vmem>>[vector<16xi32>, vector<16xi32>], vector<16xf32>,
      %add3A_283 = arith.constant 18 : i32
      %add3A_284 = vector.broadcast %add3A_283 : i32 to vector<16xi32>
      %add3A_285 = arith.addi %select_n3A_97, %add3A_284 : vector<16xi32>
      %gather3A_286 = tpu.vector_load_idx %arg15[%add3A_71, %add3A_285] : memref<256x128xf32, #tpu.memory_space<vmem>>[vector<16xi32>, vector<16xi32>], vector<16xf32>,
      %mul3A_287 = arith.mulf %gather3A_282, %gather3A_286 : vector<16xf32>
      %add3A_288 = arith.addf %add3A_278, %mul3A_287 : vector<16xf32>
      %add3A_289 = arith.constant 19 : i32
      %add3A_290 = vector.broadcast %add3A_289 : i32 to vector<16xi32>
      %add3A_291 = arith.addi %select_n3A, %add3A_290 : vector<16xi32>
      %gather3A_292 = tpu.vector_load_idx %arg14[%add3A_71, %add3A_291] : memref<256x128xf32, #tpu.memory_space<vmem>>[vector<16xi32>, vector<16xi32>], vector<16xf32>,
      %add3A_293 = arith.constant 19 : i32
      %add3A_294 = vector.broadcast %add3A_293 : i32 to vector<16xi32>
      %add3A_295 = arith.addi %select_n3A_97, %add3A_294 : vector<16xi32>
      %gather3A_296 = tpu.vector_load_idx %arg15[%add3A_71, %add3A_295] : memref<256x128xf32, #tpu.memory_space<vmem>>[vector<16xi32>, vector<16xi32>], vector<16xf32>,
      %mul3A_297 = arith.mulf %gather3A_292, %gather3A_296 : vector<16xf32>
      %add3A_298 = arith.addf %add3A_288, %mul3A_297 : vector<16xf32>
      %add3A_299 = arith.constant 20 : i32
      %add3A_300 = vector.broadcast %add3A_299 : i32 to vector<16xi32>
      %add3A_301 = arith.addi %select_n3A, %add3A_300 : vector<16xi32>
      %gather3A_302 = tpu.vector_load_idx %arg14[%add3A_71, %add3A_301] : memref<256x128xf32, #tpu.memory_space<vmem>>[vector<16xi32>, vector<16xi32>], vector<16xf32>,
      %add3A_303 = arith.constant 20 : i32
      %add3A_304 = vector.broadcast %add3A_303 : i32 to vector<16xi32>
      %add3A_305 = arith.addi %select_n3A_97, %add3A_304 : vector<16xi32>
      %gather3A_306 = tpu.vector_load_idx %arg15[%add3A_71, %add3A_305] : memref<256x128xf32, #tpu.memory_space<vmem>>[vector<16xi32>, vector<16xi32>], vector<16xf32>,
      %mul3A_307 = arith.mulf %gather3A_302, %gather3A_306 : vector<16xf32>
      %add3A_308 = arith.addf %add3A_298, %mul3A_307 : vector<16xf32>
      %add3A_309 = arith.constant 21 : i32
      %add3A_310 = vector.broadcast %add3A_309 : i32 to vector<16xi32>
      %add3A_311 = arith.addi %select_n3A, %add3A_310 : vector<16xi32>
      %gather3A_312 = tpu.vector_load_idx %arg14[%add3A_71, %add3A_311] : memref<256x128xf32, #tpu.memory_space<vmem>>[vector<16xi32>, vector<16xi32>], vector<16xf32>,
      %add3A_313 = arith.constant 21 : i32
      %add3A_314 = vector.broadcast %add3A_313 : i32 to vector<16xi32>
      %add3A_315 = arith.addi %select_n3A_97, %add3A_314 : vector<16xi32>
      %gather3A_316 = tpu.vector_load_idx %arg15[%add3A_71, %add3A_315] : memref<256x128xf32, #tpu.memory_space<vmem>>[vector<16xi32>, vector<16xi32>], vector<16xf32>,
      %mul3A_317 = arith.mulf %gather3A_312, %gather3A_316 : vector<16xf32>
      %add3A_318 = arith.addf %add3A_308, %mul3A_317 : vector<16xf32>
      %add3A_319 = arith.constant 22 : i32
      %add3A_320 = vector.broadcast %add3A_319 : i32 to vector<16xi32>
      %add3A_321 = arith.addi %select_n3A, %add3A_320 : vector<16xi32>
      %gather3A_322 = tpu.vector_load_idx %arg14[%add3A_71, %add3A_321] : memref<256x128xf32, #tpu.memory_space<vmem>>[vector<16xi32>, vector<16xi32>], vector<16xf32>,
      %add3A_323 = arith.constant 22 : i32
      %add3A_324 = vector.broadcast %add3A_323 : i32 to vector<16xi32>
      %add3A_325 = arith.addi %select_n3A_97, %add3A_324 : vector<16xi32>
      %gather3A_326 = tpu.vector_load_idx %arg15[%add3A_71, %add3A_325] : memref<256x128xf32, #tpu.memory_space<vmem>>[vector<16xi32>, vector<16xi32>], vector<16xf32>,
      %mul3A_327 = arith.mulf %gather3A_322, %gather3A_326 : vector<16xf32>
      %add3A_328 = arith.addf %add3A_318, %mul3A_327 : vector<16xf32>
      %add3A_329 = arith.constant 23 : i32
      %add3A_330 = vector.broadcast %add3A_329 : i32 to vector<16xi32>
      %add3A_331 = arith.addi %select_n3A, %add3A_330 : vector<16xi32>
      %gather3A_332 = tpu.vector_load_idx %arg14[%add3A_71, %add3A_331] : memref<256x128xf32, #tpu.memory_space<vmem>>[vector<16xi32>, vector<16xi32>], vector<16xf32>,
      %add3A_333 = arith.constant 23 : i32
      %add3A_334 = vector.broadcast %add3A_333 : i32 to vector<16xi32>
      %add3A_335 = arith.addi %select_n3A_97, %add3A_334 : vector<16xi32>
      %gather3A_336 = tpu.vector_load_idx %arg15[%add3A_71, %add3A_335] : memref<256x128xf32, #tpu.memory_space<vmem>>[vector<16xi32>, vector<16xi32>], vector<16xf32>,
      %mul3A_337 = arith.mulf %gather3A_332, %gather3A_336 : vector<16xf32>
      %add3A_338 = arith.addf %add3A_328, %mul3A_337 : vector<16xf32>
      %add3A_339 = arith.constant 24 : i32
      %add3A_340 = vector.broadcast %add3A_339 : i32 to vector<16xi32>
      %add3A_341 = arith.addi %select_n3A, %add3A_340 : vector<16xi32>
      %gather3A_342 = tpu.vector_load_idx %arg14[%add3A_71, %add3A_341] : memref<256x128xf32, #tpu.memory_space<vmem>>[vector<16xi32>, vector<16xi32>], vector<16xf32>,
      %add3A_343 = arith.constant 24 : i32
      %add3A_344 = vector.broadcast %add3A_343 : i32 to vector<16xi32>
      %add3A_345 = arith.addi %select_n3A_97, %add3A_344 : vector<16xi32>
      %gather3A_346 = tpu.vector_load_idx %arg15[%add3A_71, %add3A_345] : memref<256x128xf32, #tpu.memory_space<vmem>>[vector<16xi32>, vector<16xi32>], vector<16xf32>,
      %mul3A_347 = arith.mulf %gather3A_342, %gather3A_346 : vector<16xf32>
      %add3A_348 = arith.addf %add3A_338, %mul3A_347 : vector<16xf32>
      %add3A_349 = arith.constant 25 : i32
      %add3A_350 = vector.broadcast %add3A_349 : i32 to vector<16xi32>
      %add3A_351 = arith.addi %select_n3A, %add3A_350 : vector<16xi32>
      %gather3A_352 = tpu.vector_load_idx %arg14[%add3A_71, %add3A_351] : memref<256x128xf32, #tpu.memory_space<vmem>>[vector<16xi32>, vector<16xi32>], vector<16xf32>,
      %add3A_353 = arith.constant 25 : i32
      %add3A_354 = vector.broadcast %add3A_353 : i32 to vector<16xi32>
      %add3A_355 = arith.addi %select_n3A_97, %add3A_354 : vector<16xi32>
      %gather3A_356 = tpu.vector_load_idx %arg15[%add3A_71, %add3A_355] : memref<256x128xf32, #tpu.memory_space<vmem>>[vector<16xi32>, vector<16xi32>], vector<16xf32>,
      %mul3A_357 = arith.mulf %gather3A_352, %gather3A_356 : vector<16xf32>
      %add3A_358 = arith.addf %add3A_348, %mul3A_357 : vector<16xf32>
      %add3A_359 = arith.constant 26 : i32
      %add3A_360 = vector.broadcast %add3A_359 : i32 to vector<16xi32>
      %add3A_361 = arith.addi %select_n3A, %add3A_360 : vector<16xi32>
      %gather3A_362 = tpu.vector_load_idx %arg14[%add3A_71, %add3A_361] : memref<256x128xf32, #tpu.memory_space<vmem>>[vector<16xi32>, vector<16xi32>], vector<16xf32>,
      %add3A_363 = arith.constant 26 : i32
      %add3A_364 = vector.broadcast %add3A_363 : i32 to vector<16xi32>
      %add3A_365 = arith.addi %select_n3A_97, %add3A_364 : vector<16xi32>
      %gather3A_366 = tpu.vector_load_idx %arg15[%add3A_71, %add3A_365] : memref<256x128xf32, #tpu.memory_space<vmem>>[vector<16xi32>, vector<16xi32>], vector<16xf32>,
      %mul3A_367 = arith.mulf %gather3A_362, %gather3A_366 : vector<16xf32>
      %add3A_368 = arith.addf %add3A_358, %mul3A_367 : vector<16xf32>
      %add3A_369 = arith.constant 27 : i32
      %add3A_370 = vector.broadcast %add3A_369 : i32 to vector<16xi32>
      %add3A_371 = arith.addi %select_n3A, %add3A_370 : vector<16xi32>
      %gather3A_372 = tpu.vector_load_idx %arg14[%add3A_71, %add3A_371] : memref<256x128xf32, #tpu.memory_space<vmem>>[vector<16xi32>, vector<16xi32>], vector<16xf32>,
      %add3A_373 = arith.constant 27 : i32
      %add3A_374 = vector.broadcast %add3A_373 : i32 to vector<16xi32>
      %add3A_375 = arith.addi %select_n3A_97, %add3A_374 : vector<16xi32>
      %gather3A_376 = tpu.vector_load_idx %arg15[%add3A_71, %add3A_375] : memref<256x128xf32, #tpu.memory_space<vmem>>[vector<16xi32>, vector<16xi32>], vector<16xf32>,
      %mul3A_377 = arith.mulf %gather3A_372, %gather3A_376 : vector<16xf32>
      %add3A_378 = arith.addf %add3A_368, %mul3A_377 : vector<16xf32>
      %add3A_379 = arith.constant 28 : i32
      %add3A_380 = vector.broadcast %add3A_379 : i32 to vector<16xi32>
      %add3A_381 = arith.addi %select_n3A, %add3A_380 : vector<16xi32>
      %gather3A_382 = tpu.vector_load_idx %arg14[%add3A_71, %add3A_381] : memref<256x128xf32, #tpu.memory_space<vmem>>[vector<16xi32>, vector<16xi32>], vector<16xf32>,
      %add3A_383 = arith.constant 28 : i32
      %add3A_384 = vector.broadcast %add3A_383 : i32 to vector<16xi32>
      %add3A_385 = arith.addi %select_n3A_97, %add3A_384 : vector<16xi32>
      %gather3A_386 = tpu.vector_load_idx %arg15[%add3A_71, %add3A_385] : memref<256x128xf32, #tpu.memory_space<vmem>>[vector<16xi32>, vector<16xi32>], vector<16xf32>,
      %mul3A_387 = arith.mulf %gather3A_382, %gather3A_386 : vector<16xf32>
      %add3A_388 = arith.addf %add3A_378, %mul3A_387 : vector<16xf32>
      %add3A_389 = arith.constant 29 : i32
      %add3A_390 = vector.broadcast %add3A_389 : i32 to vector<16xi32>
      %add3A_391 = arith.addi %select_n3A, %add3A_390 : vector<16xi32>
      %gather3A_392 = tpu.vector_load_idx %arg14[%add3A_71, %add3A_391] : memref<256x128xf32, #tpu.memory_space<vmem>>[vector<16xi32>, vector<16xi32>], vector<16xf32>,
      %add3A_393 = arith.constant 29 : i32
      %add3A_394 = vector.broadcast %add3A_393 : i32 to vector<16xi32>
      %add3A_395 = arith.addi %select_n3A_97, %add3A_394 : vector<16xi32>
      %gather3A_396 = tpu.vector_load_idx %arg15[%add3A_71, %add3A_395] : memref<256x128xf32, #tpu.memory_space<vmem>>[vector<16xi32>, vector<16xi32>], vector<16xf32>,
      %mul3A_397 = arith.mulf %gather3A_392, %gather3A_396 : vector<16xf32>
      %add3A_398 = arith.addf %add3A_388, %mul3A_397 : vector<16xf32>
      %add3A_399 = arith.constant 30 : i32
      %add3A_400 = vector.broadcast %add3A_399 : i32 to vector<16xi32>
      %add3A_401 = arith.addi %select_n3A, %add3A_400 : vector<16xi32>
      %gather3A_402 = tpu.vector_load_idx %arg14[%add3A_71, %add3A_401] : memref<256x128xf32, #tpu.memory_space<vmem>>[vector<16xi32>, vector<16xi32>], vector<16xf32>,
      %add3A_403 = arith.constant 30 : i32
      %add3A_404 = vector.broadcast %add3A_403 : i32 to vector<16xi32>
      %add3A_405 = arith.addi %select_n3A_97, %add3A_404 : vector<16xi32>
      %gather3A_406 = tpu.vector_load_idx %arg15[%add3A_71, %add3A_405] : memref<256x128xf32, #tpu.memory_space<vmem>>[vector<16xi32>, vector<16xi32>], vector<16xf32>,
      %mul3A_407 = arith.mulf %gather3A_402, %gather3A_406 : vector<16xf32>
      %add3A_408 = arith.addf %add3A_398, %mul3A_407 : vector<16xf32>
      %add3A_409 = arith.constant 31 : i32
      %add3A_410 = vector.broadcast %add3A_409 : i32 to vector<16xi32>
      %add3A_411 = arith.addi %select_n3A, %add3A_410 : vector<16xi32>
      %gather3A_412 = tpu.vector_load_idx %arg14[%add3A_71, %add3A_411] : memref<256x128xf32, #tpu.memory_space<vmem>>[vector<16xi32>, vector<16xi32>], vector<16xf32>,
      %add3A_413 = arith.constant 31 : i32
      %add3A_414 = vector.broadcast %add3A_413 : i32 to vector<16xi32>
      %add3A_415 = arith.addi %select_n3A_97, %add3A_414 : vector<16xi32>
      %gather3A_416 = tpu.vector_load_idx %arg15[%add3A_71, %add3A_415] : memref<256x128xf32, #tpu.memory_space<vmem>>[vector<16xi32>, vector<16xi32>], vector<16xf32>,
      %mul3A_417 = arith.mulf %gather3A_412, %gather3A_416 : vector<16xf32>
      %add3A_418 = arith.addf %add3A_408, %mul3A_417 : vector<16xf32>
      %add3A_419 = arith.constant 32 : i32
      %add3A_420 = vector.broadcast %add3A_419 : i32 to vector<16xi32>
      %add3A_421 = arith.addi %select_n3A, %add3A_420 : vector<16xi32>
      %gather3A_422 = tpu.vector_load_idx %arg14[%add3A_71, %add3A_421] : memref<256x128xf32, #tpu.memory_space<vmem>>[vector<16xi32>, vector<16xi32>], vector<16xf32>,
      %add3A_423 = arith.constant 32 : i32
      %add3A_424 = vector.broadcast %add3A_423 : i32 to vector<16xi32>
      %add3A_425 = arith.addi %select_n3A_97, %add3A_424 : vector<16xi32>
      %gather3A_426 = tpu.vector_load_idx %arg15[%add3A_71, %add3A_425] : memref<256x128xf32, #tpu.memory_space<vmem>>[vector<16xi32>, vector<16xi32>], vector<16xf32>,
      %mul3A_427 = arith.mulf %gather3A_422, %gather3A_426 : vector<16xf32>
      %add3A_428 = arith.addf %add3A_418, %mul3A_427 : vector<16xf32>
      %add3A_429 = arith.constant 33 : i32
      %add3A_430 = vector.broadcast %add3A_429 : i32 to vector<16xi32>
      %add3A_431 = arith.addi %select_n3A, %add3A_430 : vector<16xi32>
      %gather3A_432 = tpu.vector_load_idx %arg14[%add3A_71, %add3A_431] : memref<256x128xf32, #tpu.memory_space<vmem>>[vector<16xi32>, vector<16xi32>], vector<16xf32>,
      %add3A_433 = arith.constant 33 : i32
      %add3A_434 = vector.broadcast %add3A_433 : i32 to vector<16xi32>
      %add3A_435 = arith.addi %select_n3A_97, %add3A_434 : vector<16xi32>
      %gather3A_436 = tpu.vector_load_idx %arg15[%add3A_71, %add3A_435] : memref<256x128xf32, #tpu.memory_space<vmem>>[vector<16xi32>, vector<16xi32>], vector<16xf32>,
      %mul3A_437 = arith.mulf %gather3A_432, %gather3A_436 : vector<16xf32>
      %add3A_438 = arith.addf %add3A_428, %mul3A_437 : vector<16xf32>
      %add3A_439 = arith.constant 34 : i32
      %add3A_440 = vector.broadcast %add3A_439 : i32 to vector<16xi32>
      %add3A_441 = arith.addi %select_n3A, %add3A_440 : vector<16xi32>
      %gather3A_442 = tpu.vector_load_idx %arg14[%add3A_71, %add3A_441] : memref<256x128xf32, #tpu.memory_space<vmem>>[vector<16xi32>, vector<16xi32>], vector<16xf32>,
      %add3A_443 = arith.constant 34 : i32
      %add3A_444 = vector.broadcast %add3A_443 : i32 to vector<16xi32>
      %add3A_445 = arith.addi %select_n3A_97, %add3A_444 : vector<16xi32>
      %gather3A_446 = tpu.vector_load_idx %arg15[%add3A_71, %add3A_445] : memref<256x128xf32, #tpu.memory_space<vmem>>[vector<16xi32>, vector<16xi32>], vector<16xf32>,
      %mul3A_447 = arith.mulf %gather3A_442, %gather3A_446 : vector<16xf32>
      %add3A_448 = arith.addf %add3A_438, %mul3A_447 : vector<16xf32>
      %add3A_449 = arith.constant 35 : i32
      %add3A_450 = vector.broadcast %add3A_449 : i32 to vector<16xi32>
      %add3A_451 = arith.addi %select_n3A, %add3A_450 : vector<16xi32>
      %gather3A_452 = tpu.vector_load_idx %arg14[%add3A_71, %add3A_451] : memref<256x128xf32, #tpu.memory_space<vmem>>[vector<16xi32>, vector<16xi32>], vector<16xf32>,
      %add3A_453 = arith.constant 35 : i32
      %add3A_454 = vector.broadcast %add3A_453 : i32 to vector<16xi32>
      %add3A_455 = arith.addi %select_n3A_97, %add3A_454 : vector<16xi32>
      %gather3A_456 = tpu.vector_load_idx %arg15[%add3A_71, %add3A_455] : memref<256x128xf32, #tpu.memory_space<vmem>>[vector<16xi32>, vector<16xi32>], vector<16xf32>,
      %mul3A_457 = arith.mulf %gather3A_452, %gather3A_456 : vector<16xf32>
      %add3A_458 = arith.addf %add3A_448, %mul3A_457 : vector<16xf32>
      %add3A_459 = arith.constant 36 : i32
      %add3A_460 = vector.broadcast %add3A_459 : i32 to vector<16xi32>
      %add3A_461 = arith.addi %select_n3A, %add3A_460 : vector<16xi32>
      %gather3A_462 = tpu.vector_load_idx %arg14[%add3A_71, %add3A_461] : memref<256x128xf32, #tpu.memory_space<vmem>>[vector<16xi32>, vector<16xi32>], vector<16xf32>,
      %add3A_463 = arith.constant 36 : i32
      %add3A_464 = vector.broadcast %add3A_463 : i32 to vector<16xi32>
      %add3A_465 = arith.addi %select_n3A_97, %add3A_464 : vector<16xi32>
      %gather3A_466 = tpu.vector_load_idx %arg15[%add3A_71, %add3A_465] : memref<256x128xf32, #tpu.memory_space<vmem>>[vector<16xi32>, vector<16xi32>], vector<16xf32>,
      %mul3A_467 = arith.mulf %gather3A_462, %gather3A_466 : vector<16xf32>
      %add3A_468 = arith.addf %add3A_458, %mul3A_467 : vector<16xf32>
      %add3A_469 = arith.constant 37 : i32
      %add3A_470 = vector.broadcast %add3A_469 : i32 to vector<16xi32>
      %add3A_471 = arith.addi %select_n3A, %add3A_470 : vector<16xi32>
      %gather3A_472 = tpu.vector_load_idx %arg14[%add3A_71, %add3A_471] : memref<256x128xf32, #tpu.memory_space<vmem>>[vector<16xi32>, vector<16xi32>], vector<16xf32>,
      %add3A_473 = arith.constant 37 : i32
      %add3A_474 = vector.broadcast %add3A_473 : i32 to vector<16xi32>
      %add3A_475 = arith.addi %select_n3A_97, %add3A_474 : vector<16xi32>
      %gather3A_476 = tpu.vector_load_idx %arg15[%add3A_71, %add3A_475] : memref<256x128xf32, #tpu.memory_space<vmem>>[vector<16xi32>, vector<16xi32>], vector<16xf32>,
      %mul3A_477 = arith.mulf %gather3A_472, %gather3A_476 : vector<16xf32>
      %add3A_478 = arith.addf %add3A_468, %mul3A_477 : vector<16xf32>
      %add3A_479 = arith.constant 38 : i32
      %add3A_480 = vector.broadcast %add3A_479 : i32 to vector<16xi32>
      %add3A_481 = arith.addi %select_n3A, %add3A_480 : vector<16xi32>
      %gather3A_482 = tpu.vector_load_idx %arg14[%add3A_71, %add3A_481] : memref<256x128xf32, #tpu.memory_space<vmem>>[vector<16xi32>, vector<16xi32>], vector<16xf32>,
      %add3A_483 = arith.constant 38 : i32
      %add3A_484 = vector.broadcast %add3A_483 : i32 to vector<16xi32>
      %add3A_485 = arith.addi %select_n3A_97, %add3A_484 : vector<16xi32>
      %gather3A_486 = tpu.vector_load_idx %arg15[%add3A_71, %add3A_485] : memref<256x128xf32, #tpu.memory_space<vmem>>[vector<16xi32>, vector<16xi32>], vector<16xf32>,
      %mul3A_487 = arith.mulf %gather3A_482, %gather3A_486 : vector<16xf32>
      %add3A_488 = arith.addf %add3A_478, %mul3A_487 : vector<16xf32>
      %add3A_489 = arith.constant 39 : i32
      %add3A_490 = vector.broadcast %add3A_489 : i32 to vector<16xi32>
      %add3A_491 = arith.addi %select_n3A, %add3A_490 : vector<16xi32>
      %gather3A_492 = tpu.vector_load_idx %arg14[%add3A_71, %add3A_491] : memref<256x128xf32, #tpu.memory_space<vmem>>[vector<16xi32>, vector<16xi32>], vector<16xf32>,
      %add3A_493 = arith.constant 39 : i32
      %add3A_494 = vector.broadcast %add3A_493 : i32 to vector<16xi32>
      %add3A_495 = arith.addi %select_n3A_97, %add3A_494 : vector<16xi32>
      %gather3A_496 = tpu.vector_load_idx %arg15[%add3A_71, %add3A_495] : memref<256x128xf32, #tpu.memory_space<vmem>>[vector<16xi32>, vector<16xi32>], vector<16xf32>,
      %mul3A_497 = arith.mulf %gather3A_492, %gather3A_496 : vector<16xf32>
      %add3A_498 = arith.addf %add3A_488, %mul3A_497 : vector<16xf32>
      %add3A_499 = arith.constant 40 : i32
      %add3A_500 = vector.broadcast %add3A_499 : i32 to vector<16xi32>
      %add3A_501 = arith.addi %select_n3A, %add3A_500 : vector<16xi32>
      %gather3A_502 = tpu.vector_load_idx %arg14[%add3A_71, %add3A_501] : memref<256x128xf32, #tpu.memory_space<vmem>>[vector<16xi32>, vector<16xi32>], vector<16xf32>,
      %add3A_503 = arith.constant 40 : i32
      %add3A_504 = vector.broadcast %add3A_503 : i32 to vector<16xi32>
      %add3A_505 = arith.addi %select_n3A_97, %add3A_504 : vector<16xi32>
      %gather3A_506 = tpu.vector_load_idx %arg15[%add3A_71, %add3A_505] : memref<256x128xf32, #tpu.memory_space<vmem>>[vector<16xi32>, vector<16xi32>], vector<16xf32>,
      %mul3A_507 = arith.mulf %gather3A_502, %gather3A_506 : vector<16xf32>
      %add3A_508 = arith.addf %add3A_498, %mul3A_507 : vector<16xf32>
      %add3A_509 = arith.constant 41 : i32
      %add3A_510 = vector.broadcast %add3A_509 : i32 to vector<16xi32>
      %add3A_511 = arith.addi %select_n3A, %add3A_510 : vector<16xi32>
      %gather3A_512 = tpu.vector_load_idx %arg14[%add3A_71, %add3A_511] : memref<256x128xf32, #tpu.memory_space<vmem>>[vector<16xi32>, vector<16xi32>], vector<16xf32>,
      %add3A_513 = arith.constant 41 : i32
      %add3A_514 = vector.broadcast %add3A_513 : i32 to vector<16xi32>
      %add3A_515 = arith.addi %select_n3A_97, %add3A_514 : vector<16xi32>
      %gather3A_516 = tpu.vector_load_idx %arg15[%add3A_71, %add3A_515] : memref<256x128xf32, #tpu.memory_space<vmem>>[vector<16xi32>, vector<16xi32>], vector<16xf32>,
      %mul3A_517 = arith.mulf %gather3A_512, %gather3A_516 : vector<16xf32>
      %add3A_518 = arith.addf %add3A_508, %mul3A_517 : vector<16xf32>
      %add3A_519 = arith.constant 42 : i32
      %add3A_520 = vector.broadcast %add3A_519 : i32 to vector<16xi32>
      %add3A_521 = arith.addi %select_n3A, %add3A_520 : vector<16xi32>
      %gather3A_522 = tpu.vector_load_idx %arg14[%add3A_71, %add3A_521] : memref<256x128xf32, #tpu.memory_space<vmem>>[vector<16xi32>, vector<16xi32>], vector<16xf32>,
      %add3A_523 = arith.constant 42 : i32
      %add3A_524 = vector.broadcast %add3A_523 : i32 to vector<16xi32>
      %add3A_525 = arith.addi %select_n3A_97, %add3A_524 : vector<16xi32>
      %gather3A_526 = tpu.vector_load_idx %arg15[%add3A_71, %add3A_525] : memref<256x128xf32, #tpu.memory_space<vmem>>[vector<16xi32>, vector<16xi32>], vector<16xf32>,
      %mul3A_527 = arith.mulf %gather3A_522, %gather3A_526 : vector<16xf32>
      %add3A_528 = arith.addf %add3A_518, %mul3A_527 : vector<16xf32>
      %add3A_529 = arith.constant 43 : i32
      %add3A_530 = vector.broadcast %add3A_529 : i32 to vector<16xi32>
      %add3A_531 = arith.addi %select_n3A, %add3A_530 : vector<16xi32>
      %gather3A_532 = tpu.vector_load_idx %arg14[%add3A_71, %add3A_531] : memref<256x128xf32, #tpu.memory_space<vmem>>[vector<16xi32>, vector<16xi32>], vector<16xf32>,
      %add3A_533 = arith.constant 43 : i32
      %add3A_534 = vector.broadcast %add3A_533 : i32 to vector<16xi32>
      %add3A_535 = arith.addi %select_n3A_97, %add3A_534 : vector<16xi32>
      %gather3A_536 = tpu.vector_load_idx %arg15[%add3A_71, %add3A_535] : memref<256x128xf32, #tpu.memory_space<vmem>>[vector<16xi32>, vector<16xi32>], vector<16xf32>,
      %mul3A_537 = arith.mulf %gather3A_532, %gather3A_536 : vector<16xf32>
      %add3A_538 = arith.addf %add3A_528, %mul3A_537 : vector<16xf32>
      %add3A_539 = arith.constant 44 : i32
      %add3A_540 = vector.broadcast %add3A_539 : i32 to vector<16xi32>
      %add3A_541 = arith.addi %select_n3A, %add3A_540 : vector<16xi32>
      %gather3A_542 = tpu.vector_load_idx %arg14[%add3A_71, %add3A_541] : memref<256x128xf32, #tpu.memory_space<vmem>>[vector<16xi32>, vector<16xi32>], vector<16xf32>,
      %add3A_543 = arith.constant 44 : i32
      %add3A_544 = vector.broadcast %add3A_543 : i32 to vector<16xi32>
      %add3A_545 = arith.addi %select_n3A_97, %add3A_544 : vector<16xi32>
      %gather3A_546 = tpu.vector_load_idx %arg15[%add3A_71, %add3A_545] : memref<256x128xf32, #tpu.memory_space<vmem>>[vector<16xi32>, vector<16xi32>], vector<16xf32>,
      %mul3A_547 = arith.mulf %gather3A_542, %gather3A_546 : vector<16xf32>
      %add3A_548 = arith.addf %add3A_538, %mul3A_547 : vector<16xf32>
      %add3A_549 = arith.constant 45 : i32
      %add3A_550 = vector.broadcast %add3A_549 : i32 to vector<16xi32>
      %add3A_551 = arith.addi %select_n3A, %add3A_550 : vector<16xi32>
      %gather3A_552 = tpu.vector_load_idx %arg14[%add3A_71, %add3A_551] : memref<256x128xf32, #tpu.memory_space<vmem>>[vector<16xi32>, vector<16xi32>], vector<16xf32>,
      %add3A_553 = arith.constant 45 : i32
      %add3A_554 = vector.broadcast %add3A_553 : i32 to vector<16xi32>
      %add3A_555 = arith.addi %select_n3A_97, %add3A_554 : vector<16xi32>
      %gather3A_556 = tpu.vector_load_idx %arg15[%add3A_71, %add3A_555] : memref<256x128xf32, #tpu.memory_space<vmem>>[vector<16xi32>, vector<16xi32>], vector<16xf32>,
      %mul3A_557 = arith.mulf %gather3A_552, %gather3A_556 : vector<16xf32>
      %add3A_558 = arith.addf %add3A_548, %mul3A_557 : vector<16xf32>
      %add3A_559 = arith.constant 46 : i32
      %add3A_560 = vector.broadcast %add3A_559 : i32 to vector<16xi32>
      %add3A_561 = arith.addi %select_n3A, %add3A_560 : vector<16xi32>
      %gather3A_562 = tpu.vector_load_idx %arg14[%add3A_71, %add3A_561] : memref<256x128xf32, #tpu.memory_space<vmem>>[vector<16xi32>, vector<16xi32>], vector<16xf32>,
      %add3A_563 = arith.constant 46 : i32
      %add3A_564 = vector.broadcast %add3A_563 : i32 to vector<16xi32>
      %add3A_565 = arith.addi %select_n3A_97, %add3A_564 : vector<16xi32>
      %gather3A_566 = tpu.vector_load_idx %arg15[%add3A_71, %add3A_565] : memref<256x128xf32, #tpu.memory_space<vmem>>[vector<16xi32>, vector<16xi32>], vector<16xf32>,
      %mul3A_567 = arith.mulf %gather3A_562, %gather3A_566 : vector<16xf32>
      %add3A_568 = arith.addf %add3A_558, %mul3A_567 : vector<16xf32>
      %add3A_569 = arith.constant 47 : i32
      %add3A_570 = vector.broadcast %add3A_569 : i32 to vector<16xi32>
      %add3A_571 = arith.addi %select_n3A, %add3A_570 : vector<16xi32>
      %gather3A_572 = tpu.vector_load_idx %arg14[%add3A_71, %add3A_571] : memref<256x128xf32, #tpu.memory_space<vmem>>[vector<16xi32>, vector<16xi32>], vector<16xf32>,
      %add3A_573 = arith.constant 47 : i32
      %add3A_574 = vector.broadcast %add3A_573 : i32 to vector<16xi32>
      %add3A_575 = arith.addi %select_n3A_97, %add3A_574 : vector<16xi32>
      %gather3A_576 = tpu.vector_load_idx %arg15[%add3A_71, %add3A_575] : memref<256x128xf32, #tpu.memory_space<vmem>>[vector<16xi32>, vector<16xi32>], vector<16xf32>,
      %mul3A_577 = arith.mulf %gather3A_572, %gather3A_576 : vector<16xf32>
      %add3A_578 = arith.addf %add3A_568, %mul3A_577 : vector<16xf32>
      %add3A_579 = arith.constant 48 : i32
      %add3A_580 = vector.broadcast %add3A_579 : i32 to vector<16xi32>
      %add3A_581 = arith.addi %select_n3A, %add3A_580 : vector<16xi32>
      %gather3A_582 = tpu.vector_load_idx %arg14[%add3A_71, %add3A_581] : memref<256x128xf32, #tpu.memory_space<vmem>>[vector<16xi32>, vector<16xi32>], vector<16xf32>,
      %add3A_583 = arith.constant 48 : i32
      %add3A_584 = vector.broadcast %add3A_583 : i32 to vector<16xi32>
      %add3A_585 = arith.addi %select_n3A_97, %add3A_584 : vector<16xi32>
      %gather3A_586 = tpu.vector_load_idx %arg15[%add3A_71, %add3A_585] : memref<256x128xf32, #tpu.memory_space<vmem>>[vector<16xi32>, vector<16xi32>], vector<16xf32>,
      %mul3A_587 = arith.mulf %gather3A_582, %gather3A_586 : vector<16xf32>
      %add3A_588 = arith.addf %add3A_578, %mul3A_587 : vector<16xf32>
      %add3A_589 = arith.constant 49 : i32
      %add3A_590 = vector.broadcast %add3A_589 : i32 to vector<16xi32>
      %add3A_591 = arith.addi %select_n3A, %add3A_590 : vector<16xi32>
      %gather3A_592 = tpu.vector_load_idx %arg14[%add3A_71, %add3A_591] : memref<256x128xf32, #tpu.memory_space<vmem>>[vector<16xi32>, vector<16xi32>], vector<16xf32>,
      %add3A_593 = arith.constant 49 : i32
      %add3A_594 = vector.broadcast %add3A_593 : i32 to vector<16xi32>
      %add3A_595 = arith.addi %select_n3A_97, %add3A_594 : vector<16xi32>
      %gather3A_596 = tpu.vector_load_idx %arg15[%add3A_71, %add3A_595] : memref<256x128xf32, #tpu.memory_space<vmem>>[vector<16xi32>, vector<16xi32>], vector<16xf32>,
      %mul3A_597 = arith.mulf %gather3A_592, %gather3A_596 : vector<16xf32>
      %add3A_598 = arith.addf %add3A_588, %mul3A_597 : vector<16xf32>
      %add3A_599 = arith.constant 50 : i32
      %add3A_600 = vector.broadcast %add3A_599 : i32 to vector<16xi32>
      %add3A_601 = arith.addi %select_n3A, %add3A_600 : vector<16xi32>
      %gather3A_602 = tpu.vector_load_idx %arg14[%add3A_71, %add3A_601] : memref<256x128xf32, #tpu.memory_space<vmem>>[vector<16xi32>, vector<16xi32>], vector<16xf32>,
      %add3A_603 = arith.constant 50 : i32
      %add3A_604 = vector.broadcast %add3A_603 : i32 to vector<16xi32>
      %add3A_605 = arith.addi %select_n3A_97, %add3A_604 : vector<16xi32>
      %gather3A_606 = tpu.vector_load_idx %arg15[%add3A_71, %add3A_605] : memref<256x128xf32, #tpu.memory_space<vmem>>[vector<16xi32>, vector<16xi32>], vector<16xf32>,
      %mul3A_607 = arith.mulf %gather3A_602, %gather3A_606 : vector<16xf32>
      %add3A_608 = arith.addf %add3A_598, %mul3A_607 : vector<16xf32>
      %add3A_609 = arith.constant 51 : i32
      %add3A_610 = vector.broadcast %add3A_609 : i32 to vector<16xi32>
      %add3A_611 = arith.addi %select_n3A, %add3A_610 : vector<16xi32>
      %gather3A_612 = tpu.vector_load_idx %arg14[%add3A_71, %add3A_611] : memref<256x128xf32, #tpu.memory_space<vmem>>[vector<16xi32>, vector<16xi32>], vector<16xf32>,
      %add3A_613 = arith.constant 51 : i32
      %add3A_614 = vector.broadcast %add3A_613 : i32 to vector<16xi32>
      %add3A_615 = arith.addi %select_n3A_97, %add3A_614 : vector<16xi32>
      %gather3A_616 = tpu.vector_load_idx %arg15[%add3A_71, %add3A_615] : memref<256x128xf32, #tpu.memory_space<vmem>>[vector<16xi32>, vector<16xi32>], vector<16xf32>,
      %mul3A_617 = arith.mulf %gather3A_612, %gather3A_616 : vector<16xf32>
      %add3A_618 = arith.addf %add3A_608, %mul3A_617 : vector<16xf32>
      %add3A_619 = arith.constant 52 : i32
      %add3A_620 = vector.broadcast %add3A_619 : i32 to vector<16xi32>
      %add3A_621 = arith.addi %select_n3A, %add3A_620 : vector<16xi32>
      %gather3A_622 = tpu.vector_load_idx %arg14[%add3A_71, %add3A_621] : memref<256x128xf32, #tpu.memory_space<vmem>>[vector<16xi32>, vector<16xi32>], vector<16xf32>,
      %add3A_623 = arith.constant 52 : i32
      %add3A_624 = vector.broadcast %add3A_623 : i32 to vector<16xi32>
      %add3A_625 = arith.addi %select_n3A_97, %add3A_624 : vector<16xi32>
      %gather3A_626 = tpu.vector_load_idx %arg15[%add3A_71, %add3A_625] : memref<256x128xf32, #tpu.memory_space<vmem>>[vector<16xi32>, vector<16xi32>], vector<16xf32>,
      %mul3A_627 = arith.mulf %gather3A_622, %gather3A_626 : vector<16xf32>
      %add3A_628 = arith.addf %add3A_618, %mul3A_627 : vector<16xf32>
      %add3A_629 = arith.constant 53 : i32
      %add3A_630 = vector.broadcast %add3A_629 : i32 to vector<16xi32>
      %add3A_631 = arith.addi %select_n3A, %add3A_630 : vector<16xi32>
      %gather3A_632 = tpu.vector_load_idx %arg14[%add3A_71, %add3A_631] : memref<256x128xf32, #tpu.memory_space<vmem>>[vector<16xi32>, vector<16xi32>], vector<16xf32>,
      %add3A_633 = arith.constant 53 : i32
      %add3A_634 = vector.broadcast %add3A_633 : i32 to vector<16xi32>
      %add3A_635 = arith.addi %select_n3A_97, %add3A_634 : vector<16xi32>
      %gather3A_636 = tpu.vector_load_idx %arg15[%add3A_71, %add3A_635] : memref<256x128xf32, #tpu.memory_space<vmem>>[vector<16xi32>, vector<16xi32>], vector<16xf32>,
      %mul3A_637 = arith.mulf %gather3A_632, %gather3A_636 : vector<16xf32>
      %add3A_638 = arith.addf %add3A_628, %mul3A_637 : vector<16xf32>
      %add3A_639 = arith.constant 54 : i32
      %add3A_640 = vector.broadcast %add3A_639 : i32 to vector<16xi32>
      %add3A_641 = arith.addi %select_n3A, %add3A_640 : vector<16xi32>
      %gather3A_642 = tpu.vector_load_idx %arg14[%add3A_71, %add3A_641] : memref<256x128xf32, #tpu.memory_space<vmem>>[vector<16xi32>, vector<16xi32>], vector<16xf32>,
      %add3A_643 = arith.constant 54 : i32
      %add3A_644 = vector.broadcast %add3A_643 : i32 to vector<16xi32>
      %add3A_645 = arith.addi %select_n3A_97, %add3A_644 : vector<16xi32>
      %gather3A_646 = tpu.vector_load_idx %arg15[%add3A_71, %add3A_645] : memref<256x128xf32, #tpu.memory_space<vmem>>[vector<16xi32>, vector<16xi32>], vector<16xf32>,
      %mul3A_647 = arith.mulf %gather3A_642, %gather3A_646 : vector<16xf32>
      %add3A_648 = arith.addf %add3A_638, %mul3A_647 : vector<16xf32>
      %add3A_649 = arith.constant 55 : i32
      %add3A_650 = vector.broadcast %add3A_649 : i32 to vector<16xi32>
      %add3A_651 = arith.addi %select_n3A, %add3A_650 : vector<16xi32>
      %gather3A_652 = tpu.vector_load_idx %arg14[%add3A_71, %add3A_651] : memref<256x128xf32, #tpu.memory_space<vmem>>[vector<16xi32>, vector<16xi32>], vector<16xf32>,
      %add3A_653 = arith.constant 55 : i32
      %add3A_654 = vector.broadcast %add3A_653 : i32 to vector<16xi32>
      %add3A_655 = arith.addi %select_n3A_97, %add3A_654 : vector<16xi32>
      %gather3A_656 = tpu.vector_load_idx %arg15[%add3A_71, %add3A_655] : memref<256x128xf32, #tpu.memory_space<vmem>>[vector<16xi32>, vector<16xi32>], vector<16xf32>,
      %mul3A_657 = arith.mulf %gather3A_652, %gather3A_656 : vector<16xf32>
      %add3A_658 = arith.addf %add3A_648, %mul3A_657 : vector<16xf32>
      %add3A_659 = arith.constant 56 : i32
      %add3A_660 = vector.broadcast %add3A_659 : i32 to vector<16xi32>
      %add3A_661 = arith.addi %select_n3A, %add3A_660 : vector<16xi32>
      %gather3A_662 = tpu.vector_load_idx %arg14[%add3A_71, %add3A_661] : memref<256x128xf32, #tpu.memory_space<vmem>>[vector<16xi32>, vector<16xi32>], vector<16xf32>,
      %add3A_663 = arith.constant 56 : i32
      %add3A_664 = vector.broadcast %add3A_663 : i32 to vector<16xi32>
      %add3A_665 = arith.addi %select_n3A_97, %add3A_664 : vector<16xi32>
      %gather3A_666 = tpu.vector_load_idx %arg15[%add3A_71, %add3A_665] : memref<256x128xf32, #tpu.memory_space<vmem>>[vector<16xi32>, vector<16xi32>], vector<16xf32>,
      %mul3A_667 = arith.mulf %gather3A_662, %gather3A_666 : vector<16xf32>
      %add3A_668 = arith.addf %add3A_658, %mul3A_667 : vector<16xf32>
      %add3A_669 = arith.constant 57 : i32
      %add3A_670 = vector.broadcast %add3A_669 : i32 to vector<16xi32>
      %add3A_671 = arith.addi %select_n3A, %add3A_670 : vector<16xi32>
      %gather3A_672 = tpu.vector_load_idx %arg14[%add3A_71, %add3A_671] : memref<256x128xf32, #tpu.memory_space<vmem>>[vector<16xi32>, vector<16xi32>], vector<16xf32>,
      %add3A_673 = arith.constant 57 : i32
      %add3A_674 = vector.broadcast %add3A_673 : i32 to vector<16xi32>
      %add3A_675 = arith.addi %select_n3A_97, %add3A_674 : vector<16xi32>
      %gather3A_676 = tpu.vector_load_idx %arg15[%add3A_71, %add3A_675] : memref<256x128xf32, #tpu.memory_space<vmem>>[vector<16xi32>, vector<16xi32>], vector<16xf32>,
      %mul3A_677 = arith.mulf %gather3A_672, %gather3A_676 : vector<16xf32>
      %add3A_678 = arith.addf %add3A_668, %mul3A_677 : vector<16xf32>
      %add3A_679 = arith.constant 58 : i32
      %add3A_680 = vector.broadcast %add3A_679 : i32 to vector<16xi32>
      %add3A_681 = arith.addi %select_n3A, %add3A_680 : vector<16xi32>
      %gather3A_682 = tpu.vector_load_idx %arg14[%add3A_71, %add3A_681] : memref<256x128xf32, #tpu.memory_space<vmem>>[vector<16xi32>, vector<16xi32>], vector<16xf32>,
      %add3A_683 = arith.constant 58 : i32
      %add3A_684 = vector.broadcast %add3A_683 : i32 to vector<16xi32>
      %add3A_685 = arith.addi %select_n3A_97, %add3A_684 : vector<16xi32>
      %gather3A_686 = tpu.vector_load_idx %arg15[%add3A_71, %add3A_685] : memref<256x128xf32, #tpu.memory_space<vmem>>[vector<16xi32>, vector<16xi32>], vector<16xf32>,
      %mul3A_687 = arith.mulf %gather3A_682, %gather3A_686 : vector<16xf32>
      %add3A_688 = arith.addf %add3A_678, %mul3A_687 : vector<16xf32>
      %add3A_689 = arith.constant 59 : i32
      %add3A_690 = vector.broadcast %add3A_689 : i32 to vector<16xi32>
      %add3A_691 = arith.addi %select_n3A, %add3A_690 : vector<16xi32>
      %gather3A_692 = tpu.vector_load_idx %arg14[%add3A_71, %add3A_691] : memref<256x128xf32, #tpu.memory_space<vmem>>[vector<16xi32>, vector<16xi32>], vector<16xf32>,
      %add3A_693 = arith.constant 59 : i32
      %add3A_694 = vector.broadcast %add3A_693 : i32 to vector<16xi32>
      %add3A_695 = arith.addi %select_n3A_97, %add3A_694 : vector<16xi32>
      %gather3A_696 = tpu.vector_load_idx %arg15[%add3A_71, %add3A_695] : memref<256x128xf32, #tpu.memory_space<vmem>>[vector<16xi32>, vector<16xi32>], vector<16xf32>,
      %mul3A_697 = arith.mulf %gather3A_692, %gather3A_696 : vector<16xf32>
      %add3A_698 = arith.addf %add3A_688, %mul3A_697 : vector<16xf32>
      %add3A_699 = arith.constant 60 : i32
      %add3A_700 = vector.broadcast %add3A_699 : i32 to vector<16xi32>
      %add3A_701 = arith.addi %select_n3A, %add3A_700 : vector<16xi32>
      %gather3A_702 = tpu.vector_load_idx %arg14[%add3A_71, %add3A_701] : memref<256x128xf32, #tpu.memory_space<vmem>>[vector<16xi32>, vector<16xi32>], vector<16xf32>,
      %add3A_703 = arith.constant 60 : i32
      %add3A_704 = vector.broadcast %add3A_703 : i32 to vector<16xi32>
      %add3A_705 = arith.addi %select_n3A_97, %add3A_704 : vector<16xi32>
      %gather3A_706 = tpu.vector_load_idx %arg15[%add3A_71, %add3A_705] : memref<256x128xf32, #tpu.memory_space<vmem>>[vector<16xi32>, vector<16xi32>], vector<16xf32>,
      %mul3A_707 = arith.mulf %gather3A_702, %gather3A_706 : vector<16xf32>
      %add3A_708 = arith.addf %add3A_698, %mul3A_707 : vector<16xf32>
      %add3A_709 = arith.constant 61 : i32
      %add3A_710 = vector.broadcast %add3A_709 : i32 to vector<16xi32>
      %add3A_711 = arith.addi %select_n3A, %add3A_710 : vector<16xi32>
      %gather3A_712 = tpu.vector_load_idx %arg14[%add3A_71, %add3A_711] : memref<256x128xf32, #tpu.memory_space<vmem>>[vector<16xi32>, vector<16xi32>], vector<16xf32>,
      %add3A_713 = arith.constant 61 : i32
      %add3A_714 = vector.broadcast %add3A_713 : i32 to vector<16xi32>
      %add3A_715 = arith.addi %select_n3A_97, %add3A_714 : vector<16xi32>
      %gather3A_716 = tpu.vector_load_idx %arg15[%add3A_71, %add3A_715] : memref<256x128xf32, #tpu.memory_space<vmem>>[vector<16xi32>, vector<16xi32>], vector<16xf32>,
      %mul3A_717 = arith.mulf %gather3A_712, %gather3A_716 : vector<16xf32>
      %add3A_718 = arith.addf %add3A_708, %mul3A_717 : vector<16xf32>
      %add3A_719 = arith.constant 62 : i32
      %add3A_720 = vector.broadcast %add3A_719 : i32 to vector<16xi32>
      %add3A_721 = arith.addi %select_n3A, %add3A_720 : vector<16xi32>
      %gather3A_722 = tpu.vector_load_idx %arg14[%add3A_71, %add3A_721] : memref<256x128xf32, #tpu.memory_space<vmem>>[vector<16xi32>, vector<16xi32>], vector<16xf32>,
      %add3A_723 = arith.constant 62 : i32
      %add3A_724 = vector.broadcast %add3A_723 : i32 to vector<16xi32>
      %add3A_725 = arith.addi %select_n3A_97, %add3A_724 : vector<16xi32>
      %gather3A_726 = tpu.vector_load_idx %arg15[%add3A_71, %add3A_725] : memref<256x128xf32, #tpu.memory_space<vmem>>[vector<16xi32>, vector<16xi32>], vector<16xf32>,
      %mul3A_727 = arith.mulf %gather3A_722, %gather3A_726 : vector<16xf32>
      %add3A_728 = arith.addf %add3A_718, %mul3A_727 : vector<16xf32>
      %add3A_729 = arith.constant 63 : i32
      %add3A_730 = vector.broadcast %add3A_729 : i32 to vector<16xi32>
      %add3A_731 = arith.addi %select_n3A, %add3A_730 : vector<16xi32>
      %gather3A_732 = tpu.vector_load_idx %arg14[%add3A_71, %add3A_731] : memref<256x128xf32, #tpu.memory_space<vmem>>[vector<16xi32>, vector<16xi32>], vector<16xf32>,
      %add3A_733 = arith.constant 63 : i32
      %add3A_734 = vector.broadcast %add3A_733 : i32 to vector<16xi32>
      %add3A_735 = arith.addi %select_n3A_97, %add3A_734 : vector<16xi32>
      %gather3A_736 = tpu.vector_load_idx %arg15[%add3A_71, %add3A_735] : memref<256x128xf32, #tpu.memory_space<vmem>>[vector<16xi32>, vector<16xi32>], vector<16xf32>,
      %mul3A_737 = arith.mulf %gather3A_732, %gather3A_736 : vector<16xf32>
      %add3A_738 = arith.addf %add3A_728, %mul3A_737 : vector<16xf32>
      %add3A_739 = arith.constant 256 : i32
      %add3A_740 = arith.addi %add3A_739, %mul3A_69 : i32
      %get3A_741 = arith.index_cast %add3A_740 : i32 to index
      %get3A_742 = tpu.vector_load %arg16[%get3A_741] {strides = array<i32>} : memref<512xf32, #tpu.memory_space<vmem>>, vector<16xf32>,
      %add3A_743 = arith.addf %add3A_738, %get3A_742 : vector<16xf32>
      %add3A_744 = arith.constant 256 : i32
      %add3A_745 = arith.addi %add3A_744, %mul3A_69 : i32
      %get3A_746 = arith.index_cast %add3A_745 : i32 to index
      %get3A_747 = tpu.vector_load %arg17[%get3A_746] {strides = array<i32>} : memref<512xf32, #tpu.memory_space<vmem>>, vector<16xf32>,
      %add3A_748 = arith.addf %add3A_743, %get3A_747 : vector<16xf32>
      %add3A_749 = arith.addf %add3A_748, %get3A_14 : vector<16xf32>
      %add3A_750 = arith.constant 256 : i32
      %add3A_751 = arith.addi %add3A_750, %mul3A_69 : i32
      %swap3A = arith.index_cast %add3A_751 : i32 to index
      %swap3A_752 = tpu.vector_load %arg19[%swap3A] {strides = array<i32>} : memref<512xf32, #tpu.memory_space<vmem>>, vector<16xf32>,
      tpu.vector_store %arg19[%swap3A], %add3A_749 {strides = array<i32>} : memref<512xf32, #tpu.memory_space<vmem>>, vector<16xf32>,
    }
    %scan3A_66 = arith.constant 16 : i32
    "tpu.region"() ({
      %run_scoped3A = tpu.sem_alloc : memref<!tpu.dma_semaphore, #tpu.memory_space<semaphore_mem>>
      %dma_start3A_67 = tpu.memref_slice %arg9[%mul3A_2] : memref<16384xf32, #tpu.memory_space<hbm>> -> memref<512xf32, #tpu.memory_space<hbm>>
      %dma_start3A_68 = tpu.memref_slice %arg9[%mul3A_2] : memref<16384xf32, #tpu.memory_space<hbm>> -> memref<512xf32, #tpu.memory_space<hbm>>
      tpu.enqueue_dma source(%arg19 : memref<512xf32, #tpu.memory_space<vmem>>) target(%dma_start3A_68 : memref<512xf32, #tpu.memory_space<hbm>>) target_semaphore(%run_scoped3A : memref<!tpu.dma_semaphore, #tpu.memory_space<semaphore_mem>>)
      %dma_wait3A_69 = tpu.memref_slice %arg9[%mul3A_2] : memref<16384xf32, #tpu.memory_space<hbm>> -> memref<512xf32, #tpu.memory_space<hbm>>
      %dma_wait3A_70 = tpu.memref_slice %arg9[%mul3A_2] : memref<16384xf32, #tpu.memory_space<hbm>> -> memref<512xf32, #tpu.memory_space<hbm>>
      tpu.wait_dma2 semaphore(%run_scoped3A : memref<!tpu.dma_semaphore, #tpu.memory_space<semaphore_mem>>) src(%arg19 : memref<512xf32, #tpu.memory_space<vmem>>) dst(%dma_wait3A_70 : memref<512xf32, #tpu.memory_space<hbm>>)
      tpu.yield
    }) : () -> ()
    return
  }
}

module attributes {stable_mosaic.version = 14 : i64} {
  func.func @_tc_pack_body(%arg0: i32, %arg1: memref<64x16128xf32, #tpu.memory_space<vmem>>, %arg2: memref<64x16128xf32, #tpu.memory_space<vmem>>, %arg3: memref<64x128xf32, #tpu.memory_space<vmem>>, %arg4: memref<16128x128xf32, #tpu.memory_space<vmem>>) attributes {dimension_semantics = [#tpu.dimension_semantics<arbitrary>], iteration_bounds = array<i64: 32>, scalar_prefetch = 0 : i64, scratch_operands = 0 : i64, tpu.core_type = #tpu.core_type<tc>, window_params = [{transform_indices = @transform_0, window_bounds = array<i64: 64, 16128>}, {transform_indices = @transform_1, window_bounds = array<i64: 64, 16128>}, {pipeline_mode = #tpu.pipeline_mode<synchronous>, transform_indices = @transform_2, window_bounds = array<i64: 64, 128>}, {transform_indices = @transform_3, window_bounds = array<i64: 16128, 128>}]} {
    %iota3A = tpu.iota {dimensions = array<i32: 0>} : vector<128x128xi32>
    %iota3A_0 = tpu.iota {dimensions = array<i32: 1>} : vector<128x128xi32>
    %eq3A = arith.cmpi eq, %iota3A, %iota3A_0 : vector<128x128xi32>
    %convert_element_type3A = arith.extui %eq3A : vector<128x128xi1> to vector<128x128xi32>
    %convert_element_type3A_1 = arith.sitofp %convert_element_type3A : vector<128x128xi32> to vector<128x128xf32>
    %convert_element_type3A_2 = arith.truncf %convert_element_type3A_1 : vector<128x128xf32> to vector<128x128xbf16>
    %lt3A = arith.constant 31 : i32
    %lt3A_3 = arith.cmpi slt, %arg0, %lt3A : i32
    %convert_element_type3A_4 = arith.extui %lt3A_3 : i1 to i32
    %cond3A = arith.constant 0 : i32
    %cond3A_5 = arith.cmpi ne, %convert_element_type3A_4, %cond3A : i32
    scf.if %cond3A_5 {
      %get3A = arith.constant 0 : index
      %get3A_11 = arith.constant 0 : index
      %get3A_12 = vector.load %arg1[%get3A, %get3A_11] : memref<64x16128xf32, #tpu.memory_space<vmem>>, vector<64x128xf32>
      %convert_element_type3A_13 = arith.truncf %get3A_12 : vector<64x128xf32> to vector<64x128xbf16>
      %dot_general3A = arith.constant dense<0.000000e+00> : vector<128x64xf32>
      %dot_general3A_14 = tpu.matmul %convert_element_type3A_2, %convert_element_type3A_13, %dot_general3A {dimension_numbers = #tpu.dot_dimension_numbers<[1], [1], [0], [0], [0, 0, 1, 0], [], []>, transpose_lhs_hint = false} : vector<128x128xbf16>, vector<64x128xbf16>, vector<128x64xf32> -> vector<128x64xf32>
      %get3A_15 = arith.constant 0 : index
      %get3A_16 = arith.constant 0 : index
      %get3A_17 = vector.load %arg2[%get3A_15, %get3A_16] : memref<64x16128xf32, #tpu.memory_space<vmem>>, vector<64x128xf32>
      %convert_element_type3A_18 = arith.truncf %get3A_17 : vector<64x128xf32> to vector<64x128xbf16>
      %dot_general3A_19 = arith.constant dense<0.000000e+00> : vector<128x64xf32>
      %dot_general3A_20 = tpu.matmul %convert_element_type3A_2, %convert_element_type3A_18, %dot_general3A_19 {dimension_numbers = #tpu.dot_dimension_numbers<[1], [1], [0], [0], [0, 0, 1, 0], [], []>, transpose_lhs_hint = false} : vector<128x128xbf16>, vector<64x128xbf16>, vector<128x64xf32> -> vector<128x64xf32>
      %concatenate3A = tpu.concatenate %dot_general3A_14, %dot_general3A_20 in 1 : vector<128x64xf32>, vector<128x64xf32> -> vector<128x128xf32>
      %swap3A = arith.constant 0 : index
      %swap3A_21 = arith.constant 0 : index
      %swap3A_22 = vector.load %arg4[%swap3A, %swap3A_21] : memref<16128x128xf32, #tpu.memory_space<vmem>>, vector<128x128xf32>
      tpu.vector_store %arg4[%swap3A, %swap3A_21], %concatenate3A {strides = array<i32>} : memref<16128x128xf32, #tpu.memory_space<vmem>>, vector<128x128xf32>,
      %get3A_23 = arith.constant 0 : index
      %get3A_24 = arith.constant 128 : index
      %get3A_25 = vector.load %arg1[%get3A_23, %get3A_24] : memref<64x16128xf32, #tpu.memory_space<vmem>>, vector<64x128xf32>
      %convert_element_type3A_26 = arith.truncf %get3A_25 : vector<64x128xf32> to vector<64x128xbf16>
      %dot_general3A_27 = arith.constant dense<0.000000e+00> : vector<128x64xf32>
      %dot_general3A_28 = tpu.matmul %convert_element_type3A_2, %convert_element_type3A_26, %dot_general3A_27 {dimension_numbers = #tpu.dot_dimension_numbers<[1], [1], [0], [0], [0, 0, 1, 0], [], []>, transpose_lhs_hint = false} : vector<128x128xbf16>, vector<64x128xbf16>, vector<128x64xf32> -> vector<128x64xf32>
      %get3A_29 = arith.constant 0 : index
      %get3A_30 = arith.constant 128 : index
      %get3A_31 = vector.load %arg2[%get3A_29, %get3A_30] : memref<64x16128xf32, #tpu.memory_space<vmem>>, vector<64x128xf32>
      %convert_element_type3A_32 = arith.truncf %get3A_31 : vector<64x128xf32> to vector<64x128xbf16>
      %dot_general3A_33 = arith.constant dense<0.000000e+00> : vector<128x64xf32>
      %dot_general3A_34 = tpu.matmul %convert_element_type3A_2, %convert_element_type3A_32, %dot_general3A_33 {dimension_numbers = #tpu.dot_dimension_numbers<[1], [1], [0], [0], [0, 0, 1, 0], [], []>, transpose_lhs_hint = false} : vector<128x128xbf16>, vector<64x128xbf16>, vector<128x64xf32> -> vector<128x64xf32>
      %concatenate3A_35 = tpu.concatenate %dot_general3A_28, %dot_general3A_34 in 1 : vector<128x64xf32>, vector<128x64xf32> -> vector<128x128xf32>
      %swap3A_36 = arith.constant 128 : index
      %swap3A_37 = arith.constant 0 : index
      %swap3A_38 = vector.load %arg4[%swap3A_36, %swap3A_37] : memref<16128x128xf32, #tpu.memory_space<vmem>>, vector<128x128xf32>
      tpu.vector_store %arg4[%swap3A_36, %swap3A_37], %concatenate3A_35 {strides = array<i32>} : memref<16128x128xf32, #tpu.memory_space<vmem>>, vector<128x128xf32>,
      %get3A_39 = arith.constant 0 : index
      %get3A_40 = arith.constant 256 : index
      %get3A_41 = vector.load %arg1[%get3A_39, %get3A_40] : memref<64x16128xf32, #tpu.memory_space<vmem>>, vector<64x128xf32>
      %convert_element_type3A_42 = arith.truncf %get3A_41 : vector<64x128xf32> to vector<64x128xbf16>
      %dot_general3A_43 = arith.constant dense<0.000000e+00> : vector<128x64xf32>
      %dot_general3A_44 = tpu.matmul %convert_element_type3A_2, %convert_element_type3A_42, %dot_general3A_43 {dimension_numbers = #tpu.dot_dimension_numbers<[1], [1], [0], [0], [0, 0, 1, 0], [], []>, transpose_lhs_hint = false} : vector<128x128xbf16>, vector<64x128xbf16>, vector<128x64xf32> -> vector<128x64xf32>
      %get3A_45 = arith.constant 0 : index
      %get3A_46 = arith.constant 256 : index
      %get3A_47 = vector.load %arg2[%get3A_45, %get3A_46] : memref<64x16128xf32, #tpu.memory_space<vmem>>, vector<64x128xf32>
      %convert_element_type3A_48 = arith.truncf %get3A_47 : vector<64x128xf32> to vector<64x128xbf16>
      %dot_general3A_49 = arith.constant dense<0.000000e+00> : vector<128x64xf32>
      %dot_general3A_50 = tpu.matmul %convert_element_type3A_2, %convert_element_type3A_48, %dot_general3A_49 {dimension_numbers = #tpu.dot_dimension_numbers<[1], [1], [0], [0], [0, 0, 1, 0], [], []>, transpose_lhs_hint = false} : vector<128x128xbf16>, vector<64x128xbf16>, vector<128x64xf32> -> vector<128x64xf32>
      %concatenate3A_51 = tpu.concatenate %dot_general3A_44, %dot_general3A_50 in 1 : vector<128x64xf32>, vector<128x64xf32> -> vector<128x128xf32>
      %swap3A_52 = arith.constant 256 : index
      %swap3A_53 = arith.constant 0 : index
      %swap3A_54 = vector.load %arg4[%swap3A_52, %swap3A_53] : memref<16128x128xf32, #tpu.memory_space<vmem>>, vector<128x128xf32>
      tpu.vector_store %arg4[%swap3A_52, %swap3A_53], %concatenate3A_51 {strides = array<i32>} : memref<16128x128xf32, #tpu.memory_space<vmem>>, vector<128x128xf32>,
      %get3A_55 = arith.constant 0 : index
      %get3A_56 = arith.constant 384 : index
      %get3A_57 = vector.load %arg1[%get3A_55, %get3A_56] : memref<64x16128xf32, #tpu.memory_space<vmem>>, vector<64x128xf32>
      %convert_element_type3A_58 = arith.truncf %get3A_57 : vector<64x128xf32> to vector<64x128xbf16>
      %dot_general3A_59 = arith.constant dense<0.000000e+00> : vector<128x64xf32>
      %dot_general3A_60 = tpu.matmul %convert_element_type3A_2, %convert_element_type3A_58, %dot_general3A_59 {dimension_numbers = #tpu.dot_dimension_numbers<[1], [1], [0], [0], [0, 0, 1, 0], [], []>, transpose_lhs_hint = false} : vector<128x128xbf16>, vector<64x128xbf16>, vector<128x64xf32> -> vector<128x64xf32>
      %get3A_61 = arith.constant 0 : index
      %get3A_62 = arith.constant 384 : index
      %get3A_63 = vector.load %arg2[%get3A_61, %get3A_62] : memref<64x16128xf32, #tpu.memory_space<vmem>>, vector<64x128xf32>
      %convert_element_type3A_64 = arith.truncf %get3A_63 : vector<64x128xf32> to vector<64x128xbf16>
      %dot_general3A_65 = arith.constant dense<0.000000e+00> : vector<128x64xf32>
      %dot_general3A_66 = tpu.matmul %convert_element_type3A_2, %convert_element_type3A_64, %dot_general3A_65 {dimension_numbers = #tpu.dot_dimension_numbers<[1], [1], [0], [0], [0, 0, 1, 0], [], []>, transpose_lhs_hint = false} : vector<128x128xbf16>, vector<64x128xbf16>, vector<128x64xf32> -> vector<128x64xf32>
      %concatenate3A_67 = tpu.concatenate %dot_general3A_60, %dot_general3A_66 in 1 : vector<128x64xf32>, vector<128x64xf32> -> vector<128x128xf32>
      %swap3A_68 = arith.constant 384 : index
      %swap3A_69 = arith.constant 0 : index
      %swap3A_70 = vector.load %arg4[%swap3A_68, %swap3A_69] : memref<16128x128xf32, #tpu.memory_space<vmem>>, vector<128x128xf32>
      tpu.vector_store %arg4[%swap3A_68, %swap3A_69], %concatenate3A_67 {strides = array<i32>} : memref<16128x128xf32, #tpu.memory_space<vmem>>, vector<128x128xf32>,
      %get3A_71 = arith.constant 0 : index
      %get3A_72 = arith.constant 512 : index
      %get3A_73 = vector.load %arg1[%get3A_71, %get3A_72] : memref<64x16128xf32, #tpu.memory_space<vmem>>, vector<64x128xf32>
      %convert_element_type3A_74 = arith.truncf %get3A_73 : vector<64x128xf32> to vector<64x128xbf16>
      %dot_general3A_75 = arith.constant dense<0.000000e+00> : vector<128x64xf32>
      %dot_general3A_76 = tpu.matmul %convert_element_type3A_2, %convert_element_type3A_74, %dot_general3A_75 {dimension_numbers = #tpu.dot_dimension_numbers<[1], [1], [0], [0], [0, 0, 1, 0], [], []>, transpose_lhs_hint = false} : vector<128x128xbf16>, vector<64x128xbf16>, vector<128x64xf32> -> vector<128x64xf32>
      %get3A_77 = arith.constant 0 : index
      %get3A_78 = arith.constant 512 : index
      %get3A_79 = vector.load %arg2[%get3A_77, %get3A_78] : memref<64x16128xf32, #tpu.memory_space<vmem>>, vector<64x128xf32>
      %convert_element_type3A_80 = arith.truncf %get3A_79 : vector<64x128xf32> to vector<64x128xbf16>
      %dot_general3A_81 = arith.constant dense<0.000000e+00> : vector<128x64xf32>
      %dot_general3A_82 = tpu.matmul %convert_element_type3A_2, %convert_element_type3A_80, %dot_general3A_81 {dimension_numbers = #tpu.dot_dimension_numbers<[1], [1], [0], [0], [0, 0, 1, 0], [], []>, transpose_lhs_hint = false} : vector<128x128xbf16>, vector<64x128xbf16>, vector<128x64xf32> -> vector<128x64xf32>
      %concatenate3A_83 = tpu.concatenate %dot_general3A_76, %dot_general3A_82 in 1 : vector<128x64xf32>, vector<128x64xf32> -> vector<128x128xf32>
      %swap3A_84 = arith.constant 512 : index
      %swap3A_85 = arith.constant 0 : index
      %swap3A_86 = vector.load %arg4[%swap3A_84, %swap3A_85] : memref<16128x128xf32, #tpu.memory_space<vmem>>, vector<128x128xf32>
      tpu.vector_store %arg4[%swap3A_84, %swap3A_85], %concatenate3A_83 {strides = array<i32>} : memref<16128x128xf32, #tpu.memory_space<vmem>>, vector<128x128xf32>,
      %get3A_87 = arith.constant 0 : index
      %get3A_88 = arith.constant 640 : index
      %get3A_89 = vector.load %arg1[%get3A_87, %get3A_88] : memref<64x16128xf32, #tpu.memory_space<vmem>>, vector<64x128xf32>
      %convert_element_type3A_90 = arith.truncf %get3A_89 : vector<64x128xf32> to vector<64x128xbf16>
      %dot_general3A_91 = arith.constant dense<0.000000e+00> : vector<128x64xf32>
      %dot_general3A_92 = tpu.matmul %convert_element_type3A_2, %convert_element_type3A_90, %dot_general3A_91 {dimension_numbers = #tpu.dot_dimension_numbers<[1], [1], [0], [0], [0, 0, 1, 0], [], []>, transpose_lhs_hint = false} : vector<128x128xbf16>, vector<64x128xbf16>, vector<128x64xf32> -> vector<128x64xf32>
      %get3A_93 = arith.constant 0 : index
      %get3A_94 = arith.constant 640 : index
      %get3A_95 = vector.load %arg2[%get3A_93, %get3A_94] : memref<64x16128xf32, #tpu.memory_space<vmem>>, vector<64x128xf32>
      %convert_element_type3A_96 = arith.truncf %get3A_95 : vector<64x128xf32> to vector<64x128xbf16>
      %dot_general3A_97 = arith.constant dense<0.000000e+00> : vector<128x64xf32>
      %dot_general3A_98 = tpu.matmul %convert_element_type3A_2, %convert_element_type3A_96, %dot_general3A_97 {dimension_numbers = #tpu.dot_dimension_numbers<[1], [1], [0], [0], [0, 0, 1, 0], [], []>, transpose_lhs_hint = false} : vector<128x128xbf16>, vector<64x128xbf16>, vector<128x64xf32> -> vector<128x64xf32>
      %concatenate3A_99 = tpu.concatenate %dot_general3A_92, %dot_general3A_98 in 1 : vector<128x64xf32>, vector<128x64xf32> -> vector<128x128xf32>
      %swap3A_100 = arith.constant 640 : index
      %swap3A_101 = arith.constant 0 : index
      %swap3A_102 = vector.load %arg4[%swap3A_100, %swap3A_101] : memref<16128x128xf32, #tpu.memory_space<vmem>>, vector<128x128xf32>
      tpu.vector_store %arg4[%swap3A_100, %swap3A_101], %concatenate3A_99 {strides = array<i32>} : memref<16128x128xf32, #tpu.memory_space<vmem>>, vector<128x128xf32>,
      %get3A_103 = arith.constant 0 : index
      %get3A_104 = arith.constant 768 : index
      %get3A_105 = vector.load %arg1[%get3A_103, %get3A_104] : memref<64x16128xf32, #tpu.memory_space<vmem>>, vector<64x128xf32>
      %convert_element_type3A_106 = arith.truncf %get3A_105 : vector<64x128xf32> to vector<64x128xbf16>
      %dot_general3A_107 = arith.constant dense<0.000000e+00> : vector<128x64xf32>
      %dot_general3A_108 = tpu.matmul %convert_element_type3A_2, %convert_element_type3A_106, %dot_general3A_107 {dimension_numbers = #tpu.dot_dimension_numbers<[1], [1], [0], [0], [0, 0, 1, 0], [], []>, transpose_lhs_hint = false} : vector<128x128xbf16>, vector<64x128xbf16>, vector<128x64xf32> -> vector<128x64xf32>
      %get3A_109 = arith.constant 0 : index
      %get3A_110 = arith.constant 768 : index
      %get3A_111 = vector.load %arg2[%get3A_109, %get3A_110] : memref<64x16128xf32, #tpu.memory_space<vmem>>, vector<64x128xf32>
      %convert_element_type3A_112 = arith.truncf %get3A_111 : vector<64x128xf32> to vector<64x128xbf16>
      %dot_general3A_113 = arith.constant dense<0.000000e+00> : vector<128x64xf32>
      %dot_general3A_114 = tpu.matmul %convert_element_type3A_2, %convert_element_type3A_112, %dot_general3A_113 {dimension_numbers = #tpu.dot_dimension_numbers<[1], [1], [0], [0], [0, 0, 1, 0], [], []>, transpose_lhs_hint = false} : vector<128x128xbf16>, vector<64x128xbf16>, vector<128x64xf32> -> vector<128x64xf32>
      %concatenate3A_115 = tpu.concatenate %dot_general3A_108, %dot_general3A_114 in 1 : vector<128x64xf32>, vector<128x64xf32> -> vector<128x128xf32>
      %swap3A_116 = arith.constant 768 : index
      %swap3A_117 = arith.constant 0 : index
      %swap3A_118 = vector.load %arg4[%swap3A_116, %swap3A_117] : memref<16128x128xf32, #tpu.memory_space<vmem>>, vector<128x128xf32>
      tpu.vector_store %arg4[%swap3A_116, %swap3A_117], %concatenate3A_115 {strides = array<i32>} : memref<16128x128xf32, #tpu.memory_space<vmem>>, vector<128x128xf32>,
      %get3A_119 = arith.constant 0 : index
      %get3A_120 = arith.constant 896 : index
      %get3A_121 = vector.load %arg1[%get3A_119, %get3A_120] : memref<64x16128xf32, #tpu.memory_space<vmem>>, vector<64x128xf32>
      %convert_element_type3A_122 = arith.truncf %get3A_121 : vector<64x128xf32> to vector<64x128xbf16>
      %dot_general3A_123 = arith.constant dense<0.000000e+00> : vector<128x64xf32>
      %dot_general3A_124 = tpu.matmul %convert_element_type3A_2, %convert_element_type3A_122, %dot_general3A_123 {dimension_numbers = #tpu.dot_dimension_numbers<[1], [1], [0], [0], [0, 0, 1, 0], [], []>, transpose_lhs_hint = false} : vector<128x128xbf16>, vector<64x128xbf16>, vector<128x64xf32> -> vector<128x64xf32>
      %get3A_125 = arith.constant 0 : index
      %get3A_126 = arith.constant 896 : index
      %get3A_127 = vector.load %arg2[%get3A_125, %get3A_126] : memref<64x16128xf32, #tpu.memory_space<vmem>>, vector<64x128xf32>
      %convert_element_type3A_128 = arith.truncf %get3A_127 : vector<64x128xf32> to vector<64x128xbf16>
      %dot_general3A_129 = arith.constant dense<0.000000e+00> : vector<128x64xf32>
      %dot_general3A_130 = tpu.matmul %convert_element_type3A_2, %convert_element_type3A_128, %dot_general3A_129 {dimension_numbers = #tpu.dot_dimension_numbers<[1], [1], [0], [0], [0, 0, 1, 0], [], []>, transpose_lhs_hint = false} : vector<128x128xbf16>, vector<64x128xbf16>, vector<128x64xf32> -> vector<128x64xf32>
      %concatenate3A_131 = tpu.concatenate %dot_general3A_124, %dot_general3A_130 in 1 : vector<128x64xf32>, vector<128x64xf32> -> vector<128x128xf32>
      %swap3A_132 = arith.constant 896 : index
      %swap3A_133 = arith.constant 0 : index
      %swap3A_134 = vector.load %arg4[%swap3A_132, %swap3A_133] : memref<16128x128xf32, #tpu.memory_space<vmem>>, vector<128x128xf32>
      tpu.vector_store %arg4[%swap3A_132, %swap3A_133], %concatenate3A_131 {strides = array<i32>} : memref<16128x128xf32, #tpu.memory_space<vmem>>, vector<128x128xf32>,
      %get3A_135 = arith.constant 0 : index
      %get3A_136 = arith.constant 1024 : index
      %get3A_137 = vector.load %arg1[%get3A_135, %get3A_136] : memref<64x16128xf32, #tpu.memory_space<vmem>>, vector<64x128xf32>
      %convert_element_type3A_138 = arith.truncf %get3A_137 : vector<64x128xf32> to vector<64x128xbf16>
      %dot_general3A_139 = arith.constant dense<0.000000e+00> : vector<128x64xf32>
      %dot_general3A_140 = tpu.matmul %convert_element_type3A_2, %convert_element_type3A_138, %dot_general3A_139 {dimension_numbers = #tpu.dot_dimension_numbers<[1], [1], [0], [0], [0, 0, 1, 0], [], []>, transpose_lhs_hint = false} : vector<128x128xbf16>, vector<64x128xbf16>, vector<128x64xf32> -> vector<128x64xf32>
      %get3A_141 = arith.constant 0 : index
      %get3A_142 = arith.constant 1024 : index
      %get3A_143 = vector.load %arg2[%get3A_141, %get3A_142] : memref<64x16128xf32, #tpu.memory_space<vmem>>, vector<64x128xf32>
      %convert_element_type3A_144 = arith.truncf %get3A_143 : vector<64x128xf32> to vector<64x128xbf16>
      %dot_general3A_145 = arith.constant dense<0.000000e+00> : vector<128x64xf32>
      %dot_general3A_146 = tpu.matmul %convert_element_type3A_2, %convert_element_type3A_144, %dot_general3A_145 {dimension_numbers = #tpu.dot_dimension_numbers<[1], [1], [0], [0], [0, 0, 1, 0], [], []>, transpose_lhs_hint = false} : vector<128x128xbf16>, vector<64x128xbf16>, vector<128x64xf32> -> vector<128x64xf32>
      %concatenate3A_147 = tpu.concatenate %dot_general3A_140, %dot_general3A_146 in 1 : vector<128x64xf32>, vector<128x64xf32> -> vector<128x128xf32>
      %swap3A_148 = arith.constant 1024 : index
      %swap3A_149 = arith.constant 0 : index
      %swap3A_150 = vector.load %arg4[%swap3A_148, %swap3A_149] : memref<16128x128xf32, #tpu.memory_space<vmem>>, vector<128x128xf32>
      tpu.vector_store %arg4[%swap3A_148, %swap3A_149], %concatenate3A_147 {strides = array<i32>} : memref<16128x128xf32, #tpu.memory_space<vmem>>, vector<128x128xf32>,
      %get3A_151 = arith.constant 0 : index
      %get3A_152 = arith.constant 1152 : index
      %get3A_153 = vector.load %arg1[%get3A_151, %get3A_152] : memref<64x16128xf32, #tpu.memory_space<vmem>>, vector<64x128xf32>
      %convert_element_type3A_154 = arith.truncf %get3A_153 : vector<64x128xf32> to vector<64x128xbf16>
      %dot_general3A_155 = arith.constant dense<0.000000e+00> : vector<128x64xf32>
      %dot_general3A_156 = tpu.matmul %convert_element_type3A_2, %convert_element_type3A_154, %dot_general3A_155 {dimension_numbers = #tpu.dot_dimension_numbers<[1], [1], [0], [0], [0, 0, 1, 0], [], []>, transpose_lhs_hint = false} : vector<128x128xbf16>, vector<64x128xbf16>, vector<128x64xf32> -> vector<128x64xf32>
      %get3A_157 = arith.constant 0 : index
      %get3A_158 = arith.constant 1152 : index
      %get3A_159 = vector.load %arg2[%get3A_157, %get3A_158] : memref<64x16128xf32, #tpu.memory_space<vmem>>, vector<64x128xf32>
      %convert_element_type3A_160 = arith.truncf %get3A_159 : vector<64x128xf32> to vector<64x128xbf16>
      %dot_general3A_161 = arith.constant dense<0.000000e+00> : vector<128x64xf32>
      %dot_general3A_162 = tpu.matmul %convert_element_type3A_2, %convert_element_type3A_160, %dot_general3A_161 {dimension_numbers = #tpu.dot_dimension_numbers<[1], [1], [0], [0], [0, 0, 1, 0], [], []>, transpose_lhs_hint = false} : vector<128x128xbf16>, vector<64x128xbf16>, vector<128x64xf32> -> vector<128x64xf32>
      %concatenate3A_163 = tpu.concatenate %dot_general3A_156, %dot_general3A_162 in 1 : vector<128x64xf32>, vector<128x64xf32> -> vector<128x128xf32>
      %swap3A_164 = arith.constant 1152 : index
      %swap3A_165 = arith.constant 0 : index
      %swap3A_166 = vector.load %arg4[%swap3A_164, %swap3A_165] : memref<16128x128xf32, #tpu.memory_space<vmem>>, vector<128x128xf32>
      tpu.vector_store %arg4[%swap3A_164, %swap3A_165], %concatenate3A_163 {strides = array<i32>} : memref<16128x128xf32, #tpu.memory_space<vmem>>, vector<128x128xf32>,
      %get3A_167 = arith.constant 0 : index
      %get3A_168 = arith.constant 1280 : index
      %get3A_169 = vector.load %arg1[%get3A_167, %get3A_168] : memref<64x16128xf32, #tpu.memory_space<vmem>>, vector<64x128xf32>
      %convert_element_type3A_170 = arith.truncf %get3A_169 : vector<64x128xf32> to vector<64x128xbf16>
      %dot_general3A_171 = arith.constant dense<0.000000e+00> : vector<128x64xf32>
      %dot_general3A_172 = tpu.matmul %convert_element_type3A_2, %convert_element_type3A_170, %dot_general3A_171 {dimension_numbers = #tpu.dot_dimension_numbers<[1], [1], [0], [0], [0, 0, 1, 0], [], []>, transpose_lhs_hint = false} : vector<128x128xbf16>, vector<64x128xbf16>, vector<128x64xf32> -> vector<128x64xf32>
      %get3A_173 = arith.constant 0 : index
      %get3A_174 = arith.constant 1280 : index
      %get3A_175 = vector.load %arg2[%get3A_173, %get3A_174] : memref<64x16128xf32, #tpu.memory_space<vmem>>, vector<64x128xf32>
      %convert_element_type3A_176 = arith.truncf %get3A_175 : vector<64x128xf32> to vector<64x128xbf16>
      %dot_general3A_177 = arith.constant dense<0.000000e+00> : vector<128x64xf32>
      %dot_general3A_178 = tpu.matmul %convert_element_type3A_2, %convert_element_type3A_176, %dot_general3A_177 {dimension_numbers = #tpu.dot_dimension_numbers<[1], [1], [0], [0], [0, 0, 1, 0], [], []>, transpose_lhs_hint = false} : vector<128x128xbf16>, vector<64x128xbf16>, vector<128x64xf32> -> vector<128x64xf32>
      %concatenate3A_179 = tpu.concatenate %dot_general3A_172, %dot_general3A_178 in 1 : vector<128x64xf32>, vector<128x64xf32> -> vector<128x128xf32>
      %swap3A_180 = arith.constant 1280 : index
      %swap3A_181 = arith.constant 0 : index
      %swap3A_182 = vector.load %arg4[%swap3A_180, %swap3A_181] : memref<16128x128xf32, #tpu.memory_space<vmem>>, vector<128x128xf32>
      tpu.vector_store %arg4[%swap3A_180, %swap3A_181], %concatenate3A_179 {strides = array<i32>} : memref<16128x128xf32, #tpu.memory_space<vmem>>, vector<128x128xf32>,
      %get3A_183 = arith.constant 0 : index
      %get3A_184 = arith.constant 1408 : index
      %get3A_185 = vector.load %arg1[%get3A_183, %get3A_184] : memref<64x16128xf32, #tpu.memory_space<vmem>>, vector<64x128xf32>
      %convert_element_type3A_186 = arith.truncf %get3A_185 : vector<64x128xf32> to vector<64x128xbf16>
      %dot_general3A_187 = arith.constant dense<0.000000e+00> : vector<128x64xf32>
      %dot_general3A_188 = tpu.matmul %convert_element_type3A_2, %convert_element_type3A_186, %dot_general3A_187 {dimension_numbers = #tpu.dot_dimension_numbers<[1], [1], [0], [0], [0, 0, 1, 0], [], []>, transpose_lhs_hint = false} : vector<128x128xbf16>, vector<64x128xbf16>, vector<128x64xf32> -> vector<128x64xf32>
      %get3A_189 = arith.constant 0 : index
      %get3A_190 = arith.constant 1408 : index
      %get3A_191 = vector.load %arg2[%get3A_189, %get3A_190] : memref<64x16128xf32, #tpu.memory_space<vmem>>, vector<64x128xf32>
      %convert_element_type3A_192 = arith.truncf %get3A_191 : vector<64x128xf32> to vector<64x128xbf16>
      %dot_general3A_193 = arith.constant dense<0.000000e+00> : vector<128x64xf32>
      %dot_general3A_194 = tpu.matmul %convert_element_type3A_2, %convert_element_type3A_192, %dot_general3A_193 {dimension_numbers = #tpu.dot_dimension_numbers<[1], [1], [0], [0], [0, 0, 1, 0], [], []>, transpose_lhs_hint = false} : vector<128x128xbf16>, vector<64x128xbf16>, vector<128x64xf32> -> vector<128x64xf32>
      %concatenate3A_195 = tpu.concatenate %dot_general3A_188, %dot_general3A_194 in 1 : vector<128x64xf32>, vector<128x64xf32> -> vector<128x128xf32>
      %swap3A_196 = arith.constant 1408 : index
      %swap3A_197 = arith.constant 0 : index
      %swap3A_198 = vector.load %arg4[%swap3A_196, %swap3A_197] : memref<16128x128xf32, #tpu.memory_space<vmem>>, vector<128x128xf32>
      tpu.vector_store %arg4[%swap3A_196, %swap3A_197], %concatenate3A_195 {strides = array<i32>} : memref<16128x128xf32, #tpu.memory_space<vmem>>, vector<128x128xf32>,
      %get3A_199 = arith.constant 0 : index
      %get3A_200 = arith.constant 1536 : index
      %get3A_201 = vector.load %arg1[%get3A_199, %get3A_200] : memref<64x16128xf32, #tpu.memory_space<vmem>>, vector<64x128xf32>
      %convert_element_type3A_202 = arith.truncf %get3A_201 : vector<64x128xf32> to vector<64x128xbf16>
      %dot_general3A_203 = arith.constant dense<0.000000e+00> : vector<128x64xf32>
      %dot_general3A_204 = tpu.matmul %convert_element_type3A_2, %convert_element_type3A_202, %dot_general3A_203 {dimension_numbers = #tpu.dot_dimension_numbers<[1], [1], [0], [0], [0, 0, 1, 0], [], []>, transpose_lhs_hint = false} : vector<128x128xbf16>, vector<64x128xbf16>, vector<128x64xf32> -> vector<128x64xf32>
      %get3A_205 = arith.constant 0 : index
      %get3A_206 = arith.constant 1536 : index
      %get3A_207 = vector.load %arg2[%get3A_205, %get3A_206] : memref<64x16128xf32, #tpu.memory_space<vmem>>, vector<64x128xf32>
      %convert_element_type3A_208 = arith.truncf %get3A_207 : vector<64x128xf32> to vector<64x128xbf16>
      %dot_general3A_209 = arith.constant dense<0.000000e+00> : vector<128x64xf32>
      %dot_general3A_210 = tpu.matmul %convert_element_type3A_2, %convert_element_type3A_208, %dot_general3A_209 {dimension_numbers = #tpu.dot_dimension_numbers<[1], [1], [0], [0], [0, 0, 1, 0], [], []>, transpose_lhs_hint = false} : vector<128x128xbf16>, vector<64x128xbf16>, vector<128x64xf32> -> vector<128x64xf32>
      %concatenate3A_211 = tpu.concatenate %dot_general3A_204, %dot_general3A_210 in 1 : vector<128x64xf32>, vector<128x64xf32> -> vector<128x128xf32>
      %swap3A_212 = arith.constant 1536 : index
      %swap3A_213 = arith.constant 0 : index
      %swap3A_214 = vector.load %arg4[%swap3A_212, %swap3A_213] : memref<16128x128xf32, #tpu.memory_space<vmem>>, vector<128x128xf32>
      tpu.vector_store %arg4[%swap3A_212, %swap3A_213], %concatenate3A_211 {strides = array<i32>} : memref<16128x128xf32, #tpu.memory_space<vmem>>, vector<128x128xf32>,
      %get3A_215 = arith.constant 0 : index
      %get3A_216 = arith.constant 1664 : index
      %get3A_217 = vector.load %arg1[%get3A_215, %get3A_216] : memref<64x16128xf32, #tpu.memory_space<vmem>>, vector<64x128xf32>
      %convert_element_type3A_218 = arith.truncf %get3A_217 : vector<64x128xf32> to vector<64x128xbf16>
      %dot_general3A_219 = arith.constant dense<0.000000e+00> : vector<128x64xf32>
      %dot_general3A_220 = tpu.matmul %convert_element_type3A_2, %convert_element_type3A_218, %dot_general3A_219 {dimension_numbers = #tpu.dot_dimension_numbers<[1], [1], [0], [0], [0, 0, 1, 0], [], []>, transpose_lhs_hint = false} : vector<128x128xbf16>, vector<64x128xbf16>, vector<128x64xf32> -> vector<128x64xf32>
      %get3A_221 = arith.constant 0 : index
      %get3A_222 = arith.constant 1664 : index
      %get3A_223 = vector.load %arg2[%get3A_221, %get3A_222] : memref<64x16128xf32, #tpu.memory_space<vmem>>, vector<64x128xf32>
      %convert_element_type3A_224 = arith.truncf %get3A_223 : vector<64x128xf32> to vector<64x128xbf16>
      %dot_general3A_225 = arith.constant dense<0.000000e+00> : vector<128x64xf32>
      %dot_general3A_226 = tpu.matmul %convert_element_type3A_2, %convert_element_type3A_224, %dot_general3A_225 {dimension_numbers = #tpu.dot_dimension_numbers<[1], [1], [0], [0], [0, 0, 1, 0], [], []>, transpose_lhs_hint = false} : vector<128x128xbf16>, vector<64x128xbf16>, vector<128x64xf32> -> vector<128x64xf32>
      %concatenate3A_227 = tpu.concatenate %dot_general3A_220, %dot_general3A_226 in 1 : vector<128x64xf32>, vector<128x64xf32> -> vector<128x128xf32>
      %swap3A_228 = arith.constant 1664 : index
      %swap3A_229 = arith.constant 0 : index
      %swap3A_230 = vector.load %arg4[%swap3A_228, %swap3A_229] : memref<16128x128xf32, #tpu.memory_space<vmem>>, vector<128x128xf32>
      tpu.vector_store %arg4[%swap3A_228, %swap3A_229], %concatenate3A_227 {strides = array<i32>} : memref<16128x128xf32, #tpu.memory_space<vmem>>, vector<128x128xf32>,
      %get3A_231 = arith.constant 0 : index
      %get3A_232 = arith.constant 1792 : index
      %get3A_233 = vector.load %arg1[%get3A_231, %get3A_232] : memref<64x16128xf32, #tpu.memory_space<vmem>>, vector<64x128xf32>
      %convert_element_type3A_234 = arith.truncf %get3A_233 : vector<64x128xf32> to vector<64x128xbf16>
      %dot_general3A_235 = arith.constant dense<0.000000e+00> : vector<128x64xf32>
      %dot_general3A_236 = tpu.matmul %convert_element_type3A_2, %convert_element_type3A_234, %dot_general3A_235 {dimension_numbers = #tpu.dot_dimension_numbers<[1], [1], [0], [0], [0, 0, 1, 0], [], []>, transpose_lhs_hint = false} : vector<128x128xbf16>, vector<64x128xbf16>, vector<128x64xf32> -> vector<128x64xf32>
      %get3A_237 = arith.constant 0 : index
      %get3A_238 = arith.constant 1792 : index
      %get3A_239 = vector.load %arg2[%get3A_237, %get3A_238] : memref<64x16128xf32, #tpu.memory_space<vmem>>, vector<64x128xf32>
      %convert_element_type3A_240 = arith.truncf %get3A_239 : vector<64x128xf32> to vector<64x128xbf16>
      %dot_general3A_241 = arith.constant dense<0.000000e+00> : vector<128x64xf32>
      %dot_general3A_242 = tpu.matmul %convert_element_type3A_2, %convert_element_type3A_240, %dot_general3A_241 {dimension_numbers = #tpu.dot_dimension_numbers<[1], [1], [0], [0], [0, 0, 1, 0], [], []>, transpose_lhs_hint = false} : vector<128x128xbf16>, vector<64x128xbf16>, vector<128x64xf32> -> vector<128x64xf32>
      %concatenate3A_243 = tpu.concatenate %dot_general3A_236, %dot_general3A_242 in 1 : vector<128x64xf32>, vector<128x64xf32> -> vector<128x128xf32>
      %swap3A_244 = arith.constant 1792 : index
      %swap3A_245 = arith.constant 0 : index
      %swap3A_246 = vector.load %arg4[%swap3A_244, %swap3A_245] : memref<16128x128xf32, #tpu.memory_space<vmem>>, vector<128x128xf32>
      tpu.vector_store %arg4[%swap3A_244, %swap3A_245], %concatenate3A_243 {strides = array<i32>} : memref<16128x128xf32, #tpu.memory_space<vmem>>, vector<128x128xf32>,
      %get3A_247 = arith.constant 0 : index
      %get3A_248 = arith.constant 1920 : index
      %get3A_249 = vector.load %arg1[%get3A_247, %get3A_248] : memref<64x16128xf32, #tpu.memory_space<vmem>>, vector<64x128xf32>
      %convert_element_type3A_250 = arith.truncf %get3A_249 : vector<64x128xf32> to vector<64x128xbf16>
      %dot_general3A_251 = arith.constant dense<0.000000e+00> : vector<128x64xf32>
      %dot_general3A_252 = tpu.matmul %convert_element_type3A_2, %convert_element_type3A_250, %dot_general3A_251 {dimension_numbers = #tpu.dot_dimension_numbers<[1], [1], [0], [0], [0, 0, 1, 0], [], []>, transpose_lhs_hint = false} : vector<128x128xbf16>, vector<64x128xbf16>, vector<128x64xf32> -> vector<128x64xf32>
      %get3A_253 = arith.constant 0 : index
      %get3A_254 = arith.constant 1920 : index
      %get3A_255 = vector.load %arg2[%get3A_253, %get3A_254] : memref<64x16128xf32, #tpu.memory_space<vmem>>, vector<64x128xf32>
      %convert_element_type3A_256 = arith.truncf %get3A_255 : vector<64x128xf32> to vector<64x128xbf16>
      %dot_general3A_257 = arith.constant dense<0.000000e+00> : vector<128x64xf32>
      %dot_general3A_258 = tpu.matmul %convert_element_type3A_2, %convert_element_type3A_256, %dot_general3A_257 {dimension_numbers = #tpu.dot_dimension_numbers<[1], [1], [0], [0], [0, 0, 1, 0], [], []>, transpose_lhs_hint = false} : vector<128x128xbf16>, vector<64x128xbf16>, vector<128x64xf32> -> vector<128x64xf32>
      %concatenate3A_259 = tpu.concatenate %dot_general3A_252, %dot_general3A_258 in 1 : vector<128x64xf32>, vector<128x64xf32> -> vector<128x128xf32>
      %swap3A_260 = arith.constant 1920 : index
      %swap3A_261 = arith.constant 0 : index
      %swap3A_262 = vector.load %arg4[%swap3A_260, %swap3A_261] : memref<16128x128xf32, #tpu.memory_space<vmem>>, vector<128x128xf32>
      tpu.vector_store %arg4[%swap3A_260, %swap3A_261], %concatenate3A_259 {strides = array<i32>} : memref<16128x128xf32, #tpu.memory_space<vmem>>, vector<128x128xf32>,
      %get3A_263 = arith.constant 0 : index
      %get3A_264 = arith.constant 2048 : index
      %get3A_265 = vector.load %arg1[%get3A_263, %get3A_264] : memref<64x16128xf32, #tpu.memory_space<vmem>>, vector<64x128xf32>
      %convert_element_type3A_266 = arith.truncf %get3A_265 : vector<64x128xf32> to vector<64x128xbf16>
      %dot_general3A_267 = arith.constant dense<0.000000e+00> : vector<128x64xf32>
      %dot_general3A_268 = tpu.matmul %convert_element_type3A_2, %convert_element_type3A_266, %dot_general3A_267 {dimension_numbers = #tpu.dot_dimension_numbers<[1], [1], [0], [0], [0, 0, 1, 0], [], []>, transpose_lhs_hint = false} : vector<128x128xbf16>, vector<64x128xbf16>, vector<128x64xf32> -> vector<128x64xf32>
      %get3A_269 = arith.constant 0 : index
      %get3A_270 = arith.constant 2048 : index
      %get3A_271 = vector.load %arg2[%get3A_269, %get3A_270] : memref<64x16128xf32, #tpu.memory_space<vmem>>, vector<64x128xf32>
      %convert_element_type3A_272 = arith.truncf %get3A_271 : vector<64x128xf32> to vector<64x128xbf16>
      %dot_general3A_273 = arith.constant dense<0.000000e+00> : vector<128x64xf32>
      %dot_general3A_274 = tpu.matmul %convert_element_type3A_2, %convert_element_type3A_272, %dot_general3A_273 {dimension_numbers = #tpu.dot_dimension_numbers<[1], [1], [0], [0], [0, 0, 1, 0], [], []>, transpose_lhs_hint = false} : vector<128x128xbf16>, vector<64x128xbf16>, vector<128x64xf32> -> vector<128x64xf32>
      %concatenate3A_275 = tpu.concatenate %dot_general3A_268, %dot_general3A_274 in 1 : vector<128x64xf32>, vector<128x64xf32> -> vector<128x128xf32>
      %swap3A_276 = arith.constant 2048 : index
      %swap3A_277 = arith.constant 0 : index
      %swap3A_278 = vector.load %arg4[%swap3A_276, %swap3A_277] : memref<16128x128xf32, #tpu.memory_space<vmem>>, vector<128x128xf32>
      tpu.vector_store %arg4[%swap3A_276, %swap3A_277], %concatenate3A_275 {strides = array<i32>} : memref<16128x128xf32, #tpu.memory_space<vmem>>, vector<128x128xf32>,
      %get3A_279 = arith.constant 0 : index
      %get3A_280 = arith.constant 2176 : index
      %get3A_281 = vector.load %arg1[%get3A_279, %get3A_280] : memref<64x16128xf32, #tpu.memory_space<vmem>>, vector<64x128xf32>
      %convert_element_type3A_282 = arith.truncf %get3A_281 : vector<64x128xf32> to vector<64x128xbf16>
      %dot_general3A_283 = arith.constant dense<0.000000e+00> : vector<128x64xf32>
      %dot_general3A_284 = tpu.matmul %convert_element_type3A_2, %convert_element_type3A_282, %dot_general3A_283 {dimension_numbers = #tpu.dot_dimension_numbers<[1], [1], [0], [0], [0, 0, 1, 0], [], []>, transpose_lhs_hint = false} : vector<128x128xbf16>, vector<64x128xbf16>, vector<128x64xf32> -> vector<128x64xf32>
      %get3A_285 = arith.constant 0 : index
      %get3A_286 = arith.constant 2176 : index
      %get3A_287 = vector.load %arg2[%get3A_285, %get3A_286] : memref<64x16128xf32, #tpu.memory_space<vmem>>, vector<64x128xf32>
      %convert_element_type3A_288 = arith.truncf %get3A_287 : vector<64x128xf32> to vector<64x128xbf16>
      %dot_general3A_289 = arith.constant dense<0.000000e+00> : vector<128x64xf32>
      %dot_general3A_290 = tpu.matmul %convert_element_type3A_2, %convert_element_type3A_288, %dot_general3A_289 {dimension_numbers = #tpu.dot_dimension_numbers<[1], [1], [0], [0], [0, 0, 1, 0], [], []>, transpose_lhs_hint = false} : vector<128x128xbf16>, vector<64x128xbf16>, vector<128x64xf32> -> vector<128x64xf32>
      %concatenate3A_291 = tpu.concatenate %dot_general3A_284, %dot_general3A_290 in 1 : vector<128x64xf32>, vector<128x64xf32> -> vector<128x128xf32>
      %swap3A_292 = arith.constant 2176 : index
      %swap3A_293 = arith.constant 0 : index
      %swap3A_294 = vector.load %arg4[%swap3A_292, %swap3A_293] : memref<16128x128xf32, #tpu.memory_space<vmem>>, vector<128x128xf32>
      tpu.vector_store %arg4[%swap3A_292, %swap3A_293], %concatenate3A_291 {strides = array<i32>} : memref<16128x128xf32, #tpu.memory_space<vmem>>, vector<128x128xf32>,
      %get3A_295 = arith.constant 0 : index
      %get3A_296 = arith.constant 2304 : index
      %get3A_297 = vector.load %arg1[%get3A_295, %get3A_296] : memref<64x16128xf32, #tpu.memory_space<vmem>>, vector<64x128xf32>
      %convert_element_type3A_298 = arith.truncf %get3A_297 : vector<64x128xf32> to vector<64x128xbf16>
      %dot_general3A_299 = arith.constant dense<0.000000e+00> : vector<128x64xf32>
      %dot_general3A_300 = tpu.matmul %convert_element_type3A_2, %convert_element_type3A_298, %dot_general3A_299 {dimension_numbers = #tpu.dot_dimension_numbers<[1], [1], [0], [0], [0, 0, 1, 0], [], []>, transpose_lhs_hint = false} : vector<128x128xbf16>, vector<64x128xbf16>, vector<128x64xf32> -> vector<128x64xf32>
      %get3A_301 = arith.constant 0 : index
      %get3A_302 = arith.constant 2304 : index
      %get3A_303 = vector.load %arg2[%get3A_301, %get3A_302] : memref<64x16128xf32, #tpu.memory_space<vmem>>, vector<64x128xf32>
      %convert_element_type3A_304 = arith.truncf %get3A_303 : vector<64x128xf32> to vector<64x128xbf16>
      %dot_general3A_305 = arith.constant dense<0.000000e+00> : vector<128x64xf32>
      %dot_general3A_306 = tpu.matmul %convert_element_type3A_2, %convert_element_type3A_304, %dot_general3A_305 {dimension_numbers = #tpu.dot_dimension_numbers<[1], [1], [0], [0], [0, 0, 1, 0], [], []>, transpose_lhs_hint = false} : vector<128x128xbf16>, vector<64x128xbf16>, vector<128x64xf32> -> vector<128x64xf32>
      %concatenate3A_307 = tpu.concatenate %dot_general3A_300, %dot_general3A_306 in 1 : vector<128x64xf32>, vector<128x64xf32> -> vector<128x128xf32>
      %swap3A_308 = arith.constant 2304 : index
      %swap3A_309 = arith.constant 0 : index
      %swap3A_310 = vector.load %arg4[%swap3A_308, %swap3A_309] : memref<16128x128xf32, #tpu.memory_space<vmem>>, vector<128x128xf32>
      tpu.vector_store %arg4[%swap3A_308, %swap3A_309], %concatenate3A_307 {strides = array<i32>} : memref<16128x128xf32, #tpu.memory_space<vmem>>, vector<128x128xf32>,
      %get3A_311 = arith.constant 0 : index
      %get3A_312 = arith.constant 2432 : index
      %get3A_313 = vector.load %arg1[%get3A_311, %get3A_312] : memref<64x16128xf32, #tpu.memory_space<vmem>>, vector<64x128xf32>
      %convert_element_type3A_314 = arith.truncf %get3A_313 : vector<64x128xf32> to vector<64x128xbf16>
      %dot_general3A_315 = arith.constant dense<0.000000e+00> : vector<128x64xf32>
      %dot_general3A_316 = tpu.matmul %convert_element_type3A_2, %convert_element_type3A_314, %dot_general3A_315 {dimension_numbers = #tpu.dot_dimension_numbers<[1], [1], [0], [0], [0, 0, 1, 0], [], []>, transpose_lhs_hint = false} : vector<128x128xbf16>, vector<64x128xbf16>, vector<128x64xf32> -> vector<128x64xf32>
      %get3A_317 = arith.constant 0 : index
      %get3A_318 = arith.constant 2432 : index
      %get3A_319 = vector.load %arg2[%get3A_317, %get3A_318] : memref<64x16128xf32, #tpu.memory_space<vmem>>, vector<64x128xf32>
      %convert_element_type3A_320 = arith.truncf %get3A_319 : vector<64x128xf32> to vector<64x128xbf16>
      %dot_general3A_321 = arith.constant dense<0.000000e+00> : vector<128x64xf32>
      %dot_general3A_322 = tpu.matmul %convert_element_type3A_2, %convert_element_type3A_320, %dot_general3A_321 {dimension_numbers = #tpu.dot_dimension_numbers<[1], [1], [0], [0], [0, 0, 1, 0], [], []>, transpose_lhs_hint = false} : vector<128x128xbf16>, vector<64x128xbf16>, vector<128x64xf32> -> vector<128x64xf32>
      %concatenate3A_323 = tpu.concatenate %dot_general3A_316, %dot_general3A_322 in 1 : vector<128x64xf32>, vector<128x64xf32> -> vector<128x128xf32>
      %swap3A_324 = arith.constant 2432 : index
      %swap3A_325 = arith.constant 0 : index
      %swap3A_326 = vector.load %arg4[%swap3A_324, %swap3A_325] : memref<16128x128xf32, #tpu.memory_space<vmem>>, vector<128x128xf32>
      tpu.vector_store %arg4[%swap3A_324, %swap3A_325], %concatenate3A_323 {strides = array<i32>} : memref<16128x128xf32, #tpu.memory_space<vmem>>, vector<128x128xf32>,
      %get3A_327 = arith.constant 0 : index
      %get3A_328 = arith.constant 2560 : index
      %get3A_329 = vector.load %arg1[%get3A_327, %get3A_328] : memref<64x16128xf32, #tpu.memory_space<vmem>>, vector<64x128xf32>
      %convert_element_type3A_330 = arith.truncf %get3A_329 : vector<64x128xf32> to vector<64x128xbf16>
      %dot_general3A_331 = arith.constant dense<0.000000e+00> : vector<128x64xf32>
      %dot_general3A_332 = tpu.matmul %convert_element_type3A_2, %convert_element_type3A_330, %dot_general3A_331 {dimension_numbers = #tpu.dot_dimension_numbers<[1], [1], [0], [0], [0, 0, 1, 0], [], []>, transpose_lhs_hint = false} : vector<128x128xbf16>, vector<64x128xbf16>, vector<128x64xf32> -> vector<128x64xf32>
      %get3A_333 = arith.constant 0 : index
      %get3A_334 = arith.constant 2560 : index
      %get3A_335 = vector.load %arg2[%get3A_333, %get3A_334] : memref<64x16128xf32, #tpu.memory_space<vmem>>, vector<64x128xf32>
      %convert_element_type3A_336 = arith.truncf %get3A_335 : vector<64x128xf32> to vector<64x128xbf16>
      %dot_general3A_337 = arith.constant dense<0.000000e+00> : vector<128x64xf32>
      %dot_general3A_338 = tpu.matmul %convert_element_type3A_2, %convert_element_type3A_336, %dot_general3A_337 {dimension_numbers = #tpu.dot_dimension_numbers<[1], [1], [0], [0], [0, 0, 1, 0], [], []>, transpose_lhs_hint = false} : vector<128x128xbf16>, vector<64x128xbf16>, vector<128x64xf32> -> vector<128x64xf32>
      %concatenate3A_339 = tpu.concatenate %dot_general3A_332, %dot_general3A_338 in 1 : vector<128x64xf32>, vector<128x64xf32> -> vector<128x128xf32>
      %swap3A_340 = arith.constant 2560 : index
      %swap3A_341 = arith.constant 0 : index
      %swap3A_342 = vector.load %arg4[%swap3A_340, %swap3A_341] : memref<16128x128xf32, #tpu.memory_space<vmem>>, vector<128x128xf32>
      tpu.vector_store %arg4[%swap3A_340, %swap3A_341], %concatenate3A_339 {strides = array<i32>} : memref<16128x128xf32, #tpu.memory_space<vmem>>, vector<128x128xf32>,
      %get3A_343 = arith.constant 0 : index
      %get3A_344 = arith.constant 2688 : index
      %get3A_345 = vector.load %arg1[%get3A_343, %get3A_344] : memref<64x16128xf32, #tpu.memory_space<vmem>>, vector<64x128xf32>
      %convert_element_type3A_346 = arith.truncf %get3A_345 : vector<64x128xf32> to vector<64x128xbf16>
      %dot_general3A_347 = arith.constant dense<0.000000e+00> : vector<128x64xf32>
      %dot_general3A_348 = tpu.matmul %convert_element_type3A_2, %convert_element_type3A_346, %dot_general3A_347 {dimension_numbers = #tpu.dot_dimension_numbers<[1], [1], [0], [0], [0, 0, 1, 0], [], []>, transpose_lhs_hint = false} : vector<128x128xbf16>, vector<64x128xbf16>, vector<128x64xf32> -> vector<128x64xf32>
      %get3A_349 = arith.constant 0 : index
      %get3A_350 = arith.constant 2688 : index
      %get3A_351 = vector.load %arg2[%get3A_349, %get3A_350] : memref<64x16128xf32, #tpu.memory_space<vmem>>, vector<64x128xf32>
      %convert_element_type3A_352 = arith.truncf %get3A_351 : vector<64x128xf32> to vector<64x128xbf16>
      %dot_general3A_353 = arith.constant dense<0.000000e+00> : vector<128x64xf32>
      %dot_general3A_354 = tpu.matmul %convert_element_type3A_2, %convert_element_type3A_352, %dot_general3A_353 {dimension_numbers = #tpu.dot_dimension_numbers<[1], [1], [0], [0], [0, 0, 1, 0], [], []>, transpose_lhs_hint = false} : vector<128x128xbf16>, vector<64x128xbf16>, vector<128x64xf32> -> vector<128x64xf32>
      %concatenate3A_355 = tpu.concatenate %dot_general3A_348, %dot_general3A_354 in 1 : vector<128x64xf32>, vector<128x64xf32> -> vector<128x128xf32>
      %swap3A_356 = arith.constant 2688 : index
      %swap3A_357 = arith.constant 0 : index
      %swap3A_358 = vector.load %arg4[%swap3A_356, %swap3A_357] : memref<16128x128xf32, #tpu.memory_space<vmem>>, vector<128x128xf32>
      tpu.vector_store %arg4[%swap3A_356, %swap3A_357], %concatenate3A_355 {strides = array<i32>} : memref<16128x128xf32, #tpu.memory_space<vmem>>, vector<128x128xf32>,
      %get3A_359 = arith.constant 0 : index
      %get3A_360 = arith.constant 2816 : index
      %get3A_361 = vector.load %arg1[%get3A_359, %get3A_360] : memref<64x16128xf32, #tpu.memory_space<vmem>>, vector<64x128xf32>
      %convert_element_type3A_362 = arith.truncf %get3A_361 : vector<64x128xf32> to vector<64x128xbf16>
      %dot_general3A_363 = arith.constant dense<0.000000e+00> : vector<128x64xf32>
      %dot_general3A_364 = tpu.matmul %convert_element_type3A_2, %convert_element_type3A_362, %dot_general3A_363 {dimension_numbers = #tpu.dot_dimension_numbers<[1], [1], [0], [0], [0, 0, 1, 0], [], []>, transpose_lhs_hint = false} : vector<128x128xbf16>, vector<64x128xbf16>, vector<128x64xf32> -> vector<128x64xf32>
      %get3A_365 = arith.constant 0 : index
      %get3A_366 = arith.constant 2816 : index
      %get3A_367 = vector.load %arg2[%get3A_365, %get3A_366] : memref<64x16128xf32, #tpu.memory_space<vmem>>, vector<64x128xf32>
      %convert_element_type3A_368 = arith.truncf %get3A_367 : vector<64x128xf32> to vector<64x128xbf16>
      %dot_general3A_369 = arith.constant dense<0.000000e+00> : vector<128x64xf32>
      %dot_general3A_370 = tpu.matmul %convert_element_type3A_2, %convert_element_type3A_368, %dot_general3A_369 {dimension_numbers = #tpu.dot_dimension_numbers<[1], [1], [0], [0], [0, 0, 1, 0], [], []>, transpose_lhs_hint = false} : vector<128x128xbf16>, vector<64x128xbf16>, vector<128x64xf32> -> vector<128x64xf32>
      %concatenate3A_371 = tpu.concatenate %dot_general3A_364, %dot_general3A_370 in 1 : vector<128x64xf32>, vector<128x64xf32> -> vector<128x128xf32>
      %swap3A_372 = arith.constant 2816 : index
      %swap3A_373 = arith.constant 0 : index
      %swap3A_374 = vector.load %arg4[%swap3A_372, %swap3A_373] : memref<16128x128xf32, #tpu.memory_space<vmem>>, vector<128x128xf32>
      tpu.vector_store %arg4[%swap3A_372, %swap3A_373], %concatenate3A_371 {strides = array<i32>} : memref<16128x128xf32, #tpu.memory_space<vmem>>, vector<128x128xf32>,
      %get3A_375 = arith.constant 0 : index
      %get3A_376 = arith.constant 2944 : index
      %get3A_377 = vector.load %arg1[%get3A_375, %get3A_376] : memref<64x16128xf32, #tpu.memory_space<vmem>>, vector<64x128xf32>
      %convert_element_type3A_378 = arith.truncf %get3A_377 : vector<64x128xf32> to vector<64x128xbf16>
      %dot_general3A_379 = arith.constant dense<0.000000e+00> : vector<128x64xf32>
      %dot_general3A_380 = tpu.matmul %convert_element_type3A_2, %convert_element_type3A_378, %dot_general3A_379 {dimension_numbers = #tpu.dot_dimension_numbers<[1], [1], [0], [0], [0, 0, 1, 0], [], []>, transpose_lhs_hint = false} : vector<128x128xbf16>, vector<64x128xbf16>, vector<128x64xf32> -> vector<128x64xf32>
      %get3A_381 = arith.constant 0 : index
      %get3A_382 = arith.constant 2944 : index
      %get3A_383 = vector.load %arg2[%get3A_381, %get3A_382] : memref<64x16128xf32, #tpu.memory_space<vmem>>, vector<64x128xf32>
      %convert_element_type3A_384 = arith.truncf %get3A_383 : vector<64x128xf32> to vector<64x128xbf16>
      %dot_general3A_385 = arith.constant dense<0.000000e+00> : vector<128x64xf32>
      %dot_general3A_386 = tpu.matmul %convert_element_type3A_2, %convert_element_type3A_384, %dot_general3A_385 {dimension_numbers = #tpu.dot_dimension_numbers<[1], [1], [0], [0], [0, 0, 1, 0], [], []>, transpose_lhs_hint = false} : vector<128x128xbf16>, vector<64x128xbf16>, vector<128x64xf32> -> vector<128x64xf32>
      %concatenate3A_387 = tpu.concatenate %dot_general3A_380, %dot_general3A_386 in 1 : vector<128x64xf32>, vector<128x64xf32> -> vector<128x128xf32>
      %swap3A_388 = arith.constant 2944 : index
      %swap3A_389 = arith.constant 0 : index
      %swap3A_390 = vector.load %arg4[%swap3A_388, %swap3A_389] : memref<16128x128xf32, #tpu.memory_space<vmem>>, vector<128x128xf32>
      tpu.vector_store %arg4[%swap3A_388, %swap3A_389], %concatenate3A_387 {strides = array<i32>} : memref<16128x128xf32, #tpu.memory_space<vmem>>, vector<128x128xf32>,
      %get3A_391 = arith.constant 0 : index
      %get3A_392 = arith.constant 3072 : index
      %get3A_393 = vector.load %arg1[%get3A_391, %get3A_392] : memref<64x16128xf32, #tpu.memory_space<vmem>>, vector<64x128xf32>
      %convert_element_type3A_394 = arith.truncf %get3A_393 : vector<64x128xf32> to vector<64x128xbf16>
      %dot_general3A_395 = arith.constant dense<0.000000e+00> : vector<128x64xf32>
      %dot_general3A_396 = tpu.matmul %convert_element_type3A_2, %convert_element_type3A_394, %dot_general3A_395 {dimension_numbers = #tpu.dot_dimension_numbers<[1], [1], [0], [0], [0, 0, 1, 0], [], []>, transpose_lhs_hint = false} : vector<128x128xbf16>, vector<64x128xbf16>, vector<128x64xf32> -> vector<128x64xf32>
      %get3A_397 = arith.constant 0 : index
      %get3A_398 = arith.constant 3072 : index
      %get3A_399 = vector.load %arg2[%get3A_397, %get3A_398] : memref<64x16128xf32, #tpu.memory_space<vmem>>, vector<64x128xf32>
      %convert_element_type3A_400 = arith.truncf %get3A_399 : vector<64x128xf32> to vector<64x128xbf16>
      %dot_general3A_401 = arith.constant dense<0.000000e+00> : vector<128x64xf32>
      %dot_general3A_402 = tpu.matmul %convert_element_type3A_2, %convert_element_type3A_400, %dot_general3A_401 {dimension_numbers = #tpu.dot_dimension_numbers<[1], [1], [0], [0], [0, 0, 1, 0], [], []>, transpose_lhs_hint = false} : vector<128x128xbf16>, vector<64x128xbf16>, vector<128x64xf32> -> vector<128x64xf32>
      %concatenate3A_403 = tpu.concatenate %dot_general3A_396, %dot_general3A_402 in 1 : vector<128x64xf32>, vector<128x64xf32> -> vector<128x128xf32>
      %swap3A_404 = arith.constant 3072 : index
      %swap3A_405 = arith.constant 0 : index
      %swap3A_406 = vector.load %arg4[%swap3A_404, %swap3A_405] : memref<16128x128xf32, #tpu.memory_space<vmem>>, vector<128x128xf32>
      tpu.vector_store %arg4[%swap3A_404, %swap3A_405], %concatenate3A_403 {strides = array<i32>} : memref<16128x128xf32, #tpu.memory_space<vmem>>, vector<128x128xf32>,
      %get3A_407 = arith.constant 0 : index
      %get3A_408 = arith.constant 3200 : index
      %get3A_409 = vector.load %arg1[%get3A_407, %get3A_408] : memref<64x16128xf32, #tpu.memory_space<vmem>>, vector<64x128xf32>
      %convert_element_type3A_410 = arith.truncf %get3A_409 : vector<64x128xf32> to vector<64x128xbf16>
      %dot_general3A_411 = arith.constant dense<0.000000e+00> : vector<128x64xf32>
      %dot_general3A_412 = tpu.matmul %convert_element_type3A_2, %convert_element_type3A_410, %dot_general3A_411 {dimension_numbers = #tpu.dot_dimension_numbers<[1], [1], [0], [0], [0, 0, 1, 0], [], []>, transpose_lhs_hint = false} : vector<128x128xbf16>, vector<64x128xbf16>, vector<128x64xf32> -> vector<128x64xf32>
      %get3A_413 = arith.constant 0 : index
      %get3A_414 = arith.constant 3200 : index
      %get3A_415 = vector.load %arg2[%get3A_413, %get3A_414] : memref<64x16128xf32, #tpu.memory_space<vmem>>, vector<64x128xf32>
      %convert_element_type3A_416 = arith.truncf %get3A_415 : vector<64x128xf32> to vector<64x128xbf16>
      %dot_general3A_417 = arith.constant dense<0.000000e+00> : vector<128x64xf32>
      %dot_general3A_418 = tpu.matmul %convert_element_type3A_2, %convert_element_type3A_416, %dot_general3A_417 {dimension_numbers = #tpu.dot_dimension_numbers<[1], [1], [0], [0], [0, 0, 1, 0], [], []>, transpose_lhs_hint = false} : vector<128x128xbf16>, vector<64x128xbf16>, vector<128x64xf32> -> vector<128x64xf32>
      %concatenate3A_419 = tpu.concatenate %dot_general3A_412, %dot_general3A_418 in 1 : vector<128x64xf32>, vector<128x64xf32> -> vector<128x128xf32>
      %swap3A_420 = arith.constant 3200 : index
      %swap3A_421 = arith.constant 0 : index
      %swap3A_422 = vector.load %arg4[%swap3A_420, %swap3A_421] : memref<16128x128xf32, #tpu.memory_space<vmem>>, vector<128x128xf32>
      tpu.vector_store %arg4[%swap3A_420, %swap3A_421], %concatenate3A_419 {strides = array<i32>} : memref<16128x128xf32, #tpu.memory_space<vmem>>, vector<128x128xf32>,
      %get3A_423 = arith.constant 0 : index
      %get3A_424 = arith.constant 3328 : index
      %get3A_425 = vector.load %arg1[%get3A_423, %get3A_424] : memref<64x16128xf32, #tpu.memory_space<vmem>>, vector<64x128xf32>
      %convert_element_type3A_426 = arith.truncf %get3A_425 : vector<64x128xf32> to vector<64x128xbf16>
      %dot_general3A_427 = arith.constant dense<0.000000e+00> : vector<128x64xf32>
      %dot_general3A_428 = tpu.matmul %convert_element_type3A_2, %convert_element_type3A_426, %dot_general3A_427 {dimension_numbers = #tpu.dot_dimension_numbers<[1], [1], [0], [0], [0, 0, 1, 0], [], []>, transpose_lhs_hint = false} : vector<128x128xbf16>, vector<64x128xbf16>, vector<128x64xf32> -> vector<128x64xf32>
      %get3A_429 = arith.constant 0 : index
      %get3A_430 = arith.constant 3328 : index
      %get3A_431 = vector.load %arg2[%get3A_429, %get3A_430] : memref<64x16128xf32, #tpu.memory_space<vmem>>, vector<64x128xf32>
      %convert_element_type3A_432 = arith.truncf %get3A_431 : vector<64x128xf32> to vector<64x128xbf16>
      %dot_general3A_433 = arith.constant dense<0.000000e+00> : vector<128x64xf32>
      %dot_general3A_434 = tpu.matmul %convert_element_type3A_2, %convert_element_type3A_432, %dot_general3A_433 {dimension_numbers = #tpu.dot_dimension_numbers<[1], [1], [0], [0], [0, 0, 1, 0], [], []>, transpose_lhs_hint = false} : vector<128x128xbf16>, vector<64x128xbf16>, vector<128x64xf32> -> vector<128x64xf32>
      %concatenate3A_435 = tpu.concatenate %dot_general3A_428, %dot_general3A_434 in 1 : vector<128x64xf32>, vector<128x64xf32> -> vector<128x128xf32>
      %swap3A_436 = arith.constant 3328 : index
      %swap3A_437 = arith.constant 0 : index
      %swap3A_438 = vector.load %arg4[%swap3A_436, %swap3A_437] : memref<16128x128xf32, #tpu.memory_space<vmem>>, vector<128x128xf32>
      tpu.vector_store %arg4[%swap3A_436, %swap3A_437], %concatenate3A_435 {strides = array<i32>} : memref<16128x128xf32, #tpu.memory_space<vmem>>, vector<128x128xf32>,
      %get3A_439 = arith.constant 0 : index
      %get3A_440 = arith.constant 3456 : index
      %get3A_441 = vector.load %arg1[%get3A_439, %get3A_440] : memref<64x16128xf32, #tpu.memory_space<vmem>>, vector<64x128xf32>
      %convert_element_type3A_442 = arith.truncf %get3A_441 : vector<64x128xf32> to vector<64x128xbf16>
      %dot_general3A_443 = arith.constant dense<0.000000e+00> : vector<128x64xf32>
      %dot_general3A_444 = tpu.matmul %convert_element_type3A_2, %convert_element_type3A_442, %dot_general3A_443 {dimension_numbers = #tpu.dot_dimension_numbers<[1], [1], [0], [0], [0, 0, 1, 0], [], []>, transpose_lhs_hint = false} : vector<128x128xbf16>, vector<64x128xbf16>, vector<128x64xf32> -> vector<128x64xf32>
      %get3A_445 = arith.constant 0 : index
      %get3A_446 = arith.constant 3456 : index
      %get3A_447 = vector.load %arg2[%get3A_445, %get3A_446] : memref<64x16128xf32, #tpu.memory_space<vmem>>, vector<64x128xf32>
      %convert_element_type3A_448 = arith.truncf %get3A_447 : vector<64x128xf32> to vector<64x128xbf16>
      %dot_general3A_449 = arith.constant dense<0.000000e+00> : vector<128x64xf32>
      %dot_general3A_450 = tpu.matmul %convert_element_type3A_2, %convert_element_type3A_448, %dot_general3A_449 {dimension_numbers = #tpu.dot_dimension_numbers<[1], [1], [0], [0], [0, 0, 1, 0], [], []>, transpose_lhs_hint = false} : vector<128x128xbf16>, vector<64x128xbf16>, vector<128x64xf32> -> vector<128x64xf32>
      %concatenate3A_451 = tpu.concatenate %dot_general3A_444, %dot_general3A_450 in 1 : vector<128x64xf32>, vector<128x64xf32> -> vector<128x128xf32>
      %swap3A_452 = arith.constant 3456 : index
      %swap3A_453 = arith.constant 0 : index
      %swap3A_454 = vector.load %arg4[%swap3A_452, %swap3A_453] : memref<16128x128xf32, #tpu.memory_space<vmem>>, vector<128x128xf32>
      tpu.vector_store %arg4[%swap3A_452, %swap3A_453], %concatenate3A_451 {strides = array<i32>} : memref<16128x128xf32, #tpu.memory_space<vmem>>, vector<128x128xf32>,
      %get3A_455 = arith.constant 0 : index
      %get3A_456 = arith.constant 3584 : index
      %get3A_457 = vector.load %arg1[%get3A_455, %get3A_456] : memref<64x16128xf32, #tpu.memory_space<vmem>>, vector<64x128xf32>
      %convert_element_type3A_458 = arith.truncf %get3A_457 : vector<64x128xf32> to vector<64x128xbf16>
      %dot_general3A_459 = arith.constant dense<0.000000e+00> : vector<128x64xf32>
      %dot_general3A_460 = tpu.matmul %convert_element_type3A_2, %convert_element_type3A_458, %dot_general3A_459 {dimension_numbers = #tpu.dot_dimension_numbers<[1], [1], [0], [0], [0, 0, 1, 0], [], []>, transpose_lhs_hint = false} : vector<128x128xbf16>, vector<64x128xbf16>, vector<128x64xf32> -> vector<128x64xf32>
      %get3A_461 = arith.constant 0 : index
      %get3A_462 = arith.constant 3584 : index
      %get3A_463 = vector.load %arg2[%get3A_461, %get3A_462] : memref<64x16128xf32, #tpu.memory_space<vmem>>, vector<64x128xf32>
      %convert_element_type3A_464 = arith.truncf %get3A_463 : vector<64x128xf32> to vector<64x128xbf16>
      %dot_general3A_465 = arith.constant dense<0.000000e+00> : vector<128x64xf32>
      %dot_general3A_466 = tpu.matmul %convert_element_type3A_2, %convert_element_type3A_464, %dot_general3A_465 {dimension_numbers = #tpu.dot_dimension_numbers<[1], [1], [0], [0], [0, 0, 1, 0], [], []>, transpose_lhs_hint = false} : vector<128x128xbf16>, vector<64x128xbf16>, vector<128x64xf32> -> vector<128x64xf32>
      %concatenate3A_467 = tpu.concatenate %dot_general3A_460, %dot_general3A_466 in 1 : vector<128x64xf32>, vector<128x64xf32> -> vector<128x128xf32>
      %swap3A_468 = arith.constant 3584 : index
      %swap3A_469 = arith.constant 0 : index
      %swap3A_470 = vector.load %arg4[%swap3A_468, %swap3A_469] : memref<16128x128xf32, #tpu.memory_space<vmem>>, vector<128x128xf32>
      tpu.vector_store %arg4[%swap3A_468, %swap3A_469], %concatenate3A_467 {strides = array<i32>} : memref<16128x128xf32, #tpu.memory_space<vmem>>, vector<128x128xf32>,
      %get3A_471 = arith.constant 0 : index
      %get3A_472 = arith.constant 3712 : index
      %get3A_473 = vector.load %arg1[%get3A_471, %get3A_472] : memref<64x16128xf32, #tpu.memory_space<vmem>>, vector<64x128xf32>
      %convert_element_type3A_474 = arith.truncf %get3A_473 : vector<64x128xf32> to vector<64x128xbf16>
      %dot_general3A_475 = arith.constant dense<0.000000e+00> : vector<128x64xf32>
      %dot_general3A_476 = tpu.matmul %convert_element_type3A_2, %convert_element_type3A_474, %dot_general3A_475 {dimension_numbers = #tpu.dot_dimension_numbers<[1], [1], [0], [0], [0, 0, 1, 0], [], []>, transpose_lhs_hint = false} : vector<128x128xbf16>, vector<64x128xbf16>, vector<128x64xf32> -> vector<128x64xf32>
      %get3A_477 = arith.constant 0 : index
      %get3A_478 = arith.constant 3712 : index
      %get3A_479 = vector.load %arg2[%get3A_477, %get3A_478] : memref<64x16128xf32, #tpu.memory_space<vmem>>, vector<64x128xf32>
      %convert_element_type3A_480 = arith.truncf %get3A_479 : vector<64x128xf32> to vector<64x128xbf16>
      %dot_general3A_481 = arith.constant dense<0.000000e+00> : vector<128x64xf32>
      %dot_general3A_482 = tpu.matmul %convert_element_type3A_2, %convert_element_type3A_480, %dot_general3A_481 {dimension_numbers = #tpu.dot_dimension_numbers<[1], [1], [0], [0], [0, 0, 1, 0], [], []>, transpose_lhs_hint = false} : vector<128x128xbf16>, vector<64x128xbf16>, vector<128x64xf32> -> vector<128x64xf32>
      %concatenate3A_483 = tpu.concatenate %dot_general3A_476, %dot_general3A_482 in 1 : vector<128x64xf32>, vector<128x64xf32> -> vector<128x128xf32>
      %swap3A_484 = arith.constant 3712 : index
      %swap3A_485 = arith.constant 0 : index
      %swap3A_486 = vector.load %arg4[%swap3A_484, %swap3A_485] : memref<16128x128xf32, #tpu.memory_space<vmem>>, vector<128x128xf32>
      tpu.vector_store %arg4[%swap3A_484, %swap3A_485], %concatenate3A_483 {strides = array<i32>} : memref<16128x128xf32, #tpu.memory_space<vmem>>, vector<128x128xf32>,
      %get3A_487 = arith.constant 0 : index
      %get3A_488 = arith.constant 3840 : index
      %get3A_489 = vector.load %arg1[%get3A_487, %get3A_488] : memref<64x16128xf32, #tpu.memory_space<vmem>>, vector<64x128xf32>
      %convert_element_type3A_490 = arith.truncf %get3A_489 : vector<64x128xf32> to vector<64x128xbf16>
      %dot_general3A_491 = arith.constant dense<0.000000e+00> : vector<128x64xf32>
      %dot_general3A_492 = tpu.matmul %convert_element_type3A_2, %convert_element_type3A_490, %dot_general3A_491 {dimension_numbers = #tpu.dot_dimension_numbers<[1], [1], [0], [0], [0, 0, 1, 0], [], []>, transpose_lhs_hint = false} : vector<128x128xbf16>, vector<64x128xbf16>, vector<128x64xf32> -> vector<128x64xf32>
      %get3A_493 = arith.constant 0 : index
      %get3A_494 = arith.constant 3840 : index
      %get3A_495 = vector.load %arg2[%get3A_493, %get3A_494] : memref<64x16128xf32, #tpu.memory_space<vmem>>, vector<64x128xf32>
      %convert_element_type3A_496 = arith.truncf %get3A_495 : vector<64x128xf32> to vector<64x128xbf16>
      %dot_general3A_497 = arith.constant dense<0.000000e+00> : vector<128x64xf32>
      %dot_general3A_498 = tpu.matmul %convert_element_type3A_2, %convert_element_type3A_496, %dot_general3A_497 {dimension_numbers = #tpu.dot_dimension_numbers<[1], [1], [0], [0], [0, 0, 1, 0], [], []>, transpose_lhs_hint = false} : vector<128x128xbf16>, vector<64x128xbf16>, vector<128x64xf32> -> vector<128x64xf32>
      %concatenate3A_499 = tpu.concatenate %dot_general3A_492, %dot_general3A_498 in 1 : vector<128x64xf32>, vector<128x64xf32> -> vector<128x128xf32>
      %swap3A_500 = arith.constant 3840 : index
      %swap3A_501 = arith.constant 0 : index
      %swap3A_502 = vector.load %arg4[%swap3A_500, %swap3A_501] : memref<16128x128xf32, #tpu.memory_space<vmem>>, vector<128x128xf32>
      tpu.vector_store %arg4[%swap3A_500, %swap3A_501], %concatenate3A_499 {strides = array<i32>} : memref<16128x128xf32, #tpu.memory_space<vmem>>, vector<128x128xf32>,
      %get3A_503 = arith.constant 0 : index
      %get3A_504 = arith.constant 3968 : index
      %get3A_505 = vector.load %arg1[%get3A_503, %get3A_504] : memref<64x16128xf32, #tpu.memory_space<vmem>>, vector<64x128xf32>
      %convert_element_type3A_506 = arith.truncf %get3A_505 : vector<64x128xf32> to vector<64x128xbf16>
      %dot_general3A_507 = arith.constant dense<0.000000e+00> : vector<128x64xf32>
      %dot_general3A_508 = tpu.matmul %convert_element_type3A_2, %convert_element_type3A_506, %dot_general3A_507 {dimension_numbers = #tpu.dot_dimension_numbers<[1], [1], [0], [0], [0, 0, 1, 0], [], []>, transpose_lhs_hint = false} : vector<128x128xbf16>, vector<64x128xbf16>, vector<128x64xf32> -> vector<128x64xf32>
      %get3A_509 = arith.constant 0 : index
      %get3A_510 = arith.constant 3968 : index
      %get3A_511 = vector.load %arg2[%get3A_509, %get3A_510] : memref<64x16128xf32, #tpu.memory_space<vmem>>, vector<64x128xf32>
      %convert_element_type3A_512 = arith.truncf %get3A_511 : vector<64x128xf32> to vector<64x128xbf16>
      %dot_general3A_513 = arith.constant dense<0.000000e+00> : vector<128x64xf32>
      %dot_general3A_514 = tpu.matmul %convert_element_type3A_2, %convert_element_type3A_512, %dot_general3A_513 {dimension_numbers = #tpu.dot_dimension_numbers<[1], [1], [0], [0], [0, 0, 1, 0], [], []>, transpose_lhs_hint = false} : vector<128x128xbf16>, vector<64x128xbf16>, vector<128x64xf32> -> vector<128x64xf32>
      %concatenate3A_515 = tpu.concatenate %dot_general3A_508, %dot_general3A_514 in 1 : vector<128x64xf32>, vector<128x64xf32> -> vector<128x128xf32>
      %swap3A_516 = arith.constant 3968 : index
      %swap3A_517 = arith.constant 0 : index
      %swap3A_518 = vector.load %arg4[%swap3A_516, %swap3A_517] : memref<16128x128xf32, #tpu.memory_space<vmem>>, vector<128x128xf32>
      tpu.vector_store %arg4[%swap3A_516, %swap3A_517], %concatenate3A_515 {strides = array<i32>} : memref<16128x128xf32, #tpu.memory_space<vmem>>, vector<128x128xf32>,
      %get3A_519 = arith.constant 0 : index
      %get3A_520 = arith.constant 4096 : index
      %get3A_521 = vector.load %arg1[%get3A_519, %get3A_520] : memref<64x16128xf32, #tpu.memory_space<vmem>>, vector<64x128xf32>
      %convert_element_type3A_522 = arith.truncf %get3A_521 : vector<64x128xf32> to vector<64x128xbf16>
      %dot_general3A_523 = arith.constant dense<0.000000e+00> : vector<128x64xf32>
      %dot_general3A_524 = tpu.matmul %convert_element_type3A_2, %convert_element_type3A_522, %dot_general3A_523 {dimension_numbers = #tpu.dot_dimension_numbers<[1], [1], [0], [0], [0, 0, 1, 0], [], []>, transpose_lhs_hint = false} : vector<128x128xbf16>, vector<64x128xbf16>, vector<128x64xf32> -> vector<128x64xf32>
      %get3A_525 = arith.constant 0 : index
      %get3A_526 = arith.constant 4096 : index
      %get3A_527 = vector.load %arg2[%get3A_525, %get3A_526] : memref<64x16128xf32, #tpu.memory_space<vmem>>, vector<64x128xf32>
      %convert_element_type3A_528 = arith.truncf %get3A_527 : vector<64x128xf32> to vector<64x128xbf16>
      %dot_general3A_529 = arith.constant dense<0.000000e+00> : vector<128x64xf32>
      %dot_general3A_530 = tpu.matmul %convert_element_type3A_2, %convert_element_type3A_528, %dot_general3A_529 {dimension_numbers = #tpu.dot_dimension_numbers<[1], [1], [0], [0], [0, 0, 1, 0], [], []>, transpose_lhs_hint = false} : vector<128x128xbf16>, vector<64x128xbf16>, vector<128x64xf32> -> vector<128x64xf32>
      %concatenate3A_531 = tpu.concatenate %dot_general3A_524, %dot_general3A_530 in 1 : vector<128x64xf32>, vector<128x64xf32> -> vector<128x128xf32>
      %swap3A_532 = arith.constant 4096 : index
      %swap3A_533 = arith.constant 0 : index
      %swap3A_534 = vector.load %arg4[%swap3A_532, %swap3A_533] : memref<16128x128xf32, #tpu.memory_space<vmem>>, vector<128x128xf32>
      tpu.vector_store %arg4[%swap3A_532, %swap3A_533], %concatenate3A_531 {strides = array<i32>} : memref<16128x128xf32, #tpu.memory_space<vmem>>, vector<128x128xf32>,
      %get3A_535 = arith.constant 0 : index
      %get3A_536 = arith.constant 4224 : index
      %get3A_537 = vector.load %arg1[%get3A_535, %get3A_536] : memref<64x16128xf32, #tpu.memory_space<vmem>>, vector<64x128xf32>
      %convert_element_type3A_538 = arith.truncf %get3A_537 : vector<64x128xf32> to vector<64x128xbf16>
      %dot_general3A_539 = arith.constant dense<0.000000e+00> : vector<128x64xf32>
      %dot_general3A_540 = tpu.matmul %convert_element_type3A_2, %convert_element_type3A_538, %dot_general3A_539 {dimension_numbers = #tpu.dot_dimension_numbers<[1], [1], [0], [0], [0, 0, 1, 0], [], []>, transpose_lhs_hint = false} : vector<128x128xbf16>, vector<64x128xbf16>, vector<128x64xf32> -> vector<128x64xf32>
      %get3A_541 = arith.constant 0 : index
      %get3A_542 = arith.constant 4224 : index
      %get3A_543 = vector.load %arg2[%get3A_541, %get3A_542] : memref<64x16128xf32, #tpu.memory_space<vmem>>, vector<64x128xf32>
      %convert_element_type3A_544 = arith.truncf %get3A_543 : vector<64x128xf32> to vector<64x128xbf16>
      %dot_general3A_545 = arith.constant dense<0.000000e+00> : vector<128x64xf32>
      %dot_general3A_546 = tpu.matmul %convert_element_type3A_2, %convert_element_type3A_544, %dot_general3A_545 {dimension_numbers = #tpu.dot_dimension_numbers<[1], [1], [0], [0], [0, 0, 1, 0], [], []>, transpose_lhs_hint = false} : vector<128x128xbf16>, vector<64x128xbf16>, vector<128x64xf32> -> vector<128x64xf32>
      %concatenate3A_547 = tpu.concatenate %dot_general3A_540, %dot_general3A_546 in 1 : vector<128x64xf32>, vector<128x64xf32> -> vector<128x128xf32>
      %swap3A_548 = arith.constant 4224 : index
      %swap3A_549 = arith.constant 0 : index
      %swap3A_550 = vector.load %arg4[%swap3A_548, %swap3A_549] : memref<16128x128xf32, #tpu.memory_space<vmem>>, vector<128x128xf32>
      tpu.vector_store %arg4[%swap3A_548, %swap3A_549], %concatenate3A_547 {strides = array<i32>} : memref<16128x128xf32, #tpu.memory_space<vmem>>, vector<128x128xf32>,
      %get3A_551 = arith.constant 0 : index
      %get3A_552 = arith.constant 4352 : index
      %get3A_553 = vector.load %arg1[%get3A_551, %get3A_552] : memref<64x16128xf32, #tpu.memory_space<vmem>>, vector<64x128xf32>
      %convert_element_type3A_554 = arith.truncf %get3A_553 : vector<64x128xf32> to vector<64x128xbf16>
      %dot_general3A_555 = arith.constant dense<0.000000e+00> : vector<128x64xf32>
      %dot_general3A_556 = tpu.matmul %convert_element_type3A_2, %convert_element_type3A_554, %dot_general3A_555 {dimension_numbers = #tpu.dot_dimension_numbers<[1], [1], [0], [0], [0, 0, 1, 0], [], []>, transpose_lhs_hint = false} : vector<128x128xbf16>, vector<64x128xbf16>, vector<128x64xf32> -> vector<128x64xf32>
      %get3A_557 = arith.constant 0 : index
      %get3A_558 = arith.constant 4352 : index
      %get3A_559 = vector.load %arg2[%get3A_557, %get3A_558] : memref<64x16128xf32, #tpu.memory_space<vmem>>, vector<64x128xf32>
      %convert_element_type3A_560 = arith.truncf %get3A_559 : vector<64x128xf32> to vector<64x128xbf16>
      %dot_general3A_561 = arith.constant dense<0.000000e+00> : vector<128x64xf32>
      %dot_general3A_562 = tpu.matmul %convert_element_type3A_2, %convert_element_type3A_560, %dot_general3A_561 {dimension_numbers = #tpu.dot_dimension_numbers<[1], [1], [0], [0], [0, 0, 1, 0], [], []>, transpose_lhs_hint = false} : vector<128x128xbf16>, vector<64x128xbf16>, vector<128x64xf32> -> vector<128x64xf32>
      %concatenate3A_563 = tpu.concatenate %dot_general3A_556, %dot_general3A_562 in 1 : vector<128x64xf32>, vector<128x64xf32> -> vector<128x128xf32>
      %swap3A_564 = arith.constant 4352 : index
      %swap3A_565 = arith.constant 0 : index
      %swap3A_566 = vector.load %arg4[%swap3A_564, %swap3A_565] : memref<16128x128xf32, #tpu.memory_space<vmem>>, vector<128x128xf32>
      tpu.vector_store %arg4[%swap3A_564, %swap3A_565], %concatenate3A_563 {strides = array<i32>} : memref<16128x128xf32, #tpu.memory_space<vmem>>, vector<128x128xf32>,
      %get3A_567 = arith.constant 0 : index
      %get3A_568 = arith.constant 4480 : index
      %get3A_569 = vector.load %arg1[%get3A_567, %get3A_568] : memref<64x16128xf32, #tpu.memory_space<vmem>>, vector<64x128xf32>
      %convert_element_type3A_570 = arith.truncf %get3A_569 : vector<64x128xf32> to vector<64x128xbf16>
      %dot_general3A_571 = arith.constant dense<0.000000e+00> : vector<128x64xf32>
      %dot_general3A_572 = tpu.matmul %convert_element_type3A_2, %convert_element_type3A_570, %dot_general3A_571 {dimension_numbers = #tpu.dot_dimension_numbers<[1], [1], [0], [0], [0, 0, 1, 0], [], []>, transpose_lhs_hint = false} : vector<128x128xbf16>, vector<64x128xbf16>, vector<128x64xf32> -> vector<128x64xf32>
      %get3A_573 = arith.constant 0 : index
      %get3A_574 = arith.constant 4480 : index
      %get3A_575 = vector.load %arg2[%get3A_573, %get3A_574] : memref<64x16128xf32, #tpu.memory_space<vmem>>, vector<64x128xf32>
      %convert_element_type3A_576 = arith.truncf %get3A_575 : vector<64x128xf32> to vector<64x128xbf16>
      %dot_general3A_577 = arith.constant dense<0.000000e+00> : vector<128x64xf32>
      %dot_general3A_578 = tpu.matmul %convert_element_type3A_2, %convert_element_type3A_576, %dot_general3A_577 {dimension_numbers = #tpu.dot_dimension_numbers<[1], [1], [0], [0], [0, 0, 1, 0], [], []>, transpose_lhs_hint = false} : vector<128x128xbf16>, vector<64x128xbf16>, vector<128x64xf32> -> vector<128x64xf32>
      %concatenate3A_579 = tpu.concatenate %dot_general3A_572, %dot_general3A_578 in 1 : vector<128x64xf32>, vector<128x64xf32> -> vector<128x128xf32>
      %swap3A_580 = arith.constant 4480 : index
      %swap3A_581 = arith.constant 0 : index
      %swap3A_582 = vector.load %arg4[%swap3A_580, %swap3A_581] : memref<16128x128xf32, #tpu.memory_space<vmem>>, vector<128x128xf32>
      tpu.vector_store %arg4[%swap3A_580, %swap3A_581], %concatenate3A_579 {strides = array<i32>} : memref<16128x128xf32, #tpu.memory_space<vmem>>, vector<128x128xf32>,
      %get3A_583 = arith.constant 0 : index
      %get3A_584 = arith.constant 4608 : index
      %get3A_585 = vector.load %arg1[%get3A_583, %get3A_584] : memref<64x16128xf32, #tpu.memory_space<vmem>>, vector<64x128xf32>
      %convert_element_type3A_586 = arith.truncf %get3A_585 : vector<64x128xf32> to vector<64x128xbf16>
      %dot_general3A_587 = arith.constant dense<0.000000e+00> : vector<128x64xf32>
      %dot_general3A_588 = tpu.matmul %convert_element_type3A_2, %convert_element_type3A_586, %dot_general3A_587 {dimension_numbers = #tpu.dot_dimension_numbers<[1], [1], [0], [0], [0, 0, 1, 0], [], []>, transpose_lhs_hint = false} : vector<128x128xbf16>, vector<64x128xbf16>, vector<128x64xf32> -> vector<128x64xf32>
      %get3A_589 = arith.constant 0 : index
      %get3A_590 = arith.constant 4608 : index
      %get3A_591 = vector.load %arg2[%get3A_589, %get3A_590] : memref<64x16128xf32, #tpu.memory_space<vmem>>, vector<64x128xf32>
      %convert_element_type3A_592 = arith.truncf %get3A_591 : vector<64x128xf32> to vector<64x128xbf16>
      %dot_general3A_593 = arith.constant dense<0.000000e+00> : vector<128x64xf32>
      %dot_general3A_594 = tpu.matmul %convert_element_type3A_2, %convert_element_type3A_592, %dot_general3A_593 {dimension_numbers = #tpu.dot_dimension_numbers<[1], [1], [0], [0], [0, 0, 1, 0], [], []>, transpose_lhs_hint = false} : vector<128x128xbf16>, vector<64x128xbf16>, vector<128x64xf32> -> vector<128x64xf32>
      %concatenate3A_595 = tpu.concatenate %dot_general3A_588, %dot_general3A_594 in 1 : vector<128x64xf32>, vector<128x64xf32> -> vector<128x128xf32>
      %swap3A_596 = arith.constant 4608 : index
      %swap3A_597 = arith.constant 0 : index
      %swap3A_598 = vector.load %arg4[%swap3A_596, %swap3A_597] : memref<16128x128xf32, #tpu.memory_space<vmem>>, vector<128x128xf32>
      tpu.vector_store %arg4[%swap3A_596, %swap3A_597], %concatenate3A_595 {strides = array<i32>} : memref<16128x128xf32, #tpu.memory_space<vmem>>, vector<128x128xf32>,
      %get3A_599 = arith.constant 0 : index
      %get3A_600 = arith.constant 4736 : index
      %get3A_601 = vector.load %arg1[%get3A_599, %get3A_600] : memref<64x16128xf32, #tpu.memory_space<vmem>>, vector<64x128xf32>
      %convert_element_type3A_602 = arith.truncf %get3A_601 : vector<64x128xf32> to vector<64x128xbf16>
      %dot_general3A_603 = arith.constant dense<0.000000e+00> : vector<128x64xf32>
      %dot_general3A_604 = tpu.matmul %convert_element_type3A_2, %convert_element_type3A_602, %dot_general3A_603 {dimension_numbers = #tpu.dot_dimension_numbers<[1], [1], [0], [0], [0, 0, 1, 0], [], []>, transpose_lhs_hint = false} : vector<128x128xbf16>, vector<64x128xbf16>, vector<128x64xf32> -> vector<128x64xf32>
      %get3A_605 = arith.constant 0 : index
      %get3A_606 = arith.constant 4736 : index
      %get3A_607 = vector.load %arg2[%get3A_605, %get3A_606] : memref<64x16128xf32, #tpu.memory_space<vmem>>, vector<64x128xf32>
      %convert_element_type3A_608 = arith.truncf %get3A_607 : vector<64x128xf32> to vector<64x128xbf16>
      %dot_general3A_609 = arith.constant dense<0.000000e+00> : vector<128x64xf32>
      %dot_general3A_610 = tpu.matmul %convert_element_type3A_2, %convert_element_type3A_608, %dot_general3A_609 {dimension_numbers = #tpu.dot_dimension_numbers<[1], [1], [0], [0], [0, 0, 1, 0], [], []>, transpose_lhs_hint = false} : vector<128x128xbf16>, vector<64x128xbf16>, vector<128x64xf32> -> vector<128x64xf32>
      %concatenate3A_611 = tpu.concatenate %dot_general3A_604, %dot_general3A_610 in 1 : vector<128x64xf32>, vector<128x64xf32> -> vector<128x128xf32>
      %swap3A_612 = arith.constant 4736 : index
      %swap3A_613 = arith.constant 0 : index
      %swap3A_614 = vector.load %arg4[%swap3A_612, %swap3A_613] : memref<16128x128xf32, #tpu.memory_space<vmem>>, vector<128x128xf32>
      tpu.vector_store %arg4[%swap3A_612, %swap3A_613], %concatenate3A_611 {strides = array<i32>} : memref<16128x128xf32, #tpu.memory_space<vmem>>, vector<128x128xf32>,
      %get3A_615 = arith.constant 0 : index
      %get3A_616 = arith.constant 4864 : index
      %get3A_617 = vector.load %arg1[%get3A_615, %get3A_616] : memref<64x16128xf32, #tpu.memory_space<vmem>>, vector<64x128xf32>
      %convert_element_type3A_618 = arith.truncf %get3A_617 : vector<64x128xf32> to vector<64x128xbf16>
      %dot_general3A_619 = arith.constant dense<0.000000e+00> : vector<128x64xf32>
      %dot_general3A_620 = tpu.matmul %convert_element_type3A_2, %convert_element_type3A_618, %dot_general3A_619 {dimension_numbers = #tpu.dot_dimension_numbers<[1], [1], [0], [0], [0, 0, 1, 0], [], []>, transpose_lhs_hint = false} : vector<128x128xbf16>, vector<64x128xbf16>, vector<128x64xf32> -> vector<128x64xf32>
      %get3A_621 = arith.constant 0 : index
      %get3A_622 = arith.constant 4864 : index
      %get3A_623 = vector.load %arg2[%get3A_621, %get3A_622] : memref<64x16128xf32, #tpu.memory_space<vmem>>, vector<64x128xf32>
      %convert_element_type3A_624 = arith.truncf %get3A_623 : vector<64x128xf32> to vector<64x128xbf16>
      %dot_general3A_625 = arith.constant dense<0.000000e+00> : vector<128x64xf32>
      %dot_general3A_626 = tpu.matmul %convert_element_type3A_2, %convert_element_type3A_624, %dot_general3A_625 {dimension_numbers = #tpu.dot_dimension_numbers<[1], [1], [0], [0], [0, 0, 1, 0], [], []>, transpose_lhs_hint = false} : vector<128x128xbf16>, vector<64x128xbf16>, vector<128x64xf32> -> vector<128x64xf32>
      %concatenate3A_627 = tpu.concatenate %dot_general3A_620, %dot_general3A_626 in 1 : vector<128x64xf32>, vector<128x64xf32> -> vector<128x128xf32>
      %swap3A_628 = arith.constant 4864 : index
      %swap3A_629 = arith.constant 0 : index
      %swap3A_630 = vector.load %arg4[%swap3A_628, %swap3A_629] : memref<16128x128xf32, #tpu.memory_space<vmem>>, vector<128x128xf32>
      tpu.vector_store %arg4[%swap3A_628, %swap3A_629], %concatenate3A_627 {strides = array<i32>} : memref<16128x128xf32, #tpu.memory_space<vmem>>, vector<128x128xf32>,
      %get3A_631 = arith.constant 0 : index
      %get3A_632 = arith.constant 4992 : index
      %get3A_633 = vector.load %arg1[%get3A_631, %get3A_632] : memref<64x16128xf32, #tpu.memory_space<vmem>>, vector<64x128xf32>
      %convert_element_type3A_634 = arith.truncf %get3A_633 : vector<64x128xf32> to vector<64x128xbf16>
      %dot_general3A_635 = arith.constant dense<0.000000e+00> : vector<128x64xf32>
      %dot_general3A_636 = tpu.matmul %convert_element_type3A_2, %convert_element_type3A_634, %dot_general3A_635 {dimension_numbers = #tpu.dot_dimension_numbers<[1], [1], [0], [0], [0, 0, 1, 0], [], []>, transpose_lhs_hint = false} : vector<128x128xbf16>, vector<64x128xbf16>, vector<128x64xf32> -> vector<128x64xf32>
      %get3A_637 = arith.constant 0 : index
      %get3A_638 = arith.constant 4992 : index
      %get3A_639 = vector.load %arg2[%get3A_637, %get3A_638] : memref<64x16128xf32, #tpu.memory_space<vmem>>, vector<64x128xf32>
      %convert_element_type3A_640 = arith.truncf %get3A_639 : vector<64x128xf32> to vector<64x128xbf16>
      %dot_general3A_641 = arith.constant dense<0.000000e+00> : vector<128x64xf32>
      %dot_general3A_642 = tpu.matmul %convert_element_type3A_2, %convert_element_type3A_640, %dot_general3A_641 {dimension_numbers = #tpu.dot_dimension_numbers<[1], [1], [0], [0], [0, 0, 1, 0], [], []>, transpose_lhs_hint = false} : vector<128x128xbf16>, vector<64x128xbf16>, vector<128x64xf32> -> vector<128x64xf32>
      %concatenate3A_643 = tpu.concatenate %dot_general3A_636, %dot_general3A_642 in 1 : vector<128x64xf32>, vector<128x64xf32> -> vector<128x128xf32>
      %swap3A_644 = arith.constant 4992 : index
      %swap3A_645 = arith.constant 0 : index
      %swap3A_646 = vector.load %arg4[%swap3A_644, %swap3A_645] : memref<16128x128xf32, #tpu.memory_space<vmem>>, vector<128x128xf32>
      tpu.vector_store %arg4[%swap3A_644, %swap3A_645], %concatenate3A_643 {strides = array<i32>} : memref<16128x128xf32, #tpu.memory_space<vmem>>, vector<128x128xf32>,
      %get3A_647 = arith.constant 0 : index
      %get3A_648 = arith.constant 5120 : index
      %get3A_649 = vector.load %arg1[%get3A_647, %get3A_648] : memref<64x16128xf32, #tpu.memory_space<vmem>>, vector<64x128xf32>
      %convert_element_type3A_650 = arith.truncf %get3A_649 : vector<64x128xf32> to vector<64x128xbf16>
      %dot_general3A_651 = arith.constant dense<0.000000e+00> : vector<128x64xf32>
      %dot_general3A_652 = tpu.matmul %convert_element_type3A_2, %convert_element_type3A_650, %dot_general3A_651 {dimension_numbers = #tpu.dot_dimension_numbers<[1], [1], [0], [0], [0, 0, 1, 0], [], []>, transpose_lhs_hint = false} : vector<128x128xbf16>, vector<64x128xbf16>, vector<128x64xf32> -> vector<128x64xf32>
      %get3A_653 = arith.constant 0 : index
      %get3A_654 = arith.constant 5120 : index
      %get3A_655 = vector.load %arg2[%get3A_653, %get3A_654] : memref<64x16128xf32, #tpu.memory_space<vmem>>, vector<64x128xf32>
      %convert_element_type3A_656 = arith.truncf %get3A_655 : vector<64x128xf32> to vector<64x128xbf16>
      %dot_general3A_657 = arith.constant dense<0.000000e+00> : vector<128x64xf32>
      %dot_general3A_658 = tpu.matmul %convert_element_type3A_2, %convert_element_type3A_656, %dot_general3A_657 {dimension_numbers = #tpu.dot_dimension_numbers<[1], [1], [0], [0], [0, 0, 1, 0], [], []>, transpose_lhs_hint = false} : vector<128x128xbf16>, vector<64x128xbf16>, vector<128x64xf32> -> vector<128x64xf32>
      %concatenate3A_659 = tpu.concatenate %dot_general3A_652, %dot_general3A_658 in 1 : vector<128x64xf32>, vector<128x64xf32> -> vector<128x128xf32>
      %swap3A_660 = arith.constant 5120 : index
      %swap3A_661 = arith.constant 0 : index
      %swap3A_662 = vector.load %arg4[%swap3A_660, %swap3A_661] : memref<16128x128xf32, #tpu.memory_space<vmem>>, vector<128x128xf32>
      tpu.vector_store %arg4[%swap3A_660, %swap3A_661], %concatenate3A_659 {strides = array<i32>} : memref<16128x128xf32, #tpu.memory_space<vmem>>, vector<128x128xf32>,
      %get3A_663 = arith.constant 0 : index
      %get3A_664 = arith.constant 5248 : index
      %get3A_665 = vector.load %arg1[%get3A_663, %get3A_664] : memref<64x16128xf32, #tpu.memory_space<vmem>>, vector<64x128xf32>
      %convert_element_type3A_666 = arith.truncf %get3A_665 : vector<64x128xf32> to vector<64x128xbf16>
      %dot_general3A_667 = arith.constant dense<0.000000e+00> : vector<128x64xf32>
      %dot_general3A_668 = tpu.matmul %convert_element_type3A_2, %convert_element_type3A_666, %dot_general3A_667 {dimension_numbers = #tpu.dot_dimension_numbers<[1], [1], [0], [0], [0, 0, 1, 0], [], []>, transpose_lhs_hint = false} : vector<128x128xbf16>, vector<64x128xbf16>, vector<128x64xf32> -> vector<128x64xf32>
      %get3A_669 = arith.constant 0 : index
      %get3A_670 = arith.constant 5248 : index
      %get3A_671 = vector.load %arg2[%get3A_669, %get3A_670] : memref<64x16128xf32, #tpu.memory_space<vmem>>, vector<64x128xf32>
      %convert_element_type3A_672 = arith.truncf %get3A_671 : vector<64x128xf32> to vector<64x128xbf16>
      %dot_general3A_673 = arith.constant dense<0.000000e+00> : vector<128x64xf32>
      %dot_general3A_674 = tpu.matmul %convert_element_type3A_2, %convert_element_type3A_672, %dot_general3A_673 {dimension_numbers = #tpu.dot_dimension_numbers<[1], [1], [0], [0], [0, 0, 1, 0], [], []>, transpose_lhs_hint = false} : vector<128x128xbf16>, vector<64x128xbf16>, vector<128x64xf32> -> vector<128x64xf32>
      %concatenate3A_675 = tpu.concatenate %dot_general3A_668, %dot_general3A_674 in 1 : vector<128x64xf32>, vector<128x64xf32> -> vector<128x128xf32>
      %swap3A_676 = arith.constant 5248 : index
      %swap3A_677 = arith.constant 0 : index
      %swap3A_678 = vector.load %arg4[%swap3A_676, %swap3A_677] : memref<16128x128xf32, #tpu.memory_space<vmem>>, vector<128x128xf32>
      tpu.vector_store %arg4[%swap3A_676, %swap3A_677], %concatenate3A_675 {strides = array<i32>} : memref<16128x128xf32, #tpu.memory_space<vmem>>, vector<128x128xf32>,
      %get3A_679 = arith.constant 0 : index
      %get3A_680 = arith.constant 5376 : index
      %get3A_681 = vector.load %arg1[%get3A_679, %get3A_680] : memref<64x16128xf32, #tpu.memory_space<vmem>>, vector<64x128xf32>
      %convert_element_type3A_682 = arith.truncf %get3A_681 : vector<64x128xf32> to vector<64x128xbf16>
      %dot_general3A_683 = arith.constant dense<0.000000e+00> : vector<128x64xf32>
      %dot_general3A_684 = tpu.matmul %convert_element_type3A_2, %convert_element_type3A_682, %dot_general3A_683 {dimension_numbers = #tpu.dot_dimension_numbers<[1], [1], [0], [0], [0, 0, 1, 0], [], []>, transpose_lhs_hint = false} : vector<128x128xbf16>, vector<64x128xbf16>, vector<128x64xf32> -> vector<128x64xf32>
      %get3A_685 = arith.constant 0 : index
      %get3A_686 = arith.constant 5376 : index
      %get3A_687 = vector.load %arg2[%get3A_685, %get3A_686] : memref<64x16128xf32, #tpu.memory_space<vmem>>, vector<64x128xf32>
      %convert_element_type3A_688 = arith.truncf %get3A_687 : vector<64x128xf32> to vector<64x128xbf16>
      %dot_general3A_689 = arith.constant dense<0.000000e+00> : vector<128x64xf32>
      %dot_general3A_690 = tpu.matmul %convert_element_type3A_2, %convert_element_type3A_688, %dot_general3A_689 {dimension_numbers = #tpu.dot_dimension_numbers<[1], [1], [0], [0], [0, 0, 1, 0], [], []>, transpose_lhs_hint = false} : vector<128x128xbf16>, vector<64x128xbf16>, vector<128x64xf32> -> vector<128x64xf32>
      %concatenate3A_691 = tpu.concatenate %dot_general3A_684, %dot_general3A_690 in 1 : vector<128x64xf32>, vector<128x64xf32> -> vector<128x128xf32>
      %swap3A_692 = arith.constant 5376 : index
      %swap3A_693 = arith.constant 0 : index
      %swap3A_694 = vector.load %arg4[%swap3A_692, %swap3A_693] : memref<16128x128xf32, #tpu.memory_space<vmem>>, vector<128x128xf32>
      tpu.vector_store %arg4[%swap3A_692, %swap3A_693], %concatenate3A_691 {strides = array<i32>} : memref<16128x128xf32, #tpu.memory_space<vmem>>, vector<128x128xf32>,
      %get3A_695 = arith.constant 0 : index
      %get3A_696 = arith.constant 5504 : index
      %get3A_697 = vector.load %arg1[%get3A_695, %get3A_696] : memref<64x16128xf32, #tpu.memory_space<vmem>>, vector<64x128xf32>
      %convert_element_type3A_698 = arith.truncf %get3A_697 : vector<64x128xf32> to vector<64x128xbf16>
      %dot_general3A_699 = arith.constant dense<0.000000e+00> : vector<128x64xf32>
      %dot_general3A_700 = tpu.matmul %convert_element_type3A_2, %convert_element_type3A_698, %dot_general3A_699 {dimension_numbers = #tpu.dot_dimension_numbers<[1], [1], [0], [0], [0, 0, 1, 0], [], []>, transpose_lhs_hint = false} : vector<128x128xbf16>, vector<64x128xbf16>, vector<128x64xf32> -> vector<128x64xf32>
      %get3A_701 = arith.constant 0 : index
      %get3A_702 = arith.constant 5504 : index
      %get3A_703 = vector.load %arg2[%get3A_701, %get3A_702] : memref<64x16128xf32, #tpu.memory_space<vmem>>, vector<64x128xf32>
      %convert_element_type3A_704 = arith.truncf %get3A_703 : vector<64x128xf32> to vector<64x128xbf16>
      %dot_general3A_705 = arith.constant dense<0.000000e+00> : vector<128x64xf32>
      %dot_general3A_706 = tpu.matmul %convert_element_type3A_2, %convert_element_type3A_704, %dot_general3A_705 {dimension_numbers = #tpu.dot_dimension_numbers<[1], [1], [0], [0], [0, 0, 1, 0], [], []>, transpose_lhs_hint = false} : vector<128x128xbf16>, vector<64x128xbf16>, vector<128x64xf32> -> vector<128x64xf32>
      %concatenate3A_707 = tpu.concatenate %dot_general3A_700, %dot_general3A_706 in 1 : vector<128x64xf32>, vector<128x64xf32> -> vector<128x128xf32>
      %swap3A_708 = arith.constant 5504 : index
      %swap3A_709 = arith.constant 0 : index
      %swap3A_710 = vector.load %arg4[%swap3A_708, %swap3A_709] : memref<16128x128xf32, #tpu.memory_space<vmem>>, vector<128x128xf32>
      tpu.vector_store %arg4[%swap3A_708, %swap3A_709], %concatenate3A_707 {strides = array<i32>} : memref<16128x128xf32, #tpu.memory_space<vmem>>, vector<128x128xf32>,
      %get3A_711 = arith.constant 0 : index
      %get3A_712 = arith.constant 5632 : index
      %get3A_713 = vector.load %arg1[%get3A_711, %get3A_712] : memref<64x16128xf32, #tpu.memory_space<vmem>>, vector<64x128xf32>
      %convert_element_type3A_714 = arith.truncf %get3A_713 : vector<64x128xf32> to vector<64x128xbf16>
      %dot_general3A_715 = arith.constant dense<0.000000e+00> : vector<128x64xf32>
      %dot_general3A_716 = tpu.matmul %convert_element_type3A_2, %convert_element_type3A_714, %dot_general3A_715 {dimension_numbers = #tpu.dot_dimension_numbers<[1], [1], [0], [0], [0, 0, 1, 0], [], []>, transpose_lhs_hint = false} : vector<128x128xbf16>, vector<64x128xbf16>, vector<128x64xf32> -> vector<128x64xf32>
      %get3A_717 = arith.constant 0 : index
      %get3A_718 = arith.constant 5632 : index
      %get3A_719 = vector.load %arg2[%get3A_717, %get3A_718] : memref<64x16128xf32, #tpu.memory_space<vmem>>, vector<64x128xf32>
      %convert_element_type3A_720 = arith.truncf %get3A_719 : vector<64x128xf32> to vector<64x128xbf16>
      %dot_general3A_721 = arith.constant dense<0.000000e+00> : vector<128x64xf32>
      %dot_general3A_722 = tpu.matmul %convert_element_type3A_2, %convert_element_type3A_720, %dot_general3A_721 {dimension_numbers = #tpu.dot_dimension_numbers<[1], [1], [0], [0], [0, 0, 1, 0], [], []>, transpose_lhs_hint = false} : vector<128x128xbf16>, vector<64x128xbf16>, vector<128x64xf32> -> vector<128x64xf32>
      %concatenate3A_723 = tpu.concatenate %dot_general3A_716, %dot_general3A_722 in 1 : vector<128x64xf32>, vector<128x64xf32> -> vector<128x128xf32>
      %swap3A_724 = arith.constant 5632 : index
      %swap3A_725 = arith.constant 0 : index
      %swap3A_726 = vector.load %arg4[%swap3A_724, %swap3A_725] : memref<16128x128xf32, #tpu.memory_space<vmem>>, vector<128x128xf32>
      tpu.vector_store %arg4[%swap3A_724, %swap3A_725], %concatenate3A_723 {strides = array<i32>} : memref<16128x128xf32, #tpu.memory_space<vmem>>, vector<128x128xf32>,
      %get3A_727 = arith.constant 0 : index
      %get3A_728 = arith.constant 5760 : index
      %get3A_729 = vector.load %arg1[%get3A_727, %get3A_728] : memref<64x16128xf32, #tpu.memory_space<vmem>>, vector<64x128xf32>
      %convert_element_type3A_730 = arith.truncf %get3A_729 : vector<64x128xf32> to vector<64x128xbf16>
      %dot_general3A_731 = arith.constant dense<0.000000e+00> : vector<128x64xf32>
      %dot_general3A_732 = tpu.matmul %convert_element_type3A_2, %convert_element_type3A_730, %dot_general3A_731 {dimension_numbers = #tpu.dot_dimension_numbers<[1], [1], [0], [0], [0, 0, 1, 0], [], []>, transpose_lhs_hint = false} : vector<128x128xbf16>, vector<64x128xbf16>, vector<128x64xf32> -> vector<128x64xf32>
      %get3A_733 = arith.constant 0 : index
      %get3A_734 = arith.constant 5760 : index
      %get3A_735 = vector.load %arg2[%get3A_733, %get3A_734] : memref<64x16128xf32, #tpu.memory_space<vmem>>, vector<64x128xf32>
      %convert_element_type3A_736 = arith.truncf %get3A_735 : vector<64x128xf32> to vector<64x128xbf16>
      %dot_general3A_737 = arith.constant dense<0.000000e+00> : vector<128x64xf32>
      %dot_general3A_738 = tpu.matmul %convert_element_type3A_2, %convert_element_type3A_736, %dot_general3A_737 {dimension_numbers = #tpu.dot_dimension_numbers<[1], [1], [0], [0], [0, 0, 1, 0], [], []>, transpose_lhs_hint = false} : vector<128x128xbf16>, vector<64x128xbf16>, vector<128x64xf32> -> vector<128x64xf32>
      %concatenate3A_739 = tpu.concatenate %dot_general3A_732, %dot_general3A_738 in 1 : vector<128x64xf32>, vector<128x64xf32> -> vector<128x128xf32>
      %swap3A_740 = arith.constant 5760 : index
      %swap3A_741 = arith.constant 0 : index
      %swap3A_742 = vector.load %arg4[%swap3A_740, %swap3A_741] : memref<16128x128xf32, #tpu.memory_space<vmem>>, vector<128x128xf32>
      tpu.vector_store %arg4[%swap3A_740, %swap3A_741], %concatenate3A_739 {strides = array<i32>} : memref<16128x128xf32, #tpu.memory_space<vmem>>, vector<128x128xf32>,
      %get3A_743 = arith.constant 0 : index
      %get3A_744 = arith.constant 5888 : index
      %get3A_745 = vector.load %arg1[%get3A_743, %get3A_744] : memref<64x16128xf32, #tpu.memory_space<vmem>>, vector<64x128xf32>
      %convert_element_type3A_746 = arith.truncf %get3A_745 : vector<64x128xf32> to vector<64x128xbf16>
      %dot_general3A_747 = arith.constant dense<0.000000e+00> : vector<128x64xf32>
      %dot_general3A_748 = tpu.matmul %convert_element_type3A_2, %convert_element_type3A_746, %dot_general3A_747 {dimension_numbers = #tpu.dot_dimension_numbers<[1], [1], [0], [0], [0, 0, 1, 0], [], []>, transpose_lhs_hint = false} : vector<128x128xbf16>, vector<64x128xbf16>, vector<128x64xf32> -> vector<128x64xf32>
      %get3A_749 = arith.constant 0 : index
      %get3A_750 = arith.constant 5888 : index
      %get3A_751 = vector.load %arg2[%get3A_749, %get3A_750] : memref<64x16128xf32, #tpu.memory_space<vmem>>, vector<64x128xf32>
      %convert_element_type3A_752 = arith.truncf %get3A_751 : vector<64x128xf32> to vector<64x128xbf16>
      %dot_general3A_753 = arith.constant dense<0.000000e+00> : vector<128x64xf32>
      %dot_general3A_754 = tpu.matmul %convert_element_type3A_2, %convert_element_type3A_752, %dot_general3A_753 {dimension_numbers = #tpu.dot_dimension_numbers<[1], [1], [0], [0], [0, 0, 1, 0], [], []>, transpose_lhs_hint = false} : vector<128x128xbf16>, vector<64x128xbf16>, vector<128x64xf32> -> vector<128x64xf32>
      %concatenate3A_755 = tpu.concatenate %dot_general3A_748, %dot_general3A_754 in 1 : vector<128x64xf32>, vector<128x64xf32> -> vector<128x128xf32>
      %swap3A_756 = arith.constant 5888 : index
      %swap3A_757 = arith.constant 0 : index
      %swap3A_758 = vector.load %arg4[%swap3A_756, %swap3A_757] : memref<16128x128xf32, #tpu.memory_space<vmem>>, vector<128x128xf32>
      tpu.vector_store %arg4[%swap3A_756, %swap3A_757], %concatenate3A_755 {strides = array<i32>} : memref<16128x128xf32, #tpu.memory_space<vmem>>, vector<128x128xf32>,
      %get3A_759 = arith.constant 0 : index
      %get3A_760 = arith.constant 6016 : index
      %get3A_761 = vector.load %arg1[%get3A_759, %get3A_760] : memref<64x16128xf32, #tpu.memory_space<vmem>>, vector<64x128xf32>
      %convert_element_type3A_762 = arith.truncf %get3A_761 : vector<64x128xf32> to vector<64x128xbf16>
      %dot_general3A_763 = arith.constant dense<0.000000e+00> : vector<128x64xf32>
      %dot_general3A_764 = tpu.matmul %convert_element_type3A_2, %convert_element_type3A_762, %dot_general3A_763 {dimension_numbers = #tpu.dot_dimension_numbers<[1], [1], [0], [0], [0, 0, 1, 0], [], []>, transpose_lhs_hint = false} : vector<128x128xbf16>, vector<64x128xbf16>, vector<128x64xf32> -> vector<128x64xf32>
      %get3A_765 = arith.constant 0 : index
      %get3A_766 = arith.constant 6016 : index
      %get3A_767 = vector.load %arg2[%get3A_765, %get3A_766] : memref<64x16128xf32, #tpu.memory_space<vmem>>, vector<64x128xf32>
      %convert_element_type3A_768 = arith.truncf %get3A_767 : vector<64x128xf32> to vector<64x128xbf16>
      %dot_general3A_769 = arith.constant dense<0.000000e+00> : vector<128x64xf32>
      %dot_general3A_770 = tpu.matmul %convert_element_type3A_2, %convert_element_type3A_768, %dot_general3A_769 {dimension_numbers = #tpu.dot_dimension_numbers<[1], [1], [0], [0], [0, 0, 1, 0], [], []>, transpose_lhs_hint = false} : vector<128x128xbf16>, vector<64x128xbf16>, vector<128x64xf32> -> vector<128x64xf32>
      %concatenate3A_771 = tpu.concatenate %dot_general3A_764, %dot_general3A_770 in 1 : vector<128x64xf32>, vector<128x64xf32> -> vector<128x128xf32>
      %swap3A_772 = arith.constant 6016 : index
      %swap3A_773 = arith.constant 0 : index
      %swap3A_774 = vector.load %arg4[%swap3A_772, %swap3A_773] : memref<16128x128xf32, #tpu.memory_space<vmem>>, vector<128x128xf32>
      tpu.vector_store %arg4[%swap3A_772, %swap3A_773], %concatenate3A_771 {strides = array<i32>} : memref<16128x128xf32, #tpu.memory_space<vmem>>, vector<128x128xf32>,
      %get3A_775 = arith.constant 0 : index
      %get3A_776 = arith.constant 6144 : index
      %get3A_777 = vector.load %arg1[%get3A_775, %get3A_776] : memref<64x16128xf32, #tpu.memory_space<vmem>>, vector<64x128xf32>
      %convert_element_type3A_778 = arith.truncf %get3A_777 : vector<64x128xf32> to vector<64x128xbf16>
      %dot_general3A_779 = arith.constant dense<0.000000e+00> : vector<128x64xf32>
      %dot_general3A_780 = tpu.matmul %convert_element_type3A_2, %convert_element_type3A_778, %dot_general3A_779 {dimension_numbers = #tpu.dot_dimension_numbers<[1], [1], [0], [0], [0, 0, 1, 0], [], []>, transpose_lhs_hint = false} : vector<128x128xbf16>, vector<64x128xbf16>, vector<128x64xf32> -> vector<128x64xf32>
      %get3A_781 = arith.constant 0 : index
      %get3A_782 = arith.constant 6144 : index
      %get3A_783 = vector.load %arg2[%get3A_781, %get3A_782] : memref<64x16128xf32, #tpu.memory_space<vmem>>, vector<64x128xf32>
      %convert_element_type3A_784 = arith.truncf %get3A_783 : vector<64x128xf32> to vector<64x128xbf16>
      %dot_general3A_785 = arith.constant dense<0.000000e+00> : vector<128x64xf32>
      %dot_general3A_786 = tpu.matmul %convert_element_type3A_2, %convert_element_type3A_784, %dot_general3A_785 {dimension_numbers = #tpu.dot_dimension_numbers<[1], [1], [0], [0], [0, 0, 1, 0], [], []>, transpose_lhs_hint = false} : vector<128x128xbf16>, vector<64x128xbf16>, vector<128x64xf32> -> vector<128x64xf32>
      %concatenate3A_787 = tpu.concatenate %dot_general3A_780, %dot_general3A_786 in 1 : vector<128x64xf32>, vector<128x64xf32> -> vector<128x128xf32>
      %swap3A_788 = arith.constant 6144 : index
      %swap3A_789 = arith.constant 0 : index
      %swap3A_790 = vector.load %arg4[%swap3A_788, %swap3A_789] : memref<16128x128xf32, #tpu.memory_space<vmem>>, vector<128x128xf32>
      tpu.vector_store %arg4[%swap3A_788, %swap3A_789], %concatenate3A_787 {strides = array<i32>} : memref<16128x128xf32, #tpu.memory_space<vmem>>, vector<128x128xf32>,
      %get3A_791 = arith.constant 0 : index
      %get3A_792 = arith.constant 6272 : index
      %get3A_793 = vector.load %arg1[%get3A_791, %get3A_792] : memref<64x16128xf32, #tpu.memory_space<vmem>>, vector<64x128xf32>
      %convert_element_type3A_794 = arith.truncf %get3A_793 : vector<64x128xf32> to vector<64x128xbf16>
      %dot_general3A_795 = arith.constant dense<0.000000e+00> : vector<128x64xf32>
      %dot_general3A_796 = tpu.matmul %convert_element_type3A_2, %convert_element_type3A_794, %dot_general3A_795 {dimension_numbers = #tpu.dot_dimension_numbers<[1], [1], [0], [0], [0, 0, 1, 0], [], []>, transpose_lhs_hint = false} : vector<128x128xbf16>, vector<64x128xbf16>, vector<128x64xf32> -> vector<128x64xf32>
      %get3A_797 = arith.constant 0 : index
      %get3A_798 = arith.constant 6272 : index
      %get3A_799 = vector.load %arg2[%get3A_797, %get3A_798] : memref<64x16128xf32, #tpu.memory_space<vmem>>, vector<64x128xf32>
      %convert_element_type3A_800 = arith.truncf %get3A_799 : vector<64x128xf32> to vector<64x128xbf16>
      %dot_general3A_801 = arith.constant dense<0.000000e+00> : vector<128x64xf32>
      %dot_general3A_802 = tpu.matmul %convert_element_type3A_2, %convert_element_type3A_800, %dot_general3A_801 {dimension_numbers = #tpu.dot_dimension_numbers<[1], [1], [0], [0], [0, 0, 1, 0], [], []>, transpose_lhs_hint = false} : vector<128x128xbf16>, vector<64x128xbf16>, vector<128x64xf32> -> vector<128x64xf32>
      %concatenate3A_803 = tpu.concatenate %dot_general3A_796, %dot_general3A_802 in 1 : vector<128x64xf32>, vector<128x64xf32> -> vector<128x128xf32>
      %swap3A_804 = arith.constant 6272 : index
      %swap3A_805 = arith.constant 0 : index
      %swap3A_806 = vector.load %arg4[%swap3A_804, %swap3A_805] : memref<16128x128xf32, #tpu.memory_space<vmem>>, vector<128x128xf32>
      tpu.vector_store %arg4[%swap3A_804, %swap3A_805], %concatenate3A_803 {strides = array<i32>} : memref<16128x128xf32, #tpu.memory_space<vmem>>, vector<128x128xf32>,
      %get3A_807 = arith.constant 0 : index
      %get3A_808 = arith.constant 6400 : index
      %get3A_809 = vector.load %arg1[%get3A_807, %get3A_808] : memref<64x16128xf32, #tpu.memory_space<vmem>>, vector<64x128xf32>
      %convert_element_type3A_810 = arith.truncf %get3A_809 : vector<64x128xf32> to vector<64x128xbf16>
      %dot_general3A_811 = arith.constant dense<0.000000e+00> : vector<128x64xf32>
      %dot_general3A_812 = tpu.matmul %convert_element_type3A_2, %convert_element_type3A_810, %dot_general3A_811 {dimension_numbers = #tpu.dot_dimension_numbers<[1], [1], [0], [0], [0, 0, 1, 0], [], []>, transpose_lhs_hint = false} : vector<128x128xbf16>, vector<64x128xbf16>, vector<128x64xf32> -> vector<128x64xf32>
      %get3A_813 = arith.constant 0 : index
      %get3A_814 = arith.constant 6400 : index
      %get3A_815 = vector.load %arg2[%get3A_813, %get3A_814] : memref<64x16128xf32, #tpu.memory_space<vmem>>, vector<64x128xf32>
      %convert_element_type3A_816 = arith.truncf %get3A_815 : vector<64x128xf32> to vector<64x128xbf16>
      %dot_general3A_817 = arith.constant dense<0.000000e+00> : vector<128x64xf32>
      %dot_general3A_818 = tpu.matmul %convert_element_type3A_2, %convert_element_type3A_816, %dot_general3A_817 {dimension_numbers = #tpu.dot_dimension_numbers<[1], [1], [0], [0], [0, 0, 1, 0], [], []>, transpose_lhs_hint = false} : vector<128x128xbf16>, vector<64x128xbf16>, vector<128x64xf32> -> vector<128x64xf32>
      %concatenate3A_819 = tpu.concatenate %dot_general3A_812, %dot_general3A_818 in 1 : vector<128x64xf32>, vector<128x64xf32> -> vector<128x128xf32>
      %swap3A_820 = arith.constant 6400 : index
      %swap3A_821 = arith.constant 0 : index
      %swap3A_822 = vector.load %arg4[%swap3A_820, %swap3A_821] : memref<16128x128xf32, #tpu.memory_space<vmem>>, vector<128x128xf32>
      tpu.vector_store %arg4[%swap3A_820, %swap3A_821], %concatenate3A_819 {strides = array<i32>} : memref<16128x128xf32, #tpu.memory_space<vmem>>, vector<128x128xf32>,
      %get3A_823 = arith.constant 0 : index
      %get3A_824 = arith.constant 6528 : index
      %get3A_825 = vector.load %arg1[%get3A_823, %get3A_824] : memref<64x16128xf32, #tpu.memory_space<vmem>>, vector<64x128xf32>
      %convert_element_type3A_826 = arith.truncf %get3A_825 : vector<64x128xf32> to vector<64x128xbf16>
      %dot_general3A_827 = arith.constant dense<0.000000e+00> : vector<128x64xf32>
      %dot_general3A_828 = tpu.matmul %convert_element_type3A_2, %convert_element_type3A_826, %dot_general3A_827 {dimension_numbers = #tpu.dot_dimension_numbers<[1], [1], [0], [0], [0, 0, 1, 0], [], []>, transpose_lhs_hint = false} : vector<128x128xbf16>, vector<64x128xbf16>, vector<128x64xf32> -> vector<128x64xf32>
      %get3A_829 = arith.constant 0 : index
      %get3A_830 = arith.constant 6528 : index
      %get3A_831 = vector.load %arg2[%get3A_829, %get3A_830] : memref<64x16128xf32, #tpu.memory_space<vmem>>, vector<64x128xf32>
      %convert_element_type3A_832 = arith.truncf %get3A_831 : vector<64x128xf32> to vector<64x128xbf16>
      %dot_general3A_833 = arith.constant dense<0.000000e+00> : vector<128x64xf32>
      %dot_general3A_834 = tpu.matmul %convert_element_type3A_2, %convert_element_type3A_832, %dot_general3A_833 {dimension_numbers = #tpu.dot_dimension_numbers<[1], [1], [0], [0], [0, 0, 1, 0], [], []>, transpose_lhs_hint = false} : vector<128x128xbf16>, vector<64x128xbf16>, vector<128x64xf32> -> vector<128x64xf32>
      %concatenate3A_835 = tpu.concatenate %dot_general3A_828, %dot_general3A_834 in 1 : vector<128x64xf32>, vector<128x64xf32> -> vector<128x128xf32>
      %swap3A_836 = arith.constant 6528 : index
      %swap3A_837 = arith.constant 0 : index
      %swap3A_838 = vector.load %arg4[%swap3A_836, %swap3A_837] : memref<16128x128xf32, #tpu.memory_space<vmem>>, vector<128x128xf32>
      tpu.vector_store %arg4[%swap3A_836, %swap3A_837], %concatenate3A_835 {strides = array<i32>} : memref<16128x128xf32, #tpu.memory_space<vmem>>, vector<128x128xf32>,
      %get3A_839 = arith.constant 0 : index
      %get3A_840 = arith.constant 6656 : index
      %get3A_841 = vector.load %arg1[%get3A_839, %get3A_840] : memref<64x16128xf32, #tpu.memory_space<vmem>>, vector<64x128xf32>
      %convert_element_type3A_842 = arith.truncf %get3A_841 : vector<64x128xf32> to vector<64x128xbf16>
      %dot_general3A_843 = arith.constant dense<0.000000e+00> : vector<128x64xf32>
      %dot_general3A_844 = tpu.matmul %convert_element_type3A_2, %convert_element_type3A_842, %dot_general3A_843 {dimension_numbers = #tpu.dot_dimension_numbers<[1], [1], [0], [0], [0, 0, 1, 0], [], []>, transpose_lhs_hint = false} : vector<128x128xbf16>, vector<64x128xbf16>, vector<128x64xf32> -> vector<128x64xf32>
      %get3A_845 = arith.constant 0 : index
      %get3A_846 = arith.constant 6656 : index
      %get3A_847 = vector.load %arg2[%get3A_845, %get3A_846] : memref<64x16128xf32, #tpu.memory_space<vmem>>, vector<64x128xf32>
      %convert_element_type3A_848 = arith.truncf %get3A_847 : vector<64x128xf32> to vector<64x128xbf16>
      %dot_general3A_849 = arith.constant dense<0.000000e+00> : vector<128x64xf32>
      %dot_general3A_850 = tpu.matmul %convert_element_type3A_2, %convert_element_type3A_848, %dot_general3A_849 {dimension_numbers = #tpu.dot_dimension_numbers<[1], [1], [0], [0], [0, 0, 1, 0], [], []>, transpose_lhs_hint = false} : vector<128x128xbf16>, vector<64x128xbf16>, vector<128x64xf32> -> vector<128x64xf32>
      %concatenate3A_851 = tpu.concatenate %dot_general3A_844, %dot_general3A_850 in 1 : vector<128x64xf32>, vector<128x64xf32> -> vector<128x128xf32>
      %swap3A_852 = arith.constant 6656 : index
      %swap3A_853 = arith.constant 0 : index
      %swap3A_854 = vector.load %arg4[%swap3A_852, %swap3A_853] : memref<16128x128xf32, #tpu.memory_space<vmem>>, vector<128x128xf32>
      tpu.vector_store %arg4[%swap3A_852, %swap3A_853], %concatenate3A_851 {strides = array<i32>} : memref<16128x128xf32, #tpu.memory_space<vmem>>, vector<128x128xf32>,
      %get3A_855 = arith.constant 0 : index
      %get3A_856 = arith.constant 6784 : index
      %get3A_857 = vector.load %arg1[%get3A_855, %get3A_856] : memref<64x16128xf32, #tpu.memory_space<vmem>>, vector<64x128xf32>
      %convert_element_type3A_858 = arith.truncf %get3A_857 : vector<64x128xf32> to vector<64x128xbf16>
      %dot_general3A_859 = arith.constant dense<0.000000e+00> : vector<128x64xf32>
      %dot_general3A_860 = tpu.matmul %convert_element_type3A_2, %convert_element_type3A_858, %dot_general3A_859 {dimension_numbers = #tpu.dot_dimension_numbers<[1], [1], [0], [0], [0, 0, 1, 0], [], []>, transpose_lhs_hint = false} : vector<128x128xbf16>, vector<64x128xbf16>, vector<128x64xf32> -> vector<128x64xf32>
      %get3A_861 = arith.constant 0 : index
      %get3A_862 = arith.constant 6784 : index
      %get3A_863 = vector.load %arg2[%get3A_861, %get3A_862] : memref<64x16128xf32, #tpu.memory_space<vmem>>, vector<64x128xf32>
      %convert_element_type3A_864 = arith.truncf %get3A_863 : vector<64x128xf32> to vector<64x128xbf16>
      %dot_general3A_865 = arith.constant dense<0.000000e+00> : vector<128x64xf32>
      %dot_general3A_866 = tpu.matmul %convert_element_type3A_2, %convert_element_type3A_864, %dot_general3A_865 {dimension_numbers = #tpu.dot_dimension_numbers<[1], [1], [0], [0], [0, 0, 1, 0], [], []>, transpose_lhs_hint = false} : vector<128x128xbf16>, vector<64x128xbf16>, vector<128x64xf32> -> vector<128x64xf32>
      %concatenate3A_867 = tpu.concatenate %dot_general3A_860, %dot_general3A_866 in 1 : vector<128x64xf32>, vector<128x64xf32> -> vector<128x128xf32>
      %swap3A_868 = arith.constant 6784 : index
      %swap3A_869 = arith.constant 0 : index
      %swap3A_870 = vector.load %arg4[%swap3A_868, %swap3A_869] : memref<16128x128xf32, #tpu.memory_space<vmem>>, vector<128x128xf32>
      tpu.vector_store %arg4[%swap3A_868, %swap3A_869], %concatenate3A_867 {strides = array<i32>} : memref<16128x128xf32, #tpu.memory_space<vmem>>, vector<128x128xf32>,
      %get3A_871 = arith.constant 0 : index
      %get3A_872 = arith.constant 6912 : index
      %get3A_873 = vector.load %arg1[%get3A_871, %get3A_872] : memref<64x16128xf32, #tpu.memory_space<vmem>>, vector<64x128xf32>
      %convert_element_type3A_874 = arith.truncf %get3A_873 : vector<64x128xf32> to vector<64x128xbf16>
      %dot_general3A_875 = arith.constant dense<0.000000e+00> : vector<128x64xf32>
      %dot_general3A_876 = tpu.matmul %convert_element_type3A_2, %convert_element_type3A_874, %dot_general3A_875 {dimension_numbers = #tpu.dot_dimension_numbers<[1], [1], [0], [0], [0, 0, 1, 0], [], []>, transpose_lhs_hint = false} : vector<128x128xbf16>, vector<64x128xbf16>, vector<128x64xf32> -> vector<128x64xf32>
      %get3A_877 = arith.constant 0 : index
      %get3A_878 = arith.constant 6912 : index
      %get3A_879 = vector.load %arg2[%get3A_877, %get3A_878] : memref<64x16128xf32, #tpu.memory_space<vmem>>, vector<64x128xf32>
      %convert_element_type3A_880 = arith.truncf %get3A_879 : vector<64x128xf32> to vector<64x128xbf16>
      %dot_general3A_881 = arith.constant dense<0.000000e+00> : vector<128x64xf32>
      %dot_general3A_882 = tpu.matmul %convert_element_type3A_2, %convert_element_type3A_880, %dot_general3A_881 {dimension_numbers = #tpu.dot_dimension_numbers<[1], [1], [0], [0], [0, 0, 1, 0], [], []>, transpose_lhs_hint = false} : vector<128x128xbf16>, vector<64x128xbf16>, vector<128x64xf32> -> vector<128x64xf32>
      %concatenate3A_883 = tpu.concatenate %dot_general3A_876, %dot_general3A_882 in 1 : vector<128x64xf32>, vector<128x64xf32> -> vector<128x128xf32>
      %swap3A_884 = arith.constant 6912 : index
      %swap3A_885 = arith.constant 0 : index
      %swap3A_886 = vector.load %arg4[%swap3A_884, %swap3A_885] : memref<16128x128xf32, #tpu.memory_space<vmem>>, vector<128x128xf32>
      tpu.vector_store %arg4[%swap3A_884, %swap3A_885], %concatenate3A_883 {strides = array<i32>} : memref<16128x128xf32, #tpu.memory_space<vmem>>, vector<128x128xf32>,
      %get3A_887 = arith.constant 0 : index
      %get3A_888 = arith.constant 7040 : index
      %get3A_889 = vector.load %arg1[%get3A_887, %get3A_888] : memref<64x16128xf32, #tpu.memory_space<vmem>>, vector<64x128xf32>
      %convert_element_type3A_890 = arith.truncf %get3A_889 : vector<64x128xf32> to vector<64x128xbf16>
      %dot_general3A_891 = arith.constant dense<0.000000e+00> : vector<128x64xf32>
      %dot_general3A_892 = tpu.matmul %convert_element_type3A_2, %convert_element_type3A_890, %dot_general3A_891 {dimension_numbers = #tpu.dot_dimension_numbers<[1], [1], [0], [0], [0, 0, 1, 0], [], []>, transpose_lhs_hint = false} : vector<128x128xbf16>, vector<64x128xbf16>, vector<128x64xf32> -> vector<128x64xf32>
      %get3A_893 = arith.constant 0 : index
      %get3A_894 = arith.constant 7040 : index
      %get3A_895 = vector.load %arg2[%get3A_893, %get3A_894] : memref<64x16128xf32, #tpu.memory_space<vmem>>, vector<64x128xf32>
      %convert_element_type3A_896 = arith.truncf %get3A_895 : vector<64x128xf32> to vector<64x128xbf16>
      %dot_general3A_897 = arith.constant dense<0.000000e+00> : vector<128x64xf32>
      %dot_general3A_898 = tpu.matmul %convert_element_type3A_2, %convert_element_type3A_896, %dot_general3A_897 {dimension_numbers = #tpu.dot_dimension_numbers<[1], [1], [0], [0], [0, 0, 1, 0], [], []>, transpose_lhs_hint = false} : vector<128x128xbf16>, vector<64x128xbf16>, vector<128x64xf32> -> vector<128x64xf32>
      %concatenate3A_899 = tpu.concatenate %dot_general3A_892, %dot_general3A_898 in 1 : vector<128x64xf32>, vector<128x64xf32> -> vector<128x128xf32>
      %swap3A_900 = arith.constant 7040 : index
      %swap3A_901 = arith.constant 0 : index
      %swap3A_902 = vector.load %arg4[%swap3A_900, %swap3A_901] : memref<16128x128xf32, #tpu.memory_space<vmem>>, vector<128x128xf32>
      tpu.vector_store %arg4[%swap3A_900, %swap3A_901], %concatenate3A_899 {strides = array<i32>} : memref<16128x128xf32, #tpu.memory_space<vmem>>, vector<128x128xf32>,
      %get3A_903 = arith.constant 0 : index
      %get3A_904 = arith.constant 7168 : index
      %get3A_905 = vector.load %arg1[%get3A_903, %get3A_904] : memref<64x16128xf32, #tpu.memory_space<vmem>>, vector<64x128xf32>
      %convert_element_type3A_906 = arith.truncf %get3A_905 : vector<64x128xf32> to vector<64x128xbf16>
      %dot_general3A_907 = arith.constant dense<0.000000e+00> : vector<128x64xf32>
      %dot_general3A_908 = tpu.matmul %convert_element_type3A_2, %convert_element_type3A_906, %dot_general3A_907 {dimension_numbers = #tpu.dot_dimension_numbers<[1], [1], [0], [0], [0, 0, 1, 0], [], []>, transpose_lhs_hint = false} : vector<128x128xbf16>, vector<64x128xbf16>, vector<128x64xf32> -> vector<128x64xf32>
      %get3A_909 = arith.constant 0 : index
      %get3A_910 = arith.constant 7168 : index
      %get3A_911 = vector.load %arg2[%get3A_909, %get3A_910] : memref<64x16128xf32, #tpu.memory_space<vmem>>, vector<64x128xf32>
      %convert_element_type3A_912 = arith.truncf %get3A_911 : vector<64x128xf32> to vector<64x128xbf16>
      %dot_general3A_913 = arith.constant dense<0.000000e+00> : vector<128x64xf32>
      %dot_general3A_914 = tpu.matmul %convert_element_type3A_2, %convert_element_type3A_912, %dot_general3A_913 {dimension_numbers = #tpu.dot_dimension_numbers<[1], [1], [0], [0], [0, 0, 1, 0], [], []>, transpose_lhs_hint = false} : vector<128x128xbf16>, vector<64x128xbf16>, vector<128x64xf32> -> vector<128x64xf32>
      %concatenate3A_915 = tpu.concatenate %dot_general3A_908, %dot_general3A_914 in 1 : vector<128x64xf32>, vector<128x64xf32> -> vector<128x128xf32>
      %swap3A_916 = arith.constant 7168 : index
      %swap3A_917 = arith.constant 0 : index
      %swap3A_918 = vector.load %arg4[%swap3A_916, %swap3A_917] : memref<16128x128xf32, #tpu.memory_space<vmem>>, vector<128x128xf32>
      tpu.vector_store %arg4[%swap3A_916, %swap3A_917], %concatenate3A_915 {strides = array<i32>} : memref<16128x128xf32, #tpu.memory_space<vmem>>, vector<128x128xf32>,
      %get3A_919 = arith.constant 0 : index
      %get3A_920 = arith.constant 7296 : index
      %get3A_921 = vector.load %arg1[%get3A_919, %get3A_920] : memref<64x16128xf32, #tpu.memory_space<vmem>>, vector<64x128xf32>
      %convert_element_type3A_922 = arith.truncf %get3A_921 : vector<64x128xf32> to vector<64x128xbf16>
      %dot_general3A_923 = arith.constant dense<0.000000e+00> : vector<128x64xf32>
      %dot_general3A_924 = tpu.matmul %convert_element_type3A_2, %convert_element_type3A_922, %dot_general3A_923 {dimension_numbers = #tpu.dot_dimension_numbers<[1], [1], [0], [0], [0, 0, 1, 0], [], []>, transpose_lhs_hint = false} : vector<128x128xbf16>, vector<64x128xbf16>, vector<128x64xf32> -> vector<128x64xf32>
      %get3A_925 = arith.constant 0 : index
      %get3A_926 = arith.constant 7296 : index
      %get3A_927 = vector.load %arg2[%get3A_925, %get3A_926] : memref<64x16128xf32, #tpu.memory_space<vmem>>, vector<64x128xf32>
      %convert_element_type3A_928 = arith.truncf %get3A_927 : vector<64x128xf32> to vector<64x128xbf16>
      %dot_general3A_929 = arith.constant dense<0.000000e+00> : vector<128x64xf32>
      %dot_general3A_930 = tpu.matmul %convert_element_type3A_2, %convert_element_type3A_928, %dot_general3A_929 {dimension_numbers = #tpu.dot_dimension_numbers<[1], [1], [0], [0], [0, 0, 1, 0], [], []>, transpose_lhs_hint = false} : vector<128x128xbf16>, vector<64x128xbf16>, vector<128x64xf32> -> vector<128x64xf32>
      %concatenate3A_931 = tpu.concatenate %dot_general3A_924, %dot_general3A_930 in 1 : vector<128x64xf32>, vector<128x64xf32> -> vector<128x128xf32>
      %swap3A_932 = arith.constant 7296 : index
      %swap3A_933 = arith.constant 0 : index
      %swap3A_934 = vector.load %arg4[%swap3A_932, %swap3A_933] : memref<16128x128xf32, #tpu.memory_space<vmem>>, vector<128x128xf32>
      tpu.vector_store %arg4[%swap3A_932, %swap3A_933], %concatenate3A_931 {strides = array<i32>} : memref<16128x128xf32, #tpu.memory_space<vmem>>, vector<128x128xf32>,
      %get3A_935 = arith.constant 0 : index
      %get3A_936 = arith.constant 7424 : index
      %get3A_937 = vector.load %arg1[%get3A_935, %get3A_936] : memref<64x16128xf32, #tpu.memory_space<vmem>>, vector<64x128xf32>
      %convert_element_type3A_938 = arith.truncf %get3A_937 : vector<64x128xf32> to vector<64x128xbf16>
      %dot_general3A_939 = arith.constant dense<0.000000e+00> : vector<128x64xf32>
      %dot_general3A_940 = tpu.matmul %convert_element_type3A_2, %convert_element_type3A_938, %dot_general3A_939 {dimension_numbers = #tpu.dot_dimension_numbers<[1], [1], [0], [0], [0, 0, 1, 0], [], []>, transpose_lhs_hint = false} : vector<128x128xbf16>, vector<64x128xbf16>, vector<128x64xf32> -> vector<128x64xf32>
      %get3A_941 = arith.constant 0 : index
      %get3A_942 = arith.constant 7424 : index
      %get3A_943 = vector.load %arg2[%get3A_941, %get3A_942] : memref<64x16128xf32, #tpu.memory_space<vmem>>, vector<64x128xf32>
      %convert_element_type3A_944 = arith.truncf %get3A_943 : vector<64x128xf32> to vector<64x128xbf16>
      %dot_general3A_945 = arith.constant dense<0.000000e+00> : vector<128x64xf32>
      %dot_general3A_946 = tpu.matmul %convert_element_type3A_2, %convert_element_type3A_944, %dot_general3A_945 {dimension_numbers = #tpu.dot_dimension_numbers<[1], [1], [0], [0], [0, 0, 1, 0], [], []>, transpose_lhs_hint = false} : vector<128x128xbf16>, vector<64x128xbf16>, vector<128x64xf32> -> vector<128x64xf32>
      %concatenate3A_947 = tpu.concatenate %dot_general3A_940, %dot_general3A_946 in 1 : vector<128x64xf32>, vector<128x64xf32> -> vector<128x128xf32>
      %swap3A_948 = arith.constant 7424 : index
      %swap3A_949 = arith.constant 0 : index
      %swap3A_950 = vector.load %arg4[%swap3A_948, %swap3A_949] : memref<16128x128xf32, #tpu.memory_space<vmem>>, vector<128x128xf32>
      tpu.vector_store %arg4[%swap3A_948, %swap3A_949], %concatenate3A_947 {strides = array<i32>} : memref<16128x128xf32, #tpu.memory_space<vmem>>, vector<128x128xf32>,
      %get3A_951 = arith.constant 0 : index
      %get3A_952 = arith.constant 7552 : index
      %get3A_953 = vector.load %arg1[%get3A_951, %get3A_952] : memref<64x16128xf32, #tpu.memory_space<vmem>>, vector<64x128xf32>
      %convert_element_type3A_954 = arith.truncf %get3A_953 : vector<64x128xf32> to vector<64x128xbf16>
      %dot_general3A_955 = arith.constant dense<0.000000e+00> : vector<128x64xf32>
      %dot_general3A_956 = tpu.matmul %convert_element_type3A_2, %convert_element_type3A_954, %dot_general3A_955 {dimension_numbers = #tpu.dot_dimension_numbers<[1], [1], [0], [0], [0, 0, 1, 0], [], []>, transpose_lhs_hint = false} : vector<128x128xbf16>, vector<64x128xbf16>, vector<128x64xf32> -> vector<128x64xf32>
      %get3A_957 = arith.constant 0 : index
      %get3A_958 = arith.constant 7552 : index
      %get3A_959 = vector.load %arg2[%get3A_957, %get3A_958] : memref<64x16128xf32, #tpu.memory_space<vmem>>, vector<64x128xf32>
      %convert_element_type3A_960 = arith.truncf %get3A_959 : vector<64x128xf32> to vector<64x128xbf16>
      %dot_general3A_961 = arith.constant dense<0.000000e+00> : vector<128x64xf32>
      %dot_general3A_962 = tpu.matmul %convert_element_type3A_2, %convert_element_type3A_960, %dot_general3A_961 {dimension_numbers = #tpu.dot_dimension_numbers<[1], [1], [0], [0], [0, 0, 1, 0], [], []>, transpose_lhs_hint = false} : vector<128x128xbf16>, vector<64x128xbf16>, vector<128x64xf32> -> vector<128x64xf32>
      %concatenate3A_963 = tpu.concatenate %dot_general3A_956, %dot_general3A_962 in 1 : vector<128x64xf32>, vector<128x64xf32> -> vector<128x128xf32>
      %swap3A_964 = arith.constant 7552 : index
      %swap3A_965 = arith.constant 0 : index
      %swap3A_966 = vector.load %arg4[%swap3A_964, %swap3A_965] : memref<16128x128xf32, #tpu.memory_space<vmem>>, vector<128x128xf32>
      tpu.vector_store %arg4[%swap3A_964, %swap3A_965], %concatenate3A_963 {strides = array<i32>} : memref<16128x128xf32, #tpu.memory_space<vmem>>, vector<128x128xf32>,
      %get3A_967 = arith.constant 0 : index
      %get3A_968 = arith.constant 7680 : index
      %get3A_969 = vector.load %arg1[%get3A_967, %get3A_968] : memref<64x16128xf32, #tpu.memory_space<vmem>>, vector<64x128xf32>
      %convert_element_type3A_970 = arith.truncf %get3A_969 : vector<64x128xf32> to vector<64x128xbf16>
      %dot_general3A_971 = arith.constant dense<0.000000e+00> : vector<128x64xf32>
      %dot_general3A_972 = tpu.matmul %convert_element_type3A_2, %convert_element_type3A_970, %dot_general3A_971 {dimension_numbers = #tpu.dot_dimension_numbers<[1], [1], [0], [0], [0, 0, 1, 0], [], []>, transpose_lhs_hint = false} : vector<128x128xbf16>, vector<64x128xbf16>, vector<128x64xf32> -> vector<128x64xf32>
      %get3A_973 = arith.constant 0 : index
      %get3A_974 = arith.constant 7680 : index
      %get3A_975 = vector.load %arg2[%get3A_973, %get3A_974] : memref<64x16128xf32, #tpu.memory_space<vmem>>, vector<64x128xf32>
      %convert_element_type3A_976 = arith.truncf %get3A_975 : vector<64x128xf32> to vector<64x128xbf16>
      %dot_general3A_977 = arith.constant dense<0.000000e+00> : vector<128x64xf32>
      %dot_general3A_978 = tpu.matmul %convert_element_type3A_2, %convert_element_type3A_976, %dot_general3A_977 {dimension_numbers = #tpu.dot_dimension_numbers<[1], [1], [0], [0], [0, 0, 1, 0], [], []>, transpose_lhs_hint = false} : vector<128x128xbf16>, vector<64x128xbf16>, vector<128x64xf32> -> vector<128x64xf32>
      %concatenate3A_979 = tpu.concatenate %dot_general3A_972, %dot_general3A_978 in 1 : vector<128x64xf32>, vector<128x64xf32> -> vector<128x128xf32>
      %swap3A_980 = arith.constant 7680 : index
      %swap3A_981 = arith.constant 0 : index
      %swap3A_982 = vector.load %arg4[%swap3A_980, %swap3A_981] : memref<16128x128xf32, #tpu.memory_space<vmem>>, vector<128x128xf32>
      tpu.vector_store %arg4[%swap3A_980, %swap3A_981], %concatenate3A_979 {strides = array<i32>} : memref<16128x128xf32, #tpu.memory_space<vmem>>, vector<128x128xf32>,
      %get3A_983 = arith.constant 0 : index
      %get3A_984 = arith.constant 7808 : index
      %get3A_985 = vector.load %arg1[%get3A_983, %get3A_984] : memref<64x16128xf32, #tpu.memory_space<vmem>>, vector<64x128xf32>
      %convert_element_type3A_986 = arith.truncf %get3A_985 : vector<64x128xf32> to vector<64x128xbf16>
      %dot_general3A_987 = arith.constant dense<0.000000e+00> : vector<128x64xf32>
      %dot_general3A_988 = tpu.matmul %convert_element_type3A_2, %convert_element_type3A_986, %dot_general3A_987 {dimension_numbers = #tpu.dot_dimension_numbers<[1], [1], [0], [0], [0, 0, 1, 0], [], []>, transpose_lhs_hint = false} : vector<128x128xbf16>, vector<64x128xbf16>, vector<128x64xf32> -> vector<128x64xf32>
      %get3A_989 = arith.constant 0 : index
      %get3A_990 = arith.constant 7808 : index
      %get3A_991 = vector.load %arg2[%get3A_989, %get3A_990] : memref<64x16128xf32, #tpu.memory_space<vmem>>, vector<64x128xf32>
      %convert_element_type3A_992 = arith.truncf %get3A_991 : vector<64x128xf32> to vector<64x128xbf16>
      %dot_general3A_993 = arith.constant dense<0.000000e+00> : vector<128x64xf32>
      %dot_general3A_994 = tpu.matmul %convert_element_type3A_2, %convert_element_type3A_992, %dot_general3A_993 {dimension_numbers = #tpu.dot_dimension_numbers<[1], [1], [0], [0], [0, 0, 1, 0], [], []>, transpose_lhs_hint = false} : vector<128x128xbf16>, vector<64x128xbf16>, vector<128x64xf32> -> vector<128x64xf32>
      %concatenate3A_995 = tpu.concatenate %dot_general3A_988, %dot_general3A_994 in 1 : vector<128x64xf32>, vector<128x64xf32> -> vector<128x128xf32>
      %swap3A_996 = arith.constant 7808 : index
      %swap3A_997 = arith.constant 0 : index
      %swap3A_998 = vector.load %arg4[%swap3A_996, %swap3A_997] : memref<16128x128xf32, #tpu.memory_space<vmem>>, vector<128x128xf32>
      tpu.vector_store %arg4[%swap3A_996, %swap3A_997], %concatenate3A_995 {strides = array<i32>} : memref<16128x128xf32, #tpu.memory_space<vmem>>, vector<128x128xf32>,
      %get3A_999 = arith.constant 0 : index
      %get3A_1000 = arith.constant 7936 : index
      %get3A_1001 = vector.load %arg1[%get3A_999, %get3A_1000] : memref<64x16128xf32, #tpu.memory_space<vmem>>, vector<64x128xf32>
      %convert_element_type3A_1002 = arith.truncf %get3A_1001 : vector<64x128xf32> to vector<64x128xbf16>
      %dot_general3A_1003 = arith.constant dense<0.000000e+00> : vector<128x64xf32>
      %dot_general3A_1004 = tpu.matmul %convert_element_type3A_2, %convert_element_type3A_1002, %dot_general3A_1003 {dimension_numbers = #tpu.dot_dimension_numbers<[1], [1], [0], [0], [0, 0, 1, 0], [], []>, transpose_lhs_hint = false} : vector<128x128xbf16>, vector<64x128xbf16>, vector<128x64xf32> -> vector<128x64xf32>
      %get3A_1005 = arith.constant 0 : index
      %get3A_1006 = arith.constant 7936 : index
      %get3A_1007 = vector.load %arg2[%get3A_1005, %get3A_1006] : memref<64x16128xf32, #tpu.memory_space<vmem>>, vector<64x128xf32>
      %convert_element_type3A_1008 = arith.truncf %get3A_1007 : vector<64x128xf32> to vector<64x128xbf16>
      %dot_general3A_1009 = arith.constant dense<0.000000e+00> : vector<128x64xf32>
      %dot_general3A_1010 = tpu.matmul %convert_element_type3A_2, %convert_element_type3A_1008, %dot_general3A_1009 {dimension_numbers = #tpu.dot_dimension_numbers<[1], [1], [0], [0], [0, 0, 1, 0], [], []>, transpose_lhs_hint = false} : vector<128x128xbf16>, vector<64x128xbf16>, vector<128x64xf32> -> vector<128x64xf32>
      %concatenate3A_1011 = tpu.concatenate %dot_general3A_1004, %dot_general3A_1010 in 1 : vector<128x64xf32>, vector<128x64xf32> -> vector<128x128xf32>
      %swap3A_1012 = arith.constant 7936 : index
      %swap3A_1013 = arith.constant 0 : index
      %swap3A_1014 = vector.load %arg4[%swap3A_1012, %swap3A_1013] : memref<16128x128xf32, #tpu.memory_space<vmem>>, vector<128x128xf32>
      tpu.vector_store %arg4[%swap3A_1012, %swap3A_1013], %concatenate3A_1011 {strides = array<i32>} : memref<16128x128xf32, #tpu.memory_space<vmem>>, vector<128x128xf32>,
      %get3A_1015 = arith.constant 0 : index
      %get3A_1016 = arith.constant 8064 : index
      %get3A_1017 = vector.load %arg1[%get3A_1015, %get3A_1016] : memref<64x16128xf32, #tpu.memory_space<vmem>>, vector<64x128xf32>
      %convert_element_type3A_1018 = arith.truncf %get3A_1017 : vector<64x128xf32> to vector<64x128xbf16>
      %dot_general3A_1019 = arith.constant dense<0.000000e+00> : vector<128x64xf32>
      %dot_general3A_1020 = tpu.matmul %convert_element_type3A_2, %convert_element_type3A_1018, %dot_general3A_1019 {dimension_numbers = #tpu.dot_dimension_numbers<[1], [1], [0], [0], [0, 0, 1, 0], [], []>, transpose_lhs_hint = false} : vector<128x128xbf16>, vector<64x128xbf16>, vector<128x64xf32> -> vector<128x64xf32>
      %get3A_1021 = arith.constant 0 : index
      %get3A_1022 = arith.constant 8064 : index
      %get3A_1023 = vector.load %arg2[%get3A_1021, %get3A_1022] : memref<64x16128xf32, #tpu.memory_space<vmem>>, vector<64x128xf32>
      %convert_element_type3A_1024 = arith.truncf %get3A_1023 : vector<64x128xf32> to vector<64x128xbf16>
      %dot_general3A_1025 = arith.constant dense<0.000000e+00> : vector<128x64xf32>
      %dot_general3A_1026 = tpu.matmul %convert_element_type3A_2, %convert_element_type3A_1024, %dot_general3A_1025 {dimension_numbers = #tpu.dot_dimension_numbers<[1], [1], [0], [0], [0, 0, 1, 0], [], []>, transpose_lhs_hint = false} : vector<128x128xbf16>, vector<64x128xbf16>, vector<128x64xf32> -> vector<128x64xf32>
      %concatenate3A_1027 = tpu.concatenate %dot_general3A_1020, %dot_general3A_1026 in 1 : vector<128x64xf32>, vector<128x64xf32> -> vector<128x128xf32>
      %swap3A_1028 = arith.constant 8064 : index
      %swap3A_1029 = arith.constant 0 : index
      %swap3A_1030 = vector.load %arg4[%swap3A_1028, %swap3A_1029] : memref<16128x128xf32, #tpu.memory_space<vmem>>, vector<128x128xf32>
      tpu.vector_store %arg4[%swap3A_1028, %swap3A_1029], %concatenate3A_1027 {strides = array<i32>} : memref<16128x128xf32, #tpu.memory_space<vmem>>, vector<128x128xf32>,
      %get3A_1031 = arith.constant 0 : index
      %get3A_1032 = arith.constant 8192 : index
      %get3A_1033 = vector.load %arg1[%get3A_1031, %get3A_1032] : memref<64x16128xf32, #tpu.memory_space<vmem>>, vector<64x128xf32>
      %convert_element_type3A_1034 = arith.truncf %get3A_1033 : vector<64x128xf32> to vector<64x128xbf16>
      %dot_general3A_1035 = arith.constant dense<0.000000e+00> : vector<128x64xf32>
      %dot_general3A_1036 = tpu.matmul %convert_element_type3A_2, %convert_element_type3A_1034, %dot_general3A_1035 {dimension_numbers = #tpu.dot_dimension_numbers<[1], [1], [0], [0], [0, 0, 1, 0], [], []>, transpose_lhs_hint = false} : vector<128x128xbf16>, vector<64x128xbf16>, vector<128x64xf32> -> vector<128x64xf32>
      %get3A_1037 = arith.constant 0 : index
      %get3A_1038 = arith.constant 8192 : index
      %get3A_1039 = vector.load %arg2[%get3A_1037, %get3A_1038] : memref<64x16128xf32, #tpu.memory_space<vmem>>, vector<64x128xf32>
      %convert_element_type3A_1040 = arith.truncf %get3A_1039 : vector<64x128xf32> to vector<64x128xbf16>
      %dot_general3A_1041 = arith.constant dense<0.000000e+00> : vector<128x64xf32>
      %dot_general3A_1042 = tpu.matmul %convert_element_type3A_2, %convert_element_type3A_1040, %dot_general3A_1041 {dimension_numbers = #tpu.dot_dimension_numbers<[1], [1], [0], [0], [0, 0, 1, 0], [], []>, transpose_lhs_hint = false} : vector<128x128xbf16>, vector<64x128xbf16>, vector<128x64xf32> -> vector<128x64xf32>
      %concatenate3A_1043 = tpu.concatenate %dot_general3A_1036, %dot_general3A_1042 in 1 : vector<128x64xf32>, vector<128x64xf32> -> vector<128x128xf32>
      %swap3A_1044 = arith.constant 8192 : index
      %swap3A_1045 = arith.constant 0 : index
      %swap3A_1046 = vector.load %arg4[%swap3A_1044, %swap3A_1045] : memref<16128x128xf32, #tpu.memory_space<vmem>>, vector<128x128xf32>
      tpu.vector_store %arg4[%swap3A_1044, %swap3A_1045], %concatenate3A_1043 {strides = array<i32>} : memref<16128x128xf32, #tpu.memory_space<vmem>>, vector<128x128xf32>,
      %get3A_1047 = arith.constant 0 : index
      %get3A_1048 = arith.constant 8320 : index
      %get3A_1049 = vector.load %arg1[%get3A_1047, %get3A_1048] : memref<64x16128xf32, #tpu.memory_space<vmem>>, vector<64x128xf32>
      %convert_element_type3A_1050 = arith.truncf %get3A_1049 : vector<64x128xf32> to vector<64x128xbf16>
      %dot_general3A_1051 = arith.constant dense<0.000000e+00> : vector<128x64xf32>
      %dot_general3A_1052 = tpu.matmul %convert_element_type3A_2, %convert_element_type3A_1050, %dot_general3A_1051 {dimension_numbers = #tpu.dot_dimension_numbers<[1], [1], [0], [0], [0, 0, 1, 0], [], []>, transpose_lhs_hint = false} : vector<128x128xbf16>, vector<64x128xbf16>, vector<128x64xf32> -> vector<128x64xf32>
      %get3A_1053 = arith.constant 0 : index
      %get3A_1054 = arith.constant 8320 : index
      %get3A_1055 = vector.load %arg2[%get3A_1053, %get3A_1054] : memref<64x16128xf32, #tpu.memory_space<vmem>>, vector<64x128xf32>
      %convert_element_type3A_1056 = arith.truncf %get3A_1055 : vector<64x128xf32> to vector<64x128xbf16>
      %dot_general3A_1057 = arith.constant dense<0.000000e+00> : vector<128x64xf32>
      %dot_general3A_1058 = tpu.matmul %convert_element_type3A_2, %convert_element_type3A_1056, %dot_general3A_1057 {dimension_numbers = #tpu.dot_dimension_numbers<[1], [1], [0], [0], [0, 0, 1, 0], [], []>, transpose_lhs_hint = false} : vector<128x128xbf16>, vector<64x128xbf16>, vector<128x64xf32> -> vector<128x64xf32>
      %concatenate3A_1059 = tpu.concatenate %dot_general3A_1052, %dot_general3A_1058 in 1 : vector<128x64xf32>, vector<128x64xf32> -> vector<128x128xf32>
      %swap3A_1060 = arith.constant 8320 : index
      %swap3A_1061 = arith.constant 0 : index
      %swap3A_1062 = vector.load %arg4[%swap3A_1060, %swap3A_1061] : memref<16128x128xf32, #tpu.memory_space<vmem>>, vector<128x128xf32>
      tpu.vector_store %arg4[%swap3A_1060, %swap3A_1061], %concatenate3A_1059 {strides = array<i32>} : memref<16128x128xf32, #tpu.memory_space<vmem>>, vector<128x128xf32>,
      %get3A_1063 = arith.constant 0 : index
      %get3A_1064 = arith.constant 8448 : index
      %get3A_1065 = vector.load %arg1[%get3A_1063, %get3A_1064] : memref<64x16128xf32, #tpu.memory_space<vmem>>, vector<64x128xf32>
      %convert_element_type3A_1066 = arith.truncf %get3A_1065 : vector<64x128xf32> to vector<64x128xbf16>
      %dot_general3A_1067 = arith.constant dense<0.000000e+00> : vector<128x64xf32>
      %dot_general3A_1068 = tpu.matmul %convert_element_type3A_2, %convert_element_type3A_1066, %dot_general3A_1067 {dimension_numbers = #tpu.dot_dimension_numbers<[1], [1], [0], [0], [0, 0, 1, 0], [], []>, transpose_lhs_hint = false} : vector<128x128xbf16>, vector<64x128xbf16>, vector<128x64xf32> -> vector<128x64xf32>
      %get3A_1069 = arith.constant 0 : index
      %get3A_1070 = arith.constant 8448 : index
      %get3A_1071 = vector.load %arg2[%get3A_1069, %get3A_1070] : memref<64x16128xf32, #tpu.memory_space<vmem>>, vector<64x128xf32>
      %convert_element_type3A_1072 = arith.truncf %get3A_1071 : vector<64x128xf32> to vector<64x128xbf16>
      %dot_general3A_1073 = arith.constant dense<0.000000e+00> : vector<128x64xf32>
      %dot_general3A_1074 = tpu.matmul %convert_element_type3A_2, %convert_element_type3A_1072, %dot_general3A_1073 {dimension_numbers = #tpu.dot_dimension_numbers<[1], [1], [0], [0], [0, 0, 1, 0], [], []>, transpose_lhs_hint = false} : vector<128x128xbf16>, vector<64x128xbf16>, vector<128x64xf32> -> vector<128x64xf32>
      %concatenate3A_1075 = tpu.concatenate %dot_general3A_1068, %dot_general3A_1074 in 1 : vector<128x64xf32>, vector<128x64xf32> -> vector<128x128xf32>
      %swap3A_1076 = arith.constant 8448 : index
      %swap3A_1077 = arith.constant 0 : index
      %swap3A_1078 = vector.load %arg4[%swap3A_1076, %swap3A_1077] : memref<16128x128xf32, #tpu.memory_space<vmem>>, vector<128x128xf32>
      tpu.vector_store %arg4[%swap3A_1076, %swap3A_1077], %concatenate3A_1075 {strides = array<i32>} : memref<16128x128xf32, #tpu.memory_space<vmem>>, vector<128x128xf32>,
      %get3A_1079 = arith.constant 0 : index
      %get3A_1080 = arith.constant 8576 : index
      %get3A_1081 = vector.load %arg1[%get3A_1079, %get3A_1080] : memref<64x16128xf32, #tpu.memory_space<vmem>>, vector<64x128xf32>
      %convert_element_type3A_1082 = arith.truncf %get3A_1081 : vector<64x128xf32> to vector<64x128xbf16>
      %dot_general3A_1083 = arith.constant dense<0.000000e+00> : vector<128x64xf32>
      %dot_general3A_1084 = tpu.matmul %convert_element_type3A_2, %convert_element_type3A_1082, %dot_general3A_1083 {dimension_numbers = #tpu.dot_dimension_numbers<[1], [1], [0], [0], [0, 0, 1, 0], [], []>, transpose_lhs_hint = false} : vector<128x128xbf16>, vector<64x128xbf16>, vector<128x64xf32> -> vector<128x64xf32>
      %get3A_1085 = arith.constant 0 : index
      %get3A_1086 = arith.constant 8576 : index
      %get3A_1087 = vector.load %arg2[%get3A_1085, %get3A_1086] : memref<64x16128xf32, #tpu.memory_space<vmem>>, vector<64x128xf32>
      %convert_element_type3A_1088 = arith.truncf %get3A_1087 : vector<64x128xf32> to vector<64x128xbf16>
      %dot_general3A_1089 = arith.constant dense<0.000000e+00> : vector<128x64xf32>
      %dot_general3A_1090 = tpu.matmul %convert_element_type3A_2, %convert_element_type3A_1088, %dot_general3A_1089 {dimension_numbers = #tpu.dot_dimension_numbers<[1], [1], [0], [0], [0, 0, 1, 0], [], []>, transpose_lhs_hint = false} : vector<128x128xbf16>, vector<64x128xbf16>, vector<128x64xf32> -> vector<128x64xf32>
      %concatenate3A_1091 = tpu.concatenate %dot_general3A_1084, %dot_general3A_1090 in 1 : vector<128x64xf32>, vector<128x64xf32> -> vector<128x128xf32>
      %swap3A_1092 = arith.constant 8576 : index
      %swap3A_1093 = arith.constant 0 : index
      %swap3A_1094 = vector.load %arg4[%swap3A_1092, %swap3A_1093] : memref<16128x128xf32, #tpu.memory_space<vmem>>, vector<128x128xf32>
      tpu.vector_store %arg4[%swap3A_1092, %swap3A_1093], %concatenate3A_1091 {strides = array<i32>} : memref<16128x128xf32, #tpu.memory_space<vmem>>, vector<128x128xf32>,
      %get3A_1095 = arith.constant 0 : index
      %get3A_1096 = arith.constant 8704 : index
      %get3A_1097 = vector.load %arg1[%get3A_1095, %get3A_1096] : memref<64x16128xf32, #tpu.memory_space<vmem>>, vector<64x128xf32>
      %convert_element_type3A_1098 = arith.truncf %get3A_1097 : vector<64x128xf32> to vector<64x128xbf16>
      %dot_general3A_1099 = arith.constant dense<0.000000e+00> : vector<128x64xf32>
      %dot_general3A_1100 = tpu.matmul %convert_element_type3A_2, %convert_element_type3A_1098, %dot_general3A_1099 {dimension_numbers = #tpu.dot_dimension_numbers<[1], [1], [0], [0], [0, 0, 1, 0], [], []>, transpose_lhs_hint = false} : vector<128x128xbf16>, vector<64x128xbf16>, vector<128x64xf32> -> vector<128x64xf32>
      %get3A_1101 = arith.constant 0 : index
      %get3A_1102 = arith.constant 8704 : index
      %get3A_1103 = vector.load %arg2[%get3A_1101, %get3A_1102] : memref<64x16128xf32, #tpu.memory_space<vmem>>, vector<64x128xf32>
      %convert_element_type3A_1104 = arith.truncf %get3A_1103 : vector<64x128xf32> to vector<64x128xbf16>
      %dot_general3A_1105 = arith.constant dense<0.000000e+00> : vector<128x64xf32>
      %dot_general3A_1106 = tpu.matmul %convert_element_type3A_2, %convert_element_type3A_1104, %dot_general3A_1105 {dimension_numbers = #tpu.dot_dimension_numbers<[1], [1], [0], [0], [0, 0, 1, 0], [], []>, transpose_lhs_hint = false} : vector<128x128xbf16>, vector<64x128xbf16>, vector<128x64xf32> -> vector<128x64xf32>
      %concatenate3A_1107 = tpu.concatenate %dot_general3A_1100, %dot_general3A_1106 in 1 : vector<128x64xf32>, vector<128x64xf32> -> vector<128x128xf32>
      %swap3A_1108 = arith.constant 8704 : index
      %swap3A_1109 = arith.constant 0 : index
      %swap3A_1110 = vector.load %arg4[%swap3A_1108, %swap3A_1109] : memref<16128x128xf32, #tpu.memory_space<vmem>>, vector<128x128xf32>
      tpu.vector_store %arg4[%swap3A_1108, %swap3A_1109], %concatenate3A_1107 {strides = array<i32>} : memref<16128x128xf32, #tpu.memory_space<vmem>>, vector<128x128xf32>,
      %get3A_1111 = arith.constant 0 : index
      %get3A_1112 = arith.constant 8832 : index
      %get3A_1113 = vector.load %arg1[%get3A_1111, %get3A_1112] : memref<64x16128xf32, #tpu.memory_space<vmem>>, vector<64x128xf32>
      %convert_element_type3A_1114 = arith.truncf %get3A_1113 : vector<64x128xf32> to vector<64x128xbf16>
      %dot_general3A_1115 = arith.constant dense<0.000000e+00> : vector<128x64xf32>
      %dot_general3A_1116 = tpu.matmul %convert_element_type3A_2, %convert_element_type3A_1114, %dot_general3A_1115 {dimension_numbers = #tpu.dot_dimension_numbers<[1], [1], [0], [0], [0, 0, 1, 0], [], []>, transpose_lhs_hint = false} : vector<128x128xbf16>, vector<64x128xbf16>, vector<128x64xf32> -> vector<128x64xf32>
      %get3A_1117 = arith.constant 0 : index
      %get3A_1118 = arith.constant 8832 : index
      %get3A_1119 = vector.load %arg2[%get3A_1117, %get3A_1118] : memref<64x16128xf32, #tpu.memory_space<vmem>>, vector<64x128xf32>
      %convert_element_type3A_1120 = arith.truncf %get3A_1119 : vector<64x128xf32> to vector<64x128xbf16>
      %dot_general3A_1121 = arith.constant dense<0.000000e+00> : vector<128x64xf32>
      %dot_general3A_1122 = tpu.matmul %convert_element_type3A_2, %convert_element_type3A_1120, %dot_general3A_1121 {dimension_numbers = #tpu.dot_dimension_numbers<[1], [1], [0], [0], [0, 0, 1, 0], [], []>, transpose_lhs_hint = false} : vector<128x128xbf16>, vector<64x128xbf16>, vector<128x64xf32> -> vector<128x64xf32>
      %concatenate3A_1123 = tpu.concatenate %dot_general3A_1116, %dot_general3A_1122 in 1 : vector<128x64xf32>, vector<128x64xf32> -> vector<128x128xf32>
      %swap3A_1124 = arith.constant 8832 : index
      %swap3A_1125 = arith.constant 0 : index
      %swap3A_1126 = vector.load %arg4[%swap3A_1124, %swap3A_1125] : memref<16128x128xf32, #tpu.memory_space<vmem>>, vector<128x128xf32>
      tpu.vector_store %arg4[%swap3A_1124, %swap3A_1125], %concatenate3A_1123 {strides = array<i32>} : memref<16128x128xf32, #tpu.memory_space<vmem>>, vector<128x128xf32>,
      %get3A_1127 = arith.constant 0 : index
      %get3A_1128 = arith.constant 8960 : index
      %get3A_1129 = vector.load %arg1[%get3A_1127, %get3A_1128] : memref<64x16128xf32, #tpu.memory_space<vmem>>, vector<64x128xf32>
      %convert_element_type3A_1130 = arith.truncf %get3A_1129 : vector<64x128xf32> to vector<64x128xbf16>
      %dot_general3A_1131 = arith.constant dense<0.000000e+00> : vector<128x64xf32>
      %dot_general3A_1132 = tpu.matmul %convert_element_type3A_2, %convert_element_type3A_1130, %dot_general3A_1131 {dimension_numbers = #tpu.dot_dimension_numbers<[1], [1], [0], [0], [0, 0, 1, 0], [], []>, transpose_lhs_hint = false} : vector<128x128xbf16>, vector<64x128xbf16>, vector<128x64xf32> -> vector<128x64xf32>
      %get3A_1133 = arith.constant 0 : index
      %get3A_1134 = arith.constant 8960 : index
      %get3A_1135 = vector.load %arg2[%get3A_1133, %get3A_1134] : memref<64x16128xf32, #tpu.memory_space<vmem>>, vector<64x128xf32>
      %convert_element_type3A_1136 = arith.truncf %get3A_1135 : vector<64x128xf32> to vector<64x128xbf16>
      %dot_general3A_1137 = arith.constant dense<0.000000e+00> : vector<128x64xf32>
      %dot_general3A_1138 = tpu.matmul %convert_element_type3A_2, %convert_element_type3A_1136, %dot_general3A_1137 {dimension_numbers = #tpu.dot_dimension_numbers<[1], [1], [0], [0], [0, 0, 1, 0], [], []>, transpose_lhs_hint = false} : vector<128x128xbf16>, vector<64x128xbf16>, vector<128x64xf32> -> vector<128x64xf32>
      %concatenate3A_1139 = tpu.concatenate %dot_general3A_1132, %dot_general3A_1138 in 1 : vector<128x64xf32>, vector<128x64xf32> -> vector<128x128xf32>
      %swap3A_1140 = arith.constant 8960 : index
      %swap3A_1141 = arith.constant 0 : index
      %swap3A_1142 = vector.load %arg4[%swap3A_1140, %swap3A_1141] : memref<16128x128xf32, #tpu.memory_space<vmem>>, vector<128x128xf32>
      tpu.vector_store %arg4[%swap3A_1140, %swap3A_1141], %concatenate3A_1139 {strides = array<i32>} : memref<16128x128xf32, #tpu.memory_space<vmem>>, vector<128x128xf32>,
      %get3A_1143 = arith.constant 0 : index
      %get3A_1144 = arith.constant 9088 : index
      %get3A_1145 = vector.load %arg1[%get3A_1143, %get3A_1144] : memref<64x16128xf32, #tpu.memory_space<vmem>>, vector<64x128xf32>
      %convert_element_type3A_1146 = arith.truncf %get3A_1145 : vector<64x128xf32> to vector<64x128xbf16>
      %dot_general3A_1147 = arith.constant dense<0.000000e+00> : vector<128x64xf32>
      %dot_general3A_1148 = tpu.matmul %convert_element_type3A_2, %convert_element_type3A_1146, %dot_general3A_1147 {dimension_numbers = #tpu.dot_dimension_numbers<[1], [1], [0], [0], [0, 0, 1, 0], [], []>, transpose_lhs_hint = false} : vector<128x128xbf16>, vector<64x128xbf16>, vector<128x64xf32> -> vector<128x64xf32>
      %get3A_1149 = arith.constant 0 : index
      %get3A_1150 = arith.constant 9088 : index
      %get3A_1151 = vector.load %arg2[%get3A_1149, %get3A_1150] : memref<64x16128xf32, #tpu.memory_space<vmem>>, vector<64x128xf32>
      %convert_element_type3A_1152 = arith.truncf %get3A_1151 : vector<64x128xf32> to vector<64x128xbf16>
      %dot_general3A_1153 = arith.constant dense<0.000000e+00> : vector<128x64xf32>
      %dot_general3A_1154 = tpu.matmul %convert_element_type3A_2, %convert_element_type3A_1152, %dot_general3A_1153 {dimension_numbers = #tpu.dot_dimension_numbers<[1], [1], [0], [0], [0, 0, 1, 0], [], []>, transpose_lhs_hint = false} : vector<128x128xbf16>, vector<64x128xbf16>, vector<128x64xf32> -> vector<128x64xf32>
      %concatenate3A_1155 = tpu.concatenate %dot_general3A_1148, %dot_general3A_1154 in 1 : vector<128x64xf32>, vector<128x64xf32> -> vector<128x128xf32>
      %swap3A_1156 = arith.constant 9088 : index
      %swap3A_1157 = arith.constant 0 : index
      %swap3A_1158 = vector.load %arg4[%swap3A_1156, %swap3A_1157] : memref<16128x128xf32, #tpu.memory_space<vmem>>, vector<128x128xf32>
      tpu.vector_store %arg4[%swap3A_1156, %swap3A_1157], %concatenate3A_1155 {strides = array<i32>} : memref<16128x128xf32, #tpu.memory_space<vmem>>, vector<128x128xf32>,
      %get3A_1159 = arith.constant 0 : index
      %get3A_1160 = arith.constant 9216 : index
      %get3A_1161 = vector.load %arg1[%get3A_1159, %get3A_1160] : memref<64x16128xf32, #tpu.memory_space<vmem>>, vector<64x128xf32>
      %convert_element_type3A_1162 = arith.truncf %get3A_1161 : vector<64x128xf32> to vector<64x128xbf16>
      %dot_general3A_1163 = arith.constant dense<0.000000e+00> : vector<128x64xf32>
      %dot_general3A_1164 = tpu.matmul %convert_element_type3A_2, %convert_element_type3A_1162, %dot_general3A_1163 {dimension_numbers = #tpu.dot_dimension_numbers<[1], [1], [0], [0], [0, 0, 1, 0], [], []>, transpose_lhs_hint = false} : vector<128x128xbf16>, vector<64x128xbf16>, vector<128x64xf32> -> vector<128x64xf32>
      %get3A_1165 = arith.constant 0 : index
      %get3A_1166 = arith.constant 9216 : index
      %get3A_1167 = vector.load %arg2[%get3A_1165, %get3A_1166] : memref<64x16128xf32, #tpu.memory_space<vmem>>, vector<64x128xf32>
      %convert_element_type3A_1168 = arith.truncf %get3A_1167 : vector<64x128xf32> to vector<64x128xbf16>
      %dot_general3A_1169 = arith.constant dense<0.000000e+00> : vector<128x64xf32>
      %dot_general3A_1170 = tpu.matmul %convert_element_type3A_2, %convert_element_type3A_1168, %dot_general3A_1169 {dimension_numbers = #tpu.dot_dimension_numbers<[1], [1], [0], [0], [0, 0, 1, 0], [], []>, transpose_lhs_hint = false} : vector<128x128xbf16>, vector<64x128xbf16>, vector<128x64xf32> -> vector<128x64xf32>
      %concatenate3A_1171 = tpu.concatenate %dot_general3A_1164, %dot_general3A_1170 in 1 : vector<128x64xf32>, vector<128x64xf32> -> vector<128x128xf32>
      %swap3A_1172 = arith.constant 9216 : index
      %swap3A_1173 = arith.constant 0 : index
      %swap3A_1174 = vector.load %arg4[%swap3A_1172, %swap3A_1173] : memref<16128x128xf32, #tpu.memory_space<vmem>>, vector<128x128xf32>
      tpu.vector_store %arg4[%swap3A_1172, %swap3A_1173], %concatenate3A_1171 {strides = array<i32>} : memref<16128x128xf32, #tpu.memory_space<vmem>>, vector<128x128xf32>,
      %get3A_1175 = arith.constant 0 : index
      %get3A_1176 = arith.constant 9344 : index
      %get3A_1177 = vector.load %arg1[%get3A_1175, %get3A_1176] : memref<64x16128xf32, #tpu.memory_space<vmem>>, vector<64x128xf32>
      %convert_element_type3A_1178 = arith.truncf %get3A_1177 : vector<64x128xf32> to vector<64x128xbf16>
      %dot_general3A_1179 = arith.constant dense<0.000000e+00> : vector<128x64xf32>
      %dot_general3A_1180 = tpu.matmul %convert_element_type3A_2, %convert_element_type3A_1178, %dot_general3A_1179 {dimension_numbers = #tpu.dot_dimension_numbers<[1], [1], [0], [0], [0, 0, 1, 0], [], []>, transpose_lhs_hint = false} : vector<128x128xbf16>, vector<64x128xbf16>, vector<128x64xf32> -> vector<128x64xf32>
      %get3A_1181 = arith.constant 0 : index
      %get3A_1182 = arith.constant 9344 : index
      %get3A_1183 = vector.load %arg2[%get3A_1181, %get3A_1182] : memref<64x16128xf32, #tpu.memory_space<vmem>>, vector<64x128xf32>
      %convert_element_type3A_1184 = arith.truncf %get3A_1183 : vector<64x128xf32> to vector<64x128xbf16>
      %dot_general3A_1185 = arith.constant dense<0.000000e+00> : vector<128x64xf32>
      %dot_general3A_1186 = tpu.matmul %convert_element_type3A_2, %convert_element_type3A_1184, %dot_general3A_1185 {dimension_numbers = #tpu.dot_dimension_numbers<[1], [1], [0], [0], [0, 0, 1, 0], [], []>, transpose_lhs_hint = false} : vector<128x128xbf16>, vector<64x128xbf16>, vector<128x64xf32> -> vector<128x64xf32>
      %concatenate3A_1187 = tpu.concatenate %dot_general3A_1180, %dot_general3A_1186 in 1 : vector<128x64xf32>, vector<128x64xf32> -> vector<128x128xf32>
      %swap3A_1188 = arith.constant 9344 : index
      %swap3A_1189 = arith.constant 0 : index
      %swap3A_1190 = vector.load %arg4[%swap3A_1188, %swap3A_1189] : memref<16128x128xf32, #tpu.memory_space<vmem>>, vector<128x128xf32>
      tpu.vector_store %arg4[%swap3A_1188, %swap3A_1189], %concatenate3A_1187 {strides = array<i32>} : memref<16128x128xf32, #tpu.memory_space<vmem>>, vector<128x128xf32>,
      %get3A_1191 = arith.constant 0 : index
      %get3A_1192 = arith.constant 9472 : index
      %get3A_1193 = vector.load %arg1[%get3A_1191, %get3A_1192] : memref<64x16128xf32, #tpu.memory_space<vmem>>, vector<64x128xf32>
      %convert_element_type3A_1194 = arith.truncf %get3A_1193 : vector<64x128xf32> to vector<64x128xbf16>
      %dot_general3A_1195 = arith.constant dense<0.000000e+00> : vector<128x64xf32>
      %dot_general3A_1196 = tpu.matmul %convert_element_type3A_2, %convert_element_type3A_1194, %dot_general3A_1195 {dimension_numbers = #tpu.dot_dimension_numbers<[1], [1], [0], [0], [0, 0, 1, 0], [], []>, transpose_lhs_hint = false} : vector<128x128xbf16>, vector<64x128xbf16>, vector<128x64xf32> -> vector<128x64xf32>
      %get3A_1197 = arith.constant 0 : index
      %get3A_1198 = arith.constant 9472 : index
      %get3A_1199 = vector.load %arg2[%get3A_1197, %get3A_1198] : memref<64x16128xf32, #tpu.memory_space<vmem>>, vector<64x128xf32>
      %convert_element_type3A_1200 = arith.truncf %get3A_1199 : vector<64x128xf32> to vector<64x128xbf16>
      %dot_general3A_1201 = arith.constant dense<0.000000e+00> : vector<128x64xf32>
      %dot_general3A_1202 = tpu.matmul %convert_element_type3A_2, %convert_element_type3A_1200, %dot_general3A_1201 {dimension_numbers = #tpu.dot_dimension_numbers<[1], [1], [0], [0], [0, 0, 1, 0], [], []>, transpose_lhs_hint = false} : vector<128x128xbf16>, vector<64x128xbf16>, vector<128x64xf32> -> vector<128x64xf32>
      %concatenate3A_1203 = tpu.concatenate %dot_general3A_1196, %dot_general3A_1202 in 1 : vector<128x64xf32>, vector<128x64xf32> -> vector<128x128xf32>
      %swap3A_1204 = arith.constant 9472 : index
      %swap3A_1205 = arith.constant 0 : index
      %swap3A_1206 = vector.load %arg4[%swap3A_1204, %swap3A_1205] : memref<16128x128xf32, #tpu.memory_space<vmem>>, vector<128x128xf32>
      tpu.vector_store %arg4[%swap3A_1204, %swap3A_1205], %concatenate3A_1203 {strides = array<i32>} : memref<16128x128xf32, #tpu.memory_space<vmem>>, vector<128x128xf32>,
      %get3A_1207 = arith.constant 0 : index
      %get3A_1208 = arith.constant 9600 : index
      %get3A_1209 = vector.load %arg1[%get3A_1207, %get3A_1208] : memref<64x16128xf32, #tpu.memory_space<vmem>>, vector<64x128xf32>
      %convert_element_type3A_1210 = arith.truncf %get3A_1209 : vector<64x128xf32> to vector<64x128xbf16>
      %dot_general3A_1211 = arith.constant dense<0.000000e+00> : vector<128x64xf32>
      %dot_general3A_1212 = tpu.matmul %convert_element_type3A_2, %convert_element_type3A_1210, %dot_general3A_1211 {dimension_numbers = #tpu.dot_dimension_numbers<[1], [1], [0], [0], [0, 0, 1, 0], [], []>, transpose_lhs_hint = false} : vector<128x128xbf16>, vector<64x128xbf16>, vector<128x64xf32> -> vector<128x64xf32>
      %get3A_1213 = arith.constant 0 : index
      %get3A_1214 = arith.constant 9600 : index
      %get3A_1215 = vector.load %arg2[%get3A_1213, %get3A_1214] : memref<64x16128xf32, #tpu.memory_space<vmem>>, vector<64x128xf32>
      %convert_element_type3A_1216 = arith.truncf %get3A_1215 : vector<64x128xf32> to vector<64x128xbf16>
      %dot_general3A_1217 = arith.constant dense<0.000000e+00> : vector<128x64xf32>
      %dot_general3A_1218 = tpu.matmul %convert_element_type3A_2, %convert_element_type3A_1216, %dot_general3A_1217 {dimension_numbers = #tpu.dot_dimension_numbers<[1], [1], [0], [0], [0, 0, 1, 0], [], []>, transpose_lhs_hint = false} : vector<128x128xbf16>, vector<64x128xbf16>, vector<128x64xf32> -> vector<128x64xf32>
      %concatenate3A_1219 = tpu.concatenate %dot_general3A_1212, %dot_general3A_1218 in 1 : vector<128x64xf32>, vector<128x64xf32> -> vector<128x128xf32>
      %swap3A_1220 = arith.constant 9600 : index
      %swap3A_1221 = arith.constant 0 : index
      %swap3A_1222 = vector.load %arg4[%swap3A_1220, %swap3A_1221] : memref<16128x128xf32, #tpu.memory_space<vmem>>, vector<128x128xf32>
      tpu.vector_store %arg4[%swap3A_1220, %swap3A_1221], %concatenate3A_1219 {strides = array<i32>} : memref<16128x128xf32, #tpu.memory_space<vmem>>, vector<128x128xf32>,
      %get3A_1223 = arith.constant 0 : index
      %get3A_1224 = arith.constant 9728 : index
      %get3A_1225 = vector.load %arg1[%get3A_1223, %get3A_1224] : memref<64x16128xf32, #tpu.memory_space<vmem>>, vector<64x128xf32>
      %convert_element_type3A_1226 = arith.truncf %get3A_1225 : vector<64x128xf32> to vector<64x128xbf16>
      %dot_general3A_1227 = arith.constant dense<0.000000e+00> : vector<128x64xf32>
      %dot_general3A_1228 = tpu.matmul %convert_element_type3A_2, %convert_element_type3A_1226, %dot_general3A_1227 {dimension_numbers = #tpu.dot_dimension_numbers<[1], [1], [0], [0], [0, 0, 1, 0], [], []>, transpose_lhs_hint = false} : vector<128x128xbf16>, vector<64x128xbf16>, vector<128x64xf32> -> vector<128x64xf32>
      %get3A_1229 = arith.constant 0 : index
      %get3A_1230 = arith.constant 9728 : index
      %get3A_1231 = vector.load %arg2[%get3A_1229, %get3A_1230] : memref<64x16128xf32, #tpu.memory_space<vmem>>, vector<64x128xf32>
      %convert_element_type3A_1232 = arith.truncf %get3A_1231 : vector<64x128xf32> to vector<64x128xbf16>
      %dot_general3A_1233 = arith.constant dense<0.000000e+00> : vector<128x64xf32>
      %dot_general3A_1234 = tpu.matmul %convert_element_type3A_2, %convert_element_type3A_1232, %dot_general3A_1233 {dimension_numbers = #tpu.dot_dimension_numbers<[1], [1], [0], [0], [0, 0, 1, 0], [], []>, transpose_lhs_hint = false} : vector<128x128xbf16>, vector<64x128xbf16>, vector<128x64xf32> -> vector<128x64xf32>
      %concatenate3A_1235 = tpu.concatenate %dot_general3A_1228, %dot_general3A_1234 in 1 : vector<128x64xf32>, vector<128x64xf32> -> vector<128x128xf32>
      %swap3A_1236 = arith.constant 9728 : index
      %swap3A_1237 = arith.constant 0 : index
      %swap3A_1238 = vector.load %arg4[%swap3A_1236, %swap3A_1237] : memref<16128x128xf32, #tpu.memory_space<vmem>>, vector<128x128xf32>
      tpu.vector_store %arg4[%swap3A_1236, %swap3A_1237], %concatenate3A_1235 {strides = array<i32>} : memref<16128x128xf32, #tpu.memory_space<vmem>>, vector<128x128xf32>,
      %get3A_1239 = arith.constant 0 : index
      %get3A_1240 = arith.constant 9856 : index
      %get3A_1241 = vector.load %arg1[%get3A_1239, %get3A_1240] : memref<64x16128xf32, #tpu.memory_space<vmem>>, vector<64x128xf32>
      %convert_element_type3A_1242 = arith.truncf %get3A_1241 : vector<64x128xf32> to vector<64x128xbf16>
      %dot_general3A_1243 = arith.constant dense<0.000000e+00> : vector<128x64xf32>
      %dot_general3A_1244 = tpu.matmul %convert_element_type3A_2, %convert_element_type3A_1242, %dot_general3A_1243 {dimension_numbers = #tpu.dot_dimension_numbers<[1], [1], [0], [0], [0, 0, 1, 0], [], []>, transpose_lhs_hint = false} : vector<128x128xbf16>, vector<64x128xbf16>, vector<128x64xf32> -> vector<128x64xf32>
      %get3A_1245 = arith.constant 0 : index
      %get3A_1246 = arith.constant 9856 : index
      %get3A_1247 = vector.load %arg2[%get3A_1245, %get3A_1246] : memref<64x16128xf32, #tpu.memory_space<vmem>>, vector<64x128xf32>
      %convert_element_type3A_1248 = arith.truncf %get3A_1247 : vector<64x128xf32> to vector<64x128xbf16>
      %dot_general3A_1249 = arith.constant dense<0.000000e+00> : vector<128x64xf32>
      %dot_general3A_1250 = tpu.matmul %convert_element_type3A_2, %convert_element_type3A_1248, %dot_general3A_1249 {dimension_numbers = #tpu.dot_dimension_numbers<[1], [1], [0], [0], [0, 0, 1, 0], [], []>, transpose_lhs_hint = false} : vector<128x128xbf16>, vector<64x128xbf16>, vector<128x64xf32> -> vector<128x64xf32>
      %concatenate3A_1251 = tpu.concatenate %dot_general3A_1244, %dot_general3A_1250 in 1 : vector<128x64xf32>, vector<128x64xf32> -> vector<128x128xf32>
      %swap3A_1252 = arith.constant 9856 : index
      %swap3A_1253 = arith.constant 0 : index
      %swap3A_1254 = vector.load %arg4[%swap3A_1252, %swap3A_1253] : memref<16128x128xf32, #tpu.memory_space<vmem>>, vector<128x128xf32>
      tpu.vector_store %arg4[%swap3A_1252, %swap3A_1253], %concatenate3A_1251 {strides = array<i32>} : memref<16128x128xf32, #tpu.memory_space<vmem>>, vector<128x128xf32>,
      %get3A_1255 = arith.constant 0 : index
      %get3A_1256 = arith.constant 9984 : index
      %get3A_1257 = vector.load %arg1[%get3A_1255, %get3A_1256] : memref<64x16128xf32, #tpu.memory_space<vmem>>, vector<64x128xf32>
      %convert_element_type3A_1258 = arith.truncf %get3A_1257 : vector<64x128xf32> to vector<64x128xbf16>
      %dot_general3A_1259 = arith.constant dense<0.000000e+00> : vector<128x64xf32>
      %dot_general3A_1260 = tpu.matmul %convert_element_type3A_2, %convert_element_type3A_1258, %dot_general3A_1259 {dimension_numbers = #tpu.dot_dimension_numbers<[1], [1], [0], [0], [0, 0, 1, 0], [], []>, transpose_lhs_hint = false} : vector<128x128xbf16>, vector<64x128xbf16>, vector<128x64xf32> -> vector<128x64xf32>
      %get3A_1261 = arith.constant 0 : index
      %get3A_1262 = arith.constant 9984 : index
      %get3A_1263 = vector.load %arg2[%get3A_1261, %get3A_1262] : memref<64x16128xf32, #tpu.memory_space<vmem>>, vector<64x128xf32>
      %convert_element_type3A_1264 = arith.truncf %get3A_1263 : vector<64x128xf32> to vector<64x128xbf16>
      %dot_general3A_1265 = arith.constant dense<0.000000e+00> : vector<128x64xf32>
      %dot_general3A_1266 = tpu.matmul %convert_element_type3A_2, %convert_element_type3A_1264, %dot_general3A_1265 {dimension_numbers = #tpu.dot_dimension_numbers<[1], [1], [0], [0], [0, 0, 1, 0], [], []>, transpose_lhs_hint = false} : vector<128x128xbf16>, vector<64x128xbf16>, vector<128x64xf32> -> vector<128x64xf32>
      %concatenate3A_1267 = tpu.concatenate %dot_general3A_1260, %dot_general3A_1266 in 1 : vector<128x64xf32>, vector<128x64xf32> -> vector<128x128xf32>
      %swap3A_1268 = arith.constant 9984 : index
      %swap3A_1269 = arith.constant 0 : index
      %swap3A_1270 = vector.load %arg4[%swap3A_1268, %swap3A_1269] : memref<16128x128xf32, #tpu.memory_space<vmem>>, vector<128x128xf32>
      tpu.vector_store %arg4[%swap3A_1268, %swap3A_1269], %concatenate3A_1267 {strides = array<i32>} : memref<16128x128xf32, #tpu.memory_space<vmem>>, vector<128x128xf32>,
      %get3A_1271 = arith.constant 0 : index
      %get3A_1272 = arith.constant 10112 : index
      %get3A_1273 = vector.load %arg1[%get3A_1271, %get3A_1272] : memref<64x16128xf32, #tpu.memory_space<vmem>>, vector<64x128xf32>
      %convert_element_type3A_1274 = arith.truncf %get3A_1273 : vector<64x128xf32> to vector<64x128xbf16>
      %dot_general3A_1275 = arith.constant dense<0.000000e+00> : vector<128x64xf32>
      %dot_general3A_1276 = tpu.matmul %convert_element_type3A_2, %convert_element_type3A_1274, %dot_general3A_1275 {dimension_numbers = #tpu.dot_dimension_numbers<[1], [1], [0], [0], [0, 0, 1, 0], [], []>, transpose_lhs_hint = false} : vector<128x128xbf16>, vector<64x128xbf16>, vector<128x64xf32> -> vector<128x64xf32>
      %get3A_1277 = arith.constant 0 : index
      %get3A_1278 = arith.constant 10112 : index
      %get3A_1279 = vector.load %arg2[%get3A_1277, %get3A_1278] : memref<64x16128xf32, #tpu.memory_space<vmem>>, vector<64x128xf32>
      %convert_element_type3A_1280 = arith.truncf %get3A_1279 : vector<64x128xf32> to vector<64x128xbf16>
      %dot_general3A_1281 = arith.constant dense<0.000000e+00> : vector<128x64xf32>
      %dot_general3A_1282 = tpu.matmul %convert_element_type3A_2, %convert_element_type3A_1280, %dot_general3A_1281 {dimension_numbers = #tpu.dot_dimension_numbers<[1], [1], [0], [0], [0, 0, 1, 0], [], []>, transpose_lhs_hint = false} : vector<128x128xbf16>, vector<64x128xbf16>, vector<128x64xf32> -> vector<128x64xf32>
      %concatenate3A_1283 = tpu.concatenate %dot_general3A_1276, %dot_general3A_1282 in 1 : vector<128x64xf32>, vector<128x64xf32> -> vector<128x128xf32>
      %swap3A_1284 = arith.constant 10112 : index
      %swap3A_1285 = arith.constant 0 : index
      %swap3A_1286 = vector.load %arg4[%swap3A_1284, %swap3A_1285] : memref<16128x128xf32, #tpu.memory_space<vmem>>, vector<128x128xf32>
      tpu.vector_store %arg4[%swap3A_1284, %swap3A_1285], %concatenate3A_1283 {strides = array<i32>} : memref<16128x128xf32, #tpu.memory_space<vmem>>, vector<128x128xf32>,
      %get3A_1287 = arith.constant 0 : index
      %get3A_1288 = arith.constant 10240 : index
      %get3A_1289 = vector.load %arg1[%get3A_1287, %get3A_1288] : memref<64x16128xf32, #tpu.memory_space<vmem>>, vector<64x128xf32>
      %convert_element_type3A_1290 = arith.truncf %get3A_1289 : vector<64x128xf32> to vector<64x128xbf16>
      %dot_general3A_1291 = arith.constant dense<0.000000e+00> : vector<128x64xf32>
      %dot_general3A_1292 = tpu.matmul %convert_element_type3A_2, %convert_element_type3A_1290, %dot_general3A_1291 {dimension_numbers = #tpu.dot_dimension_numbers<[1], [1], [0], [0], [0, 0, 1, 0], [], []>, transpose_lhs_hint = false} : vector<128x128xbf16>, vector<64x128xbf16>, vector<128x64xf32> -> vector<128x64xf32>
      %get3A_1293 = arith.constant 0 : index
      %get3A_1294 = arith.constant 10240 : index
      %get3A_1295 = vector.load %arg2[%get3A_1293, %get3A_1294] : memref<64x16128xf32, #tpu.memory_space<vmem>>, vector<64x128xf32>
      %convert_element_type3A_1296 = arith.truncf %get3A_1295 : vector<64x128xf32> to vector<64x128xbf16>
      %dot_general3A_1297 = arith.constant dense<0.000000e+00> : vector<128x64xf32>
      %dot_general3A_1298 = tpu.matmul %convert_element_type3A_2, %convert_element_type3A_1296, %dot_general3A_1297 {dimension_numbers = #tpu.dot_dimension_numbers<[1], [1], [0], [0], [0, 0, 1, 0], [], []>, transpose_lhs_hint = false} : vector<128x128xbf16>, vector<64x128xbf16>, vector<128x64xf32> -> vector<128x64xf32>
      %concatenate3A_1299 = tpu.concatenate %dot_general3A_1292, %dot_general3A_1298 in 1 : vector<128x64xf32>, vector<128x64xf32> -> vector<128x128xf32>
      %swap3A_1300 = arith.constant 10240 : index
      %swap3A_1301 = arith.constant 0 : index
      %swap3A_1302 = vector.load %arg4[%swap3A_1300, %swap3A_1301] : memref<16128x128xf32, #tpu.memory_space<vmem>>, vector<128x128xf32>
      tpu.vector_store %arg4[%swap3A_1300, %swap3A_1301], %concatenate3A_1299 {strides = array<i32>} : memref<16128x128xf32, #tpu.memory_space<vmem>>, vector<128x128xf32>,
      %get3A_1303 = arith.constant 0 : index
      %get3A_1304 = arith.constant 10368 : index
      %get3A_1305 = vector.load %arg1[%get3A_1303, %get3A_1304] : memref<64x16128xf32, #tpu.memory_space<vmem>>, vector<64x128xf32>
      %convert_element_type3A_1306 = arith.truncf %get3A_1305 : vector<64x128xf32> to vector<64x128xbf16>
      %dot_general3A_1307 = arith.constant dense<0.000000e+00> : vector<128x64xf32>
      %dot_general3A_1308 = tpu.matmul %convert_element_type3A_2, %convert_element_type3A_1306, %dot_general3A_1307 {dimension_numbers = #tpu.dot_dimension_numbers<[1], [1], [0], [0], [0, 0, 1, 0], [], []>, transpose_lhs_hint = false} : vector<128x128xbf16>, vector<64x128xbf16>, vector<128x64xf32> -> vector<128x64xf32>
      %get3A_1309 = arith.constant 0 : index
      %get3A_1310 = arith.constant 10368 : index
      %get3A_1311 = vector.load %arg2[%get3A_1309, %get3A_1310] : memref<64x16128xf32, #tpu.memory_space<vmem>>, vector<64x128xf32>
      %convert_element_type3A_1312 = arith.truncf %get3A_1311 : vector<64x128xf32> to vector<64x128xbf16>
      %dot_general3A_1313 = arith.constant dense<0.000000e+00> : vector<128x64xf32>
      %dot_general3A_1314 = tpu.matmul %convert_element_type3A_2, %convert_element_type3A_1312, %dot_general3A_1313 {dimension_numbers = #tpu.dot_dimension_numbers<[1], [1], [0], [0], [0, 0, 1, 0], [], []>, transpose_lhs_hint = false} : vector<128x128xbf16>, vector<64x128xbf16>, vector<128x64xf32> -> vector<128x64xf32>
      %concatenate3A_1315 = tpu.concatenate %dot_general3A_1308, %dot_general3A_1314 in 1 : vector<128x64xf32>, vector<128x64xf32> -> vector<128x128xf32>
      %swap3A_1316 = arith.constant 10368 : index
      %swap3A_1317 = arith.constant 0 : index
      %swap3A_1318 = vector.load %arg4[%swap3A_1316, %swap3A_1317] : memref<16128x128xf32, #tpu.memory_space<vmem>>, vector<128x128xf32>
      tpu.vector_store %arg4[%swap3A_1316, %swap3A_1317], %concatenate3A_1315 {strides = array<i32>} : memref<16128x128xf32, #tpu.memory_space<vmem>>, vector<128x128xf32>,
      %get3A_1319 = arith.constant 0 : index
      %get3A_1320 = arith.constant 10496 : index
      %get3A_1321 = vector.load %arg1[%get3A_1319, %get3A_1320] : memref<64x16128xf32, #tpu.memory_space<vmem>>, vector<64x128xf32>
      %convert_element_type3A_1322 = arith.truncf %get3A_1321 : vector<64x128xf32> to vector<64x128xbf16>
      %dot_general3A_1323 = arith.constant dense<0.000000e+00> : vector<128x64xf32>
      %dot_general3A_1324 = tpu.matmul %convert_element_type3A_2, %convert_element_type3A_1322, %dot_general3A_1323 {dimension_numbers = #tpu.dot_dimension_numbers<[1], [1], [0], [0], [0, 0, 1, 0], [], []>, transpose_lhs_hint = false} : vector<128x128xbf16>, vector<64x128xbf16>, vector<128x64xf32> -> vector<128x64xf32>
      %get3A_1325 = arith.constant 0 : index
      %get3A_1326 = arith.constant 10496 : index
      %get3A_1327 = vector.load %arg2[%get3A_1325, %get3A_1326] : memref<64x16128xf32, #tpu.memory_space<vmem>>, vector<64x128xf32>
      %convert_element_type3A_1328 = arith.truncf %get3A_1327 : vector<64x128xf32> to vector<64x128xbf16>
      %dot_general3A_1329 = arith.constant dense<0.000000e+00> : vector<128x64xf32>
      %dot_general3A_1330 = tpu.matmul %convert_element_type3A_2, %convert_element_type3A_1328, %dot_general3A_1329 {dimension_numbers = #tpu.dot_dimension_numbers<[1], [1], [0], [0], [0, 0, 1, 0], [], []>, transpose_lhs_hint = false} : vector<128x128xbf16>, vector<64x128xbf16>, vector<128x64xf32> -> vector<128x64xf32>
      %concatenate3A_1331 = tpu.concatenate %dot_general3A_1324, %dot_general3A_1330 in 1 : vector<128x64xf32>, vector<128x64xf32> -> vector<128x128xf32>
      %swap3A_1332 = arith.constant 10496 : index
      %swap3A_1333 = arith.constant 0 : index
      %swap3A_1334 = vector.load %arg4[%swap3A_1332, %swap3A_1333] : memref<16128x128xf32, #tpu.memory_space<vmem>>, vector<128x128xf32>
      tpu.vector_store %arg4[%swap3A_1332, %swap3A_1333], %concatenate3A_1331 {strides = array<i32>} : memref<16128x128xf32, #tpu.memory_space<vmem>>, vector<128x128xf32>,
      %get3A_1335 = arith.constant 0 : index
      %get3A_1336 = arith.constant 10624 : index
      %get3A_1337 = vector.load %arg1[%get3A_1335, %get3A_1336] : memref<64x16128xf32, #tpu.memory_space<vmem>>, vector<64x128xf32>
      %convert_element_type3A_1338 = arith.truncf %get3A_1337 : vector<64x128xf32> to vector<64x128xbf16>
      %dot_general3A_1339 = arith.constant dense<0.000000e+00> : vector<128x64xf32>
      %dot_general3A_1340 = tpu.matmul %convert_element_type3A_2, %convert_element_type3A_1338, %dot_general3A_1339 {dimension_numbers = #tpu.dot_dimension_numbers<[1], [1], [0], [0], [0, 0, 1, 0], [], []>, transpose_lhs_hint = false} : vector<128x128xbf16>, vector<64x128xbf16>, vector<128x64xf32> -> vector<128x64xf32>
      %get3A_1341 = arith.constant 0 : index
      %get3A_1342 = arith.constant 10624 : index
      %get3A_1343 = vector.load %arg2[%get3A_1341, %get3A_1342] : memref<64x16128xf32, #tpu.memory_space<vmem>>, vector<64x128xf32>
      %convert_element_type3A_1344 = arith.truncf %get3A_1343 : vector<64x128xf32> to vector<64x128xbf16>
      %dot_general3A_1345 = arith.constant dense<0.000000e+00> : vector<128x64xf32>
      %dot_general3A_1346 = tpu.matmul %convert_element_type3A_2, %convert_element_type3A_1344, %dot_general3A_1345 {dimension_numbers = #tpu.dot_dimension_numbers<[1], [1], [0], [0], [0, 0, 1, 0], [], []>, transpose_lhs_hint = false} : vector<128x128xbf16>, vector<64x128xbf16>, vector<128x64xf32> -> vector<128x64xf32>
      %concatenate3A_1347 = tpu.concatenate %dot_general3A_1340, %dot_general3A_1346 in 1 : vector<128x64xf32>, vector<128x64xf32> -> vector<128x128xf32>
      %swap3A_1348 = arith.constant 10624 : index
      %swap3A_1349 = arith.constant 0 : index
      %swap3A_1350 = vector.load %arg4[%swap3A_1348, %swap3A_1349] : memref<16128x128xf32, #tpu.memory_space<vmem>>, vector<128x128xf32>
      tpu.vector_store %arg4[%swap3A_1348, %swap3A_1349], %concatenate3A_1347 {strides = array<i32>} : memref<16128x128xf32, #tpu.memory_space<vmem>>, vector<128x128xf32>,
      %get3A_1351 = arith.constant 0 : index
      %get3A_1352 = arith.constant 10752 : index
      %get3A_1353 = vector.load %arg1[%get3A_1351, %get3A_1352] : memref<64x16128xf32, #tpu.memory_space<vmem>>, vector<64x128xf32>
      %convert_element_type3A_1354 = arith.truncf %get3A_1353 : vector<64x128xf32> to vector<64x128xbf16>
      %dot_general3A_1355 = arith.constant dense<0.000000e+00> : vector<128x64xf32>
      %dot_general3A_1356 = tpu.matmul %convert_element_type3A_2, %convert_element_type3A_1354, %dot_general3A_1355 {dimension_numbers = #tpu.dot_dimension_numbers<[1], [1], [0], [0], [0, 0, 1, 0], [], []>, transpose_lhs_hint = false} : vector<128x128xbf16>, vector<64x128xbf16>, vector<128x64xf32> -> vector<128x64xf32>
      %get3A_1357 = arith.constant 0 : index
      %get3A_1358 = arith.constant 10752 : index
      %get3A_1359 = vector.load %arg2[%get3A_1357, %get3A_1358] : memref<64x16128xf32, #tpu.memory_space<vmem>>, vector<64x128xf32>
      %convert_element_type3A_1360 = arith.truncf %get3A_1359 : vector<64x128xf32> to vector<64x128xbf16>
      %dot_general3A_1361 = arith.constant dense<0.000000e+00> : vector<128x64xf32>
      %dot_general3A_1362 = tpu.matmul %convert_element_type3A_2, %convert_element_type3A_1360, %dot_general3A_1361 {dimension_numbers = #tpu.dot_dimension_numbers<[1], [1], [0], [0], [0, 0, 1, 0], [], []>, transpose_lhs_hint = false} : vector<128x128xbf16>, vector<64x128xbf16>, vector<128x64xf32> -> vector<128x64xf32>
      %concatenate3A_1363 = tpu.concatenate %dot_general3A_1356, %dot_general3A_1362 in 1 : vector<128x64xf32>, vector<128x64xf32> -> vector<128x128xf32>
      %swap3A_1364 = arith.constant 10752 : index
      %swap3A_1365 = arith.constant 0 : index
      %swap3A_1366 = vector.load %arg4[%swap3A_1364, %swap3A_1365] : memref<16128x128xf32, #tpu.memory_space<vmem>>, vector<128x128xf32>
      tpu.vector_store %arg4[%swap3A_1364, %swap3A_1365], %concatenate3A_1363 {strides = array<i32>} : memref<16128x128xf32, #tpu.memory_space<vmem>>, vector<128x128xf32>,
      %get3A_1367 = arith.constant 0 : index
      %get3A_1368 = arith.constant 10880 : index
      %get3A_1369 = vector.load %arg1[%get3A_1367, %get3A_1368] : memref<64x16128xf32, #tpu.memory_space<vmem>>, vector<64x128xf32>
      %convert_element_type3A_1370 = arith.truncf %get3A_1369 : vector<64x128xf32> to vector<64x128xbf16>
      %dot_general3A_1371 = arith.constant dense<0.000000e+00> : vector<128x64xf32>
      %dot_general3A_1372 = tpu.matmul %convert_element_type3A_2, %convert_element_type3A_1370, %dot_general3A_1371 {dimension_numbers = #tpu.dot_dimension_numbers<[1], [1], [0], [0], [0, 0, 1, 0], [], []>, transpose_lhs_hint = false} : vector<128x128xbf16>, vector<64x128xbf16>, vector<128x64xf32> -> vector<128x64xf32>
      %get3A_1373 = arith.constant 0 : index
      %get3A_1374 = arith.constant 10880 : index
      %get3A_1375 = vector.load %arg2[%get3A_1373, %get3A_1374] : memref<64x16128xf32, #tpu.memory_space<vmem>>, vector<64x128xf32>
      %convert_element_type3A_1376 = arith.truncf %get3A_1375 : vector<64x128xf32> to vector<64x128xbf16>
      %dot_general3A_1377 = arith.constant dense<0.000000e+00> : vector<128x64xf32>
      %dot_general3A_1378 = tpu.matmul %convert_element_type3A_2, %convert_element_type3A_1376, %dot_general3A_1377 {dimension_numbers = #tpu.dot_dimension_numbers<[1], [1], [0], [0], [0, 0, 1, 0], [], []>, transpose_lhs_hint = false} : vector<128x128xbf16>, vector<64x128xbf16>, vector<128x64xf32> -> vector<128x64xf32>
      %concatenate3A_1379 = tpu.concatenate %dot_general3A_1372, %dot_general3A_1378 in 1 : vector<128x64xf32>, vector<128x64xf32> -> vector<128x128xf32>
      %swap3A_1380 = arith.constant 10880 : index
      %swap3A_1381 = arith.constant 0 : index
      %swap3A_1382 = vector.load %arg4[%swap3A_1380, %swap3A_1381] : memref<16128x128xf32, #tpu.memory_space<vmem>>, vector<128x128xf32>
      tpu.vector_store %arg4[%swap3A_1380, %swap3A_1381], %concatenate3A_1379 {strides = array<i32>} : memref<16128x128xf32, #tpu.memory_space<vmem>>, vector<128x128xf32>,
      %get3A_1383 = arith.constant 0 : index
      %get3A_1384 = arith.constant 11008 : index
      %get3A_1385 = vector.load %arg1[%get3A_1383, %get3A_1384] : memref<64x16128xf32, #tpu.memory_space<vmem>>, vector<64x128xf32>
      %convert_element_type3A_1386 = arith.truncf %get3A_1385 : vector<64x128xf32> to vector<64x128xbf16>
      %dot_general3A_1387 = arith.constant dense<0.000000e+00> : vector<128x64xf32>
      %dot_general3A_1388 = tpu.matmul %convert_element_type3A_2, %convert_element_type3A_1386, %dot_general3A_1387 {dimension_numbers = #tpu.dot_dimension_numbers<[1], [1], [0], [0], [0, 0, 1, 0], [], []>, transpose_lhs_hint = false} : vector<128x128xbf16>, vector<64x128xbf16>, vector<128x64xf32> -> vector<128x64xf32>
      %get3A_1389 = arith.constant 0 : index
      %get3A_1390 = arith.constant 11008 : index
      %get3A_1391 = vector.load %arg2[%get3A_1389, %get3A_1390] : memref<64x16128xf32, #tpu.memory_space<vmem>>, vector<64x128xf32>
      %convert_element_type3A_1392 = arith.truncf %get3A_1391 : vector<64x128xf32> to vector<64x128xbf16>
      %dot_general3A_1393 = arith.constant dense<0.000000e+00> : vector<128x64xf32>
      %dot_general3A_1394 = tpu.matmul %convert_element_type3A_2, %convert_element_type3A_1392, %dot_general3A_1393 {dimension_numbers = #tpu.dot_dimension_numbers<[1], [1], [0], [0], [0, 0, 1, 0], [], []>, transpose_lhs_hint = false} : vector<128x128xbf16>, vector<64x128xbf16>, vector<128x64xf32> -> vector<128x64xf32>
      %concatenate3A_1395 = tpu.concatenate %dot_general3A_1388, %dot_general3A_1394 in 1 : vector<128x64xf32>, vector<128x64xf32> -> vector<128x128xf32>
      %swap3A_1396 = arith.constant 11008 : index
      %swap3A_1397 = arith.constant 0 : index
      %swap3A_1398 = vector.load %arg4[%swap3A_1396, %swap3A_1397] : memref<16128x128xf32, #tpu.memory_space<vmem>>, vector<128x128xf32>
      tpu.vector_store %arg4[%swap3A_1396, %swap3A_1397], %concatenate3A_1395 {strides = array<i32>} : memref<16128x128xf32, #tpu.memory_space<vmem>>, vector<128x128xf32>,
      %get3A_1399 = arith.constant 0 : index
      %get3A_1400 = arith.constant 11136 : index
      %get3A_1401 = vector.load %arg1[%get3A_1399, %get3A_1400] : memref<64x16128xf32, #tpu.memory_space<vmem>>, vector<64x128xf32>
      %convert_element_type3A_1402 = arith.truncf %get3A_1401 : vector<64x128xf32> to vector<64x128xbf16>
      %dot_general3A_1403 = arith.constant dense<0.000000e+00> : vector<128x64xf32>
      %dot_general3A_1404 = tpu.matmul %convert_element_type3A_2, %convert_element_type3A_1402, %dot_general3A_1403 {dimension_numbers = #tpu.dot_dimension_numbers<[1], [1], [0], [0], [0, 0, 1, 0], [], []>, transpose_lhs_hint = false} : vector<128x128xbf16>, vector<64x128xbf16>, vector<128x64xf32> -> vector<128x64xf32>
      %get3A_1405 = arith.constant 0 : index
      %get3A_1406 = arith.constant 11136 : index
      %get3A_1407 = vector.load %arg2[%get3A_1405, %get3A_1406] : memref<64x16128xf32, #tpu.memory_space<vmem>>, vector<64x128xf32>
      %convert_element_type3A_1408 = arith.truncf %get3A_1407 : vector<64x128xf32> to vector<64x128xbf16>
      %dot_general3A_1409 = arith.constant dense<0.000000e+00> : vector<128x64xf32>
      %dot_general3A_1410 = tpu.matmul %convert_element_type3A_2, %convert_element_type3A_1408, %dot_general3A_1409 {dimension_numbers = #tpu.dot_dimension_numbers<[1], [1], [0], [0], [0, 0, 1, 0], [], []>, transpose_lhs_hint = false} : vector<128x128xbf16>, vector<64x128xbf16>, vector<128x64xf32> -> vector<128x64xf32>
      %concatenate3A_1411 = tpu.concatenate %dot_general3A_1404, %dot_general3A_1410 in 1 : vector<128x64xf32>, vector<128x64xf32> -> vector<128x128xf32>
      %swap3A_1412 = arith.constant 11136 : index
      %swap3A_1413 = arith.constant 0 : index
      %swap3A_1414 = vector.load %arg4[%swap3A_1412, %swap3A_1413] : memref<16128x128xf32, #tpu.memory_space<vmem>>, vector<128x128xf32>
      tpu.vector_store %arg4[%swap3A_1412, %swap3A_1413], %concatenate3A_1411 {strides = array<i32>} : memref<16128x128xf32, #tpu.memory_space<vmem>>, vector<128x128xf32>,
      %get3A_1415 = arith.constant 0 : index
      %get3A_1416 = arith.constant 11264 : index
      %get3A_1417 = vector.load %arg1[%get3A_1415, %get3A_1416] : memref<64x16128xf32, #tpu.memory_space<vmem>>, vector<64x128xf32>
      %convert_element_type3A_1418 = arith.truncf %get3A_1417 : vector<64x128xf32> to vector<64x128xbf16>
      %dot_general3A_1419 = arith.constant dense<0.000000e+00> : vector<128x64xf32>
      %dot_general3A_1420 = tpu.matmul %convert_element_type3A_2, %convert_element_type3A_1418, %dot_general3A_1419 {dimension_numbers = #tpu.dot_dimension_numbers<[1], [1], [0], [0], [0, 0, 1, 0], [], []>, transpose_lhs_hint = false} : vector<128x128xbf16>, vector<64x128xbf16>, vector<128x64xf32> -> vector<128x64xf32>
      %get3A_1421 = arith.constant 0 : index
      %get3A_1422 = arith.constant 11264 : index
      %get3A_1423 = vector.load %arg2[%get3A_1421, %get3A_1422] : memref<64x16128xf32, #tpu.memory_space<vmem>>, vector<64x128xf32>
      %convert_element_type3A_1424 = arith.truncf %get3A_1423 : vector<64x128xf32> to vector<64x128xbf16>
      %dot_general3A_1425 = arith.constant dense<0.000000e+00> : vector<128x64xf32>
      %dot_general3A_1426 = tpu.matmul %convert_element_type3A_2, %convert_element_type3A_1424, %dot_general3A_1425 {dimension_numbers = #tpu.dot_dimension_numbers<[1], [1], [0], [0], [0, 0, 1, 0], [], []>, transpose_lhs_hint = false} : vector<128x128xbf16>, vector<64x128xbf16>, vector<128x64xf32> -> vector<128x64xf32>
      %concatenate3A_1427 = tpu.concatenate %dot_general3A_1420, %dot_general3A_1426 in 1 : vector<128x64xf32>, vector<128x64xf32> -> vector<128x128xf32>
      %swap3A_1428 = arith.constant 11264 : index
      %swap3A_1429 = arith.constant 0 : index
      %swap3A_1430 = vector.load %arg4[%swap3A_1428, %swap3A_1429] : memref<16128x128xf32, #tpu.memory_space<vmem>>, vector<128x128xf32>
      tpu.vector_store %arg4[%swap3A_1428, %swap3A_1429], %concatenate3A_1427 {strides = array<i32>} : memref<16128x128xf32, #tpu.memory_space<vmem>>, vector<128x128xf32>,
      %get3A_1431 = arith.constant 0 : index
      %get3A_1432 = arith.constant 11392 : index
      %get3A_1433 = vector.load %arg1[%get3A_1431, %get3A_1432] : memref<64x16128xf32, #tpu.memory_space<vmem>>, vector<64x128xf32>
      %convert_element_type3A_1434 = arith.truncf %get3A_1433 : vector<64x128xf32> to vector<64x128xbf16>
      %dot_general3A_1435 = arith.constant dense<0.000000e+00> : vector<128x64xf32>
      %dot_general3A_1436 = tpu.matmul %convert_element_type3A_2, %convert_element_type3A_1434, %dot_general3A_1435 {dimension_numbers = #tpu.dot_dimension_numbers<[1], [1], [0], [0], [0, 0, 1, 0], [], []>, transpose_lhs_hint = false} : vector<128x128xbf16>, vector<64x128xbf16>, vector<128x64xf32> -> vector<128x64xf32>
      %get3A_1437 = arith.constant 0 : index
      %get3A_1438 = arith.constant 11392 : index
      %get3A_1439 = vector.load %arg2[%get3A_1437, %get3A_1438] : memref<64x16128xf32, #tpu.memory_space<vmem>>, vector<64x128xf32>
      %convert_element_type3A_1440 = arith.truncf %get3A_1439 : vector<64x128xf32> to vector<64x128xbf16>
      %dot_general3A_1441 = arith.constant dense<0.000000e+00> : vector<128x64xf32>
      %dot_general3A_1442 = tpu.matmul %convert_element_type3A_2, %convert_element_type3A_1440, %dot_general3A_1441 {dimension_numbers = #tpu.dot_dimension_numbers<[1], [1], [0], [0], [0, 0, 1, 0], [], []>, transpose_lhs_hint = false} : vector<128x128xbf16>, vector<64x128xbf16>, vector<128x64xf32> -> vector<128x64xf32>
      %concatenate3A_1443 = tpu.concatenate %dot_general3A_1436, %dot_general3A_1442 in 1 : vector<128x64xf32>, vector<128x64xf32> -> vector<128x128xf32>
      %swap3A_1444 = arith.constant 11392 : index
      %swap3A_1445 = arith.constant 0 : index
      %swap3A_1446 = vector.load %arg4[%swap3A_1444, %swap3A_1445] : memref<16128x128xf32, #tpu.memory_space<vmem>>, vector<128x128xf32>
      tpu.vector_store %arg4[%swap3A_1444, %swap3A_1445], %concatenate3A_1443 {strides = array<i32>} : memref<16128x128xf32, #tpu.memory_space<vmem>>, vector<128x128xf32>,
      %get3A_1447 = arith.constant 0 : index
      %get3A_1448 = arith.constant 11520 : index
      %get3A_1449 = vector.load %arg1[%get3A_1447, %get3A_1448] : memref<64x16128xf32, #tpu.memory_space<vmem>>, vector<64x128xf32>
      %convert_element_type3A_1450 = arith.truncf %get3A_1449 : vector<64x128xf32> to vector<64x128xbf16>
      %dot_general3A_1451 = arith.constant dense<0.000000e+00> : vector<128x64xf32>
      %dot_general3A_1452 = tpu.matmul %convert_element_type3A_2, %convert_element_type3A_1450, %dot_general3A_1451 {dimension_numbers = #tpu.dot_dimension_numbers<[1], [1], [0], [0], [0, 0, 1, 0], [], []>, transpose_lhs_hint = false} : vector<128x128xbf16>, vector<64x128xbf16>, vector<128x64xf32> -> vector<128x64xf32>
      %get3A_1453 = arith.constant 0 : index
      %get3A_1454 = arith.constant 11520 : index
      %get3A_1455 = vector.load %arg2[%get3A_1453, %get3A_1454] : memref<64x16128xf32, #tpu.memory_space<vmem>>, vector<64x128xf32>
      %convert_element_type3A_1456 = arith.truncf %get3A_1455 : vector<64x128xf32> to vector<64x128xbf16>
      %dot_general3A_1457 = arith.constant dense<0.000000e+00> : vector<128x64xf32>
      %dot_general3A_1458 = tpu.matmul %convert_element_type3A_2, %convert_element_type3A_1456, %dot_general3A_1457 {dimension_numbers = #tpu.dot_dimension_numbers<[1], [1], [0], [0], [0, 0, 1, 0], [], []>, transpose_lhs_hint = false} : vector<128x128xbf16>, vector<64x128xbf16>, vector<128x64xf32> -> vector<128x64xf32>
      %concatenate3A_1459 = tpu.concatenate %dot_general3A_1452, %dot_general3A_1458 in 1 : vector<128x64xf32>, vector<128x64xf32> -> vector<128x128xf32>
      %swap3A_1460 = arith.constant 11520 : index
      %swap3A_1461 = arith.constant 0 : index
      %swap3A_1462 = vector.load %arg4[%swap3A_1460, %swap3A_1461] : memref<16128x128xf32, #tpu.memory_space<vmem>>, vector<128x128xf32>
      tpu.vector_store %arg4[%swap3A_1460, %swap3A_1461], %concatenate3A_1459 {strides = array<i32>} : memref<16128x128xf32, #tpu.memory_space<vmem>>, vector<128x128xf32>,
      %get3A_1463 = arith.constant 0 : index
      %get3A_1464 = arith.constant 11648 : index
      %get3A_1465 = vector.load %arg1[%get3A_1463, %get3A_1464] : memref<64x16128xf32, #tpu.memory_space<vmem>>, vector<64x128xf32>
      %convert_element_type3A_1466 = arith.truncf %get3A_1465 : vector<64x128xf32> to vector<64x128xbf16>
      %dot_general3A_1467 = arith.constant dense<0.000000e+00> : vector<128x64xf32>
      %dot_general3A_1468 = tpu.matmul %convert_element_type3A_2, %convert_element_type3A_1466, %dot_general3A_1467 {dimension_numbers = #tpu.dot_dimension_numbers<[1], [1], [0], [0], [0, 0, 1, 0], [], []>, transpose_lhs_hint = false} : vector<128x128xbf16>, vector<64x128xbf16>, vector<128x64xf32> -> vector<128x64xf32>
      %get3A_1469 = arith.constant 0 : index
      %get3A_1470 = arith.constant 11648 : index
      %get3A_1471 = vector.load %arg2[%get3A_1469, %get3A_1470] : memref<64x16128xf32, #tpu.memory_space<vmem>>, vector<64x128xf32>
      %convert_element_type3A_1472 = arith.truncf %get3A_1471 : vector<64x128xf32> to vector<64x128xbf16>
      %dot_general3A_1473 = arith.constant dense<0.000000e+00> : vector<128x64xf32>
      %dot_general3A_1474 = tpu.matmul %convert_element_type3A_2, %convert_element_type3A_1472, %dot_general3A_1473 {dimension_numbers = #tpu.dot_dimension_numbers<[1], [1], [0], [0], [0, 0, 1, 0], [], []>, transpose_lhs_hint = false} : vector<128x128xbf16>, vector<64x128xbf16>, vector<128x64xf32> -> vector<128x64xf32>
      %concatenate3A_1475 = tpu.concatenate %dot_general3A_1468, %dot_general3A_1474 in 1 : vector<128x64xf32>, vector<128x64xf32> -> vector<128x128xf32>
      %swap3A_1476 = arith.constant 11648 : index
      %swap3A_1477 = arith.constant 0 : index
      %swap3A_1478 = vector.load %arg4[%swap3A_1476, %swap3A_1477] : memref<16128x128xf32, #tpu.memory_space<vmem>>, vector<128x128xf32>
      tpu.vector_store %arg4[%swap3A_1476, %swap3A_1477], %concatenate3A_1475 {strides = array<i32>} : memref<16128x128xf32, #tpu.memory_space<vmem>>, vector<128x128xf32>,
      %get3A_1479 = arith.constant 0 : index
      %get3A_1480 = arith.constant 11776 : index
      %get3A_1481 = vector.load %arg1[%get3A_1479, %get3A_1480] : memref<64x16128xf32, #tpu.memory_space<vmem>>, vector<64x128xf32>
      %convert_element_type3A_1482 = arith.truncf %get3A_1481 : vector<64x128xf32> to vector<64x128xbf16>
      %dot_general3A_1483 = arith.constant dense<0.000000e+00> : vector<128x64xf32>
      %dot_general3A_1484 = tpu.matmul %convert_element_type3A_2, %convert_element_type3A_1482, %dot_general3A_1483 {dimension_numbers = #tpu.dot_dimension_numbers<[1], [1], [0], [0], [0, 0, 1, 0], [], []>, transpose_lhs_hint = false} : vector<128x128xbf16>, vector<64x128xbf16>, vector<128x64xf32> -> vector<128x64xf32>
      %get3A_1485 = arith.constant 0 : index
      %get3A_1486 = arith.constant 11776 : index
      %get3A_1487 = vector.load %arg2[%get3A_1485, %get3A_1486] : memref<64x16128xf32, #tpu.memory_space<vmem>>, vector<64x128xf32>
      %convert_element_type3A_1488 = arith.truncf %get3A_1487 : vector<64x128xf32> to vector<64x128xbf16>
      %dot_general3A_1489 = arith.constant dense<0.000000e+00> : vector<128x64xf32>
      %dot_general3A_1490 = tpu.matmul %convert_element_type3A_2, %convert_element_type3A_1488, %dot_general3A_1489 {dimension_numbers = #tpu.dot_dimension_numbers<[1], [1], [0], [0], [0, 0, 1, 0], [], []>, transpose_lhs_hint = false} : vector<128x128xbf16>, vector<64x128xbf16>, vector<128x64xf32> -> vector<128x64xf32>
      %concatenate3A_1491 = tpu.concatenate %dot_general3A_1484, %dot_general3A_1490 in 1 : vector<128x64xf32>, vector<128x64xf32> -> vector<128x128xf32>
      %swap3A_1492 = arith.constant 11776 : index
      %swap3A_1493 = arith.constant 0 : index
      %swap3A_1494 = vector.load %arg4[%swap3A_1492, %swap3A_1493] : memref<16128x128xf32, #tpu.memory_space<vmem>>, vector<128x128xf32>
      tpu.vector_store %arg4[%swap3A_1492, %swap3A_1493], %concatenate3A_1491 {strides = array<i32>} : memref<16128x128xf32, #tpu.memory_space<vmem>>, vector<128x128xf32>,
      %get3A_1495 = arith.constant 0 : index
      %get3A_1496 = arith.constant 11904 : index
      %get3A_1497 = vector.load %arg1[%get3A_1495, %get3A_1496] : memref<64x16128xf32, #tpu.memory_space<vmem>>, vector<64x128xf32>
      %convert_element_type3A_1498 = arith.truncf %get3A_1497 : vector<64x128xf32> to vector<64x128xbf16>
      %dot_general3A_1499 = arith.constant dense<0.000000e+00> : vector<128x64xf32>
      %dot_general3A_1500 = tpu.matmul %convert_element_type3A_2, %convert_element_type3A_1498, %dot_general3A_1499 {dimension_numbers = #tpu.dot_dimension_numbers<[1], [1], [0], [0], [0, 0, 1, 0], [], []>, transpose_lhs_hint = false} : vector<128x128xbf16>, vector<64x128xbf16>, vector<128x64xf32> -> vector<128x64xf32>
      %get3A_1501 = arith.constant 0 : index
      %get3A_1502 = arith.constant 11904 : index
      %get3A_1503 = vector.load %arg2[%get3A_1501, %get3A_1502] : memref<64x16128xf32, #tpu.memory_space<vmem>>, vector<64x128xf32>
      %convert_element_type3A_1504 = arith.truncf %get3A_1503 : vector<64x128xf32> to vector<64x128xbf16>
      %dot_general3A_1505 = arith.constant dense<0.000000e+00> : vector<128x64xf32>
      %dot_general3A_1506 = tpu.matmul %convert_element_type3A_2, %convert_element_type3A_1504, %dot_general3A_1505 {dimension_numbers = #tpu.dot_dimension_numbers<[1], [1], [0], [0], [0, 0, 1, 0], [], []>, transpose_lhs_hint = false} : vector<128x128xbf16>, vector<64x128xbf16>, vector<128x64xf32> -> vector<128x64xf32>
      %concatenate3A_1507 = tpu.concatenate %dot_general3A_1500, %dot_general3A_1506 in 1 : vector<128x64xf32>, vector<128x64xf32> -> vector<128x128xf32>
      %swap3A_1508 = arith.constant 11904 : index
      %swap3A_1509 = arith.constant 0 : index
      %swap3A_1510 = vector.load %arg4[%swap3A_1508, %swap3A_1509] : memref<16128x128xf32, #tpu.memory_space<vmem>>, vector<128x128xf32>
      tpu.vector_store %arg4[%swap3A_1508, %swap3A_1509], %concatenate3A_1507 {strides = array<i32>} : memref<16128x128xf32, #tpu.memory_space<vmem>>, vector<128x128xf32>,
      %get3A_1511 = arith.constant 0 : index
      %get3A_1512 = arith.constant 12032 : index
      %get3A_1513 = vector.load %arg1[%get3A_1511, %get3A_1512] : memref<64x16128xf32, #tpu.memory_space<vmem>>, vector<64x128xf32>
      %convert_element_type3A_1514 = arith.truncf %get3A_1513 : vector<64x128xf32> to vector<64x128xbf16>
      %dot_general3A_1515 = arith.constant dense<0.000000e+00> : vector<128x64xf32>
      %dot_general3A_1516 = tpu.matmul %convert_element_type3A_2, %convert_element_type3A_1514, %dot_general3A_1515 {dimension_numbers = #tpu.dot_dimension_numbers<[1], [1], [0], [0], [0, 0, 1, 0], [], []>, transpose_lhs_hint = false} : vector<128x128xbf16>, vector<64x128xbf16>, vector<128x64xf32> -> vector<128x64xf32>
      %get3A_1517 = arith.constant 0 : index
      %get3A_1518 = arith.constant 12032 : index
      %get3A_1519 = vector.load %arg2[%get3A_1517, %get3A_1518] : memref<64x16128xf32, #tpu.memory_space<vmem>>, vector<64x128xf32>
      %convert_element_type3A_1520 = arith.truncf %get3A_1519 : vector<64x128xf32> to vector<64x128xbf16>
      %dot_general3A_1521 = arith.constant dense<0.000000e+00> : vector<128x64xf32>
      %dot_general3A_1522 = tpu.matmul %convert_element_type3A_2, %convert_element_type3A_1520, %dot_general3A_1521 {dimension_numbers = #tpu.dot_dimension_numbers<[1], [1], [0], [0], [0, 0, 1, 0], [], []>, transpose_lhs_hint = false} : vector<128x128xbf16>, vector<64x128xbf16>, vector<128x64xf32> -> vector<128x64xf32>
      %concatenate3A_1523 = tpu.concatenate %dot_general3A_1516, %dot_general3A_1522 in 1 : vector<128x64xf32>, vector<128x64xf32> -> vector<128x128xf32>
      %swap3A_1524 = arith.constant 12032 : index
      %swap3A_1525 = arith.constant 0 : index
      %swap3A_1526 = vector.load %arg4[%swap3A_1524, %swap3A_1525] : memref<16128x128xf32, #tpu.memory_space<vmem>>, vector<128x128xf32>
      tpu.vector_store %arg4[%swap3A_1524, %swap3A_1525], %concatenate3A_1523 {strides = array<i32>} : memref<16128x128xf32, #tpu.memory_space<vmem>>, vector<128x128xf32>,
      %get3A_1527 = arith.constant 0 : index
      %get3A_1528 = arith.constant 12160 : index
      %get3A_1529 = vector.load %arg1[%get3A_1527, %get3A_1528] : memref<64x16128xf32, #tpu.memory_space<vmem>>, vector<64x128xf32>
      %convert_element_type3A_1530 = arith.truncf %get3A_1529 : vector<64x128xf32> to vector<64x128xbf16>
      %dot_general3A_1531 = arith.constant dense<0.000000e+00> : vector<128x64xf32>
      %dot_general3A_1532 = tpu.matmul %convert_element_type3A_2, %convert_element_type3A_1530, %dot_general3A_1531 {dimension_numbers = #tpu.dot_dimension_numbers<[1], [1], [0], [0], [0, 0, 1, 0], [], []>, transpose_lhs_hint = false} : vector<128x128xbf16>, vector<64x128xbf16>, vector<128x64xf32> -> vector<128x64xf32>
      %get3A_1533 = arith.constant 0 : index
      %get3A_1534 = arith.constant 12160 : index
      %get3A_1535 = vector.load %arg2[%get3A_1533, %get3A_1534] : memref<64x16128xf32, #tpu.memory_space<vmem>>, vector<64x128xf32>
      %convert_element_type3A_1536 = arith.truncf %get3A_1535 : vector<64x128xf32> to vector<64x128xbf16>
      %dot_general3A_1537 = arith.constant dense<0.000000e+00> : vector<128x64xf32>
      %dot_general3A_1538 = tpu.matmul %convert_element_type3A_2, %convert_element_type3A_1536, %dot_general3A_1537 {dimension_numbers = #tpu.dot_dimension_numbers<[1], [1], [0], [0], [0, 0, 1, 0], [], []>, transpose_lhs_hint = false} : vector<128x128xbf16>, vector<64x128xbf16>, vector<128x64xf32> -> vector<128x64xf32>
      %concatenate3A_1539 = tpu.concatenate %dot_general3A_1532, %dot_general3A_1538 in 1 : vector<128x64xf32>, vector<128x64xf32> -> vector<128x128xf32>
      %swap3A_1540 = arith.constant 12160 : index
      %swap3A_1541 = arith.constant 0 : index
      %swap3A_1542 = vector.load %arg4[%swap3A_1540, %swap3A_1541] : memref<16128x128xf32, #tpu.memory_space<vmem>>, vector<128x128xf32>
      tpu.vector_store %arg4[%swap3A_1540, %swap3A_1541], %concatenate3A_1539 {strides = array<i32>} : memref<16128x128xf32, #tpu.memory_space<vmem>>, vector<128x128xf32>,
      %get3A_1543 = arith.constant 0 : index
      %get3A_1544 = arith.constant 12288 : index
      %get3A_1545 = vector.load %arg1[%get3A_1543, %get3A_1544] : memref<64x16128xf32, #tpu.memory_space<vmem>>, vector<64x128xf32>
      %convert_element_type3A_1546 = arith.truncf %get3A_1545 : vector<64x128xf32> to vector<64x128xbf16>
      %dot_general3A_1547 = arith.constant dense<0.000000e+00> : vector<128x64xf32>
      %dot_general3A_1548 = tpu.matmul %convert_element_type3A_2, %convert_element_type3A_1546, %dot_general3A_1547 {dimension_numbers = #tpu.dot_dimension_numbers<[1], [1], [0], [0], [0, 0, 1, 0], [], []>, transpose_lhs_hint = false} : vector<128x128xbf16>, vector<64x128xbf16>, vector<128x64xf32> -> vector<128x64xf32>
      %get3A_1549 = arith.constant 0 : index
      %get3A_1550 = arith.constant 12288 : index
      %get3A_1551 = vector.load %arg2[%get3A_1549, %get3A_1550] : memref<64x16128xf32, #tpu.memory_space<vmem>>, vector<64x128xf32>
      %convert_element_type3A_1552 = arith.truncf %get3A_1551 : vector<64x128xf32> to vector<64x128xbf16>
      %dot_general3A_1553 = arith.constant dense<0.000000e+00> : vector<128x64xf32>
      %dot_general3A_1554 = tpu.matmul %convert_element_type3A_2, %convert_element_type3A_1552, %dot_general3A_1553 {dimension_numbers = #tpu.dot_dimension_numbers<[1], [1], [0], [0], [0, 0, 1, 0], [], []>, transpose_lhs_hint = false} : vector<128x128xbf16>, vector<64x128xbf16>, vector<128x64xf32> -> vector<128x64xf32>
      %concatenate3A_1555 = tpu.concatenate %dot_general3A_1548, %dot_general3A_1554 in 1 : vector<128x64xf32>, vector<128x64xf32> -> vector<128x128xf32>
      %swap3A_1556 = arith.constant 12288 : index
      %swap3A_1557 = arith.constant 0 : index
      %swap3A_1558 = vector.load %arg4[%swap3A_1556, %swap3A_1557] : memref<16128x128xf32, #tpu.memory_space<vmem>>, vector<128x128xf32>
      tpu.vector_store %arg4[%swap3A_1556, %swap3A_1557], %concatenate3A_1555 {strides = array<i32>} : memref<16128x128xf32, #tpu.memory_space<vmem>>, vector<128x128xf32>,
      %get3A_1559 = arith.constant 0 : index
      %get3A_1560 = arith.constant 12416 : index
      %get3A_1561 = vector.load %arg1[%get3A_1559, %get3A_1560] : memref<64x16128xf32, #tpu.memory_space<vmem>>, vector<64x128xf32>
      %convert_element_type3A_1562 = arith.truncf %get3A_1561 : vector<64x128xf32> to vector<64x128xbf16>
      %dot_general3A_1563 = arith.constant dense<0.000000e+00> : vector<128x64xf32>
      %dot_general3A_1564 = tpu.matmul %convert_element_type3A_2, %convert_element_type3A_1562, %dot_general3A_1563 {dimension_numbers = #tpu.dot_dimension_numbers<[1], [1], [0], [0], [0, 0, 1, 0], [], []>, transpose_lhs_hint = false} : vector<128x128xbf16>, vector<64x128xbf16>, vector<128x64xf32> -> vector<128x64xf32>
      %get3A_1565 = arith.constant 0 : index
      %get3A_1566 = arith.constant 12416 : index
      %get3A_1567 = vector.load %arg2[%get3A_1565, %get3A_1566] : memref<64x16128xf32, #tpu.memory_space<vmem>>, vector<64x128xf32>
      %convert_element_type3A_1568 = arith.truncf %get3A_1567 : vector<64x128xf32> to vector<64x128xbf16>
      %dot_general3A_1569 = arith.constant dense<0.000000e+00> : vector<128x64xf32>
      %dot_general3A_1570 = tpu.matmul %convert_element_type3A_2, %convert_element_type3A_1568, %dot_general3A_1569 {dimension_numbers = #tpu.dot_dimension_numbers<[1], [1], [0], [0], [0, 0, 1, 0], [], []>, transpose_lhs_hint = false} : vector<128x128xbf16>, vector<64x128xbf16>, vector<128x64xf32> -> vector<128x64xf32>
      %concatenate3A_1571 = tpu.concatenate %dot_general3A_1564, %dot_general3A_1570 in 1 : vector<128x64xf32>, vector<128x64xf32> -> vector<128x128xf32>
      %swap3A_1572 = arith.constant 12416 : index
      %swap3A_1573 = arith.constant 0 : index
      %swap3A_1574 = vector.load %arg4[%swap3A_1572, %swap3A_1573] : memref<16128x128xf32, #tpu.memory_space<vmem>>, vector<128x128xf32>
      tpu.vector_store %arg4[%swap3A_1572, %swap3A_1573], %concatenate3A_1571 {strides = array<i32>} : memref<16128x128xf32, #tpu.memory_space<vmem>>, vector<128x128xf32>,
      %get3A_1575 = arith.constant 0 : index
      %get3A_1576 = arith.constant 12544 : index
      %get3A_1577 = vector.load %arg1[%get3A_1575, %get3A_1576] : memref<64x16128xf32, #tpu.memory_space<vmem>>, vector<64x128xf32>
      %convert_element_type3A_1578 = arith.truncf %get3A_1577 : vector<64x128xf32> to vector<64x128xbf16>
      %dot_general3A_1579 = arith.constant dense<0.000000e+00> : vector<128x64xf32>
      %dot_general3A_1580 = tpu.matmul %convert_element_type3A_2, %convert_element_type3A_1578, %dot_general3A_1579 {dimension_numbers = #tpu.dot_dimension_numbers<[1], [1], [0], [0], [0, 0, 1, 0], [], []>, transpose_lhs_hint = false} : vector<128x128xbf16>, vector<64x128xbf16>, vector<128x64xf32> -> vector<128x64xf32>
      %get3A_1581 = arith.constant 0 : index
      %get3A_1582 = arith.constant 12544 : index
      %get3A_1583 = vector.load %arg2[%get3A_1581, %get3A_1582] : memref<64x16128xf32, #tpu.memory_space<vmem>>, vector<64x128xf32>
      %convert_element_type3A_1584 = arith.truncf %get3A_1583 : vector<64x128xf32> to vector<64x128xbf16>
      %dot_general3A_1585 = arith.constant dense<0.000000e+00> : vector<128x64xf32>
      %dot_general3A_1586 = tpu.matmul %convert_element_type3A_2, %convert_element_type3A_1584, %dot_general3A_1585 {dimension_numbers = #tpu.dot_dimension_numbers<[1], [1], [0], [0], [0, 0, 1, 0], [], []>, transpose_lhs_hint = false} : vector<128x128xbf16>, vector<64x128xbf16>, vector<128x64xf32> -> vector<128x64xf32>
      %concatenate3A_1587 = tpu.concatenate %dot_general3A_1580, %dot_general3A_1586 in 1 : vector<128x64xf32>, vector<128x64xf32> -> vector<128x128xf32>
      %swap3A_1588 = arith.constant 12544 : index
      %swap3A_1589 = arith.constant 0 : index
      %swap3A_1590 = vector.load %arg4[%swap3A_1588, %swap3A_1589] : memref<16128x128xf32, #tpu.memory_space<vmem>>, vector<128x128xf32>
      tpu.vector_store %arg4[%swap3A_1588, %swap3A_1589], %concatenate3A_1587 {strides = array<i32>} : memref<16128x128xf32, #tpu.memory_space<vmem>>, vector<128x128xf32>,
      %get3A_1591 = arith.constant 0 : index
      %get3A_1592 = arith.constant 12672 : index
      %get3A_1593 = vector.load %arg1[%get3A_1591, %get3A_1592] : memref<64x16128xf32, #tpu.memory_space<vmem>>, vector<64x128xf32>
      %convert_element_type3A_1594 = arith.truncf %get3A_1593 : vector<64x128xf32> to vector<64x128xbf16>
      %dot_general3A_1595 = arith.constant dense<0.000000e+00> : vector<128x64xf32>
      %dot_general3A_1596 = tpu.matmul %convert_element_type3A_2, %convert_element_type3A_1594, %dot_general3A_1595 {dimension_numbers = #tpu.dot_dimension_numbers<[1], [1], [0], [0], [0, 0, 1, 0], [], []>, transpose_lhs_hint = false} : vector<128x128xbf16>, vector<64x128xbf16>, vector<128x64xf32> -> vector<128x64xf32>
      %get3A_1597 = arith.constant 0 : index
      %get3A_1598 = arith.constant 12672 : index
      %get3A_1599 = vector.load %arg2[%get3A_1597, %get3A_1598] : memref<64x16128xf32, #tpu.memory_space<vmem>>, vector<64x128xf32>
      %convert_element_type3A_1600 = arith.truncf %get3A_1599 : vector<64x128xf32> to vector<64x128xbf16>
      %dot_general3A_1601 = arith.constant dense<0.000000e+00> : vector<128x64xf32>
      %dot_general3A_1602 = tpu.matmul %convert_element_type3A_2, %convert_element_type3A_1600, %dot_general3A_1601 {dimension_numbers = #tpu.dot_dimension_numbers<[1], [1], [0], [0], [0, 0, 1, 0], [], []>, transpose_lhs_hint = false} : vector<128x128xbf16>, vector<64x128xbf16>, vector<128x64xf32> -> vector<128x64xf32>
      %concatenate3A_1603 = tpu.concatenate %dot_general3A_1596, %dot_general3A_1602 in 1 : vector<128x64xf32>, vector<128x64xf32> -> vector<128x128xf32>
      %swap3A_1604 = arith.constant 12672 : index
      %swap3A_1605 = arith.constant 0 : index
      %swap3A_1606 = vector.load %arg4[%swap3A_1604, %swap3A_1605] : memref<16128x128xf32, #tpu.memory_space<vmem>>, vector<128x128xf32>
      tpu.vector_store %arg4[%swap3A_1604, %swap3A_1605], %concatenate3A_1603 {strides = array<i32>} : memref<16128x128xf32, #tpu.memory_space<vmem>>, vector<128x128xf32>,
      %get3A_1607 = arith.constant 0 : index
      %get3A_1608 = arith.constant 12800 : index
      %get3A_1609 = vector.load %arg1[%get3A_1607, %get3A_1608] : memref<64x16128xf32, #tpu.memory_space<vmem>>, vector<64x128xf32>
      %convert_element_type3A_1610 = arith.truncf %get3A_1609 : vector<64x128xf32> to vector<64x128xbf16>
      %dot_general3A_1611 = arith.constant dense<0.000000e+00> : vector<128x64xf32>
      %dot_general3A_1612 = tpu.matmul %convert_element_type3A_2, %convert_element_type3A_1610, %dot_general3A_1611 {dimension_numbers = #tpu.dot_dimension_numbers<[1], [1], [0], [0], [0, 0, 1, 0], [], []>, transpose_lhs_hint = false} : vector<128x128xbf16>, vector<64x128xbf16>, vector<128x64xf32> -> vector<128x64xf32>
      %get3A_1613 = arith.constant 0 : index
      %get3A_1614 = arith.constant 12800 : index
      %get3A_1615 = vector.load %arg2[%get3A_1613, %get3A_1614] : memref<64x16128xf32, #tpu.memory_space<vmem>>, vector<64x128xf32>
      %convert_element_type3A_1616 = arith.truncf %get3A_1615 : vector<64x128xf32> to vector<64x128xbf16>
      %dot_general3A_1617 = arith.constant dense<0.000000e+00> : vector<128x64xf32>
      %dot_general3A_1618 = tpu.matmul %convert_element_type3A_2, %convert_element_type3A_1616, %dot_general3A_1617 {dimension_numbers = #tpu.dot_dimension_numbers<[1], [1], [0], [0], [0, 0, 1, 0], [], []>, transpose_lhs_hint = false} : vector<128x128xbf16>, vector<64x128xbf16>, vector<128x64xf32> -> vector<128x64xf32>
      %concatenate3A_1619 = tpu.concatenate %dot_general3A_1612, %dot_general3A_1618 in 1 : vector<128x64xf32>, vector<128x64xf32> -> vector<128x128xf32>
      %swap3A_1620 = arith.constant 12800 : index
      %swap3A_1621 = arith.constant 0 : index
      %swap3A_1622 = vector.load %arg4[%swap3A_1620, %swap3A_1621] : memref<16128x128xf32, #tpu.memory_space<vmem>>, vector<128x128xf32>
      tpu.vector_store %arg4[%swap3A_1620, %swap3A_1621], %concatenate3A_1619 {strides = array<i32>} : memref<16128x128xf32, #tpu.memory_space<vmem>>, vector<128x128xf32>,
      %get3A_1623 = arith.constant 0 : index
      %get3A_1624 = arith.constant 12928 : index
      %get3A_1625 = vector.load %arg1[%get3A_1623, %get3A_1624] : memref<64x16128xf32, #tpu.memory_space<vmem>>, vector<64x128xf32>
      %convert_element_type3A_1626 = arith.truncf %get3A_1625 : vector<64x128xf32> to vector<64x128xbf16>
      %dot_general3A_1627 = arith.constant dense<0.000000e+00> : vector<128x64xf32>
      %dot_general3A_1628 = tpu.matmul %convert_element_type3A_2, %convert_element_type3A_1626, %dot_general3A_1627 {dimension_numbers = #tpu.dot_dimension_numbers<[1], [1], [0], [0], [0, 0, 1, 0], [], []>, transpose_lhs_hint = false} : vector<128x128xbf16>, vector<64x128xbf16>, vector<128x64xf32> -> vector<128x64xf32>
      %get3A_1629 = arith.constant 0 : index
      %get3A_1630 = arith.constant 12928 : index
      %get3A_1631 = vector.load %arg2[%get3A_1629, %get3A_1630] : memref<64x16128xf32, #tpu.memory_space<vmem>>, vector<64x128xf32>
      %convert_element_type3A_1632 = arith.truncf %get3A_1631 : vector<64x128xf32> to vector<64x128xbf16>
      %dot_general3A_1633 = arith.constant dense<0.000000e+00> : vector<128x64xf32>
      %dot_general3A_1634 = tpu.matmul %convert_element_type3A_2, %convert_element_type3A_1632, %dot_general3A_1633 {dimension_numbers = #tpu.dot_dimension_numbers<[1], [1], [0], [0], [0, 0, 1, 0], [], []>, transpose_lhs_hint = false} : vector<128x128xbf16>, vector<64x128xbf16>, vector<128x64xf32> -> vector<128x64xf32>
      %concatenate3A_1635 = tpu.concatenate %dot_general3A_1628, %dot_general3A_1634 in 1 : vector<128x64xf32>, vector<128x64xf32> -> vector<128x128xf32>
      %swap3A_1636 = arith.constant 12928 : index
      %swap3A_1637 = arith.constant 0 : index
      %swap3A_1638 = vector.load %arg4[%swap3A_1636, %swap3A_1637] : memref<16128x128xf32, #tpu.memory_space<vmem>>, vector<128x128xf32>
      tpu.vector_store %arg4[%swap3A_1636, %swap3A_1637], %concatenate3A_1635 {strides = array<i32>} : memref<16128x128xf32, #tpu.memory_space<vmem>>, vector<128x128xf32>,
      %get3A_1639 = arith.constant 0 : index
      %get3A_1640 = arith.constant 13056 : index
      %get3A_1641 = vector.load %arg1[%get3A_1639, %get3A_1640] : memref<64x16128xf32, #tpu.memory_space<vmem>>, vector<64x128xf32>
      %convert_element_type3A_1642 = arith.truncf %get3A_1641 : vector<64x128xf32> to vector<64x128xbf16>
      %dot_general3A_1643 = arith.constant dense<0.000000e+00> : vector<128x64xf32>
      %dot_general3A_1644 = tpu.matmul %convert_element_type3A_2, %convert_element_type3A_1642, %dot_general3A_1643 {dimension_numbers = #tpu.dot_dimension_numbers<[1], [1], [0], [0], [0, 0, 1, 0], [], []>, transpose_lhs_hint = false} : vector<128x128xbf16>, vector<64x128xbf16>, vector<128x64xf32> -> vector<128x64xf32>
      %get3A_1645 = arith.constant 0 : index
      %get3A_1646 = arith.constant 13056 : index
      %get3A_1647 = vector.load %arg2[%get3A_1645, %get3A_1646] : memref<64x16128xf32, #tpu.memory_space<vmem>>, vector<64x128xf32>
      %convert_element_type3A_1648 = arith.truncf %get3A_1647 : vector<64x128xf32> to vector<64x128xbf16>
      %dot_general3A_1649 = arith.constant dense<0.000000e+00> : vector<128x64xf32>
      %dot_general3A_1650 = tpu.matmul %convert_element_type3A_2, %convert_element_type3A_1648, %dot_general3A_1649 {dimension_numbers = #tpu.dot_dimension_numbers<[1], [1], [0], [0], [0, 0, 1, 0], [], []>, transpose_lhs_hint = false} : vector<128x128xbf16>, vector<64x128xbf16>, vector<128x64xf32> -> vector<128x64xf32>
      %concatenate3A_1651 = tpu.concatenate %dot_general3A_1644, %dot_general3A_1650 in 1 : vector<128x64xf32>, vector<128x64xf32> -> vector<128x128xf32>
      %swap3A_1652 = arith.constant 13056 : index
      %swap3A_1653 = arith.constant 0 : index
      %swap3A_1654 = vector.load %arg4[%swap3A_1652, %swap3A_1653] : memref<16128x128xf32, #tpu.memory_space<vmem>>, vector<128x128xf32>
      tpu.vector_store %arg4[%swap3A_1652, %swap3A_1653], %concatenate3A_1651 {strides = array<i32>} : memref<16128x128xf32, #tpu.memory_space<vmem>>, vector<128x128xf32>,
      %get3A_1655 = arith.constant 0 : index
      %get3A_1656 = arith.constant 13184 : index
      %get3A_1657 = vector.load %arg1[%get3A_1655, %get3A_1656] : memref<64x16128xf32, #tpu.memory_space<vmem>>, vector<64x128xf32>
      %convert_element_type3A_1658 = arith.truncf %get3A_1657 : vector<64x128xf32> to vector<64x128xbf16>
      %dot_general3A_1659 = arith.constant dense<0.000000e+00> : vector<128x64xf32>
      %dot_general3A_1660 = tpu.matmul %convert_element_type3A_2, %convert_element_type3A_1658, %dot_general3A_1659 {dimension_numbers = #tpu.dot_dimension_numbers<[1], [1], [0], [0], [0, 0, 1, 0], [], []>, transpose_lhs_hint = false} : vector<128x128xbf16>, vector<64x128xbf16>, vector<128x64xf32> -> vector<128x64xf32>
      %get3A_1661 = arith.constant 0 : index
      %get3A_1662 = arith.constant 13184 : index
      %get3A_1663 = vector.load %arg2[%get3A_1661, %get3A_1662] : memref<64x16128xf32, #tpu.memory_space<vmem>>, vector<64x128xf32>
      %convert_element_type3A_1664 = arith.truncf %get3A_1663 : vector<64x128xf32> to vector<64x128xbf16>
      %dot_general3A_1665 = arith.constant dense<0.000000e+00> : vector<128x64xf32>
      %dot_general3A_1666 = tpu.matmul %convert_element_type3A_2, %convert_element_type3A_1664, %dot_general3A_1665 {dimension_numbers = #tpu.dot_dimension_numbers<[1], [1], [0], [0], [0, 0, 1, 0], [], []>, transpose_lhs_hint = false} : vector<128x128xbf16>, vector<64x128xbf16>, vector<128x64xf32> -> vector<128x64xf32>
      %concatenate3A_1667 = tpu.concatenate %dot_general3A_1660, %dot_general3A_1666 in 1 : vector<128x64xf32>, vector<128x64xf32> -> vector<128x128xf32>
      %swap3A_1668 = arith.constant 13184 : index
      %swap3A_1669 = arith.constant 0 : index
      %swap3A_1670 = vector.load %arg4[%swap3A_1668, %swap3A_1669] : memref<16128x128xf32, #tpu.memory_space<vmem>>, vector<128x128xf32>
      tpu.vector_store %arg4[%swap3A_1668, %swap3A_1669], %concatenate3A_1667 {strides = array<i32>} : memref<16128x128xf32, #tpu.memory_space<vmem>>, vector<128x128xf32>,
      %get3A_1671 = arith.constant 0 : index
      %get3A_1672 = arith.constant 13312 : index
      %get3A_1673 = vector.load %arg1[%get3A_1671, %get3A_1672] : memref<64x16128xf32, #tpu.memory_space<vmem>>, vector<64x128xf32>
      %convert_element_type3A_1674 = arith.truncf %get3A_1673 : vector<64x128xf32> to vector<64x128xbf16>
      %dot_general3A_1675 = arith.constant dense<0.000000e+00> : vector<128x64xf32>
      %dot_general3A_1676 = tpu.matmul %convert_element_type3A_2, %convert_element_type3A_1674, %dot_general3A_1675 {dimension_numbers = #tpu.dot_dimension_numbers<[1], [1], [0], [0], [0, 0, 1, 0], [], []>, transpose_lhs_hint = false} : vector<128x128xbf16>, vector<64x128xbf16>, vector<128x64xf32> -> vector<128x64xf32>
      %get3A_1677 = arith.constant 0 : index
      %get3A_1678 = arith.constant 13312 : index
      %get3A_1679 = vector.load %arg2[%get3A_1677, %get3A_1678] : memref<64x16128xf32, #tpu.memory_space<vmem>>, vector<64x128xf32>
      %convert_element_type3A_1680 = arith.truncf %get3A_1679 : vector<64x128xf32> to vector<64x128xbf16>
      %dot_general3A_1681 = arith.constant dense<0.000000e+00> : vector<128x64xf32>
      %dot_general3A_1682 = tpu.matmul %convert_element_type3A_2, %convert_element_type3A_1680, %dot_general3A_1681 {dimension_numbers = #tpu.dot_dimension_numbers<[1], [1], [0], [0], [0, 0, 1, 0], [], []>, transpose_lhs_hint = false} : vector<128x128xbf16>, vector<64x128xbf16>, vector<128x64xf32> -> vector<128x64xf32>
      %concatenate3A_1683 = tpu.concatenate %dot_general3A_1676, %dot_general3A_1682 in 1 : vector<128x64xf32>, vector<128x64xf32> -> vector<128x128xf32>
      %swap3A_1684 = arith.constant 13312 : index
      %swap3A_1685 = arith.constant 0 : index
      %swap3A_1686 = vector.load %arg4[%swap3A_1684, %swap3A_1685] : memref<16128x128xf32, #tpu.memory_space<vmem>>, vector<128x128xf32>
      tpu.vector_store %arg4[%swap3A_1684, %swap3A_1685], %concatenate3A_1683 {strides = array<i32>} : memref<16128x128xf32, #tpu.memory_space<vmem>>, vector<128x128xf32>,
      %get3A_1687 = arith.constant 0 : index
      %get3A_1688 = arith.constant 13440 : index
      %get3A_1689 = vector.load %arg1[%get3A_1687, %get3A_1688] : memref<64x16128xf32, #tpu.memory_space<vmem>>, vector<64x128xf32>
      %convert_element_type3A_1690 = arith.truncf %get3A_1689 : vector<64x128xf32> to vector<64x128xbf16>
      %dot_general3A_1691 = arith.constant dense<0.000000e+00> : vector<128x64xf32>
      %dot_general3A_1692 = tpu.matmul %convert_element_type3A_2, %convert_element_type3A_1690, %dot_general3A_1691 {dimension_numbers = #tpu.dot_dimension_numbers<[1], [1], [0], [0], [0, 0, 1, 0], [], []>, transpose_lhs_hint = false} : vector<128x128xbf16>, vector<64x128xbf16>, vector<128x64xf32> -> vector<128x64xf32>
      %get3A_1693 = arith.constant 0 : index
      %get3A_1694 = arith.constant 13440 : index
      %get3A_1695 = vector.load %arg2[%get3A_1693, %get3A_1694] : memref<64x16128xf32, #tpu.memory_space<vmem>>, vector<64x128xf32>
      %convert_element_type3A_1696 = arith.truncf %get3A_1695 : vector<64x128xf32> to vector<64x128xbf16>
      %dot_general3A_1697 = arith.constant dense<0.000000e+00> : vector<128x64xf32>
      %dot_general3A_1698 = tpu.matmul %convert_element_type3A_2, %convert_element_type3A_1696, %dot_general3A_1697 {dimension_numbers = #tpu.dot_dimension_numbers<[1], [1], [0], [0], [0, 0, 1, 0], [], []>, transpose_lhs_hint = false} : vector<128x128xbf16>, vector<64x128xbf16>, vector<128x64xf32> -> vector<128x64xf32>
      %concatenate3A_1699 = tpu.concatenate %dot_general3A_1692, %dot_general3A_1698 in 1 : vector<128x64xf32>, vector<128x64xf32> -> vector<128x128xf32>
      %swap3A_1700 = arith.constant 13440 : index
      %swap3A_1701 = arith.constant 0 : index
      %swap3A_1702 = vector.load %arg4[%swap3A_1700, %swap3A_1701] : memref<16128x128xf32, #tpu.memory_space<vmem>>, vector<128x128xf32>
      tpu.vector_store %arg4[%swap3A_1700, %swap3A_1701], %concatenate3A_1699 {strides = array<i32>} : memref<16128x128xf32, #tpu.memory_space<vmem>>, vector<128x128xf32>,
      %get3A_1703 = arith.constant 0 : index
      %get3A_1704 = arith.constant 13568 : index
      %get3A_1705 = vector.load %arg1[%get3A_1703, %get3A_1704] : memref<64x16128xf32, #tpu.memory_space<vmem>>, vector<64x128xf32>
      %convert_element_type3A_1706 = arith.truncf %get3A_1705 : vector<64x128xf32> to vector<64x128xbf16>
      %dot_general3A_1707 = arith.constant dense<0.000000e+00> : vector<128x64xf32>
      %dot_general3A_1708 = tpu.matmul %convert_element_type3A_2, %convert_element_type3A_1706, %dot_general3A_1707 {dimension_numbers = #tpu.dot_dimension_numbers<[1], [1], [0], [0], [0, 0, 1, 0], [], []>, transpose_lhs_hint = false} : vector<128x128xbf16>, vector<64x128xbf16>, vector<128x64xf32> -> vector<128x64xf32>
      %get3A_1709 = arith.constant 0 : index
      %get3A_1710 = arith.constant 13568 : index
      %get3A_1711 = vector.load %arg2[%get3A_1709, %get3A_1710] : memref<64x16128xf32, #tpu.memory_space<vmem>>, vector<64x128xf32>
      %convert_element_type3A_1712 = arith.truncf %get3A_1711 : vector<64x128xf32> to vector<64x128xbf16>
      %dot_general3A_1713 = arith.constant dense<0.000000e+00> : vector<128x64xf32>
      %dot_general3A_1714 = tpu.matmul %convert_element_type3A_2, %convert_element_type3A_1712, %dot_general3A_1713 {dimension_numbers = #tpu.dot_dimension_numbers<[1], [1], [0], [0], [0, 0, 1, 0], [], []>, transpose_lhs_hint = false} : vector<128x128xbf16>, vector<64x128xbf16>, vector<128x64xf32> -> vector<128x64xf32>
      %concatenate3A_1715 = tpu.concatenate %dot_general3A_1708, %dot_general3A_1714 in 1 : vector<128x64xf32>, vector<128x64xf32> -> vector<128x128xf32>
      %swap3A_1716 = arith.constant 13568 : index
      %swap3A_1717 = arith.constant 0 : index
      %swap3A_1718 = vector.load %arg4[%swap3A_1716, %swap3A_1717] : memref<16128x128xf32, #tpu.memory_space<vmem>>, vector<128x128xf32>
      tpu.vector_store %arg4[%swap3A_1716, %swap3A_1717], %concatenate3A_1715 {strides = array<i32>} : memref<16128x128xf32, #tpu.memory_space<vmem>>, vector<128x128xf32>,
      %get3A_1719 = arith.constant 0 : index
      %get3A_1720 = arith.constant 13696 : index
      %get3A_1721 = vector.load %arg1[%get3A_1719, %get3A_1720] : memref<64x16128xf32, #tpu.memory_space<vmem>>, vector<64x128xf32>
      %convert_element_type3A_1722 = arith.truncf %get3A_1721 : vector<64x128xf32> to vector<64x128xbf16>
      %dot_general3A_1723 = arith.constant dense<0.000000e+00> : vector<128x64xf32>
      %dot_general3A_1724 = tpu.matmul %convert_element_type3A_2, %convert_element_type3A_1722, %dot_general3A_1723 {dimension_numbers = #tpu.dot_dimension_numbers<[1], [1], [0], [0], [0, 0, 1, 0], [], []>, transpose_lhs_hint = false} : vector<128x128xbf16>, vector<64x128xbf16>, vector<128x64xf32> -> vector<128x64xf32>
      %get3A_1725 = arith.constant 0 : index
      %get3A_1726 = arith.constant 13696 : index
      %get3A_1727 = vector.load %arg2[%get3A_1725, %get3A_1726] : memref<64x16128xf32, #tpu.memory_space<vmem>>, vector<64x128xf32>
      %convert_element_type3A_1728 = arith.truncf %get3A_1727 : vector<64x128xf32> to vector<64x128xbf16>
      %dot_general3A_1729 = arith.constant dense<0.000000e+00> : vector<128x64xf32>
      %dot_general3A_1730 = tpu.matmul %convert_element_type3A_2, %convert_element_type3A_1728, %dot_general3A_1729 {dimension_numbers = #tpu.dot_dimension_numbers<[1], [1], [0], [0], [0, 0, 1, 0], [], []>, transpose_lhs_hint = false} : vector<128x128xbf16>, vector<64x128xbf16>, vector<128x64xf32> -> vector<128x64xf32>
      %concatenate3A_1731 = tpu.concatenate %dot_general3A_1724, %dot_general3A_1730 in 1 : vector<128x64xf32>, vector<128x64xf32> -> vector<128x128xf32>
      %swap3A_1732 = arith.constant 13696 : index
      %swap3A_1733 = arith.constant 0 : index
      %swap3A_1734 = vector.load %arg4[%swap3A_1732, %swap3A_1733] : memref<16128x128xf32, #tpu.memory_space<vmem>>, vector<128x128xf32>
      tpu.vector_store %arg4[%swap3A_1732, %swap3A_1733], %concatenate3A_1731 {strides = array<i32>} : memref<16128x128xf32, #tpu.memory_space<vmem>>, vector<128x128xf32>,
      %get3A_1735 = arith.constant 0 : index
      %get3A_1736 = arith.constant 13824 : index
      %get3A_1737 = vector.load %arg1[%get3A_1735, %get3A_1736] : memref<64x16128xf32, #tpu.memory_space<vmem>>, vector<64x128xf32>
      %convert_element_type3A_1738 = arith.truncf %get3A_1737 : vector<64x128xf32> to vector<64x128xbf16>
      %dot_general3A_1739 = arith.constant dense<0.000000e+00> : vector<128x64xf32>
      %dot_general3A_1740 = tpu.matmul %convert_element_type3A_2, %convert_element_type3A_1738, %dot_general3A_1739 {dimension_numbers = #tpu.dot_dimension_numbers<[1], [1], [0], [0], [0, 0, 1, 0], [], []>, transpose_lhs_hint = false} : vector<128x128xbf16>, vector<64x128xbf16>, vector<128x64xf32> -> vector<128x64xf32>
      %get3A_1741 = arith.constant 0 : index
      %get3A_1742 = arith.constant 13824 : index
      %get3A_1743 = vector.load %arg2[%get3A_1741, %get3A_1742] : memref<64x16128xf32, #tpu.memory_space<vmem>>, vector<64x128xf32>
      %convert_element_type3A_1744 = arith.truncf %get3A_1743 : vector<64x128xf32> to vector<64x128xbf16>
      %dot_general3A_1745 = arith.constant dense<0.000000e+00> : vector<128x64xf32>
      %dot_general3A_1746 = tpu.matmul %convert_element_type3A_2, %convert_element_type3A_1744, %dot_general3A_1745 {dimension_numbers = #tpu.dot_dimension_numbers<[1], [1], [0], [0], [0, 0, 1, 0], [], []>, transpose_lhs_hint = false} : vector<128x128xbf16>, vector<64x128xbf16>, vector<128x64xf32> -> vector<128x64xf32>
      %concatenate3A_1747 = tpu.concatenate %dot_general3A_1740, %dot_general3A_1746 in 1 : vector<128x64xf32>, vector<128x64xf32> -> vector<128x128xf32>
      %swap3A_1748 = arith.constant 13824 : index
      %swap3A_1749 = arith.constant 0 : index
      %swap3A_1750 = vector.load %arg4[%swap3A_1748, %swap3A_1749] : memref<16128x128xf32, #tpu.memory_space<vmem>>, vector<128x128xf32>
      tpu.vector_store %arg4[%swap3A_1748, %swap3A_1749], %concatenate3A_1747 {strides = array<i32>} : memref<16128x128xf32, #tpu.memory_space<vmem>>, vector<128x128xf32>,
      %get3A_1751 = arith.constant 0 : index
      %get3A_1752 = arith.constant 13952 : index
      %get3A_1753 = vector.load %arg1[%get3A_1751, %get3A_1752] : memref<64x16128xf32, #tpu.memory_space<vmem>>, vector<64x128xf32>
      %convert_element_type3A_1754 = arith.truncf %get3A_1753 : vector<64x128xf32> to vector<64x128xbf16>
      %dot_general3A_1755 = arith.constant dense<0.000000e+00> : vector<128x64xf32>
      %dot_general3A_1756 = tpu.matmul %convert_element_type3A_2, %convert_element_type3A_1754, %dot_general3A_1755 {dimension_numbers = #tpu.dot_dimension_numbers<[1], [1], [0], [0], [0, 0, 1, 0], [], []>, transpose_lhs_hint = false} : vector<128x128xbf16>, vector<64x128xbf16>, vector<128x64xf32> -> vector<128x64xf32>
      %get3A_1757 = arith.constant 0 : index
      %get3A_1758 = arith.constant 13952 : index
      %get3A_1759 = vector.load %arg2[%get3A_1757, %get3A_1758] : memref<64x16128xf32, #tpu.memory_space<vmem>>, vector<64x128xf32>
      %convert_element_type3A_1760 = arith.truncf %get3A_1759 : vector<64x128xf32> to vector<64x128xbf16>
      %dot_general3A_1761 = arith.constant dense<0.000000e+00> : vector<128x64xf32>
      %dot_general3A_1762 = tpu.matmul %convert_element_type3A_2, %convert_element_type3A_1760, %dot_general3A_1761 {dimension_numbers = #tpu.dot_dimension_numbers<[1], [1], [0], [0], [0, 0, 1, 0], [], []>, transpose_lhs_hint = false} : vector<128x128xbf16>, vector<64x128xbf16>, vector<128x64xf32> -> vector<128x64xf32>
      %concatenate3A_1763 = tpu.concatenate %dot_general3A_1756, %dot_general3A_1762 in 1 : vector<128x64xf32>, vector<128x64xf32> -> vector<128x128xf32>
      %swap3A_1764 = arith.constant 13952 : index
      %swap3A_1765 = arith.constant 0 : index
      %swap3A_1766 = vector.load %arg4[%swap3A_1764, %swap3A_1765] : memref<16128x128xf32, #tpu.memory_space<vmem>>, vector<128x128xf32>
      tpu.vector_store %arg4[%swap3A_1764, %swap3A_1765], %concatenate3A_1763 {strides = array<i32>} : memref<16128x128xf32, #tpu.memory_space<vmem>>, vector<128x128xf32>,
      %get3A_1767 = arith.constant 0 : index
      %get3A_1768 = arith.constant 14080 : index
      %get3A_1769 = vector.load %arg1[%get3A_1767, %get3A_1768] : memref<64x16128xf32, #tpu.memory_space<vmem>>, vector<64x128xf32>
      %convert_element_type3A_1770 = arith.truncf %get3A_1769 : vector<64x128xf32> to vector<64x128xbf16>
      %dot_general3A_1771 = arith.constant dense<0.000000e+00> : vector<128x64xf32>
      %dot_general3A_1772 = tpu.matmul %convert_element_type3A_2, %convert_element_type3A_1770, %dot_general3A_1771 {dimension_numbers = #tpu.dot_dimension_numbers<[1], [1], [0], [0], [0, 0, 1, 0], [], []>, transpose_lhs_hint = false} : vector<128x128xbf16>, vector<64x128xbf16>, vector<128x64xf32> -> vector<128x64xf32>
      %get3A_1773 = arith.constant 0 : index
      %get3A_1774 = arith.constant 14080 : index
      %get3A_1775 = vector.load %arg2[%get3A_1773, %get3A_1774] : memref<64x16128xf32, #tpu.memory_space<vmem>>, vector<64x128xf32>
      %convert_element_type3A_1776 = arith.truncf %get3A_1775 : vector<64x128xf32> to vector<64x128xbf16>
      %dot_general3A_1777 = arith.constant dense<0.000000e+00> : vector<128x64xf32>
      %dot_general3A_1778 = tpu.matmul %convert_element_type3A_2, %convert_element_type3A_1776, %dot_general3A_1777 {dimension_numbers = #tpu.dot_dimension_numbers<[1], [1], [0], [0], [0, 0, 1, 0], [], []>, transpose_lhs_hint = false} : vector<128x128xbf16>, vector<64x128xbf16>, vector<128x64xf32> -> vector<128x64xf32>
      %concatenate3A_1779 = tpu.concatenate %dot_general3A_1772, %dot_general3A_1778 in 1 : vector<128x64xf32>, vector<128x64xf32> -> vector<128x128xf32>
      %swap3A_1780 = arith.constant 14080 : index
      %swap3A_1781 = arith.constant 0 : index
      %swap3A_1782 = vector.load %arg4[%swap3A_1780, %swap3A_1781] : memref<16128x128xf32, #tpu.memory_space<vmem>>, vector<128x128xf32>
      tpu.vector_store %arg4[%swap3A_1780, %swap3A_1781], %concatenate3A_1779 {strides = array<i32>} : memref<16128x128xf32, #tpu.memory_space<vmem>>, vector<128x128xf32>,
      %get3A_1783 = arith.constant 0 : index
      %get3A_1784 = arith.constant 14208 : index
      %get3A_1785 = vector.load %arg1[%get3A_1783, %get3A_1784] : memref<64x16128xf32, #tpu.memory_space<vmem>>, vector<64x128xf32>
      %convert_element_type3A_1786 = arith.truncf %get3A_1785 : vector<64x128xf32> to vector<64x128xbf16>
      %dot_general3A_1787 = arith.constant dense<0.000000e+00> : vector<128x64xf32>
      %dot_general3A_1788 = tpu.matmul %convert_element_type3A_2, %convert_element_type3A_1786, %dot_general3A_1787 {dimension_numbers = #tpu.dot_dimension_numbers<[1], [1], [0], [0], [0, 0, 1, 0], [], []>, transpose_lhs_hint = false} : vector<128x128xbf16>, vector<64x128xbf16>, vector<128x64xf32> -> vector<128x64xf32>
      %get3A_1789 = arith.constant 0 : index
      %get3A_1790 = arith.constant 14208 : index
      %get3A_1791 = vector.load %arg2[%get3A_1789, %get3A_1790] : memref<64x16128xf32, #tpu.memory_space<vmem>>, vector<64x128xf32>
      %convert_element_type3A_1792 = arith.truncf %get3A_1791 : vector<64x128xf32> to vector<64x128xbf16>
      %dot_general3A_1793 = arith.constant dense<0.000000e+00> : vector<128x64xf32>
      %dot_general3A_1794 = tpu.matmul %convert_element_type3A_2, %convert_element_type3A_1792, %dot_general3A_1793 {dimension_numbers = #tpu.dot_dimension_numbers<[1], [1], [0], [0], [0, 0, 1, 0], [], []>, transpose_lhs_hint = false} : vector<128x128xbf16>, vector<64x128xbf16>, vector<128x64xf32> -> vector<128x64xf32>
      %concatenate3A_1795 = tpu.concatenate %dot_general3A_1788, %dot_general3A_1794 in 1 : vector<128x64xf32>, vector<128x64xf32> -> vector<128x128xf32>
      %swap3A_1796 = arith.constant 14208 : index
      %swap3A_1797 = arith.constant 0 : index
      %swap3A_1798 = vector.load %arg4[%swap3A_1796, %swap3A_1797] : memref<16128x128xf32, #tpu.memory_space<vmem>>, vector<128x128xf32>
      tpu.vector_store %arg4[%swap3A_1796, %swap3A_1797], %concatenate3A_1795 {strides = array<i32>} : memref<16128x128xf32, #tpu.memory_space<vmem>>, vector<128x128xf32>,
      %get3A_1799 = arith.constant 0 : index
      %get3A_1800 = arith.constant 14336 : index
      %get3A_1801 = vector.load %arg1[%get3A_1799, %get3A_1800] : memref<64x16128xf32, #tpu.memory_space<vmem>>, vector<64x128xf32>
      %convert_element_type3A_1802 = arith.truncf %get3A_1801 : vector<64x128xf32> to vector<64x128xbf16>
      %dot_general3A_1803 = arith.constant dense<0.000000e+00> : vector<128x64xf32>
      %dot_general3A_1804 = tpu.matmul %convert_element_type3A_2, %convert_element_type3A_1802, %dot_general3A_1803 {dimension_numbers = #tpu.dot_dimension_numbers<[1], [1], [0], [0], [0, 0, 1, 0], [], []>, transpose_lhs_hint = false} : vector<128x128xbf16>, vector<64x128xbf16>, vector<128x64xf32> -> vector<128x64xf32>
      %get3A_1805 = arith.constant 0 : index
      %get3A_1806 = arith.constant 14336 : index
      %get3A_1807 = vector.load %arg2[%get3A_1805, %get3A_1806] : memref<64x16128xf32, #tpu.memory_space<vmem>>, vector<64x128xf32>
      %convert_element_type3A_1808 = arith.truncf %get3A_1807 : vector<64x128xf32> to vector<64x128xbf16>
      %dot_general3A_1809 = arith.constant dense<0.000000e+00> : vector<128x64xf32>
      %dot_general3A_1810 = tpu.matmul %convert_element_type3A_2, %convert_element_type3A_1808, %dot_general3A_1809 {dimension_numbers = #tpu.dot_dimension_numbers<[1], [1], [0], [0], [0, 0, 1, 0], [], []>, transpose_lhs_hint = false} : vector<128x128xbf16>, vector<64x128xbf16>, vector<128x64xf32> -> vector<128x64xf32>
      %concatenate3A_1811 = tpu.concatenate %dot_general3A_1804, %dot_general3A_1810 in 1 : vector<128x64xf32>, vector<128x64xf32> -> vector<128x128xf32>
      %swap3A_1812 = arith.constant 14336 : index
      %swap3A_1813 = arith.constant 0 : index
      %swap3A_1814 = vector.load %arg4[%swap3A_1812, %swap3A_1813] : memref<16128x128xf32, #tpu.memory_space<vmem>>, vector<128x128xf32>
      tpu.vector_store %arg4[%swap3A_1812, %swap3A_1813], %concatenate3A_1811 {strides = array<i32>} : memref<16128x128xf32, #tpu.memory_space<vmem>>, vector<128x128xf32>,
      %get3A_1815 = arith.constant 0 : index
      %get3A_1816 = arith.constant 14464 : index
      %get3A_1817 = vector.load %arg1[%get3A_1815, %get3A_1816] : memref<64x16128xf32, #tpu.memory_space<vmem>>, vector<64x128xf32>
      %convert_element_type3A_1818 = arith.truncf %get3A_1817 : vector<64x128xf32> to vector<64x128xbf16>
      %dot_general3A_1819 = arith.constant dense<0.000000e+00> : vector<128x64xf32>
      %dot_general3A_1820 = tpu.matmul %convert_element_type3A_2, %convert_element_type3A_1818, %dot_general3A_1819 {dimension_numbers = #tpu.dot_dimension_numbers<[1], [1], [0], [0], [0, 0, 1, 0], [], []>, transpose_lhs_hint = false} : vector<128x128xbf16>, vector<64x128xbf16>, vector<128x64xf32> -> vector<128x64xf32>
      %get3A_1821 = arith.constant 0 : index
      %get3A_1822 = arith.constant 14464 : index
      %get3A_1823 = vector.load %arg2[%get3A_1821, %get3A_1822] : memref<64x16128xf32, #tpu.memory_space<vmem>>, vector<64x128xf32>
      %convert_element_type3A_1824 = arith.truncf %get3A_1823 : vector<64x128xf32> to vector<64x128xbf16>
      %dot_general3A_1825 = arith.constant dense<0.000000e+00> : vector<128x64xf32>
      %dot_general3A_1826 = tpu.matmul %convert_element_type3A_2, %convert_element_type3A_1824, %dot_general3A_1825 {dimension_numbers = #tpu.dot_dimension_numbers<[1], [1], [0], [0], [0, 0, 1, 0], [], []>, transpose_lhs_hint = false} : vector<128x128xbf16>, vector<64x128xbf16>, vector<128x64xf32> -> vector<128x64xf32>
      %concatenate3A_1827 = tpu.concatenate %dot_general3A_1820, %dot_general3A_1826 in 1 : vector<128x64xf32>, vector<128x64xf32> -> vector<128x128xf32>
      %swap3A_1828 = arith.constant 14464 : index
      %swap3A_1829 = arith.constant 0 : index
      %swap3A_1830 = vector.load %arg4[%swap3A_1828, %swap3A_1829] : memref<16128x128xf32, #tpu.memory_space<vmem>>, vector<128x128xf32>
      tpu.vector_store %arg4[%swap3A_1828, %swap3A_1829], %concatenate3A_1827 {strides = array<i32>} : memref<16128x128xf32, #tpu.memory_space<vmem>>, vector<128x128xf32>,
      %get3A_1831 = arith.constant 0 : index
      %get3A_1832 = arith.constant 14592 : index
      %get3A_1833 = vector.load %arg1[%get3A_1831, %get3A_1832] : memref<64x16128xf32, #tpu.memory_space<vmem>>, vector<64x128xf32>
      %convert_element_type3A_1834 = arith.truncf %get3A_1833 : vector<64x128xf32> to vector<64x128xbf16>
      %dot_general3A_1835 = arith.constant dense<0.000000e+00> : vector<128x64xf32>
      %dot_general3A_1836 = tpu.matmul %convert_element_type3A_2, %convert_element_type3A_1834, %dot_general3A_1835 {dimension_numbers = #tpu.dot_dimension_numbers<[1], [1], [0], [0], [0, 0, 1, 0], [], []>, transpose_lhs_hint = false} : vector<128x128xbf16>, vector<64x128xbf16>, vector<128x64xf32> -> vector<128x64xf32>
      %get3A_1837 = arith.constant 0 : index
      %get3A_1838 = arith.constant 14592 : index
      %get3A_1839 = vector.load %arg2[%get3A_1837, %get3A_1838] : memref<64x16128xf32, #tpu.memory_space<vmem>>, vector<64x128xf32>
      %convert_element_type3A_1840 = arith.truncf %get3A_1839 : vector<64x128xf32> to vector<64x128xbf16>
      %dot_general3A_1841 = arith.constant dense<0.000000e+00> : vector<128x64xf32>
      %dot_general3A_1842 = tpu.matmul %convert_element_type3A_2, %convert_element_type3A_1840, %dot_general3A_1841 {dimension_numbers = #tpu.dot_dimension_numbers<[1], [1], [0], [0], [0, 0, 1, 0], [], []>, transpose_lhs_hint = false} : vector<128x128xbf16>, vector<64x128xbf16>, vector<128x64xf32> -> vector<128x64xf32>
      %concatenate3A_1843 = tpu.concatenate %dot_general3A_1836, %dot_general3A_1842 in 1 : vector<128x64xf32>, vector<128x64xf32> -> vector<128x128xf32>
      %swap3A_1844 = arith.constant 14592 : index
      %swap3A_1845 = arith.constant 0 : index
      %swap3A_1846 = vector.load %arg4[%swap3A_1844, %swap3A_1845] : memref<16128x128xf32, #tpu.memory_space<vmem>>, vector<128x128xf32>
      tpu.vector_store %arg4[%swap3A_1844, %swap3A_1845], %concatenate3A_1843 {strides = array<i32>} : memref<16128x128xf32, #tpu.memory_space<vmem>>, vector<128x128xf32>,
      %get3A_1847 = arith.constant 0 : index
      %get3A_1848 = arith.constant 14720 : index
      %get3A_1849 = vector.load %arg1[%get3A_1847, %get3A_1848] : memref<64x16128xf32, #tpu.memory_space<vmem>>, vector<64x128xf32>
      %convert_element_type3A_1850 = arith.truncf %get3A_1849 : vector<64x128xf32> to vector<64x128xbf16>
      %dot_general3A_1851 = arith.constant dense<0.000000e+00> : vector<128x64xf32>
      %dot_general3A_1852 = tpu.matmul %convert_element_type3A_2, %convert_element_type3A_1850, %dot_general3A_1851 {dimension_numbers = #tpu.dot_dimension_numbers<[1], [1], [0], [0], [0, 0, 1, 0], [], []>, transpose_lhs_hint = false} : vector<128x128xbf16>, vector<64x128xbf16>, vector<128x64xf32> -> vector<128x64xf32>
      %get3A_1853 = arith.constant 0 : index
      %get3A_1854 = arith.constant 14720 : index
      %get3A_1855 = vector.load %arg2[%get3A_1853, %get3A_1854] : memref<64x16128xf32, #tpu.memory_space<vmem>>, vector<64x128xf32>
      %convert_element_type3A_1856 = arith.truncf %get3A_1855 : vector<64x128xf32> to vector<64x128xbf16>
      %dot_general3A_1857 = arith.constant dense<0.000000e+00> : vector<128x64xf32>
      %dot_general3A_1858 = tpu.matmul %convert_element_type3A_2, %convert_element_type3A_1856, %dot_general3A_1857 {dimension_numbers = #tpu.dot_dimension_numbers<[1], [1], [0], [0], [0, 0, 1, 0], [], []>, transpose_lhs_hint = false} : vector<128x128xbf16>, vector<64x128xbf16>, vector<128x64xf32> -> vector<128x64xf32>
      %concatenate3A_1859 = tpu.concatenate %dot_general3A_1852, %dot_general3A_1858 in 1 : vector<128x64xf32>, vector<128x64xf32> -> vector<128x128xf32>
      %swap3A_1860 = arith.constant 14720 : index
      %swap3A_1861 = arith.constant 0 : index
      %swap3A_1862 = vector.load %arg4[%swap3A_1860, %swap3A_1861] : memref<16128x128xf32, #tpu.memory_space<vmem>>, vector<128x128xf32>
      tpu.vector_store %arg4[%swap3A_1860, %swap3A_1861], %concatenate3A_1859 {strides = array<i32>} : memref<16128x128xf32, #tpu.memory_space<vmem>>, vector<128x128xf32>,
      %get3A_1863 = arith.constant 0 : index
      %get3A_1864 = arith.constant 14848 : index
      %get3A_1865 = vector.load %arg1[%get3A_1863, %get3A_1864] : memref<64x16128xf32, #tpu.memory_space<vmem>>, vector<64x128xf32>
      %convert_element_type3A_1866 = arith.truncf %get3A_1865 : vector<64x128xf32> to vector<64x128xbf16>
      %dot_general3A_1867 = arith.constant dense<0.000000e+00> : vector<128x64xf32>
      %dot_general3A_1868 = tpu.matmul %convert_element_type3A_2, %convert_element_type3A_1866, %dot_general3A_1867 {dimension_numbers = #tpu.dot_dimension_numbers<[1], [1], [0], [0], [0, 0, 1, 0], [], []>, transpose_lhs_hint = false} : vector<128x128xbf16>, vector<64x128xbf16>, vector<128x64xf32> -> vector<128x64xf32>
      %get3A_1869 = arith.constant 0 : index
      %get3A_1870 = arith.constant 14848 : index
      %get3A_1871 = vector.load %arg2[%get3A_1869, %get3A_1870] : memref<64x16128xf32, #tpu.memory_space<vmem>>, vector<64x128xf32>
      %convert_element_type3A_1872 = arith.truncf %get3A_1871 : vector<64x128xf32> to vector<64x128xbf16>
      %dot_general3A_1873 = arith.constant dense<0.000000e+00> : vector<128x64xf32>
      %dot_general3A_1874 = tpu.matmul %convert_element_type3A_2, %convert_element_type3A_1872, %dot_general3A_1873 {dimension_numbers = #tpu.dot_dimension_numbers<[1], [1], [0], [0], [0, 0, 1, 0], [], []>, transpose_lhs_hint = false} : vector<128x128xbf16>, vector<64x128xbf16>, vector<128x64xf32> -> vector<128x64xf32>
      %concatenate3A_1875 = tpu.concatenate %dot_general3A_1868, %dot_general3A_1874 in 1 : vector<128x64xf32>, vector<128x64xf32> -> vector<128x128xf32>
      %swap3A_1876 = arith.constant 14848 : index
      %swap3A_1877 = arith.constant 0 : index
      %swap3A_1878 = vector.load %arg4[%swap3A_1876, %swap3A_1877] : memref<16128x128xf32, #tpu.memory_space<vmem>>, vector<128x128xf32>
      tpu.vector_store %arg4[%swap3A_1876, %swap3A_1877], %concatenate3A_1875 {strides = array<i32>} : memref<16128x128xf32, #tpu.memory_space<vmem>>, vector<128x128xf32>,
      %get3A_1879 = arith.constant 0 : index
      %get3A_1880 = arith.constant 14976 : index
      %get3A_1881 = vector.load %arg1[%get3A_1879, %get3A_1880] : memref<64x16128xf32, #tpu.memory_space<vmem>>, vector<64x128xf32>
      %convert_element_type3A_1882 = arith.truncf %get3A_1881 : vector<64x128xf32> to vector<64x128xbf16>
      %dot_general3A_1883 = arith.constant dense<0.000000e+00> : vector<128x64xf32>
      %dot_general3A_1884 = tpu.matmul %convert_element_type3A_2, %convert_element_type3A_1882, %dot_general3A_1883 {dimension_numbers = #tpu.dot_dimension_numbers<[1], [1], [0], [0], [0, 0, 1, 0], [], []>, transpose_lhs_hint = false} : vector<128x128xbf16>, vector<64x128xbf16>, vector<128x64xf32> -> vector<128x64xf32>
      %get3A_1885 = arith.constant 0 : index
      %get3A_1886 = arith.constant 14976 : index
      %get3A_1887 = vector.load %arg2[%get3A_1885, %get3A_1886] : memref<64x16128xf32, #tpu.memory_space<vmem>>, vector<64x128xf32>
      %convert_element_type3A_1888 = arith.truncf %get3A_1887 : vector<64x128xf32> to vector<64x128xbf16>
      %dot_general3A_1889 = arith.constant dense<0.000000e+00> : vector<128x64xf32>
      %dot_general3A_1890 = tpu.matmul %convert_element_type3A_2, %convert_element_type3A_1888, %dot_general3A_1889 {dimension_numbers = #tpu.dot_dimension_numbers<[1], [1], [0], [0], [0, 0, 1, 0], [], []>, transpose_lhs_hint = false} : vector<128x128xbf16>, vector<64x128xbf16>, vector<128x64xf32> -> vector<128x64xf32>
      %concatenate3A_1891 = tpu.concatenate %dot_general3A_1884, %dot_general3A_1890 in 1 : vector<128x64xf32>, vector<128x64xf32> -> vector<128x128xf32>
      %swap3A_1892 = arith.constant 14976 : index
      %swap3A_1893 = arith.constant 0 : index
      %swap3A_1894 = vector.load %arg4[%swap3A_1892, %swap3A_1893] : memref<16128x128xf32, #tpu.memory_space<vmem>>, vector<128x128xf32>
      tpu.vector_store %arg4[%swap3A_1892, %swap3A_1893], %concatenate3A_1891 {strides = array<i32>} : memref<16128x128xf32, #tpu.memory_space<vmem>>, vector<128x128xf32>,
      %get3A_1895 = arith.constant 0 : index
      %get3A_1896 = arith.constant 15104 : index
      %get3A_1897 = vector.load %arg1[%get3A_1895, %get3A_1896] : memref<64x16128xf32, #tpu.memory_space<vmem>>, vector<64x128xf32>
      %convert_element_type3A_1898 = arith.truncf %get3A_1897 : vector<64x128xf32> to vector<64x128xbf16>
      %dot_general3A_1899 = arith.constant dense<0.000000e+00> : vector<128x64xf32>
      %dot_general3A_1900 = tpu.matmul %convert_element_type3A_2, %convert_element_type3A_1898, %dot_general3A_1899 {dimension_numbers = #tpu.dot_dimension_numbers<[1], [1], [0], [0], [0, 0, 1, 0], [], []>, transpose_lhs_hint = false} : vector<128x128xbf16>, vector<64x128xbf16>, vector<128x64xf32> -> vector<128x64xf32>
      %get3A_1901 = arith.constant 0 : index
      %get3A_1902 = arith.constant 15104 : index
      %get3A_1903 = vector.load %arg2[%get3A_1901, %get3A_1902] : memref<64x16128xf32, #tpu.memory_space<vmem>>, vector<64x128xf32>
      %convert_element_type3A_1904 = arith.truncf %get3A_1903 : vector<64x128xf32> to vector<64x128xbf16>
      %dot_general3A_1905 = arith.constant dense<0.000000e+00> : vector<128x64xf32>
      %dot_general3A_1906 = tpu.matmul %convert_element_type3A_2, %convert_element_type3A_1904, %dot_general3A_1905 {dimension_numbers = #tpu.dot_dimension_numbers<[1], [1], [0], [0], [0, 0, 1, 0], [], []>, transpose_lhs_hint = false} : vector<128x128xbf16>, vector<64x128xbf16>, vector<128x64xf32> -> vector<128x64xf32>
      %concatenate3A_1907 = tpu.concatenate %dot_general3A_1900, %dot_general3A_1906 in 1 : vector<128x64xf32>, vector<128x64xf32> -> vector<128x128xf32>
      %swap3A_1908 = arith.constant 15104 : index
      %swap3A_1909 = arith.constant 0 : index
      %swap3A_1910 = vector.load %arg4[%swap3A_1908, %swap3A_1909] : memref<16128x128xf32, #tpu.memory_space<vmem>>, vector<128x128xf32>
      tpu.vector_store %arg4[%swap3A_1908, %swap3A_1909], %concatenate3A_1907 {strides = array<i32>} : memref<16128x128xf32, #tpu.memory_space<vmem>>, vector<128x128xf32>,
      %get3A_1911 = arith.constant 0 : index
      %get3A_1912 = arith.constant 15232 : index
      %get3A_1913 = vector.load %arg1[%get3A_1911, %get3A_1912] : memref<64x16128xf32, #tpu.memory_space<vmem>>, vector<64x128xf32>
      %convert_element_type3A_1914 = arith.truncf %get3A_1913 : vector<64x128xf32> to vector<64x128xbf16>
      %dot_general3A_1915 = arith.constant dense<0.000000e+00> : vector<128x64xf32>
      %dot_general3A_1916 = tpu.matmul %convert_element_type3A_2, %convert_element_type3A_1914, %dot_general3A_1915 {dimension_numbers = #tpu.dot_dimension_numbers<[1], [1], [0], [0], [0, 0, 1, 0], [], []>, transpose_lhs_hint = false} : vector<128x128xbf16>, vector<64x128xbf16>, vector<128x64xf32> -> vector<128x64xf32>
      %get3A_1917 = arith.constant 0 : index
      %get3A_1918 = arith.constant 15232 : index
      %get3A_1919 = vector.load %arg2[%get3A_1917, %get3A_1918] : memref<64x16128xf32, #tpu.memory_space<vmem>>, vector<64x128xf32>
      %convert_element_type3A_1920 = arith.truncf %get3A_1919 : vector<64x128xf32> to vector<64x128xbf16>
      %dot_general3A_1921 = arith.constant dense<0.000000e+00> : vector<128x64xf32>
      %dot_general3A_1922 = tpu.matmul %convert_element_type3A_2, %convert_element_type3A_1920, %dot_general3A_1921 {dimension_numbers = #tpu.dot_dimension_numbers<[1], [1], [0], [0], [0, 0, 1, 0], [], []>, transpose_lhs_hint = false} : vector<128x128xbf16>, vector<64x128xbf16>, vector<128x64xf32> -> vector<128x64xf32>
      %concatenate3A_1923 = tpu.concatenate %dot_general3A_1916, %dot_general3A_1922 in 1 : vector<128x64xf32>, vector<128x64xf32> -> vector<128x128xf32>
      %swap3A_1924 = arith.constant 15232 : index
      %swap3A_1925 = arith.constant 0 : index
      %swap3A_1926 = vector.load %arg4[%swap3A_1924, %swap3A_1925] : memref<16128x128xf32, #tpu.memory_space<vmem>>, vector<128x128xf32>
      tpu.vector_store %arg4[%swap3A_1924, %swap3A_1925], %concatenate3A_1923 {strides = array<i32>} : memref<16128x128xf32, #tpu.memory_space<vmem>>, vector<128x128xf32>,
      %get3A_1927 = arith.constant 0 : index
      %get3A_1928 = arith.constant 15360 : index
      %get3A_1929 = vector.load %arg1[%get3A_1927, %get3A_1928] : memref<64x16128xf32, #tpu.memory_space<vmem>>, vector<64x128xf32>
      %convert_element_type3A_1930 = arith.truncf %get3A_1929 : vector<64x128xf32> to vector<64x128xbf16>
      %dot_general3A_1931 = arith.constant dense<0.000000e+00> : vector<128x64xf32>
      %dot_general3A_1932 = tpu.matmul %convert_element_type3A_2, %convert_element_type3A_1930, %dot_general3A_1931 {dimension_numbers = #tpu.dot_dimension_numbers<[1], [1], [0], [0], [0, 0, 1, 0], [], []>, transpose_lhs_hint = false} : vector<128x128xbf16>, vector<64x128xbf16>, vector<128x64xf32> -> vector<128x64xf32>
      %get3A_1933 = arith.constant 0 : index
      %get3A_1934 = arith.constant 15360 : index
      %get3A_1935 = vector.load %arg2[%get3A_1933, %get3A_1934] : memref<64x16128xf32, #tpu.memory_space<vmem>>, vector<64x128xf32>
      %convert_element_type3A_1936 = arith.truncf %get3A_1935 : vector<64x128xf32> to vector<64x128xbf16>
      %dot_general3A_1937 = arith.constant dense<0.000000e+00> : vector<128x64xf32>
      %dot_general3A_1938 = tpu.matmul %convert_element_type3A_2, %convert_element_type3A_1936, %dot_general3A_1937 {dimension_numbers = #tpu.dot_dimension_numbers<[1], [1], [0], [0], [0, 0, 1, 0], [], []>, transpose_lhs_hint = false} : vector<128x128xbf16>, vector<64x128xbf16>, vector<128x64xf32> -> vector<128x64xf32>
      %concatenate3A_1939 = tpu.concatenate %dot_general3A_1932, %dot_general3A_1938 in 1 : vector<128x64xf32>, vector<128x64xf32> -> vector<128x128xf32>
      %swap3A_1940 = arith.constant 15360 : index
      %swap3A_1941 = arith.constant 0 : index
      %swap3A_1942 = vector.load %arg4[%swap3A_1940, %swap3A_1941] : memref<16128x128xf32, #tpu.memory_space<vmem>>, vector<128x128xf32>
      tpu.vector_store %arg4[%swap3A_1940, %swap3A_1941], %concatenate3A_1939 {strides = array<i32>} : memref<16128x128xf32, #tpu.memory_space<vmem>>, vector<128x128xf32>,
      %get3A_1943 = arith.constant 0 : index
      %get3A_1944 = arith.constant 15488 : index
      %get3A_1945 = vector.load %arg1[%get3A_1943, %get3A_1944] : memref<64x16128xf32, #tpu.memory_space<vmem>>, vector<64x128xf32>
      %convert_element_type3A_1946 = arith.truncf %get3A_1945 : vector<64x128xf32> to vector<64x128xbf16>
      %dot_general3A_1947 = arith.constant dense<0.000000e+00> : vector<128x64xf32>
      %dot_general3A_1948 = tpu.matmul %convert_element_type3A_2, %convert_element_type3A_1946, %dot_general3A_1947 {dimension_numbers = #tpu.dot_dimension_numbers<[1], [1], [0], [0], [0, 0, 1, 0], [], []>, transpose_lhs_hint = false} : vector<128x128xbf16>, vector<64x128xbf16>, vector<128x64xf32> -> vector<128x64xf32>
      %get3A_1949 = arith.constant 0 : index
      %get3A_1950 = arith.constant 15488 : index
      %get3A_1951 = vector.load %arg2[%get3A_1949, %get3A_1950] : memref<64x16128xf32, #tpu.memory_space<vmem>>, vector<64x128xf32>
      %convert_element_type3A_1952 = arith.truncf %get3A_1951 : vector<64x128xf32> to vector<64x128xbf16>
      %dot_general3A_1953 = arith.constant dense<0.000000e+00> : vector<128x64xf32>
      %dot_general3A_1954 = tpu.matmul %convert_element_type3A_2, %convert_element_type3A_1952, %dot_general3A_1953 {dimension_numbers = #tpu.dot_dimension_numbers<[1], [1], [0], [0], [0, 0, 1, 0], [], []>, transpose_lhs_hint = false} : vector<128x128xbf16>, vector<64x128xbf16>, vector<128x64xf32> -> vector<128x64xf32>
      %concatenate3A_1955 = tpu.concatenate %dot_general3A_1948, %dot_general3A_1954 in 1 : vector<128x64xf32>, vector<128x64xf32> -> vector<128x128xf32>
      %swap3A_1956 = arith.constant 15488 : index
      %swap3A_1957 = arith.constant 0 : index
      %swap3A_1958 = vector.load %arg4[%swap3A_1956, %swap3A_1957] : memref<16128x128xf32, #tpu.memory_space<vmem>>, vector<128x128xf32>
      tpu.vector_store %arg4[%swap3A_1956, %swap3A_1957], %concatenate3A_1955 {strides = array<i32>} : memref<16128x128xf32, #tpu.memory_space<vmem>>, vector<128x128xf32>,
      %get3A_1959 = arith.constant 0 : index
      %get3A_1960 = arith.constant 15616 : index
      %get3A_1961 = vector.load %arg1[%get3A_1959, %get3A_1960] : memref<64x16128xf32, #tpu.memory_space<vmem>>, vector<64x128xf32>
      %convert_element_type3A_1962 = arith.truncf %get3A_1961 : vector<64x128xf32> to vector<64x128xbf16>
      %dot_general3A_1963 = arith.constant dense<0.000000e+00> : vector<128x64xf32>
      %dot_general3A_1964 = tpu.matmul %convert_element_type3A_2, %convert_element_type3A_1962, %dot_general3A_1963 {dimension_numbers = #tpu.dot_dimension_numbers<[1], [1], [0], [0], [0, 0, 1, 0], [], []>, transpose_lhs_hint = false} : vector<128x128xbf16>, vector<64x128xbf16>, vector<128x64xf32> -> vector<128x64xf32>
      %get3A_1965 = arith.constant 0 : index
      %get3A_1966 = arith.constant 15616 : index
      %get3A_1967 = vector.load %arg2[%get3A_1965, %get3A_1966] : memref<64x16128xf32, #tpu.memory_space<vmem>>, vector<64x128xf32>
      %convert_element_type3A_1968 = arith.truncf %get3A_1967 : vector<64x128xf32> to vector<64x128xbf16>
      %dot_general3A_1969 = arith.constant dense<0.000000e+00> : vector<128x64xf32>
      %dot_general3A_1970 = tpu.matmul %convert_element_type3A_2, %convert_element_type3A_1968, %dot_general3A_1969 {dimension_numbers = #tpu.dot_dimension_numbers<[1], [1], [0], [0], [0, 0, 1, 0], [], []>, transpose_lhs_hint = false} : vector<128x128xbf16>, vector<64x128xbf16>, vector<128x64xf32> -> vector<128x64xf32>
      %concatenate3A_1971 = tpu.concatenate %dot_general3A_1964, %dot_general3A_1970 in 1 : vector<128x64xf32>, vector<128x64xf32> -> vector<128x128xf32>
      %swap3A_1972 = arith.constant 15616 : index
      %swap3A_1973 = arith.constant 0 : index
      %swap3A_1974 = vector.load %arg4[%swap3A_1972, %swap3A_1973] : memref<16128x128xf32, #tpu.memory_space<vmem>>, vector<128x128xf32>
      tpu.vector_store %arg4[%swap3A_1972, %swap3A_1973], %concatenate3A_1971 {strides = array<i32>} : memref<16128x128xf32, #tpu.memory_space<vmem>>, vector<128x128xf32>,
      %get3A_1975 = arith.constant 0 : index
      %get3A_1976 = arith.constant 15744 : index
      %get3A_1977 = vector.load %arg1[%get3A_1975, %get3A_1976] : memref<64x16128xf32, #tpu.memory_space<vmem>>, vector<64x128xf32>
      %convert_element_type3A_1978 = arith.truncf %get3A_1977 : vector<64x128xf32> to vector<64x128xbf16>
      %dot_general3A_1979 = arith.constant dense<0.000000e+00> : vector<128x64xf32>
      %dot_general3A_1980 = tpu.matmul %convert_element_type3A_2, %convert_element_type3A_1978, %dot_general3A_1979 {dimension_numbers = #tpu.dot_dimension_numbers<[1], [1], [0], [0], [0, 0, 1, 0], [], []>, transpose_lhs_hint = false} : vector<128x128xbf16>, vector<64x128xbf16>, vector<128x64xf32> -> vector<128x64xf32>
      %get3A_1981 = arith.constant 0 : index
      %get3A_1982 = arith.constant 15744 : index
      %get3A_1983 = vector.load %arg2[%get3A_1981, %get3A_1982] : memref<64x16128xf32, #tpu.memory_space<vmem>>, vector<64x128xf32>
      %convert_element_type3A_1984 = arith.truncf %get3A_1983 : vector<64x128xf32> to vector<64x128xbf16>
      %dot_general3A_1985 = arith.constant dense<0.000000e+00> : vector<128x64xf32>
      %dot_general3A_1986 = tpu.matmul %convert_element_type3A_2, %convert_element_type3A_1984, %dot_general3A_1985 {dimension_numbers = #tpu.dot_dimension_numbers<[1], [1], [0], [0], [0, 0, 1, 0], [], []>, transpose_lhs_hint = false} : vector<128x128xbf16>, vector<64x128xbf16>, vector<128x64xf32> -> vector<128x64xf32>
      %concatenate3A_1987 = tpu.concatenate %dot_general3A_1980, %dot_general3A_1986 in 1 : vector<128x64xf32>, vector<128x64xf32> -> vector<128x128xf32>
      %swap3A_1988 = arith.constant 15744 : index
      %swap3A_1989 = arith.constant 0 : index
      %swap3A_1990 = vector.load %arg4[%swap3A_1988, %swap3A_1989] : memref<16128x128xf32, #tpu.memory_space<vmem>>, vector<128x128xf32>
      tpu.vector_store %arg4[%swap3A_1988, %swap3A_1989], %concatenate3A_1987 {strides = array<i32>} : memref<16128x128xf32, #tpu.memory_space<vmem>>, vector<128x128xf32>,
      %get3A_1991 = arith.constant 0 : index
      %get3A_1992 = arith.constant 15872 : index
      %get3A_1993 = vector.load %arg1[%get3A_1991, %get3A_1992] : memref<64x16128xf32, #tpu.memory_space<vmem>>, vector<64x128xf32>
      %convert_element_type3A_1994 = arith.truncf %get3A_1993 : vector<64x128xf32> to vector<64x128xbf16>
      %dot_general3A_1995 = arith.constant dense<0.000000e+00> : vector<128x64xf32>
      %dot_general3A_1996 = tpu.matmul %convert_element_type3A_2, %convert_element_type3A_1994, %dot_general3A_1995 {dimension_numbers = #tpu.dot_dimension_numbers<[1], [1], [0], [0], [0, 0, 1, 0], [], []>, transpose_lhs_hint = false} : vector<128x128xbf16>, vector<64x128xbf16>, vector<128x64xf32> -> vector<128x64xf32>
      %get3A_1997 = arith.constant 0 : index
      %get3A_1998 = arith.constant 15872 : index
      %get3A_1999 = vector.load %arg2[%get3A_1997, %get3A_1998] : memref<64x16128xf32, #tpu.memory_space<vmem>>, vector<64x128xf32>
      %convert_element_type3A_2000 = arith.truncf %get3A_1999 : vector<64x128xf32> to vector<64x128xbf16>
      %dot_general3A_2001 = arith.constant dense<0.000000e+00> : vector<128x64xf32>
      %dot_general3A_2002 = tpu.matmul %convert_element_type3A_2, %convert_element_type3A_2000, %dot_general3A_2001 {dimension_numbers = #tpu.dot_dimension_numbers<[1], [1], [0], [0], [0, 0, 1, 0], [], []>, transpose_lhs_hint = false} : vector<128x128xbf16>, vector<64x128xbf16>, vector<128x64xf32> -> vector<128x64xf32>
      %concatenate3A_2003 = tpu.concatenate %dot_general3A_1996, %dot_general3A_2002 in 1 : vector<128x64xf32>, vector<128x64xf32> -> vector<128x128xf32>
      %swap3A_2004 = arith.constant 15872 : index
      %swap3A_2005 = arith.constant 0 : index
      %swap3A_2006 = vector.load %arg4[%swap3A_2004, %swap3A_2005] : memref<16128x128xf32, #tpu.memory_space<vmem>>, vector<128x128xf32>
      tpu.vector_store %arg4[%swap3A_2004, %swap3A_2005], %concatenate3A_2003 {strides = array<i32>} : memref<16128x128xf32, #tpu.memory_space<vmem>>, vector<128x128xf32>,
      %get3A_2007 = arith.constant 0 : index
      %get3A_2008 = arith.constant 16000 : index
      %get3A_2009 = vector.load %arg1[%get3A_2007, %get3A_2008] : memref<64x16128xf32, #tpu.memory_space<vmem>>, vector<64x128xf32>
      %convert_element_type3A_2010 = arith.truncf %get3A_2009 : vector<64x128xf32> to vector<64x128xbf16>
      %dot_general3A_2011 = arith.constant dense<0.000000e+00> : vector<128x64xf32>
      %dot_general3A_2012 = tpu.matmul %convert_element_type3A_2, %convert_element_type3A_2010, %dot_general3A_2011 {dimension_numbers = #tpu.dot_dimension_numbers<[1], [1], [0], [0], [0, 0, 1, 0], [], []>, transpose_lhs_hint = false} : vector<128x128xbf16>, vector<64x128xbf16>, vector<128x64xf32> -> vector<128x64xf32>
      %get3A_2013 = arith.constant 0 : index
      %get3A_2014 = arith.constant 16000 : index
      %get3A_2015 = vector.load %arg2[%get3A_2013, %get3A_2014] : memref<64x16128xf32, #tpu.memory_space<vmem>>, vector<64x128xf32>
      %convert_element_type3A_2016 = arith.truncf %get3A_2015 : vector<64x128xf32> to vector<64x128xbf16>
      %dot_general3A_2017 = arith.constant dense<0.000000e+00> : vector<128x64xf32>
      %dot_general3A_2018 = tpu.matmul %convert_element_type3A_2, %convert_element_type3A_2016, %dot_general3A_2017 {dimension_numbers = #tpu.dot_dimension_numbers<[1], [1], [0], [0], [0, 0, 1, 0], [], []>, transpose_lhs_hint = false} : vector<128x128xbf16>, vector<64x128xbf16>, vector<128x64xf32> -> vector<128x64xf32>
      %concatenate3A_2019 = tpu.concatenate %dot_general3A_2012, %dot_general3A_2018 in 1 : vector<128x64xf32>, vector<128x64xf32> -> vector<128x128xf32>
      %swap3A_2020 = arith.constant 16000 : index
      %swap3A_2021 = arith.constant 0 : index
      %swap3A_2022 = vector.load %arg4[%swap3A_2020, %swap3A_2021] : memref<16128x128xf32, #tpu.memory_space<vmem>>, vector<128x128xf32>
      tpu.vector_store %arg4[%swap3A_2020, %swap3A_2021], %concatenate3A_2019 {strides = array<i32>} : memref<16128x128xf32, #tpu.memory_space<vmem>>, vector<128x128xf32>,
    } else {
    }
    %eq3A_6 = arith.constant 31 : i32
    %eq3A_7 = arith.cmpi eq, %arg0, %eq3A_6 : i32
    %convert_element_type3A_8 = arith.extui %eq3A_7 : i1 to i32
    %cond3A_9 = arith.constant 0 : i32
    %cond3A_10 = arith.cmpi ne, %convert_element_type3A_8, %cond3A_9 : i32
    scf.if %cond3A_10 {
      %get3A = arith.constant 0 : index
      %get3A_11 = arith.constant 0 : index
      %get3A_12 = vector.load %arg3[%get3A, %get3A_11] : memref<64x128xf32, #tpu.memory_space<vmem>>, vector<64x128xf32>
      %broadcast_in_dim3A = arith.constant 0.000000e+00 : f32
      %broadcast_in_dim3A_13 = vector.broadcast %broadcast_in_dim3A : f32 to vector<16064x128xf32>
      %concatenate3A = tpu.concatenate %get3A_12, %broadcast_in_dim3A_13 in 0 : vector<64x128xf32>, vector<16064x128xf32> -> vector<16128x128xf32>
      %swap3A = arith.constant 0 : index
      %swap3A_14 = arith.constant 0 : index
      %swap3A_15 = vector.load %arg4[%swap3A, %swap3A_14] : memref<16128x128xf32, #tpu.memory_space<vmem>>, vector<16128x128xf32>
      tpu.vector_store %arg4[%swap3A, %swap3A_14], %concatenate3A {strides = array<i32>} : memref<16128x128xf32, #tpu.memory_space<vmem>>, vector<16128x128xf32>,
    } else {
    }
    return
  }
  func.func @transform_0(%arg0: i32) -> (i32, i32) {
    %min3A = arith.constant 30 : i32
    %min3A_0 = arith.minsi %arg0, %min3A : i32
    %c0_i32 = arith.constant 0 : i32
    %c0_i32_1 = arith.constant 0 : i32
    return %c0_i32, %min3A_0 : i32, i32
  }
  func.func @transform_1(%arg0: i32) -> (i32, i32) {
    %min3A = arith.constant 30 : i32
    %min3A_0 = arith.minsi %arg0, %min3A : i32
    %add3A = arith.constant 31 : i32
    %add3A_1 = arith.addi %min3A_0, %add3A : i32
    %c0_i32 = arith.constant 0 : i32
    %c0_i32_2 = arith.constant 0 : i32
    return %c0_i32, %add3A_1 : i32, i32
  }
  func.func @transform_2(%arg0: i32) -> (i32, i32) {
    %c0_i32 = arith.constant 0 : i32
    %c0_i32_0 = arith.constant 0 : i32
    %c0_i32_1 = arith.constant 0 : i32
    return %c0_i32, %c0_i32_0 : i32, i32
  }
  func.func @transform_3(%arg0: i32) -> (i32, i32) {
    %c0_i32 = arith.constant 0 : i32
    %c0_i32_0 = arith.constant 0 : i32
    return %arg0, %c0_i32 : i32, i32
  }
}

</mosaic_0001>

<sc_bundles>
// kernel: _run.5.cloned.1.call-start
scs
__scs_entry_jumppad:
0x0: {  	(pc) =	sbr.rel $0x88, $3  }
0x1: {  	(tag) =	ssettag $0x0;
	lr =	simm.s32 $0x1  }
0x2: {  	[smem:$0x3F98] =	sst lr;
	_ =	strace $0xD0000000  }
0x3: {  	_ = 	snop  }
0x4: {  	_ = 	snop  }
0x5: {  	_ = 	snop  }
0x6: {  	_ = 	snop  }
0x7: {  	_ = 	snop  }
__scs_overlays_trampoline_lowered:
0x8: {  	[smem:$0x3FA7] =	sst s0  }
0x9: {  	[smem:$0x3FA8] =	sst s1  }
0xa: {  	[smem:$0x3FA9] =	sst s2  }
0xb: {  	[smem:$0x3FAA] =	sst s3  }
0xc: {  	[smem:$0x3FAB] =	sst s4  }
0xd: {  	[smem:$0x3FAC] =	sst s5  }
0xe: {  	[smem:$0x3FAD] =	sst s6  }
0xf: {  	[smem:$0x3FAE] =	sst s7  }
0x10: {  	[smem:$0x3FAF] =	sst s8  }
0x11: {  	[smem:$0x3FB0] =	sst s9;
	s0 =	simm.s32 @!p0 $0x0  }
0x12: {  	s1 =	sld [smem:$0x3F96];
	s0 =	simm.s32 @p0 $0x1  }
0x13: {  	[smem:$0x3FB1] =	sst s0;
	s0 =	simm.s32 @!p1 $0x0  }
0x14: {  	s2 =	sld [smem:$0x3F95];
	s0 =	simm.s32 @p1 $0x1  }
0x15: {  	[smem:$0x3FB2] =	sst s0;
	s0 =	simm.s32 @!p2 $0x0  }
0x16: {  	s3 =	sld [smem:$0x3FDB];
	s0 =	simm.s32 @p2 $0x1  }
0x17: {  	s4 =	simm.s32 $0x1BF5;
	[smem:$0x3FB4] =	sst s0  }
0x18: {  	s0 =	sld [smem:$0x3F97];
	_ =	swait.ge [sflag:s4], $0x0  }
0x19: {  	s7 =	sld [smem:$0x3F98]  }
0x1a: {  	s8 =	sadd.s32 $0xFFFFE003, lr  }
0x1b: {  	s9 =	sadd.s32 $0xFFFFFEF7, lr;
	s5 =	simm.s32 $0xFFFFFFFF;
	p2 =	slt.u32 s8, $0xFFFFF086  }
0x1c: {  	p1 =	slt.u32 s9, $0xF7A;
	s5 =	simm.s32 @!p2 $0x0  }
0x1d: {  	s5 =	simm.s32 @p1 $0x1;
	p0 =	seq.s32 s7, s2  }
0x1e: {  	s7 =	smul.u32 @!p0 $0xF7A, s2;
	p2 =	seq.s32 @!p0 s5, $0x0  }
0x1f: {  	s9 =	smul.u32 $0xF7A, s1;
	s8 =	simm.s32 @!p0 $0x1BF5;
	p2 =	por !p2, p0  }
0x20: {  	[sflag:s8] =	ssyncset.s32 @!p0 $0xFFFFF086;
	s6 =	sadd.s32 @!p0 s3, s7;
	s7 =	simm.s32 @!p0 $0x108  }
0x21: {  	s3 =	sadd.s32 s3, s9;
	s6 =	sadd.s32 @!p0 $0x88, s6;
	s7 =	simm.s32 @p2 $0x1082  }
0x22: {  	[simem:s7], [sflag:s8] =	dma.local @!p0 [hbm:s6], $0xF7A  }
0x23: {  	s9 =	sor.u32 $0xD0000000, s2;
	s6 =	simm.s32 $0x108;
	_ =	swait.ge @!p0 [sflag:s8], $0x0  }
0x24: {  	s3 =	sadd.s32 $0x88, s3;
	s6 =	simm.s32 @!p1 $0x1082;
	[sflag:s4] =	ssyncset.s32 $0xFFFFF086  }
0x25: {  	[simem:s6], [sflag:s4] =	dma.local [hbm:s3], $0xF7A  }
0x26: {  	[smem:$0x3F98] =	sst s1;
	(tag) =	ssettag s2;
	_ =	strace s9  }
0x27: {  	s1 =	sld [smem:$0x3FA8]  }
0x28: {  	s2 =	sld [smem:$0x3FA9]  }
0x29: {  	s4 =	sld [smem:$0x3FAB]  }
0x2a: {  	p0 =	seq.s32 s5, $0x0;
	s5 =	sld [smem:$0x3FAC]  }
0x2b: {  	s6 =	sld [smem:$0x3FAD]  }
0x2c: {  	s7 =	sld [smem:$0x3FAE]  }
0x2d: {  	s3 =	simm.s32 $0x108;
	s8 =	sld [smem:$0x3FAF]  }
0x2e: {  	s3 =	simm.s32 @!p0 $0x1082;
	s9 =	sld [smem:$0x3FB0]  }
0x2f: {  	lr =	sadd.s32 s0, s3;
	s0 =	sld [smem:$0x3FA7]  }
0x30: {  	s3 =	sld [smem:$0x3FAA]  }
0x31: {  	[smem:$0x3FB3] =	sst s10  }
0x32: {  	s10 =	sld [smem:$0x3FB1];
	_ =	sdelay $0x3  }
0x33: {  	p0 =	seq.s32 s10, $0x1;
	s10 =	sld [smem:$0x3FB3];
	_ =	sdelay $0x3  }
0x34: {  	[smem:$0x3FB3] =	sst s10  }
0x35: {  	s10 =	sld [smem:$0x3FB2];
	_ =	sdelay $0x3  }
0x36: {  	p1 =	seq.s32 s10, $0x1;
	s10 =	sld [smem:$0x3FB3];
	_ =	sdelay $0x3  }
0x37: {  	[smem:$0x3FB3] =	sst s10  }
0x38: {  	s10 =	sld [smem:$0x3FB4]  }
0x39: {  	_ = 	snop;
	(pc) =	sbr.ind lr, $3  }
0x3a: {  	_ = 	snop  }
0x3b: {  	_ = 	snop  }
0x3c: {  	p2 =	seq.s32 s10, $0x1;
	s10 =	sld [smem:$0x3FB3]  }
0x3d: {  	_ =	shalt  }
0x3e: {  	_ =	shalt  }
0x3f: {  	_ =	shalt  }
0x40: {  	_ =	shalt  }
0x41: {  	_ =	shalt  }
0x42: {  	_ =	shalt  }
0x43: {  	_ =	shalt  }
0x44: {  	_ =	shalt  }
0x45: {  	_ =	shalt  }
0x46: {  	_ =	shalt  }
0x47: {  	_ =	shalt  }
0x48: {  	_ =	shalt  }
0x49: {  	_ =	shalt  }
0x4a: {  	_ =	shalt  }
0x4b: {  	_ =	shalt  }
0x4c: {  	_ =	shalt  }
0x4d: {  	_ =	shalt  }
0x4e: {  	_ =	shalt  }
0x4f: {  	_ =	shalt  }
0x50: {  	_ =	shalt  }
0x51: {  	_ =	shalt  }
0x52: {  	_ =	shalt  }
0x53: {  	_ =	shalt  }
0x54: {  	_ =	shalt  }
0x55: {  	_ =	shalt  }
0x56: {  	_ =	shalt  }
0x57: {  	_ =	shalt  }
0x58: {  	_ =	shalt  }
0x59: {  	_ =	shalt  }
0x5a: {  	_ =	shalt  }
0x5b: {  	_ =	shalt  }
0x5c: {  	_ =	shalt  }
0x5d: {  	_ =	shalt  }
0x5e: {  	_ =	shalt  }
0x5f: {  	_ =	shalt  }
0x60: {  	_ =	shalt  }
0x61: {  	_ =	shalt  }
0x62: {  	_ =	shalt  }
0x63: {  	_ =	shalt  }
0x64: {  	_ =	shalt  }
0x65: {  	_ =	shalt  }
0x66: {  	_ =	shalt  }
0x67: {  	_ =	shalt  }
0x68: {  	_ =	shalt  }
0x69: {  	_ =	shalt  }
0x6a: {  	_ =	shalt  }
0x6b: {  	_ =	shalt  }
0x6c: {  	_ =	shalt  }
0x6d: {  	_ =	shalt  }
0x6e: {  	_ =	shalt  }
0x6f: {  	_ =	shalt  }
0x70: {  	_ =	shalt  }
0x71: {  	_ =	shalt  }
0x72: {  	_ =	shalt  }
0x73: {  	_ =	shalt  }
0x74: {  	_ =	shalt  }
0x75: {  	_ =	shalt  }
0x76: {  	_ =	shalt  }
0x77: {  	_ =	shalt  }
0x78: {  	_ =	shalt  }
0x79: {  	_ =	shalt  }
0x7a: {  	_ =	shalt  }
0x7b: {  	_ =	shalt  }
0x7c: {  	_ =	shalt  }
0x7d: {  	_ =	shalt  }
0x7e: {  	_ =	shalt  }
0x7f: {  	_ =	shalt  }
0x80: {  	_ =	shalt  }
0x81: {  	_ =	shalt  }
0x82: {  	_ =	shalt  }
0x83: {  	_ =	shalt  }
0x84: {  	_ =	shalt  }
0x85: {  	_ =	shalt  }
0x86: {  	_ =	shalt  }
0x87: {  	_ =	shalt  }
.Lfunc_end0:
.L_simem_size_0:
called_computation_lowered:
.L_overlay_start_0:
0x88: {  	s2 =	sld [smem:$0x3FD9]  }
0x89: {  	s3 =	sld [smem:$0x3FFE];
	_ =	sdelay $0x1  }
0x8a: {  	s1 =	srdreg.scid  }
0x8b: {  	s0 =	sand.u32 $0x1, s1  }
0x8c: {  	s17 =	sshll.u32 s0, $0xA;
	s2 =	sadd.s32 s3, s2  }
0x8d: {  	s2 =	sadd.s32 s2, s17  }
0x8e: {  	[smem:$0x3FBF] =	sst s2  }
0x8f: {  	_ = 	snop  }
0x90: {  	s2 =	sld [smem:$0x3FC9]  }
0x91: {  	s18 =	sld [smem:$0x3FC8]  }
0x92: {  	s4 =	sld [smem:$0x3FC7]  }
0x93: {  	s5 =	sld [smem:$0x3FC2]  }
0x94: {  	s6 =	sld [smem:$0x3FC1]  }
0x95: {  	s7 =	sld [smem:$0x3FD0];
	(tm) =	ssettm $0x1  }
0x96: {  	s8 =	sld [smem:$0x3FFB];
	_ =	sdelay $0x3  }
0x97: {  	_ =	strace s8  }
0x98: {  	s8 =	sld [smem:$0x3FFC];
	_ =	sdelay $0x3  }
0x99: {  	_ =	strace s8  }
0x9a: {  	s8 =	sld [smem:$0x3FFD];
	_ =	sdelay $0x3  }
0x9b: {  	_ =	strace s8  }
0x9c: {  	_ =	strace $0x8FFFFFFF  }
0x9d: {  	s19 =	sld [smem:$0x3FDB];
	_ =	sdelay $0x1  }
0x9e: {  	s9 =	simm.s32 $_scs_section_size  }
0x9f: {  	s10 =	simm.s32 $_size__tile_overlayer_lowered;
	s11 =	simm.s32 $_tile_overlayer_lowered  }
0xa0: {  	s22 =	simm.s32 $0x1BFF;
	s21 =	sshll.u32 s11, $0x1;
	s8 =	sadd.s32 s9, s19  }
0xa1: {  	s12 =	simm.s32 $0x0;
	s20 =	sshll.u32 s10, $0x1;
	s10 =	sadd.s32 s21, s8  }
0xa2: {  	[timem:s12], [sflag:s22] =	dma.local [hbm:s10], s20  }
0xa3: {  	_ =	swait.ge [sflag:s22], s20  }
0xa4: {  	s9 =	ssub.s32 $0x0, s20;
	[sflag:s22] =	ssyncset.done $0x0  }
0xa5: {  	[sflag:s22] =	ssyncadd.s32 s9;
	_ =	sdelay $0x1  }
0xa6: {  	s23 =	simm.s32 $0x1B8B  }
0xa7: {  	_ =	swait.ge [sflag:s23], $0x1  }
0xa8: {  	[sflag:s23] =	ssyncset.done $0x0  }
0xa9: {  	s25 =	simm.s32 $0x1B8E;
	s24 =	sld [smem:$0x3FFE];
	[sflag:s23] =	ssyncadd.s32 $0xFFFFFFFF  }
0xaa: {  	s26 =	simm.s32 $execute0_lowered;
	[smem:$0x3FD2] =	sst s25  }
0xab: {  	s10 =	sshll.u32 s26, $0x1;
	_ =	strace $0x80000046;
	[dreg:$0x1] =	wrdreg $0xFFFFFFFF  }
0xac: {  	s28 =	simm.s32 $_size_execute0_lowered;
	s8 =	sadd.s32 s8, s10;
	[dreg:$0x0] =	wrdreg $0x0  }
0xad: {  	s10 =	sshll.u32 s28, $0x1;
	[dreg:$0x2] =	wrdreg s8  }
0xae: {  	[dreg:$0x3] =	wrdreg s10  }
0xaf: {  	[dreg:$0x4] =	wrdreg $0xC0  }
0xb0: {  	_ =	task [dreg:s12], $0x5FFFF  }
0xb1: {  	[dreg:$0x1] =	wrdreg $0xFFFFFFFF  }
0xb2: {  	[dreg:$0x0] =	wrdreg $0x60  }
0xb3: {  	[dreg:$0x2] =	wrdreg s2  }
0xb4: {  	[dreg:$0x3] =	wrdreg s18  }
0xb5: {  	[dreg:$0x4] =	wrdreg s4  }
0xb6: {  	[dreg:$0x5] =	wrdreg s24  }
0xb7: {  	[dreg:$0x6] =	wrdreg s5  }
0xb8: {  	[dreg:$0x7] =	wrdreg s6  }
0xb9: {  	[dreg:$0x8] =	wrdreg s7  }
0xba: {  	[dreg:$0x9] =	wrdreg $0x9  }
0xbb: {  	_ =	task.clear_ibuf [dreg:s12], $0xAFFFF;
	_ =	strace $0x90000046  }
0xbc: {  	s29 =	simm.s32 $0x9;
	_ =	strace $0x80000048  }
0xbd: {  	_ =	swait.ge [sflag:s29], $0x1  }
0xbe: {  	[sflag:s29] =	ssyncadd.s32 $0xFFFFFFFF  }
0xbf: {  	_ =	strace $0x90000048  }
0xc0: {  	_ =	sfence  }
0xc1: {  	s30 =	sld [smem:$0x0];
	_ =	sdelay $0x2  }
0xc2: {  	s31 =	sshll.u32 s1, $0xD;
	s1 =	sshrl.u32 s1, $0x2  }
0xc3: {  	s3 =	sand.u32 $0x4000, s31;
	s1 =	sadd.s32 s1, s30  }
0xc4: {  	s0 =	sor.u32 s3, s0;
	s1 =	sshll.u32 s1, $0x11  }
0xc5: {  	s0 =	sor.u32 s1, s0  }
0xc6: {  	s0 =	sadd.s32 $0x8F2B, s0  }
0xc7: {  	[sflag:s0] =	ssyncadd.remote.s32 $0x1  }
0xc8: {  	_ =	sfence.sel $0xFFFF  }
0xc9: {  	[dreg:$0x0] =	wrdreg $0xFFFFFFFF;
	(pc) =	sbr.abs _section_cstart, $3  }
0xca: {  	[dreg:$0x1] =	wrdreg $0xFFFFFFFF  }
0xcb: {  	_ =	task.clear_ibuf [dreg:s12], $0x2FFFF;
	_ =	strace $0x9FFFFFFF  }
0xcc: {  	(tm) =	ssettm $0x7FFFFFFF  }
0xcd: {  	_ =	shalt  }
tec
execute0_lowered:
.L_overlay_start_1:
0x0: {  	(tag) =	ssettag $0x1  }
0x1: {  	s0 =	rddreg [dreg:$0x0]  }
0x2: {  	s1 =	rddreg [dreg:$0x1]  }
0x3: {  	s4 =	rddreg [dreg:$0x3]  }
0x4: {  	s2 =	rddreg [dreg:$0x4]  }
0x5: {  	s3 =	rddreg [dreg:$0x5]  }
0x6: {  	s10 =	rddreg [dreg:$0x6]  }
0x7: {  	s5 =	simm.s32 $0x0;
	s6 =	srdreg.scid;
	s7 =	stileid.u32  }
0x8: {  	s13 =	simm.s32 $0x200;
	s14 =	simm.s32 $0x10C00;
	s15 =	simm.s32 $0x10800  }
0x9: {  	s16 =	simm.s32 $0x10A00;
	s17 =	simm.s32 $0x1;
	s18 =	simm.s32 $0x100  }
0xa: {  	s19 =	simm.s32 $0x400;
	s20 =	simm.s32 $0x800;
	s21 =	simm.s32 $0x600  }
0xb: {  	s22 =	simm.s32 $0x8800;
	s23 =	simm.s32 $0x500;
	s24 =	simm.s32 $0x700  }
0xc: {  	s25 =	simm.s32 $0x10C80;
	s26 =	simm.s32 $0x0;
	[smem:$0x7FF] =	sst s5  }
0xd: {  	s6 =	sand.u32 $0x1, s6;
	s7 =	sshll.u32 s7, $0x7;
	_ =	strace $0x80000047  }
0xe: {  	s8 =	ssub.s32 $0x2, s6;
	s9 =	sshll.u32 s6, $0x6;
	s6 =	sadd.s32 $0x800, s4  }
0xf: {  	s11 =	sshrl.u32 s8, $0x1;
	s12 =	sor.u32 s9, s7;
	s7 =	sadd.s32 $0x7E0800, s4  }
0x10: {  	v1 =	vlaneseq.u32;
	s31 =	ssub.s32 s8, s11;
	s8 =	sadd.s32 s0, s12;
	s9 =	sadd.s32 s1, s12  }
0x11: {  	v0 =	vimm.s32 $0x0;
	v1 =	vmul.u32 $0x80, v1;
	s10 =	sadd.s32 s10, s12;
	s12 =	simm.s32 $0x2;
	s11 =	smax.u32 s31, $0x1  }
.LBB2_1:
0x12: {  	[tilespmem:s5], [sflag:$0x2] =	stream.linear.gather [hbm4b:s8+s5], $0x200, $0x38;
	[tilespmem:$0x10E80] =	vst v63  }
0x13: {  	_ =	swait.ge [sflag:s12], $0x200  }
0x14: {  	[sflag:s12] =	ssyncset.done $0x0  }
0x15: {  	[sflag:s12] =	ssyncadd.s32 $0xFFFFFE00  }
0x16: {  	[tilespmem:s13], [sflag:$0x2] =	stream.linear.gather [hbm4b:s9+s5], $0x200, $0x38;
	[tilespmem:$0x10E80] =	vst v63  }
0x17: {  	_ =	swait.ge [sflag:s12], $0x200  }
0x18: {  	[sflag:s12] =	ssyncset.done $0x0  }
0x19: {  	[sflag:s12] =	ssyncadd.s32 $0xFFFFFE00  }
0x1a: {  	s0 =	rddreg [dreg:$0x2]  }
0x1b: {  	[tilespmem:s14], [sflag:$0x2] =	stream.linear.gather [hbm4b:s0+s5], $0x80, $0x38;
	[tilespmem:$0x10E80] =	vst v63  }
0x1c: {  	_ =	swait.ge [sflag:s12], $0x80  }
0x1d: {  	[sflag:s12] =	ssyncset.done $0x0  }
0x1e: {  	[sflag:s12] =	ssyncadd.s32 $0xFFFFFF80  }
0x1f: {  	[tilespmem:s15], [sflag:$0x1] =	stream.indirect.gather [hbm4b:s2+s13], $0x1, s5, s13, $0xb8;
	[tilespmem:$0x10E80] =	vst v63  }
0x20: {  	s0 =	simm.s32 $0x0  }
0x21: {  	[tilespmem:s16], [sflag:$0x1] =	stream.indirect.gather [hbm4b:s3+s13], $0x1, s13, s13, $0xb8;
	[tilespmem:$0x10E80] =	vst v63  }
0x22: {  	v2 =	vld [tilespmem:s0+$0x200]  }
0x23: {  	v3 =	vld [tilespmem:s0+$0x0]  }
0x24: {  	s1 =	simm.s32 $0x40  }
.LBB2_2:
0x25: {  	p0 =	sne.s32 s1, $0x7C0  }
.Ltmp0:
0x26: {  	_ = 	snop;
	(pc) =	sbr.rel @p0 .LBB2_2-.Ltmp0, $4  }
0x27: {  	s4 =	sshra.s32 s1, $0x2;
	vm0 =	vgt.s32 v2, $0x7A0FF;
	v4 =	vadd.s32 $0xFFF85F00, v2  }
0x28: {  	vm1 =	vgt.s32 v3, $0x7A0FF;
	v5 =	vadd.s32 $0xFFF85F00, v3;
	v4 =	vsel vm0, v4, v2;
	v2 =	vld [tilespmem:s4+$0x200]  }
0x29: {  	v5 =	vsel vm1, v5, v3;
	v3 =	vld [tilespmem:s4+$0x0];
	[tilespmem:s0+$0x600] =	vst v4  }
0x2a: {  	s1 =	sadd.s32 $0x40, s1;
	[tilespmem:s0+$0x400] =	vst v5;
	s0 =	smov.u32 s4  }
0x2b: {  	_ =	sdelay $0x1  }
0x2c: {  	vm0 =	vgt.s32 v2, $0x7A0FF;
	v4 =	vadd.s32 $0xFFF85F00, v2  }
0x2d: {  	vm1 =	vgt.s32 v3, $0x7A0FF;
	v5 =	vadd.s32 $0xFFF85F00, v3;
	v2 =	vsel vm0, v4, v2  }
0x2e: {  	v3 =	vsel vm1, v5, v3;
	[tilespmem:s0+$0x600] =	vst v2  }
0x2f: {  	[tilespmem:s0+$0x400] =	vst v3  }
0x30: {  	_ =	swait.ge [sflag:s17], $0x200  }
0x31: {  	[sflag:s17] =	ssyncset.done $0x0  }
0x32: {  	[sflag:s17] =	ssyncadd.s32 $0xFFFFFE00  }
0x33: {  	_ =	swait.ge [sflag:s17], $0x200  }
0x34: {  	[sflag:s17] =	ssyncset.done $0x0  }
0x35: {  	[sflag:s17] =	ssyncadd.s32 $0xFFFFFE00  }
0x36: {  	v2 =	vld [tilespmem:$0x10C00];
	[tilespmem:s20], [sflag:$0x1] =	stream.indirect.gather [hbm4b:s6+s18], $0x80, s19, s18, $0xb8  }
0x37: {  	_ = 	snop  }
0x38: {  	[tilespmem:s22], [sflag:$0x1] =	stream.indirect.gather [hbm4b:s7+s18], $0x80, s21, s18, $0xb8;
	[tilespmem:$0x10E80] =	vst v63  }
0x39: {  	_ =	swait.ge [sflag:s17], $0x8000  }
0x3a: {  	[sflag:s17] =	ssyncset.done $0x0  }
0x3b: {  	[sflag:s17] =	ssyncadd.s32 $0xFFFF8000  }
0x3c: {  	_ =	swait.ge [sflag:s17], $0x8000  }
0x3d: {  	[sflag:s17] =	ssyncset.done $0x0  }
0x3e: {  	s4 =	simm.s32 $0x0;
	[sflag:s17] =	ssyncadd.s32 $0xFFFF8000  }
0x3f: {  	s1 =	simm.s32 $0x200;
	v3 =	vld [tilespmem:s4+$0x0]  }
0x40: {  	v4 =	vld [tilespmem:s1+$0x0];
	_ =	sdelay $0x3  }
0x41: {  	v5 =	vmov s4;
	v3 =	vadd.s32 $0xFFF85F00, v3  }
0x42: {  	v5 =	vshll.u32 v5, $0x7;
	vm14 =	vlt.u32 v3, $0x7A100;
	v3 =	vadd.s32 $0xFFF85F00, v4  }
0x43: {  	v4 =	vsel vm14, $0x40, v0;
	vm15 =	vlt.u32 v3, $0x7A100;
	v3 =	vor.u32 v1, v5  }
0x44: {  	v5 =	vsel vm15, $0x40, v0;
	v4 =	vor.u32 v3, v4  }
0x45: {  	v3 =	vor.u32 v3, v5  }
0x46: {  	v5 =	vor.u32 $0x1, v4  }
0x47: {  	v6 =	vor.u32 $0x1, v3  }
0x48: {  	v7 =	vor.u32 $0x2, v4  }
0x49: {  	v9 =	vor.u32 $0x2, v3;
	v8 =	vld.idx.msk [tilespmem:v4+s20+$0x0], $0xffff  }
0x4a: {  	v11 =	vor.u32 $0x3, v4;
	v10 =	vld.idx.msk [tilespmem:v3+s22+$0x0], $0xffff  }
0x4b: {  	v12 =	vor.u32 $0x3, v3;
	v5 =	vld.idx.msk [tilespmem:v5+s20+$0x0], $0xffff  }
0x4c: {  	v13 =	vor.u32 $0x4, v4;
	v6 =	vld.idx.msk [tilespmem:v6+s22+$0x0], $0xffff  }
0x4d: {  	v14 =	vor.u32 $0x4, v3;
	v7 =	vld.idx.msk [tilespmem:v7+s20+$0x0], $0xffff  }
0x4e: {  	v15 =	vor.u32 $0x5, v4;
	v9 =	vld.idx.msk [tilespmem:v9+s22+$0x0], $0xffff  }
0x4f: {  	v16 =	vor.u32 $0x5, v3;
	v11 =	vld.idx.msk [tilespmem:v11+s20+$0x0], $0xffff;
	v8 =	vmul.f32 v10, v8  }
0x50: {  	v41 =	vor.u32 $0x6, v4;
	v40 =	vld.idx.msk [tilespmem:v12+s22+$0x0], $0xffff  }
0x51: {  	v17 =	vor.u32 $0x6, v3;
	v13 =	vld.idx.msk [tilespmem:v13+s20+$0x0], $0xffff;
	v5 =	vmul.f32 v6, v5;
	v8 =	vadd.f32 $0.0e+00, v8  }
0x52: {  	v42 =	vor.u32 $0x7, v4;
	v6 =	vld.idx.msk [tilespmem:v14+s22+$0x0], $0xffff  }
0x53: {  	v18 =	vor.u32 $0x7, v3;
	v15 =	vld.idx.msk [tilespmem:v15+s20+$0x0], $0xffff;
	v7 =	vmul.f32 v9, v7;
	v5 =	vadd.f32 v5, v8  }
0x54: {  	v45 =	vor.u32 $0x8, v3;
	v43 =	vld.idx.msk [tilespmem:v16+s22+$0x0], $0xffff  }
0x55: {  	v44 =	vor.u32 $0x8, v4;
	v12 =	vld.idx.msk [tilespmem:v41+s20+$0x0], $0xffff;
	v5 =	vadd.f32 v7, v5;
	v7 =	vmul.f32 v40, v11  }
0x56: {  	v48 =	vor.u32 $0x9, v3;
	v46 =	vld.idx.msk [tilespmem:v17+s22+$0x0], $0xffff  }
0x57: {  	v47 =	vor.u32 $0x9, v4;
	v14 =	vld.idx.msk [tilespmem:v42+s20+$0x0], $0xffff;
	v6 =	vmul.f32 v6, v13;
	v5 =	vadd.f32 v7, v5  }
0x58: {  	v49 =	vor.u32 $0xA, v4;
	v7 =	vld.idx.msk [tilespmem:v18+s22+$0x0], $0xffff  }
0x59: {  	v50 =	vor.u32 $0xA, v3;
	v51 =	vld.idx.msk [tilespmem:v45+s22+$0x0], $0xffff;
	v5 =	vadd.f32 v6, v5;
	v6 =	vmul.f32 v43, v15  }
0x5a: {  	v53 =	vor.u32 $0xB, v3;
	v9 =	vld.idx.msk [tilespmem:v44+s20+$0x0], $0xffff  }
0x5b: {  	v52 =	vor.u32 $0xB, v4;
	v54 =	vld.idx.msk [tilespmem:v48+s22+$0x0], $0xffff;
	v5 =	vadd.f32 v6, v5;
	v6 =	vmul.f32 v46, v12  }
0x5c: {  	v56 =	vor.u32 $0xC, v3;
	v11 =	vld.idx.msk [tilespmem:v47+s20+$0x0], $0xffff  }
0x5d: {  	v55 =	vor.u32 $0xC, v4;
	v13 =	vld.idx.msk [tilespmem:v49+s20+$0x0], $0xffff;
	v5 =	vadd.f32 v6, v5;
	v6 =	vmul.f32 v7, v14  }
0x5e: {  	v57 =	vor.u32 $0xD, v4;
	v7 =	vld.idx.msk [tilespmem:v50+s22+$0x0], $0xffff  }
0x5f: {  	v58 =	vor.u32 $0xD, v3;
	v59 =	vld.idx.msk [tilespmem:v53+s22+$0x0], $0xffff;
	v5 =	vadd.f32 v6, v5;
	v6 =	vmul.f32 v51, v9  }
0x60: {  	v61 =	vor.u32 $0xE, v3;
	v15 =	vld.idx.msk [tilespmem:v52+s20+$0x0], $0xffff  }
0x61: {  	v60 =	vor.u32 $0xE, v4;
	v62 =	vld.idx.msk [tilespmem:v56+s22+$0x0], $0xffff;
	v5 =	vadd.f32 v6, v5;
	v6 =	vmul.f32 v54, v11  }
0x62: {  	v21 =	vor.u32 $0xF, v3;
	v12 =	vld.idx.msk [tilespmem:v55+s20+$0x0], $0xffff  }
0x63: {  	v63 =	vor.u32 $0xF, v4;
	v14 =	vld.idx.msk [tilespmem:v57+s20+$0x0], $0xffff;
	v5 =	vadd.f32 v6, v5;
	v6 =	vmul.f32 v7, v13  }
0x64: {  	v22 =	vor.u32 $0x10, v4;
	v7 =	vld.idx.msk [tilespmem:v58+s22+$0x0], $0xffff  }
0x65: {  	v23 =	vor.u32 $0x10, v3;
	v24 =	vld.idx.msk [tilespmem:v61+s22+$0x0], $0xffff;
	v5 =	vadd.f32 v6, v5;
	v6 =	vmul.f32 v59, v15  }
0x66: {  	v26 =	vor.u32 $0x11, v3;
	v9 =	vld.idx.msk [tilespmem:v60+s20+$0x0], $0xffff  }
0x67: {  	v25 =	vor.u32 $0x11, v4;
	v27 =	vld.idx.msk [tilespmem:v21+s22+$0x0], $0xffff;
	v5 =	vadd.f32 v6, v5;
	v6 =	vmul.f32 v62, v12  }
0x68: {  	v29 =	vor.u32 $0x12, v3;
	v11 =	vld.idx.msk [tilespmem:v63+s20+$0x0], $0xffff  }
0x69: {  	v28 =	vor.u32 $0x12, v4;
	v13 =	vld.idx.msk [tilespmem:v22+s20+$0x0], $0xffff;
	v5 =	vadd.f32 v6, v5;
	v6 =	vmul.f32 v7, v14  }
0x6a: {  	v30 =	vor.u32 $0x13, v4;
	v7 =	vld.idx.msk [tilespmem:v23+s22+$0x0], $0xffff  }
0x6b: {  	v31 =	vor.u32 $0x13, v3;
	v32 =	vld.idx.msk [tilespmem:v26+s22+$0x0], $0xffff;
	v5 =	vadd.f32 v6, v5;
	v6 =	vmul.f32 v24, v9  }
0x6c: {  	v34 =	vor.u32 $0x14, v3;
	v15 =	vld.idx.msk [tilespmem:v25+s20+$0x0], $0xffff  }
0x6d: {  	v33 =	vor.u32 $0x14, v4;
	v35 =	vld.idx.msk [tilespmem:v29+s22+$0x0], $0xffff;
	v5 =	vadd.f32 v6, v5;
	v6 =	vmul.f32 v27, v11  }
0x6e: {  	v37 =	vor.u32 $0x15, v3;
	v12 =	vld.idx.msk [tilespmem:v28+s20+$0x0], $0xffff  }
0x6f: {  	v36 =	vor.u32 $0x15, v4;
	v14 =	vld.idx.msk [tilespmem:v30+s20+$0x0], $0xffff;
	v5 =	vadd.f32 v6, v5;
	v6 =	vmul.f32 v7, v13  }
0x70: {  	v38 =	vor.u32 $0x16, v4;
	v7 =	vld.idx.msk [tilespmem:v31+s22+$0x0], $0xffff  }
0x71: {  	v39 =	vor.u32 $0x16, v3;
	v40 =	vld.idx.msk [tilespmem:v34+s22+$0x0], $0xffff;
	v5 =	vadd.f32 v6, v5;
	v6 =	vmul.f32 v32, v15  }
0x72: {  	v42 =	vor.u32 $0x17, v3;
	v9 =	vld.idx.msk [tilespmem:v33+s20+$0x0], $0xffff  }
0x73: {  	v41 =	vor.u32 $0x17, v4;
	v43 =	vld.idx.msk [tilespmem:v37+s22+$0x0], $0xffff;
	v5 =	vadd.f32 v6, v5;
	v6 =	vmul.f32 v35, v12  }
0x74: {  	v45 =	vor.u32 $0x18, v3;
	v11 =	vld.idx.msk [tilespmem:v36+s20+$0x0], $0xffff  }
0x75: {  	v44 =	vor.u32 $0x18, v4;
	v13 =	vld.idx.msk [tilespmem:v38+s20+$0x0], $0xffff;
	v5 =	vadd.f32 v6, v5;
	v6 =	vmul.f32 v7, v14  }
0x76: {  	v46 =	vor.u32 $0x19, v4;
	v7 =	vld.idx.msk [tilespmem:v39+s22+$0x0], $0xffff  }
0x77: {  	v47 =	vor.u32 $0x19, v3;
	v48 =	vld.idx.msk [tilespmem:v42+s22+$0x0], $0xffff;
	v5 =	vadd.f32 v6, v5;
	v6 =	vmul.f32 v40, v9  }
0x78: {  	v50 =	vor.u32 $0x1A, v3;
	v15 =	vld.idx.msk [tilespmem:v41+s20+$0x0], $0xffff  }
0x79: {  	v49 =	vor.u32 $0x1A, v4;
	v51 =	vld.idx.msk [tilespmem:v45+s22+$0x0], $0xffff;
	v5 =	vadd.f32 v6, v5;
	v6 =	vmul.f32 v43, v11  }
0x7a: {  	v53 =	vor.u32 $0x1B, v3;
	v12 =	vld.idx.msk [tilespmem:v44+s20+$0x0], $0xffff  }
0x7b: {  	v52 =	vor.u32 $0x1B, v4;
	v14 =	vld.idx.msk [tilespmem:v46+s20+$0x0], $0xffff;
	v5 =	vadd.f32 v6, v5;
	v6 =	vmul.f32 v7, v13  }
0x7c: {  	v54 =	vor.u32 $0x1C, v4;
	v7 =	vld.idx.msk [tilespmem:v47+s22+$0x0], $0xffff  }
0x7d: {  	v55 =	vor.u32 $0x1C, v3;
	v56 =	vld.idx.msk [tilespmem:v50+s22+$0x0], $0xffff;
	v5 =	vadd.f32 v6, v5;
	v6 =	vmul.f32 v48, v15  }
0x7e: {  	v58 =	vor.u32 $0x1D, v3;
	v9 =	vld.idx.msk [tilespmem:v49+s20+$0x0], $0xffff  }
0x7f: {  	v57 =	vor.u32 $0x1D, v4;
	v59 =	vld.idx.msk [tilespmem:v53+s22+$0x0], $0xffff;
	v5 =	vadd.f32 v6, v5;
	v6 =	vmul.f32 v51, v12  }
0x80: {  	v61 =	vor.u32 $0x1E, v3;
	v11 =	vld.idx.msk [tilespmem:v52+s20+$0x0], $0xffff  }
0x81: {  	v60 =	vor.u32 $0x1E, v4;
	v13 =	vld.idx.msk [tilespmem:v54+s20+$0x0], $0xffff;
	v5 =	vadd.f32 v6, v5;
	v6 =	vmul.f32 v7, v14  }
0x82: {  	v62 =	vor.u32 $0x1F, v4;
	v7 =	vld.idx.msk [tilespmem:v55+s22+$0x0], $0xffff  }
0x83: {  	v63 =	vor.u32 $0x1F, v3;
	v21 =	vld.idx.msk [tilespmem:v58+s22+$0x0], $0xffff;
	v5 =	vadd.f32 v6, v5;
	v6 =	vmul.f32 v56, v9  }
0x84: {  	v23 =	vor.u32 $0x20, v3;
	v15 =	vld.idx.msk [tilespmem:v57+s20+$0x0], $0xffff  }
0x85: {  	v22 =	vor.u32 $0x20, v4;
	v24 =	vld.idx.msk [tilespmem:v61+s22+$0x0], $0xffff;
	v5 =	vadd.f32 v6, v5;
	v6 =	vmul.f32 v59, v11  }
0x86: {  	v26 =	vor.u32 $0x21, v3;
	v12 =	vld.idx.msk [tilespmem:v60+s20+$0x0], $0xffff  }
0x87: {  	v25 =	vor.u32 $0x21, v4;
	v14 =	vld.idx.msk [tilespmem:v62+s20+$0x0], $0xffff;
	v5 =	vadd.f32 v6, v5;
	v6 =	vmul.f32 v7, v13  }
0x88: {  	v27 =	vor.u32 $0x22, v4;
	v7 =	vld.idx.msk [tilespmem:v63+s22+$0x0], $0xffff  }
0x89: {  	v28 =	vor.u32 $0x22, v3;
	v29 =	vld.idx.msk [tilespmem:v23+s22+$0x0], $0xffff;
	v5 =	vadd.f32 v6, v5;
	v6 =	vmul.f32 v21, v15  }
0x8a: {  	v31 =	vor.u32 $0x23, v3;
	v9 =	vld.idx.msk [tilespmem:v22+s20+$0x0], $0xffff  }
0x8b: {  	v30 =	vor.u32 $0x23, v4;
	v32 =	vld.idx.msk [tilespmem:v26+s22+$0x0], $0xffff;
	v5 =	vadd.f32 v6, v5;
	v6 =	vmul.f32 v24, v12  }
0x8c: {  	v34 =	vor.u32 $0x24, v3;
	v11 =	vld.idx.msk [tilespmem:v25+s20+$0x0], $0xffff  }
0x8d: {  	v33 =	vor.u32 $0x24, v4;
	v13 =	vld.idx.msk [tilespmem:v27+s20+$0x0], $0xffff;
	v5 =	vadd.f32 v6, v5;
	v6 =	vmul.f32 v7, v14  }
0x8e: {  	v35 =	vor.u32 $0x25, v4;
	v7 =	vld.idx.msk [tilespmem:v28+s22+$0x0], $0xffff  }
0x8f: {  	v36 =	vor.u32 $0x25, v3;
	v37 =	vld.idx.msk [tilespmem:v31+s22+$0x0], $0xffff;
	v5 =	vadd.f32 v6, v5;
	v6 =	vmul.f32 v29, v9  }
0x90: {  	v39 =	vor.u32 $0x26, v3;
	v15 =	vld.idx.msk [tilespmem:v30+s20+$0x0], $0xffff  }
0x91: {  	v38 =	vor.u32 $0x26, v4;
	v40 =	vld.idx.msk [tilespmem:v34+s22+$0x0], $0xffff;
	v5 =	vadd.f32 v6, v5;
	v6 =	vmul.f32 v32, v11  }
0x92: {  	v42 =	vor.u32 $0x27, v3;
	v12 =	vld.idx.msk [tilespmem:v33+s20+$0x0], $0xffff  }
0x93: {  	v41 =	vor.u32 $0x27, v4;
	v14 =	vld.idx.msk [tilespmem:v35+s20+$0x0], $0xffff;
	v5 =	vadd.f32 v6, v5;
	v6 =	vmul.f32 v7, v13  }
0x94: {  	v43 =	vor.u32 $0x28, v4;
	v7 =	vld.idx.msk [tilespmem:v36+s22+$0x0], $0xffff  }
0x95: {  	v44 =	vor.u32 $0x28, v3;
	v45 =	vld.idx.msk [tilespmem:v39+s22+$0x0], $0xffff;
	v5 =	vadd.f32 v6, v5;
	v6 =	vmul.f32 v37, v15  }
0x96: {  	v47 =	vor.u32 $0x29, v3;
	v9 =	vld.idx.msk [tilespmem:v38+s20+$0x0], $0xffff  }
0x97: {  	v46 =	vor.u32 $0x29, v4;
	v48 =	vld.idx.msk [tilespmem:v42+s22+$0x0], $0xffff;
	v5 =	vadd.f32 v6, v5;
	v6 =	vmul.f32 v40, v12  }
0x98: {  	v50 =	vor.u32 $0x2A, v3;
	v11 =	vld.idx.msk [tilespmem:v41+s20+$0x0], $0xffff  }
0x99: {  	v49 =	vor.u32 $0x2A, v4;
	v13 =	vld.idx.msk [tilespmem:v43+s20+$0x0], $0xffff;
	v5 =	vadd.f32 v6, v5;
	v6 =	vmul.f32 v7, v14  }
0x9a: {  	v51 =	vor.u32 $0x2B, v4;
	v7 =	vld.idx.msk [tilespmem:v44+s22+$0x0], $0xffff  }
0x9b: {  	v52 =	vor.u32 $0x2B, v3;
	v53 =	vld.idx.msk [tilespmem:v47+s22+$0x0], $0xffff;
	v5 =	vadd.f32 v6, v5;
	v6 =	vmul.f32 v45, v9  }
0x9c: {  	v55 =	vor.u32 $0x2C, v3;
	v15 =	vld.idx.msk [tilespmem:v46+s20+$0x0], $0xffff  }
0x9d: {  	v54 =	vor.u32 $0x2C, v4;
	v56 =	vld.idx.msk [tilespmem:v50+s22+$0x0], $0xffff;
	v5 =	vadd.f32 v6, v5;
	v6 =	vmul.f32 v48, v11  }
0x9e: {  	v58 =	vor.u32 $0x2D, v3;
	v12 =	vld.idx.msk [tilespmem:v49+s20+$0x0], $0xffff  }
0x9f: {  	v57 =	vor.u32 $0x2D, v4;
	v14 =	vld.idx.msk [tilespmem:v51+s20+$0x0], $0xffff;
	v5 =	vadd.f32 v6, v5;
	v6 =	vmul.f32 v7, v13  }
0xa0: {  	v59 =	vor.u32 $0x2E, v4;
	v7 =	vld.idx.msk [tilespmem:v52+s22+$0x0], $0xffff  }
0xa1: {  	v60 =	vor.u32 $0x2E, v3;
	v61 =	vld.idx.msk [tilespmem:v55+s22+$0x0], $0xffff;
	v5 =	vadd.f32 v6, v5;
	v6 =	vmul.f32 v53, v15  }
0xa2: {  	v63 =	vor.u32 $0x2F, v3;
	v9 =	vld.idx.msk [tilespmem:v54+s20+$0x0], $0xffff  }
0xa3: {  	v62 =	vor.u32 $0x2F, v4;
	v21 =	vld.idx.msk [tilespmem:v58+s22+$0x0], $0xffff;
	v5 =	vadd.f32 v6, v5;
	v6 =	vmul.f32 v56, v12  }
0xa4: {  	v23 =	vor.u32 $0x30, v3;
	v11 =	vld.idx.msk [tilespmem:v57+s20+$0x0], $0xffff  }
0xa5: {  	v22 =	vor.u32 $0x30, v4;
	v13 =	vld.idx.msk [tilespmem:v59+s20+$0x0], $0xffff;
	v5 =	vadd.f32 v6, v5;
	v6 =	vmul.f32 v7, v14  }
0xa6: {  	v24 =	vor.u32 $0x31, v4;
	v7 =	vld.idx.msk [tilespmem:v60+s22+$0x0], $0xffff  }
0xa7: {  	v25 =	vor.u32 $0x31, v3;
	v26 =	vld.idx.msk [tilespmem:v63+s22+$0x0], $0xffff;
	v5 =	vadd.f32 v6, v5;
	v6 =	vmul.f32 v61, v9  }
0xa8: {  	v28 =	vor.u32 $0x32, v3;
	v15 =	vld.idx.msk [tilespmem:v62+s20+$0x0], $0xffff  }
0xa9: {  	v27 =	vor.u32 $0x32, v4;
	v29 =	vld.idx.msk [tilespmem:v23+s22+$0x0], $0xffff;
	v5 =	vadd.f32 v6, v5;
	v6 =	vmul.f32 v21, v11  }
0xaa: {  	v31 =	vor.u32 $0x33, v3;
	v12 =	vld.idx.msk [tilespmem:v22+s20+$0x0], $0xffff  }
0xab: {  	v30 =	vor.u32 $0x33, v4;
	v14 =	vld.idx.msk [tilespmem:v24+s20+$0x0], $0xffff;
	v5 =	vadd.f32 v6, v5;
	v6 =	vmul.f32 v7, v13  }
0xac: {  	v32 =	vor.u32 $0x34, v4;
	v7 =	vld.idx.msk [tilespmem:v25+s22+$0x0], $0xffff  }
0xad: {  	v33 =	vor.u32 $0x34, v3;
	v34 =	vld.idx.msk [tilespmem:v28+s22+$0x0], $0xffff;
	v5 =	vadd.f32 v6, v5;
	v6 =	vmul.f32 v26, v15  }
0xae: {  	v36 =	vor.u32 $0x35, v3;
	v9 =	vld.idx.msk [tilespmem:v27+s20+$0x0], $0xffff  }
0xaf: {  	v35 =	vor.u32 $0x35, v4;
	v37 =	vld.idx.msk [tilespmem:v31+s22+$0x0], $0xffff;
	v5 =	vadd.f32 v6, v5;
	v6 =	vmul.f32 v29, v12  }
0xb0: {  	v39 =	vor.u32 $0x36, v3;
	v11 =	vld.idx.msk [tilespmem:v30+s20+$0x0], $0xffff  }
0xb1: {  	v38 =	vor.u32 $0x36, v4;
	v13 =	vld.idx.msk [tilespmem:v32+s20+$0x0], $0xffff;
	v5 =	vadd.f32 v6, v5;
	v6 =	vmul.f32 v7, v14  }
0xb2: {  	v40 =	vor.u32 $0x37, v4;
	v7 =	vld.idx.msk [tilespmem:v33+s22+$0x0], $0xffff  }
0xb3: {  	v41 =	vor.u32 $0x37, v3;
	v42 =	vld.idx.msk [tilespmem:v36+s22+$0x0], $0xffff;
	v5 =	vadd.f32 v6, v5;
	v6 =	vmul.f32 v34, v9  }
0xb4: {  	v44 =	vor.u32 $0x38, v3;
	v15 =	vld.idx.msk [tilespmem:v35+s20+$0x0], $0xffff  }
0xb5: {  	v43 =	vor.u32 $0x38, v4;
	v45 =	vld.idx.msk [tilespmem:v39+s22+$0x0], $0xffff;
	v5 =	vadd.f32 v6, v5;
	v6 =	vmul.f32 v37, v11  }
0xb6: {  	v47 =	vor.u32 $0x39, v3;
	v12 =	vld.idx.msk [tilespmem:v38+s20+$0x0], $0xffff  }
0xb7: {  	v46 =	vor.u32 $0x39, v4;
	v14 =	vld.idx.msk [tilespmem:v40+s20+$0x0], $0xffff;
	v5 =	vadd.f32 v6, v5;
	v6 =	vmul.f32 v7, v13  }
0xb8: {  	v48 =	vor.u32 $0x3A, v4;
	v7 =	vld.idx.msk [tilespmem:v41+s22+$0x0], $0xffff  }
0xb9: {  	v49 =	vor.u32 $0x3A, v3;
	v50 =	vld.idx.msk [tilespmem:v44+s22+$0x0], $0xffff;
	v5 =	vadd.f32 v6, v5;
	v6 =	vmul.f32 v42, v15  }
0xba: {  	v52 =	vor.u32 $0x3B, v3;
	v9 =	vld.idx.msk [tilespmem:v43+s20+$0x0], $0xffff  }
0xbb: {  	v51 =	vor.u32 $0x3B, v4;
	v53 =	vld.idx.msk [tilespmem:v47+s22+$0x0], $0xffff;
	v5 =	vadd.f32 v6, v5;
	v6 =	vmul.f32 v45, v12  }
0xbc: {  	v55 =	vor.u32 $0x3C, v3;
	v11 =	vld.idx.msk [tilespmem:v46+s20+$0x0], $0xffff  }
0xbd: {  	v54 =	vor.u32 $0x3C, v4;
	v13 =	vld.idx.msk [tilespmem:v48+s20+$0x0], $0xffff;
	v5 =	vadd.f32 v6, v5;
	v6 =	vmul.f32 v7, v14  }
0xbe: {  	v56 =	vor.u32 $0x3D, v4;
	v7 =	vld.idx.msk [tilespmem:v49+s22+$0x0], $0xffff  }
0xbf: {  	v57 =	vor.u32 $0x3D, v3;
	v58 =	vld.idx.msk [tilespmem:v52+s22+$0x0], $0xffff;
	v5 =	vadd.f32 v6, v5;
	v6 =	vmul.f32 v50, v9  }
0xc0: {  	v60 =	vor.u32 $0x3E, v3;
	v15 =	vld.idx.msk [tilespmem:v51+s20+$0x0], $0xffff  }
0xc1: {  	v59 =	vor.u32 $0x3E, v4;
	v61 =	vld.idx.msk [tilespmem:v55+s22+$0x0], $0xffff;
	v5 =	vadd.f32 v6, v5;
	v6 =	vmul.f32 v53, v11  }
0xc2: {  	v4 =	vor.u32 $0x3F, v4;
	v12 =	vld.idx.msk [tilespmem:v54+s20+$0x0], $0xffff  }
0xc3: {  	v3 =	vor.u32 $0x3F, v3;
	v62 =	vld.idx.msk [tilespmem:v56+s20+$0x0], $0xffff;
	v5 =	vadd.f32 v6, v5;
	v6 =	vmul.f32 v7, v13  }
0xc4: {  	v7 =	vld.idx.msk [tilespmem:v57+s22+$0x0], $0xffff  }
0xc5: {  	v63 =	vld.idx.msk [tilespmem:v60+s22+$0x0], $0xffff;
	v5 =	vadd.f32 v6, v5;
	v6 =	vmul.f32 v58, v15  }
0xc6: {  	v9 =	vld.idx.msk [tilespmem:v59+s20+$0x0], $0xffff  }
0xc7: {  	v4 =	vld.idx.msk [tilespmem:v4+s20+$0x0], $0xffff;
	v5 =	vadd.f32 v6, v5;
	v6 =	vmul.f32 v61, v12  }
0xc8: {  	v3 =	vld.idx.msk [tilespmem:v3+s22+$0x0], $0xffff  }
0xc9: {  	v5 =	vadd.f32 v6, v5;
	v6 =	vmul.f32 v7, v62;
	_ =	sdelay $0x1  }
0xca: {  	s28 =	simm.s32 $0x10800;
	v5 =	vadd.f32 v6, v5;
	v6 =	vmul.f32 v63, v9  }
0xcb: {  	v7 =	vld [tilespmem:s28+$0x0]  }
0xcc: {  	s29 =	simm.s32 $0x10A00;
	v3 =	vmul.f32 v3, v4;
	v5 =	vadd.f32 v6, v5  }
0xcd: {  	v4 =	vld [tilespmem:s29+$0x0]  }
0xce: {  	v3 =	vadd.f32 v3, v5;
	_ =	sdelay $0x1  }
0xcf: {  	v3 =	vadd.f32 v3, v7;
	_ =	sdelay $0x1  }
0xd0: {  	v3 =	vadd.f32 v3, v4;
	_ =	sdelay $0x1  }
0xd1: {  	v3 =	vadd.f32 v3, v2  }
0xd2: {  	s30 =	simm.s32 $0x10C80  }
0xd3: {  	s31 =	simm.s32 $0x10;
	[tilespmem:s30+$0x0] =	vst v3  }
0xd4: {  	s0 =	simm.s32 $0x210;
	v4 =	vld [tilespmem:s31+$0x0]  }
0xd5: {  	s4 =	simm.s32 $0x20;
	s1 =	simm.s32 $0x10;
	v3 =	vld [tilespmem:s0+$0x0]  }
.LBB2_4:
0xd6: {  	p0 =	sne.s32 s4, $0xF0;
	_ =	sdelay $0x2  }
0xd7: {  	v5 =	vmov s31;
	s31 =	smov.u32 s4;
	v4 =	vadd.s32 $0xFFF85F00, v4  }
0xd8: {  	v5 =	vshll.u32 v5, $0x7;
	vm0 =	vlt.u32 v4, $0x7A100;
	v3 =	vadd.s32 $0xFFF85F00, v3  }
0xd9: {  	v4 =	vsel vm0, $0x40, v0;
	vm0 =	vlt.u32 v3, $0x7A100;
	v3 =	vor.u32 v1, v5  }
0xda: {  	v5 =	vsel vm0, $0x40, v0;
	v4 =	vor.u32 v3, v4  }
0xdb: {  	v3 =	vor.u32 v3, v5  }
0xdc: {  	v5 =	vor.u32 $0x1, v4  }
0xdd: {  	v6 =	vor.u32 $0x1, v3  }
0xde: {  	v7 =	vor.u32 $0x2, v4  }
0xdf: {  	v9 =	vor.u32 $0x2, v3;
	v8 =	vld.idx.msk [tilespmem:v4+s20+$0x0], $0xffff  }
0xe0: {  	v11 =	vor.u32 $0x3, v4;
	v10 =	vld.idx.msk [tilespmem:v3+s22+$0x0], $0xffff  }
0xe1: {  	v12 =	vor.u32 $0x3, v3;
	v5 =	vld.idx.msk [tilespmem:v5+s20+$0x0], $0xffff  }
0xe2: {  	v13 =	vor.u32 $0x4, v4;
	v6 =	vld.idx.msk [tilespmem:v6+s22+$0x0], $0xffff  }
0xe3: {  	v14 =	vor.u32 $0x4, v3;
	v7 =	vld.idx.msk [tilespmem:v7+s20+$0x0], $0xffff  }
0xe4: {  	v15 =	vor.u32 $0x5, v4;
	v9 =	vld.idx.msk [tilespmem:v9+s22+$0x0], $0xffff  }
0xe5: {  	v16 =	vor.u32 $0x5, v3;
	v11 =	vld.idx.msk [tilespmem:v11+s20+$0x0], $0xffff  }
0xe6: {  	v8 =	vmul.f32 v10, v8;
	v10 =	vld.idx.msk [tilespmem:v12+s22+$0x0], $0xffff;
	v12 =	vor.u32 $0x6, v4  }
0xe7: {  	v17 =	vor.u32 $0x6, v3;
	v13 =	vld.idx.msk [tilespmem:v13+s20+$0x0], $0xffff  }
0xe8: {  	v8 =	vadd.f32 $0.0e+00, v8;
	v5 =	vmul.f32 v6, v5;
	v6 =	vld.idx.msk [tilespmem:v14+s22+$0x0], $0xffff;
	v14 =	vor.u32 $0x7, v4  }
0xe9: {  	v18 =	vor.u32 $0x7, v3;
	v15 =	vld.idx.msk [tilespmem:v15+s20+$0x0], $0xffff  }
0xea: {  	v5 =	vadd.f32 v5, v8;
	v7 =	vmul.f32 v9, v7;
	v9 =	vor.u32 $0x8, v4;
	v8 =	vld.idx.msk [tilespmem:v16+s22+$0x0], $0xffff  }
0xeb: {  	v16 =	vor.u32 $0x8, v3;
	v12 =	vld.idx.msk [tilespmem:v12+s20+$0x0], $0xffff  }
0xec: {  	v5 =	vadd.f32 v7, v5;
	v7 =	vmul.f32 v10, v11;
	v11 =	vor.u32 $0x9, v4;
	v10 =	vld.idx.msk [tilespmem:v17+s22+$0x0], $0xffff  }
0xed: {  	v17 =	vor.u32 $0x9, v3;
	v14 =	vld.idx.msk [tilespmem:v14+s20+$0x0], $0xffff  }
0xee: {  	v5 =	vadd.f32 v7, v5;
	v6 =	vmul.f32 v6, v13;
	v13 =	vor.u32 $0xA, v4;
	v7 =	vld.idx.msk [tilespmem:v18+s22+$0x0], $0xffff  }
0xef: {  	v18 =	vor.u32 $0xA, v3;
	v9 =	vld.idx.msk [tilespmem:v9+s20+$0x0], $0xffff  }
0xf0: {  	v5 =	vadd.f32 v6, v5;
	v6 =	vmul.f32 v8, v15;
	v15 =	vor.u32 $0xB, v4;
	v8 =	vld.idx.msk [tilespmem:v16+s22+$0x0], $0xffff  }
0xf1: {  	v16 =	vor.u32 $0xB, v3;
	v11 =	vld.idx.msk [tilespmem:v11+s20+$0x0], $0xffff  }
0xf2: {  	v5 =	vadd.f32 v6, v5;
	v6 =	vmul.f32 v10, v12;
	v12 =	vor.u32 $0xC, v4;
	v10 =	vld.idx.msk [tilespmem:v17+s22+$0x0], $0xffff  }
0xf3: {  	v17 =	vor.u32 $0xC, v3;
	v13 =	vld.idx.msk [tilespmem:v13+s20+$0x0], $0xffff  }
0xf4: {  	v5 =	vadd.f32 v6, v5;
	v6 =	vmul.f32 v7, v14;
	v14 =	vor.u32 $0xD, v4;
	v7 =	vld.idx.msk [tilespmem:v18+s22+$0x0], $0xffff  }
0xf5: {  	v18 =	vor.u32 $0xD, v3;
	v15 =	vld.idx.msk [tilespmem:v15+s20+$0x0], $0xffff  }
0xf6: {  	v5 =	vadd.f32 v6, v5;
	v6 =	vmul.f32 v8, v9;
	v9 =	vor.u32 $0xE, v4;
	v8 =	vld.idx.msk [tilespmem:v16+s22+$0x0], $0xffff  }
0xf7: {  	v16 =	vor.u32 $0xE, v3;
	v12 =	vld.idx.msk [tilespmem:v12+s20+$0x0], $0xffff  }
0xf8: {  	v5 =	vadd.f32 v6, v5;
	v6 =	vmul.f32 v10, v11;
	v11 =	vor.u32 $0xF, v4;
	v10 =	vld.idx.msk [tilespmem:v17+s22+$0x0], $0xffff  }
0xf9: {  	v17 =	vor.u32 $0xF, v3;
	v14 =	vld.idx.msk [tilespmem:v14+s20+$0x0], $0xffff  }
0xfa: {  	v5 =	vadd.f32 v6, v5;
	v6 =	vmul.f32 v7, v13;
	v13 =	vor.u32 $0x10, v4;
	v7 =	vld.idx.msk [tilespmem:v18+s22+$0x0], $0xffff  }
0xfb: {  	v18 =	vor.u32 $0x10, v3;
	v9 =	vld.idx.msk [tilespmem:v9+s20+$0x0], $0xffff  }
0xfc: {  	v5 =	vadd.f32 v6, v5;
	v6 =	vmul.f32 v8, v15;
	v15 =	vor.u32 $0x11, v4;
	v8 =	vld.idx.msk [tilespmem:v16+s22+$0x0], $0xffff  }
0xfd: {  	v16 =	vor.u32 $0x11, v3;
	v11 =	vld.idx.msk [tilespmem:v11+s20+$0x0], $0xffff  }
0xfe: {  	v5 =	vadd.f32 v6, v5;
	v6 =	vmul.f32 v10, v12;
	v12 =	vor.u32 $0x12, v4;
	v10 =	vld.idx.msk [tilespmem:v17+s22+$0x0], $0xffff  }
0xff: {  	v17 =	vor.u32 $0x12, v3;
	v13 =	vld.idx.msk [tilespmem:v13+s20+$0x0], $0xffff  }
0x100: {  	v5 =	vadd.f32 v6, v5;
	v6 =	vmul.f32 v7, v14;
	v14 =	vor.u32 $0x13, v4;
	v7 =	vld.idx.msk [tilespmem:v18+s22+$0x0], $0xffff  }
0x101: {  	v18 =	vor.u32 $0x13, v3;
	v15 =	vld.idx.msk [tilespmem:v15+s20+$0x0], $0xffff  }
0x102: {  	v5 =	vadd.f32 v6, v5;
	v6 =	vmul.f32 v8, v9;
	v9 =	vor.u32 $0x14, v4;
	v8 =	vld.idx.msk [tilespmem:v16+s22+$0x0], $0xffff  }
0x103: {  	v16 =	vor.u32 $0x14, v3;
	v12 =	vld.idx.msk [tilespmem:v12+s20+$0x0], $0xffff  }
0x104: {  	v5 =	vadd.f32 v6, v5;
	v6 =	vmul.f32 v10, v11;
	v11 =	vor.u32 $0x15, v4;
	v10 =	vld.idx.msk [tilespmem:v17+s22+$0x0], $0xffff  }
0x105: {  	v17 =	vor.u32 $0x15, v3;
	v14 =	vld.idx.msk [tilespmem:v14+s20+$0x0], $0xffff  }
0x106: {  	v5 =	vadd.f32 v6, v5;
	v6 =	vmul.f32 v7, v13;
	v13 =	vor.u32 $0x16, v4;
	v7 =	vld.idx.msk [tilespmem:v18+s22+$0x0], $0xffff  }
0x107: {  	v18 =	vor.u32 $0x16, v3;
	v9 =	vld.idx.msk [tilespmem:v9+s20+$0x0], $0xffff  }
0x108: {  	v5 =	vadd.f32 v6, v5;
	v6 =	vmul.f32 v8, v15;
	v15 =	vor.u32 $0x17, v4;
	v8 =	vld.idx.msk [tilespmem:v16+s22+$0x0], $0xffff  }
0x109: {  	v16 =	vor.u32 $0x17, v3;
	v11 =	vld.idx.msk [tilespmem:v11+s20+$0x0], $0xffff  }
0x10a: {  	v5 =	vadd.f32 v6, v5;
	v6 =	vmul.f32 v10, v12;
	v12 =	vor.u32 $0x18, v4;
	v10 =	vld.idx.msk [tilespmem:v17+s22+$0x0], $0xffff  }
0x10b: {  	v17 =	vor.u32 $0x18, v3;
	v13 =	vld.idx.msk [tilespmem:v13+s20+$0x0], $0xffff  }
0x10c: {  	v5 =	vadd.f32 v6, v5;
	v6 =	vmul.f32 v7, v14;
	v14 =	vor.u32 $0x19, v4;
	v7 =	vld.idx.msk [tilespmem:v18+s22+$0x0], $0xffff  }
0x10d: {  	v18 =	vor.u32 $0x19, v3;
	v15 =	vld.idx.msk [tilespmem:v15+s20+$0x0], $0xffff  }
0x10e: {  	v5 =	vadd.f32 v6, v5;
	v6 =	vmul.f32 v8, v9;
	v9 =	vor.u32 $0x1A, v4;
	v8 =	vld.idx.msk [tilespmem:v16+s22+$0x0], $0xffff  }
0x10f: {  	v16 =	vor.u32 $0x1A, v3;
	v12 =	vld.idx.msk [tilespmem:v12+s20+$0x0], $0xffff  }
0x110: {  	v5 =	vadd.f32 v6, v5;
	v6 =	vmul.f32 v10, v11;
	v11 =	vor.u32 $0x1B, v4;
	v10 =	vld.idx.msk [tilespmem:v17+s22+$0x0], $0xffff  }
0x111: {  	v17 =	vor.u32 $0x1B, v3;
	v14 =	vld.idx.msk [tilespmem:v14+s20+$0x0], $0xffff  }
0x112: {  	v5 =	vadd.f32 v6, v5;
	v6 =	vmul.f32 v7, v13;
	v13 =	vor.u32 $0x1C, v4;
	v7 =	vld.idx.msk [tilespmem:v18+s22+$0x0], $0xffff  }
0x113: {  	v18 =	vor.u32 $0x1C, v3;
	v9 =	vld.idx.msk [tilespmem:v9+s20+$0x0], $0xffff  }
0x114: {  	v5 =	vadd.f32 v6, v5;
	v6 =	vmul.f32 v8, v15;
	v15 =	vor.u32 $0x1D, v4;
	v8 =	vld.idx.msk [tilespmem:v16+s22+$0x0], $0xffff  }
0x115: {  	v16 =	vor.u32 $0x1D, v3;
	v11 =	vld.idx.msk [tilespmem:v11+s20+$0x0], $0xffff  }
0x116: {  	v5 =	vadd.f32 v6, v5;
	v6 =	vmul.f32 v10, v12;
	v12 =	vor.u32 $0x1E, v4;
	v10 =	vld.idx.msk [tilespmem:v17+s22+$0x0], $0xffff  }
0x117: {  	v17 =	vor.u32 $0x1E, v3;
	v13 =	vld.idx.msk [tilespmem:v13+s20+$0x0], $0xffff  }
0x118: {  	v5 =	vadd.f32 v6, v5;
	v6 =	vmul.f32 v7, v14;
	v14 =	vor.u32 $0x1F, v4;
	v7 =	vld.idx.msk [tilespmem:v18+s22+$0x0], $0xffff  }
0x119: {  	v18 =	vor.u32 $0x1F, v3;
	v15 =	vld.idx.msk [tilespmem:v15+s20+$0x0], $0xffff  }
0x11a: {  	v5 =	vadd.f32 v6, v5;
	v6 =	vmul.f32 v8, v9;
	v9 =	vor.u32 $0x20, v4;
	v8 =	vld.idx.msk [tilespmem:v16+s22+$0x0], $0xffff  }
0x11b: {  	v16 =	vor.u32 $0x20, v3;
	v12 =	vld.idx.msk [tilespmem:v12+s20+$0x0], $0xffff  }
0x11c: {  	v5 =	vadd.f32 v6, v5;
	v6 =	vmul.f32 v10, v11;
	v11 =	vor.u32 $0x21, v4;
	v10 =	vld.idx.msk [tilespmem:v17+s22+$0x0], $0xffff  }
0x11d: {  	v17 =	vor.u32 $0x21, v3;
	v14 =	vld.idx.msk [tilespmem:v14+s20+$0x0], $0xffff  }
0x11e: {  	v5 =	vadd.f32 v6, v5;
	v6 =	vmul.f32 v7, v13;
	v13 =	vor.u32 $0x22, v4;
	v7 =	vld.idx.msk [tilespmem:v18+s22+$0x0], $0xffff  }
0x11f: {  	v18 =	vor.u32 $0x22, v3;
	v9 =	vld.idx.msk [tilespmem:v9+s20+$0x0], $0xffff  }
0x120: {  	v5 =	vadd.f32 v6, v5;
	v6 =	vmul.f32 v8, v15;
	v15 =	vor.u32 $0x23, v4;
	v8 =	vld.idx.msk [tilespmem:v16+s22+$0x0], $0xffff  }
0x121: {  	v16 =	vor.u32 $0x23, v3;
	v11 =	vld.idx.msk [tilespmem:v11+s20+$0x0], $0xffff  }
0x122: {  	v5 =	vadd.f32 v6, v5;
	v6 =	vmul.f32 v10, v12;
	v12 =	vor.u32 $0x24, v4;
	v10 =	vld.idx.msk [tilespmem:v17+s22+$0x0], $0xffff  }
0x123: {  	v17 =	vor.u32 $0x24, v3;
	v13 =	vld.idx.msk [tilespmem:v13+s20+$0x0], $0xffff  }
0x124: {  	v5 =	vadd.f32 v6, v5;
	v6 =	vmul.f32 v7, v14;
	v14 =	vor.u32 $0x25, v4;
	v7 =	vld.idx.msk [tilespmem:v18+s22+$0x0], $0xffff  }
0x125: {  	v18 =	vor.u32 $0x25, v3;
	v15 =	vld.idx.msk [tilespmem:v15+s20+$0x0], $0xffff  }
0x126: {  	v5 =	vadd.f32 v6, v5;
	v6 =	vmul.f32 v8, v9;
	v9 =	vor.u32 $0x26, v4;
	v8 =	vld.idx.msk [tilespmem:v16+s22+$0x0], $0xffff  }
0x127: {  	v16 =	vor.u32 $0x26, v3;
	v12 =	vld.idx.msk [tilespmem:v12+s20+$0x0], $0xffff  }
0x128: {  	v5 =	vadd.f32 v6, v5;
	v6 =	vmul.f32 v10, v11;
	v11 =	vor.u32 $0x27, v4;
	v10 =	vld.idx.msk [tilespmem:v17+s22+$0x0], $0xffff  }
0x129: {  	v17 =	vor.u32 $0x27, v3;
	v14 =	vld.idx.msk [tilespmem:v14+s20+$0x0], $0xffff  }
0x12a: {  	v5 =	vadd.f32 v6, v5;
	v6 =	vmul.f32 v7, v13;
	v13 =	vor.u32 $0x28, v4;
	v7 =	vld.idx.msk [tilespmem:v18+s22+$0x0], $0xffff  }
0x12b: {  	v18 =	vor.u32 $0x28, v3;
	v9 =	vld.idx.msk [tilespmem:v9+s20+$0x0], $0xffff  }
0x12c: {  	v5 =	vadd.f32 v6, v5;
	v6 =	vmul.f32 v8, v15;
	v15 =	vor.u32 $0x29, v4;
	v8 =	vld.idx.msk [tilespmem:v16+s22+$0x0], $0xffff  }
0x12d: {  	v16 =	vor.u32 $0x29, v3;
	v11 =	vld.idx.msk [tilespmem:v11+s20+$0x0], $0xffff  }
0x12e: {  	v5 =	vadd.f32 v6, v5;
	v6 =	vmul.f32 v10, v12;
	v12 =	vor.u32 $0x2A, v4;
	v10 =	vld.idx.msk [tilespmem:v17+s22+$0x0], $0xffff  }
0x12f: {  	v17 =	vor.u32 $0x2A, v3;
	v13 =	vld.idx.msk [tilespmem:v13+s20+$0x0], $0xffff  }
0x130: {  	v5 =	vadd.f32 v6, v5;
	v6 =	vmul.f32 v7, v14;
	v14 =	vor.u32 $0x2B, v4;
	v7 =	vld.idx.msk [tilespmem:v18+s22+$0x0], $0xffff  }
0x131: {  	v18 =	vor.u32 $0x2B, v3;
	v15 =	vld.idx.msk [tilespmem:v15+s20+$0x0], $0xffff  }
0x132: {  	v5 =	vadd.f32 v6, v5;
	v6 =	vmul.f32 v8, v9;
	v9 =	vor.u32 $0x2C, v4;
	v8 =	vld.idx.msk [tilespmem:v16+s22+$0x0], $0xffff  }
0x133: {  	v16 =	vor.u32 $0x2C, v3;
	v12 =	vld.idx.msk [tilespmem:v12+s20+$0x0], $0xffff  }
0x134: {  	v5 =	vadd.f32 v6, v5;
	v6 =	vmul.f32 v10, v11;
	v11 =	vor.u32 $0x2D, v4;
	v10 =	vld.idx.msk [tilespmem:v17+s22+$0x0], $0xffff  }
0x135: {  	v17 =	vor.u32 $0x2D, v3;
	v14 =	vld.idx.msk [tilespmem:v14+s20+$0x0], $0xffff  }
0x136: {  	v5 =	vadd.f32 v6, v5;
	v6 =	vmul.f32 v7, v13;
	v13 =	vor.u32 $0x2E, v4;
	v7 =	vld.idx.msk [tilespmem:v18+s22+$0x0], $0xffff  }
0x137: {  	v18 =	vor.u32 $0x2E, v3;
	v9 =	vld.idx.msk [tilespmem:v9+s20+$0x0], $0xffff  }
0x138: {  	v5 =	vadd.f32 v6, v5;
	v6 =	vmul.f32 v8, v15;
	v15 =	vor.u32 $0x2F, v4;
	v8 =	vld.idx.msk [tilespmem:v16+s22+$0x0], $0xffff  }
0x139: {  	v16 =	vor.u32 $0x2F, v3;
	v11 =	vld.idx.msk [tilespmem:v11+s20+$0x0], $0xffff  }
0x13a: {  	v5 =	vadd.f32 v6, v5;
	v6 =	vmul.f32 v10, v12;
	v12 =	vor.u32 $0x30, v4;
	v10 =	vld.idx.msk [tilespmem:v17+s22+$0x0], $0xffff  }
0x13b: {  	v17 =	vor.u32 $0x30, v3;
	v13 =	vld.idx.msk [tilespmem:v13+s20+$0x0], $0xffff  }
0x13c: {  	v5 =	vadd.f32 v6, v5;
	v6 =	vmul.f32 v7, v14;
	v14 =	vor.u32 $0x31, v4;
	v7 =	vld.idx.msk [tilespmem:v18+s22+$0x0], $0xffff  }
0x13d: {  	v18 =	vor.u32 $0x31, v3;
	v15 =	vld.idx.msk [tilespmem:v15+s20+$0x0], $0xffff  }
0x13e: {  	v5 =	vadd.f32 v6, v5;
	v6 =	vmul.f32 v8, v9;
	v9 =	vor.u32 $0x32, v4;
	v8 =	vld.idx.msk [tilespmem:v16+s22+$0x0], $0xffff  }
0x13f: {  	v16 =	vor.u32 $0x32, v3;
	v12 =	vld.idx.msk [tilespmem:v12+s20+$0x0], $0xffff  }
0x140: {  	v5 =	vadd.f32 v6, v5;
	v6 =	vmul.f32 v10, v11;
	v11 =	vor.u32 $0x33, v4;
	v10 =	vld.idx.msk [tilespmem:v17+s22+$0x0], $0xffff  }
0x141: {  	v17 =	vor.u32 $0x33, v3;
	v14 =	vld.idx.msk [tilespmem:v14+s20+$0x0], $0xffff  }
0x142: {  	v5 =	vadd.f32 v6, v5;
	v6 =	vmul.f32 v7, v13;
	v13 =	vor.u32 $0x34, v4;
	v7 =	vld.idx.msk [tilespmem:v18+s22+$0x0], $0xffff  }
0x143: {  	v18 =	vor.u32 $0x34, v3;
	v9 =	vld.idx.msk [tilespmem:v9+s20+$0x0], $0xffff  }
0x144: {  	v5 =	vadd.f32 v6, v5;
	v6 =	vmul.f32 v8, v15;
	v15 =	vor.u32 $0x35, v4;
	v8 =	vld.idx.msk [tilespmem:v16+s22+$0x0], $0xffff  }
0x145: {  	v16 =	vor.u32 $0x35, v3;
	v11 =	vld.idx.msk [tilespmem:v11+s20+$0x0], $0xffff  }
0x146: {  	v5 =	vadd.f32 v6, v5;
	v6 =	vmul.f32 v10, v12;
	v12 =	vor.u32 $0x36, v4;
	v10 =	vld.idx.msk [tilespmem:v17+s22+$0x0], $0xffff  }
0x147: {  	v17 =	vor.u32 $0x36, v3;
	v13 =	vld.idx.msk [tilespmem:v13+s20+$0x0], $0xffff  }
0x148: {  	v5 =	vadd.f32 v6, v5;
	v6 =	vmul.f32 v7, v14;
	v14 =	vor.u32 $0x37, v4;
	v7 =	vld.idx.msk [tilespmem:v18+s22+$0x0], $0xffff  }
0x149: {  	v18 =	vor.u32 $0x37, v3;
	v15 =	vld.idx.msk [tilespmem:v15+s20+$0x0], $0xffff  }
0x14a: {  	v5 =	vadd.f32 v6, v5;
	v6 =	vmul.f32 v8, v9;
	v9 =	vor.u32 $0x38, v4;
	v8 =	vld.idx.msk [tilespmem:v16+s22+$0x0], $0xffff  }
0x14b: {  	v16 =	vor.u32 $0x38, v3;
	v12 =	vld.idx.msk [tilespmem:v12+s20+$0x0], $0xffff  }
0x14c: {  	v5 =	vadd.f32 v6, v5;
	v6 =	vmul.f32 v10, v11;
	v11 =	vor.u32 $0x39, v4;
	v10 =	vld.idx.msk [tilespmem:v17+s22+$0x0], $0xffff  }
0x14d: {  	v17 =	vor.u32 $0x39, v3;
	v14 =	vld.idx.msk [tilespmem:v14+s20+$0x0], $0xffff  }
0x14e: {  	v5 =	vadd.f32 v6, v5;
	v6 =	vmul.f32 v7, v13;
	v13 =	vor.u32 $0x3A, v4;
	v7 =	vld.idx.msk [tilespmem:v18+s22+$0x0], $0xffff  }
0x14f: {  	v18 =	vor.u32 $0x3A, v3;
	v9 =	vld.idx.msk [tilespmem:v9+s20+$0x0], $0xffff  }
0x150: {  	v5 =	vadd.f32 v6, v5;
	v6 =	vmul.f32 v8, v15;
	v15 =	vor.u32 $0x3B, v4;
	v8 =	vld.idx.msk [tilespmem:v16+s22+$0x0], $0xffff  }
0x151: {  	v16 =	vor.u32 $0x3B, v3;
	v11 =	vld.idx.msk [tilespmem:v11+s20+$0x0], $0xffff  }
0x152: {  	v5 =	vadd.f32 v6, v5;
	v6 =	vmul.f32 v10, v12;
	v12 =	vor.u32 $0x3C, v4;
	v10 =	vld.idx.msk [tilespmem:v17+s22+$0x0], $0xffff  }
0x153: {  	v17 =	vor.u32 $0x3C, v3;
	v13 =	vld.idx.msk [tilespmem:v13+s20+$0x0], $0xffff  }
0x154: {  	v5 =	vadd.f32 v6, v5;
	v6 =	vmul.f32 v7, v14;
	v14 =	vor.u32 $0x3D, v4;
	v7 =	vld.idx.msk [tilespmem:v18+s22+$0x0], $0xffff  }
0x155: {  	v18 =	vor.u32 $0x3D, v3;
	v15 =	vld.idx.msk [tilespmem:v15+s20+$0x0], $0xffff  }
0x156: {  	v5 =	vadd.f32 v6, v5;
	v6 =	vmul.f32 v8, v9;
	v9 =	vor.u32 $0x3E, v4;
	v8 =	vld.idx.msk [tilespmem:v16+s22+$0x0], $0xffff  }
0x157: {  	v16 =	vor.u32 $0x3E, v3;
	v12 =	vld.idx.msk [tilespmem:v12+s20+$0x0], $0xffff  }
0x158: {  	v4 =	vor.u32 $0x3F, v4;
	v5 =	vadd.f32 v6, v5;
	v6 =	vmul.f32 v10, v11;
	v10 =	vld.idx.msk [tilespmem:v17+s22+$0x0], $0xffff  }
0x159: {  	v3 =	vor.u32 $0x3F, v3;
	v11 =	vld.idx.msk [tilespmem:v14+s20+$0x0], $0xffff  }
0x15a: {  	v5 =	vadd.f32 v6, v5;
	v6 =	vmul.f32 v7, v13;
	v7 =	vld.idx.msk [tilespmem:v18+s22+$0x0], $0xffff  }
0x15b: {  	v9 =	vld.idx.msk [tilespmem:v9+s20+$0x0], $0xffff  }
0x15c: {  	v5 =	vadd.f32 v6, v5;
	v6 =	vmul.f32 v8, v15;
	v8 =	vld.idx.msk [tilespmem:v16+s22+$0x0], $0xffff  }
0x15d: {  	v4 =	vld.idx.msk [tilespmem:v4+s20+$0x0], $0xffff  }
0x15e: {  	v5 =	vadd.f32 v6, v5;
	v6 =	vmul.f32 v10, v12;
	v3 =	vld.idx.msk [tilespmem:v3+s22+$0x0], $0xffff;
	_ =	sdelay $0x1  }
0x15f: {  	v5 =	vadd.f32 v6, v5;
	v6 =	vmul.f32 v7, v11;
	_ =	sdelay $0x1  }
0x160: {  	s28 =	sadd.s32 $0x10, s28;
	v5 =	vadd.f32 v6, v5;
	v6 =	vmul.f32 v8, v9  }
0x161: {  	v7 =	vld [tilespmem:s28+$0x0]  }
0x162: {  	s29 =	sadd.s32 $0x10, s29;
	v5 =	vadd.f32 v6, v5;
	v3 =	vmul.f32 v3, v4  }
0x163: {  	v4 =	vld [tilespmem:s29+$0x0]  }
0x164: {  	v3 =	vadd.f32 v3, v5;
	_ =	sdelay $0x1  }
0x165: {  	v3 =	vadd.f32 v3, v7;
	_ =	sdelay $0x1  }
0x166: {  	v3 =	vadd.f32 v3, v4;
	_ =	sdelay $0x1  }
.Ltmp1:
0x167: {  	v3 =	vadd.f32 v3, v2;
	(pc) =	sbr.rel @p0 .LBB2_4-.Ltmp1, $4  }
0x168: {  	s30 =	sadd.s32 $0x10, s30  }
0x169: {  	s1 =	sadd.s32 $0x10, s1;
	[tilespmem:s30+$0x0] =	vst v3  }
0x16a: {  	s0 =	sadd.s32 $0x10, s0;
	v4 =	vld [tilespmem:s1+$0x0]  }
0x16b: {  	s4 =	sadd.s32 $0x10, s4;
	v3 =	vld [tilespmem:s0+$0x0]  }
0x16c: {  	_ =	sdelay $0x2  }
0x16d: {  	v5 =	vmov s31;
	v4 =	vadd.s32 $0xFFF85F00, v4  }
0x16e: {  	v5 =	vshll.u32 v5, $0x7;
	vm0 =	vlt.u32 v4, $0x7A100;
	v3 =	vadd.s32 $0xFFF85F00, v3  }
0x16f: {  	v4 =	vsel vm0, $0x40, v0;
	vm13 =	vlt.u32 v3, $0x7A100;
	v3 =	vor.u32 v1, v5  }
0x170: {  	v5 =	vsel vm13, $0x40, v0;
	v4 =	vor.u32 v3, v4  }
0x171: {  	v3 =	vor.u32 v3, v5  }
0x172: {  	v5 =	vor.u32 $0x1, v4  }
0x173: {  	v6 =	vor.u32 $0x1, v3  }
0x174: {  	v7 =	vor.u32 $0x2, v4  }
0x175: {  	v9 =	vor.u32 $0x2, v3;
	v8 =	vld.idx.msk [tilespmem:v4+s20+$0x0], $0xffff  }
0x176: {  	v11 =	vor.u32 $0x3, v4;
	v10 =	vld.idx.msk [tilespmem:v3+s22+$0x0], $0xffff  }
0x177: {  	v12 =	vor.u32 $0x3, v3;
	v5 =	vld.idx.msk [tilespmem:v5+s20+$0x0], $0xffff  }
0x178: {  	v13 =	vor.u32 $0x4, v4;
	v6 =	vld.idx.msk [tilespmem:v6+s22+$0x0], $0xffff  }
0x179: {  	v14 =	vor.u32 $0x4, v3;
	v7 =	vld.idx.msk [tilespmem:v7+s20+$0x0], $0xffff  }
0x17a: {  	v15 =	vor.u32 $0x5, v4;
	v9 =	vld.idx.msk [tilespmem:v9+s22+$0x0], $0xffff  }
0x17b: {  	v16 =	vor.u32 $0x5, v3;
	v11 =	vld.idx.msk [tilespmem:v11+s20+$0x0], $0xffff;
	v8 =	vmul.f32 v10, v8  }
0x17c: {  	v49 =	vor.u32 $0x6, v4;
	v48 =	vld.idx.msk [tilespmem:v12+s22+$0x0], $0xffff  }
0x17d: {  	v17 =	vor.u32 $0x6, v3;
	v13 =	vld.idx.msk [tilespmem:v13+s20+$0x0], $0xffff;
	v5 =	vmul.f32 v6, v5;
	v8 =	vadd.f32 $0.0e+00, v8  }
0x17e: {  	v50 =	vor.u32 $0x7, v4;
	v6 =	vld.idx.msk [tilespmem:v14+s22+$0x0], $0xffff  }
0x17f: {  	v18 =	vor.u32 $0x7, v3;
	v15 =	vld.idx.msk [tilespmem:v15+s20+$0x0], $0xffff;
	v7 =	vmul.f32 v9, v7;
	v5 =	vadd.f32 v5, v8  }
0x180: {  	v53 =	vor.u32 $0x8, v3;
	v51 =	vld.idx.msk [tilespmem:v16+s22+$0x0], $0xffff  }
0x181: {  	v52 =	vor.u32 $0x8, v4;
	v12 =	vld.idx.msk [tilespmem:v49+s20+$0x0], $0xffff;
	v5 =	vadd.f32 v7, v5;
	v7 =	vmul.f32 v48, v11  }
0x182: {  	v56 =	vor.u32 $0x9, v3;
	v54 =	vld.idx.msk [tilespmem:v17+s22+$0x0], $0xffff  }
0x183: {  	v55 =	vor.u32 $0x9, v4;
	v14 =	vld.idx.msk [tilespmem:v50+s20+$0x0], $0xffff;
	v6 =	vmul.f32 v6, v13;
	v5 =	vadd.f32 v7, v5  }
0x184: {  	v57 =	vor.u32 $0xA, v4;
	v7 =	vld.idx.msk [tilespmem:v18+s22+$0x0], $0xffff  }
0x185: {  	v58 =	vor.u32 $0xA, v3;
	v59 =	vld.idx.msk [tilespmem:v53+s22+$0x0], $0xffff;
	v5 =	vadd.f32 v6, v5;
	v6 =	vmul.f32 v51, v15  }
0x186: {  	v61 =	vor.u32 $0xB, v3;
	v9 =	vld.idx.msk [tilespmem:v52+s20+$0x0], $0xffff  }
0x187: {  	v60 =	vor.u32 $0xB, v4;
	v62 =	vld.idx.msk [tilespmem:v56+s22+$0x0], $0xffff;
	v5 =	vadd.f32 v6, v5;
	v6 =	vmul.f32 v54, v12  }
0x188: {  	v21 =	vor.u32 $0xC, v3;
	v11 =	vld.idx.msk [tilespmem:v55+s20+$0x0], $0xffff  }
0x189: {  	v63 =	vor.u32 $0xC, v4;
	v13 =	vld.idx.msk [tilespmem:v57+s20+$0x0], $0xffff;
	v5 =	vadd.f32 v6, v5;
	v6 =	vmul.f32 v7, v14  }
0x18a: {  	v22 =	vor.u32 $0xD, v4;
	v7 =	vld.idx.msk [tilespmem:v58+s22+$0x0], $0xffff  }
0x18b: {  	v23 =	vor.u32 $0xD, v3;
	v24 =	vld.idx.msk [tilespmem:v61+s22+$0x0], $0xffff;
	v5 =	vadd.f32 v6, v5;
	v6 =	vmul.f32 v59, v9  }
0x18c: {  	v26 =	vor.u32 $0xE, v3;
	v15 =	vld.idx.msk [tilespmem:v60+s20+$0x0], $0xffff  }
0x18d: {  	v25 =	vor.u32 $0xE, v4;
	v27 =	vld.idx.msk [tilespmem:v21+s22+$0x0], $0xffff;
	v5 =	vadd.f32 v6, v5;
	v6 =	vmul.f32 v62, v11  }
0x18e: {  	v29 =	vor.u32 $0xF, v3;
	v12 =	vld.idx.msk [tilespmem:v63+s20+$0x0], $0xffff  }
0x18f: {  	v28 =	vor.u32 $0xF, v4;
	v14 =	vld.idx.msk [tilespmem:v22+s20+$0x0], $0xffff;
	v5 =	vadd.f32 v6, v5;
	v6 =	vmul.f32 v7, v13  }
0x190: {  	v30 =	vor.u32 $0x10, v4;
	v7 =	vld.idx.msk [tilespmem:v23+s22+$0x0], $0xffff  }
0x191: {  	v31 =	vor.u32 $0x10, v3;
	v32 =	vld.idx.msk [tilespmem:v26+s22+$0x0], $0xffff;
	v5 =	vadd.f32 v6, v5;
	v6 =	vmul.f32 v24, v15  }
0x192: {  	v34 =	vor.u32 $0x11, v3;
	v9 =	vld.idx.msk [tilespmem:v25+s20+$0x0], $0xffff  }
0x193: {  	v33 =	vor.u32 $0x11, v4;
	v35 =	vld.idx.msk [tilespmem:v29+s22+$0x0], $0xffff;
	v5 =	vadd.f32 v6, v5;
	v6 =	vmul.f32 v27, v12  }
0x194: {  	v37 =	vor.u32 $0x12, v3;
	v11 =	vld.idx.msk [tilespmem:v28+s20+$0x0], $0xffff  }
0x195: {  	v36 =	vor.u32 $0x12, v4;
	v13 =	vld.idx.msk [tilespmem:v30+s20+$0x0], $0xffff;
	v5 =	vadd.f32 v6, v5;
	v6 =	vmul.f32 v7, v14  }
0x196: {  	v38 =	vor.u32 $0x13, v4;
	v7 =	vld.idx.msk [tilespmem:v31+s22+$0x0], $0xffff  }
0x197: {  	v39 =	vor.u32 $0x13, v3;
	v40 =	vld.idx.msk [tilespmem:v34+s22+$0x0], $0xffff;
	v5 =	vadd.f32 v6, v5;
	v6 =	vmul.f32 v32, v9  }
0x198: {  	v42 =	vor.u32 $0x14, v3;
	v15 =	vld.idx.msk [tilespmem:v33+s20+$0x0], $0xffff  }
0x199: {  	v41 =	vor.u32 $0x14, v4;
	v43 =	vld.idx.msk [tilespmem:v37+s22+$0x0], $0xffff;
	v5 =	vadd.f32 v6, v5;
	v6 =	vmul.f32 v35, v11  }
0x19a: {  	v45 =	vor.u32 $0x15, v3;
	v12 =	vld.idx.msk [tilespmem:v36+s20+$0x0], $0xffff  }
0x19b: {  	v44 =	vor.u32 $0x15, v4;
	v14 =	vld.idx.msk [tilespmem:v38+s20+$0x0], $0xffff;
	v5 =	vadd.f32 v6, v5;
	v6 =	vmul.f32 v7, v13  }
0x19c: {  	v46 =	vor.u32 $0x16, v4;
	v7 =	vld.idx.msk [tilespmem:v39+s22+$0x0], $0xffff  }
0x19d: {  	v47 =	vor.u32 $0x16, v3;
	v48 =	vld.idx.msk [tilespmem:v42+s22+$0x0], $0xffff;
	v5 =	vadd.f32 v6, v5;
	v6 =	vmul.f32 v40, v15  }
0x19e: {  	v50 =	vor.u32 $0x17, v3;
	v9 =	vld.idx.msk [tilespmem:v41+s20+$0x0], $0xffff  }
0x19f: {  	v49 =	vor.u32 $0x17, v4;
	v51 =	vld.idx.msk [tilespmem:v45+s22+$0x0], $0xffff;
	v5 =	vadd.f32 v6, v5;
	v6 =	vmul.f32 v43, v12  }
0x1a0: {  	v53 =	vor.u32 $0x18, v3;
	v11 =	vld.idx.msk [tilespmem:v44+s20+$0x0], $0xffff  }
0x1a1: {  	v52 =	vor.u32 $0x18, v4;
	v13 =	vld.idx.msk [tilespmem:v46+s20+$0x0], $0xffff;
	v5 =	vadd.f32 v6, v5;
	v6 =	vmul.f32 v7, v14  }
0x1a2: {  	v54 =	vor.u32 $0x19, v4;
	v7 =	vld.idx.msk [tilespmem:v47+s22+$0x0], $0xffff  }
0x1a3: {  	v55 =	vor.u32 $0x19, v3;
	v56 =	vld.idx.msk [tilespmem:v50+s22+$0x0], $0xffff;
	v5 =	vadd.f32 v6, v5;
	v6 =	vmul.f32 v48, v9  }
0x1a4: {  	v58 =	vor.u32 $0x1A, v3;
	v15 =	vld.idx.msk [tilespmem:v49+s20+$0x0], $0xffff  }
0x1a5: {  	v57 =	vor.u32 $0x1A, v4;
	v59 =	vld.idx.msk [tilespmem:v53+s22+$0x0], $0xffff;
	v5 =	vadd.f32 v6, v5;
	v6 =	vmul.f32 v51, v11  }
0x1a6: {  	v61 =	vor.u32 $0x1B, v3;
	v12 =	vld.idx.msk [tilespmem:v52+s20+$0x0], $0xffff  }
0x1a7: {  	v60 =	vor.u32 $0x1B, v4;
	v14 =	vld.idx.msk [tilespmem:v54+s20+$0x0], $0xffff;
	v5 =	vadd.f32 v6, v5;
	v6 =	vmul.f32 v7, v13  }
0x1a8: {  	v62 =	vor.u32 $0x1C, v4;
	v7 =	vld.idx.msk [tilespmem:v55+s22+$0x0], $0xffff  }
0x1a9: {  	v63 =	vor.u32 $0x1C, v3;
	v21 =	vld.idx.msk [tilespmem:v58+s22+$0x0], $0xffff;
	v5 =	vadd.f32 v6, v5;
	v6 =	vmul.f32 v56, v15  }
0x1aa: {  	v23 =	vor.u32 $0x1D, v3;
	v9 =	vld.idx.msk [tilespmem:v57+s20+$0x0], $0xffff  }
0x1ab: {  	v22 =	vor.u32 $0x1D, v4;
	v24 =	vld.idx.msk [tilespmem:v61+s22+$0x0], $0xffff;
	v5 =	vadd.f32 v6, v5;
	v6 =	vmul.f32 v59, v12  }
0x1ac: {  	v26 =	vor.u32 $0x1E, v3;
	v11 =	vld.idx.msk [tilespmem:v60+s20+$0x0], $0xffff  }
0x1ad: {  	v25 =	vor.u32 $0x1E, v4;
	v13 =	vld.idx.msk [tilespmem:v62+s20+$0x0], $0xffff;
	v5 =	vadd.f32 v6, v5;
	v6 =	vmul.f32 v7, v14  }
0x1ae: {  	v27 =	vor.u32 $0x1F, v4;
	v7 =	vld.idx.msk [tilespmem:v63+s22+$0x0], $0xffff  }
0x1af: {  	v28 =	vor.u32 $0x1F, v3;
	v29 =	vld.idx.msk [tilespmem:v23+s22+$0x0], $0xffff;
	v5 =	vadd.f32 v6, v5;
	v6 =	vmul.f32 v21, v9  }
0x1b0: {  	v31 =	vor.u32 $0x20, v3;
	v15 =	vld.idx.msk [tilespmem:v22+s20+$0x0], $0xffff  }
0x1b1: {  	v30 =	vor.u32 $0x20, v4;
	v32 =	vld.idx.msk [tilespmem:v26+s22+$0x0], $0xffff;
	v5 =	vadd.f32 v6, v5;
	v6 =	vmul.f32 v24, v11  }
0x1b2: {  	v34 =	vor.u32 $0x21, v3;
	v12 =	vld.idx.msk [tilespmem:v25+s20+$0x0], $0xffff  }
0x1b3: {  	v33 =	vor.u32 $0x21, v4;
	v14 =	vld.idx.msk [tilespmem:v27+s20+$0x0], $0xffff;
	v5 =	vadd.f32 v6, v5;
	v6 =	vmul.f32 v7, v13  }
0x1b4: {  	v35 =	vor.u32 $0x22, v4;
	v7 =	vld.idx.msk [tilespmem:v28+s22+$0x0], $0xffff  }
0x1b5: {  	v36 =	vor.u32 $0x22, v3;
	v37 =	vld.idx.msk [tilespmem:v31+s22+$0x0], $0xffff;
	v5 =	vadd.f32 v6, v5;
	v6 =	vmul.f32 v29, v15  }
0x1b6: {  	v39 =	vor.u32 $0x23, v3;
	v9 =	vld.idx.msk [tilespmem:v30+s20+$0x0], $0xffff  }
0x1b7: {  	v38 =	vor.u32 $0x23, v4;
	v40 =	vld.idx.msk [tilespmem:v34+s22+$0x0], $0xffff;
	v5 =	vadd.f32 v6, v5;
	v6 =	vmul.f32 v32, v12  }
0x1b8: {  	v42 =	vor.u32 $0x24, v3;
	v11 =	vld.idx.msk [tilespmem:v33+s20+$0x0], $0xffff  }
0x1b9: {  	v41 =	vor.u32 $0x24, v4;
	v13 =	vld.idx.msk [tilespmem:v35+s20+$0x0], $0xffff;
	v5 =	vadd.f32 v6, v5;
	v6 =	vmul.f32 v7, v14  }
0x1ba: {  	v43 =	vor.u32 $0x25, v4;
	v7 =	vld.idx.msk [tilespmem:v36+s22+$0x0], $0xffff  }
0x1bb: {  	v44 =	vor.u32 $0x25, v3;
	v45 =	vld.idx.msk [tilespmem:v39+s22+$0x0], $0xffff;
	v5 =	vadd.f32 v6, v5;
	v6 =	vmul.f32 v37, v9  }
0x1bc: {  	v47 =	vor.u32 $0x26, v3;
	v15 =	vld.idx.msk [tilespmem:v38+s20+$0x0], $0xffff  }
0x1bd: {  	v46 =	vor.u32 $0x26, v4;
	v48 =	vld.idx.msk [tilespmem:v42+s22+$0x0], $0xffff;
	v5 =	vadd.f32 v6, v5;
	v6 =	vmul.f32 v40, v11  }
0x1be: {  	v50 =	vor.u32 $0x27, v3;
	v12 =	vld.idx.msk [tilespmem:v41+s20+$0x0], $0xffff  }
0x1bf: {  	v49 =	vor.u32 $0x27, v4;
	v14 =	vld.idx.msk [tilespmem:v43+s20+$0x0], $0xffff;
	v5 =	vadd.f32 v6, v5;
	v6 =	vmul.f32 v7, v13  }
0x1c0: {  	v51 =	vor.u32 $0x28, v4;
	v7 =	vld.idx.msk [tilespmem:v44+s22+$0x0], $0xffff  }
0x1c1: {  	v52 =	vor.u32 $0x28, v3;
	v53 =	vld.idx.msk [tilespmem:v47+s22+$0x0], $0xffff;
	v5 =	vadd.f32 v6, v5;
	v6 =	vmul.f32 v45, v15  }
0x1c2: {  	v55 =	vor.u32 $0x29, v3;
	v9 =	vld.idx.msk [tilespmem:v46+s20+$0x0], $0xffff  }
0x1c3: {  	v54 =	vor.u32 $0x29, v4;
	v56 =	vld.idx.msk [tilespmem:v50+s22+$0x0], $0xffff;
	v5 =	vadd.f32 v6, v5;
	v6 =	vmul.f32 v48, v12  }
0x1c4: {  	v58 =	vor.u32 $0x2A, v3;
	v11 =	vld.idx.msk [tilespmem:v49+s20+$0x0], $0xffff  }
0x1c5: {  	v57 =	vor.u32 $0x2A, v4;
	v13 =	vld.idx.msk [tilespmem:v51+s20+$0x0], $0xffff;
	v5 =	vadd.f32 v6, v5;
	v6 =	vmul.f32 v7, v14  }
0x1c6: {  	v59 =	vor.u32 $0x2B, v4;
	v7 =	vld.idx.msk [tilespmem:v52+s22+$0x0], $0xffff  }
0x1c7: {  	v60 =	vor.u32 $0x2B, v3;
	v61 =	vld.idx.msk [tilespmem:v55+s22+$0x0], $0xffff;
	v5 =	vadd.f32 v6, v5;
	v6 =	vmul.f32 v53, v9  }
0x1c8: {  	v63 =	vor.u32 $0x2C, v3;
	v15 =	vld.idx.msk [tilespmem:v54+s20+$0x0], $0xffff  }
0x1c9: {  	v62 =	vor.u32 $0x2C, v4;
	v21 =	vld.idx.msk [tilespmem:v58+s22+$0x0], $0xffff;
	v5 =	vadd.f32 v6, v5;
	v6 =	vmul.f32 v56, v11  }
0x1ca: {  	v23 =	vor.u32 $0x2D, v3;
	v12 =	vld.idx.msk [tilespmem:v57+s20+$0x0], $0xffff  }
0x1cb: {  	v22 =	vor.u32 $0x2D, v4;
	v14 =	vld.idx.msk [tilespmem:v59+s20+$0x0], $0xffff;
	v5 =	vadd.f32 v6, v5;
	v6 =	vmul.f32 v7, v13  }
0x1cc: {  	v24 =	vor.u32 $0x2E, v4;
	v7 =	vld.idx.msk [tilespmem:v60+s22+$0x0], $0xffff  }
0x1cd: {  	v25 =	vor.u32 $0x2E, v3;
	v26 =	vld.idx.msk [tilespmem:v63+s22+$0x0], $0xffff;
	v5 =	vadd.f32 v6, v5;
	v6 =	vmul.f32 v61, v15  }
0x1ce: {  	v28 =	vor.u32 $0x2F, v3;
	v9 =	vld.idx.msk [tilespmem:v62+s20+$0x0], $0xffff  }
0x1cf: {  	v27 =	vor.u32 $0x2F, v4;
	v29 =	vld.idx.msk [tilespmem:v23+s22+$0x0], $0xffff;
	v5 =	vadd.f32 v6, v5;
	v6 =	vmul.f32 v21, v12  }
0x1d0: {  	v31 =	vor.u32 $0x30, v3;
	v11 =	vld.idx.msk [tilespmem:v22+s20+$0x0], $0xffff  }
0x1d1: {  	v30 =	vor.u32 $0x30, v4;
	v13 =	vld.idx.msk [tilespmem:v24+s20+$0x0], $0xffff;
	v5 =	vadd.f32 v6, v5;
	v6 =	vmul.f32 v7, v14  }
0x1d2: {  	v32 =	vor.u32 $0x31, v4;
	v7 =	vld.idx.msk [tilespmem:v25+s22+$0x0], $0xffff  }
0x1d3: {  	v33 =	vor.u32 $0x31, v3;
	v34 =	vld.idx.msk [tilespmem:v28+s22+$0x0], $0xffff;
	v5 =	vadd.f32 v6, v5;
	v6 =	vmul.f32 v26, v9  }
0x1d4: {  	v36 =	vor.u32 $0x32, v3;
	v15 =	vld.idx.msk [tilespmem:v27+s20+$0x0], $0xffff  }
0x1d5: {  	v35 =	vor.u32 $0x32, v4;
	v37 =	vld.idx.msk [tilespmem:v31+s22+$0x0], $0xffff;
	v5 =	vadd.f32 v6, v5;
	v6 =	vmul.f32 v29, v11  }
0x1d6: {  	v39 =	vor.u32 $0x33, v3;
	v12 =	vld.idx.msk [tilespmem:v30+s20+$0x0], $0xffff  }
0x1d7: {  	v38 =	vor.u32 $0x33, v4;
	v14 =	vld.idx.msk [tilespmem:v32+s20+$0x0], $0xffff;
	v5 =	vadd.f32 v6, v5;
	v6 =	vmul.f32 v7, v13  }
0x1d8: {  	v40 =	vor.u32 $0x34, v4;
	v7 =	vld.idx.msk [tilespmem:v33+s22+$0x0], $0xffff  }
0x1d9: {  	v41 =	vor.u32 $0x34, v3;
	v42 =	vld.idx.msk [tilespmem:v36+s22+$0x0], $0xffff;
	v5 =	vadd.f32 v6, v5;
	v6 =	vmul.f32 v34, v15  }
0x1da: {  	v44 =	vor.u32 $0x35, v3;
	v9 =	vld.idx.msk [tilespmem:v35+s20+$0x0], $0xffff  }
0x1db: {  	v43 =	vor.u32 $0x35, v4;
	v45 =	vld.idx.msk [tilespmem:v39+s22+$0x0], $0xffff;
	v5 =	vadd.f32 v6, v5;
	v6 =	vmul.f32 v37, v12  }
0x1dc: {  	v47 =	vor.u32 $0x36, v3;
	v11 =	vld.idx.msk [tilespmem:v38+s20+$0x0], $0xffff  }
0x1dd: {  	v46 =	vor.u32 $0x36, v4;
	v13 =	vld.idx.msk [tilespmem:v40+s20+$0x0], $0xffff;
	v5 =	vadd.f32 v6, v5;
	v6 =	vmul.f32 v7, v14  }
0x1de: {  	v48 =	vor.u32 $0x37, v4;
	v7 =	vld.idx.msk [tilespmem:v41+s22+$0x0], $0xffff  }
0x1df: {  	v49 =	vor.u32 $0x37, v3;
	v50 =	vld.idx.msk [tilespmem:v44+s22+$0x0], $0xffff;
	v5 =	vadd.f32 v6, v5;
	v6 =	vmul.f32 v42, v9  }
0x1e0: {  	v52 =	vor.u32 $0x38, v3;
	v15 =	vld.idx.msk [tilespmem:v43+s20+$0x0], $0xffff  }
0x1e1: {  	v51 =	vor.u32 $0x38, v4;
	v53 =	vld.idx.msk [tilespmem:v47+s22+$0x0], $0xffff;
	v5 =	vadd.f32 v6, v5;
	v6 =	vmul.f32 v45, v11  }
0x1e2: {  	v55 =	vor.u32 $0x39, v3;
	v12 =	vld.idx.msk [tilespmem:v46+s20+$0x0], $0xffff  }
0x1e3: {  	v54 =	vor.u32 $0x39, v4;
	v14 =	vld.idx.msk [tilespmem:v48+s20+$0x0], $0xffff;
	v5 =	vadd.f32 v6, v5;
	v6 =	vmul.f32 v7, v13  }
0x1e4: {  	v56 =	vor.u32 $0x3A, v4;
	v7 =	vld.idx.msk [tilespmem:v49+s22+$0x0], $0xffff  }
0x1e5: {  	v57 =	vor.u32 $0x3A, v3;
	v58 =	vld.idx.msk [tilespmem:v52+s22+$0x0], $0xffff;
	v5 =	vadd.f32 v6, v5;
	v6 =	vmul.f32 v50, v15  }
0x1e6: {  	v60 =	vor.u32 $0x3B, v3;
	v9 =	vld.idx.msk [tilespmem:v51+s20+$0x0], $0xffff  }
0x1e7: {  	v59 =	vor.u32 $0x3B, v4;
	v61 =	vld.idx.msk [tilespmem:v55+s22+$0x0], $0xffff;
	v5 =	vadd.f32 v6, v5;
	v6 =	vmul.f32 v53, v12  }
0x1e8: {  	v63 =	vor.u32 $0x3C, v3;
	v11 =	vld.idx.msk [tilespmem:v54+s20+$0x0], $0xffff  }
0x1e9: {  	v62 =	vor.u32 $0x3C, v4;
	v13 =	vld.idx.msk [tilespmem:v56+s20+$0x0], $0xffff;
	v5 =	vadd.f32 v6, v5;
	v6 =	vmul.f32 v7, v14  }
0x1ea: {  	v21 =	vor.u32 $0x3D, v4;
	v7 =	vld.idx.msk [tilespmem:v57+s22+$0x0], $0xffff  }
0x1eb: {  	v22 =	vor.u32 $0x3D, v3;
	v23 =	vld.idx.msk [tilespmem:v60+s22+$0x0], $0xffff;
	v5 =	vadd.f32 v6, v5;
	v6 =	vmul.f32 v58, v9  }
0x1ec: {  	v25 =	vor.u32 $0x3E, v3;
	v15 =	vld.idx.msk [tilespmem:v59+s20+$0x0], $0xffff  }
0x1ed: {  	v24 =	vor.u32 $0x3E, v4;
	v26 =	vld.idx.msk [tilespmem:v63+s22+$0x0], $0xffff;
	v5 =	vadd.f32 v6, v5;
	v6 =	vmul.f32 v61, v11  }
0x1ee: {  	v4 =	vor.u32 $0x3F, v4;
	v12 =	vld.idx.msk [tilespmem:v62+s20+$0x0], $0xffff  }
0x1ef: {  	v3 =	vor.u32 $0x3F, v3;
	v27 =	vld.idx.msk [tilespmem:v21+s20+$0x0], $0xffff;
	v5 =	vadd.f32 v6, v5;
	v6 =	vmul.f32 v7, v13  }
0x1f0: {  	v7 =	vld.idx.msk [tilespmem:v22+s22+$0x0], $0xffff  }
0x1f1: {  	v28 =	vld.idx.msk [tilespmem:v25+s22+$0x0], $0xffff;
	v5 =	vadd.f32 v6, v5;
	v6 =	vmul.f32 v23, v15  }
0x1f2: {  	v9 =	vld.idx.msk [tilespmem:v24+s20+$0x0], $0xffff  }
0x1f3: {  	v4 =	vld.idx.msk [tilespmem:v4+s20+$0x0], $0xffff;
	v5 =	vadd.f32 v6, v5;
	v6 =	vmul.f32 v26, v12  }
0x1f4: {  	v3 =	vld.idx.msk [tilespmem:v3+s22+$0x0], $0xffff  }
0x1f5: {  	v5 =	vadd.f32 v6, v5;
	v6 =	vmul.f32 v7, v27;
	_ =	sdelay $0x1  }
0x1f6: {  	s0 =	sadd.s32 $0x10, s28;
	v5 =	vadd.f32 v6, v5;
	v6 =	vmul.f32 v28, v9  }
0x1f7: {  	v7 =	vld [tilespmem:s0+$0x0]  }
0x1f8: {  	s4 =	sadd.s32 $0x10, s29;
	v3 =	vmul.f32 v3, v4;
	v5 =	vadd.f32 v6, v5  }
0x1f9: {  	v4 =	vld [tilespmem:s4+$0x0]  }
0x1fa: {  	v3 =	vadd.f32 v3, v5;
	_ =	sdelay $0x1  }
0x1fb: {  	v3 =	vadd.f32 v3, v7;
	_ =	sdelay $0x1  }
0x1fc: {  	v3 =	vadd.f32 v3, v4;
	_ =	sdelay $0x1  }
0x1fd: {  	v3 =	vadd.f32 v3, v2  }
0x1fe: {  	s1 =	sadd.s32 $0x10, s30  }
0x1ff: {  	s4 =	simm.s32 $0x100;
	[tilespmem:s1+$0x0] =	vst v3  }
0x200: {  	[tilespmem:s20], [sflag:$0x1] =	stream.indirect.gather [hbm4b:s6+s4], $0x80, s23, s4, $0xb8;
	[tilespmem:$0x10E80] =	vst v63  }
0x201: {  	_ = 	snop  }
0x202: {  	[tilespmem:s22], [sflag:$0x1] =	stream.indirect.gather [hbm4b:s7+s4], $0x80, s24, s4, $0xb8;
	[tilespmem:$0x10E80] =	vst v63  }
0x203: {  	_ =	swait.ge [sflag:s17], $0x8000  }
0x204: {  	[sflag:s17] =	ssyncset.done $0x0  }
0x205: {  	[sflag:s17] =	ssyncadd.s32 $0xFFFF8000  }
0x206: {  	_ =	swait.ge [sflag:s17], $0x8000  }
0x207: {  	[sflag:s17] =	ssyncset.done $0x0  }
0x208: {  	[sflag:s17] =	ssyncadd.s32 $0xFFFF8000  }
0x209: {  	s1 =	simm.s32 $0x300;
	v3 =	vld [tilespmem:s4+$0x0]  }
0x20a: {  	v4 =	vld [tilespmem:s1+$0x0];
	_ =	sdelay $0x2  }
0x20b: {  	s4 =	simm.s32 $0x0  }
0x20c: {  	v5 =	vmov s4;
	v3 =	vadd.s32 $0xFFF85F00, v3  }
0x20d: {  	v5 =	vshll.u32 v5, $0x7;
	vm14 =	vlt.u32 v3, $0x7A100;
	v3 =	vadd.s32 $0xFFF85F00, v4  }
0x20e: {  	v4 =	vsel vm14, $0x40, v0;
	vm15 =	vlt.u32 v3, $0x7A100;
	v3 =	vor.u32 v1, v5  }
0x20f: {  	v5 =	vsel vm15, $0x40, v0;
	v4 =	vor.u32 v3, v4  }
0x210: {  	v3 =	vor.u32 v3, v5  }
0x211: {  	v5 =	vor.u32 $0x1, v4  }
0x212: {  	v6 =	vor.u32 $0x1, v3  }
0x213: {  	v7 =	vor.u32 $0x2, v4  }
0x214: {  	v30 =	vor.u32 $0x2, v3;
	v29 =	vld.idx.msk [tilespmem:v4+s20+$0x0], $0xffff  }
0x215: {  	v32 =	vor.u32 $0x3, v4;
	v31 =	vld.idx.msk [tilespmem:v3+s22+$0x0], $0xffff  }
0x216: {  	v33 =	vor.u32 $0x3, v3;
	v5 =	vld.idx.msk [tilespmem:v5+s20+$0x0], $0xffff  }
0x217: {  	v34 =	vor.u32 $0x4, v4;
	v6 =	vld.idx.msk [tilespmem:v6+s22+$0x0], $0xffff  }
0x218: {  	v35 =	vor.u32 $0x4, v3;
	v7 =	vld.idx.msk [tilespmem:v7+s20+$0x0], $0xffff  }
0x219: {  	v36 =	vor.u32 $0x5, v4;
	v9 =	vld.idx.msk [tilespmem:v30+s22+$0x0], $0xffff  }
0x21a: {  	v37 =	vor.u32 $0x5, v3;
	v11 =	vld.idx.msk [tilespmem:v32+s20+$0x0], $0xffff;
	v8 =	vmul.f32 v31, v29  }
0x21b: {  	v39 =	vor.u32 $0x6, v4;
	v38 =	vld.idx.msk [tilespmem:v33+s22+$0x0], $0xffff  }
0x21c: {  	v40 =	vor.u32 $0x6, v3;
	v13 =	vld.idx.msk [tilespmem:v34+s20+$0x0], $0xffff;
	v5 =	vmul.f32 v6, v5;
	v8 =	vadd.f32 $0.0e+00, v8  }
0x21d: {  	v41 =	vor.u32 $0x7, v4;
	v6 =	vld.idx.msk [tilespmem:v35+s22+$0x0], $0xffff  }
0x21e: {  	v42 =	vor.u32 $0x7, v3;
	v15 =	vld.idx.msk [tilespmem:v36+s20+$0x0], $0xffff;
	v7 =	vmul.f32 v9, v7;
	v5 =	vadd.f32 v5, v8  }
0x21f: {  	v45 =	vor.u32 $0x8, v3;
	v43 =	vld.idx.msk [tilespmem:v37+s22+$0x0], $0xffff  }
0x220: {  	v44 =	vor.u32 $0x8, v4;
	v12 =	vld.idx.msk [tilespmem:v39+s20+$0x0], $0xffff;
	v5 =	vadd.f32 v7, v5;
	v7 =	vmul.f32 v38, v11  }
0x221: {  	v48 =	vor.u32 $0x9, v3;
	v46 =	vld.idx.msk [tilespmem:v40+s22+$0x0], $0xffff  }
0x222: {  	v47 =	vor.u32 $0x9, v4;
	v14 =	vld.idx.msk [tilespmem:v41+s20+$0x0], $0xffff;
	v6 =	vmul.f32 v6, v13;
	v5 =	vadd.f32 v7, v5  }
0x223: {  	v49 =	vor.u32 $0xA, v4;
	v7 =	vld.idx.msk [tilespmem:v42+s22+$0x0], $0xffff  }
0x224: {  	v50 =	vor.u32 $0xA, v3;
	v51 =	vld.idx.msk [tilespmem:v45+s22+$0x0], $0xffff;
	v5 =	vadd.f32 v6, v5;
	v6 =	vmul.f32 v43, v15  }
0x225: {  	v53 =	vor.u32 $0xB, v3;
	v9 =	vld.idx.msk [tilespmem:v44+s20+$0x0], $0xffff  }
0x226: {  	v52 =	vor.u32 $0xB, v4;
	v54 =	vld.idx.msk [tilespmem:v48+s22+$0x0], $0xffff;
	v5 =	vadd.f32 v6, v5;
	v6 =	vmul.f32 v46, v12  }
0x227: {  	v56 =	vor.u32 $0xC, v3;
	v11 =	vld.idx.msk [tilespmem:v47+s20+$0x0], $0xffff  }
0x228: {  	v55 =	vor.u32 $0xC, v4;
	v13 =	vld.idx.msk [tilespmem:v49+s20+$0x0], $0xffff;
	v5 =	vadd.f32 v6, v5;
	v6 =	vmul.f32 v7, v14  }
0x229: {  	v57 =	vor.u32 $0xD, v4;
	v7 =	vld.idx.msk [tilespmem:v50+s22+$0x0], $0xffff  }
0x22a: {  	v58 =	vor.u32 $0xD, v3;
	v59 =	vld.idx.msk [tilespmem:v53+s22+$0x0], $0xffff;
	v5 =	vadd.f32 v6, v5;
	v6 =	vmul.f32 v51, v9  }
0x22b: {  	v61 =	vor.u32 $0xE, v3;
	v15 =	vld.idx.msk [tilespmem:v52+s20+$0x0], $0xffff  }
0x22c: {  	v60 =	vor.u32 $0xE, v4;
	v62 =	vld.idx.msk [tilespmem:v56+s22+$0x0], $0xffff;
	v5 =	vadd.f32 v6, v5;
	v6 =	vmul.f32 v54, v11  }
0x22d: {  	v21 =	vor.u32 $0xF, v3;
	v12 =	vld.idx.msk [tilespmem:v55+s20+$0x0], $0xffff  }
0x22e: {  	v63 =	vor.u32 $0xF, v4;
	v14 =	vld.idx.msk [tilespmem:v57+s20+$0x0], $0xffff;
	v5 =	vadd.f32 v6, v5;
	v6 =	vmul.f32 v7, v13  }
0x22f: {  	v22 =	vor.u32 $0x10, v4;
	v7 =	vld.idx.msk [tilespmem:v58+s22+$0x0], $0xffff  }
0x230: {  	v23 =	vor.u32 $0x10, v3;
	v24 =	vld.idx.msk [tilespmem:v61+s22+$0x0], $0xffff;
	v5 =	vadd.f32 v6, v5;
	v6 =	vmul.f32 v59, v15  }
0x231: {  	v26 =	vor.u32 $0x11, v3;
	v9 =	vld.idx.msk [tilespmem:v60+s20+$0x0], $0xffff  }
0x232: {  	v25 =	vor.u32 $0x11, v4;
	v27 =	vld.idx.msk [tilespmem:v21+s22+$0x0], $0xffff;
	v5 =	vadd.f32 v6, v5;
	v6 =	vmul.f32 v62, v12  }
0x233: {  	v29 =	vor.u32 $0x12, v3;
	v11 =	vld.idx.msk [tilespmem:v63+s20+$0x0], $0xffff  }
0x234: {  	v28 =	vor.u32 $0x12, v4;
	v13 =	vld.idx.msk [tilespmem:v22+s20+$0x0], $0xffff;
	v5 =	vadd.f32 v6, v5;
	v6 =	vmul.f32 v7, v14  }
0x235: {  	v30 =	vor.u32 $0x13, v4;
	v7 =	vld.idx.msk [tilespmem:v23+s22+$0x0], $0xffff  }
0x236: {  	v32 =	vld.idx.msk [tilespmem:v26+s22+$0x0], $0xffff;
	v31 =	vor.u32 $0x13, v3;
	v5 =	vadd.f32 v6, v5;
	v6 =	vmul.f32 v24, v9  }
0x237: {  	v34 =	vor.u32 $0x14, v3;
	v15 =	vld.idx.msk [tilespmem:v25+s20+$0x0], $0xffff  }
0x238: {  	v33 =	vor.u32 $0x14, v4;
	v35 =	vld.idx.msk [tilespmem:v29+s22+$0x0], $0xffff;
	v5 =	vadd.f32 v6, v5;
	v6 =	vmul.f32 v27, v11  }
0x239: {  	v37 =	vor.u32 $0x15, v3;
	v12 =	vld.idx.msk [tilespmem:v28+s20+$0x0], $0xffff  }
0x23a: {  	v36 =	vor.u32 $0x15, v4;
	v14 =	vld.idx.msk [tilespmem:v30+s20+$0x0], $0xffff;
	v5 =	vadd.f32 v6, v5;
	v6 =	vmul.f32 v7, v13  }
0x23b: {  	v38 =	vor.u32 $0x16, v4;
	v7 =	vld.idx.msk [tilespmem:v31+s22+$0x0], $0xffff  }
0x23c: {  	v39 =	vor.u32 $0x16, v3;
	v40 =	vld.idx.msk [tilespmem:v34+s22+$0x0], $0xffff;
	v5 =	vadd.f32 v6, v5;
	v6 =	vmul.f32 v32, v15  }
0x23d: {  	v42 =	vor.u32 $0x17, v3;
	v9 =	vld.idx.msk [tilespmem:v33+s20+$0x0], $0xffff  }
0x23e: {  	v41 =	vor.u32 $0x17, v4;
	v43 =	vld.idx.msk [tilespmem:v37+s22+$0x0], $0xffff;
	v5 =	vadd.f32 v6, v5;
	v6 =	vmul.f32 v35, v12  }
0x23f: {  	v45 =	vor.u32 $0x18, v3;
	v11 =	vld.idx.msk [tilespmem:v36+s20+$0x0], $0xffff  }
0x240: {  	v44 =	vor.u32 $0x18, v4;
	v13 =	vld.idx.msk [tilespmem:v38+s20+$0x0], $0xffff;
	v5 =	vadd.f32 v6, v5;
	v6 =	vmul.f32 v7, v14  }
0x241: {  	v46 =	vor.u32 $0x19, v4;
	v7 =	vld.idx.msk [tilespmem:v39+s22+$0x0], $0xffff  }
0x242: {  	v47 =	vor.u32 $0x19, v3;
	v48 =	vld.idx.msk [tilespmem:v42+s22+$0x0], $0xffff;
	v5 =	vadd.f32 v6, v5;
	v6 =	vmul.f32 v40, v9  }
0x243: {  	v50 =	vor.u32 $0x1A, v3;
	v15 =	vld.idx.msk [tilespmem:v41+s20+$0x0], $0xffff  }
0x244: {  	v49 =	vor.u32 $0x1A, v4;
	v51 =	vld.idx.msk [tilespmem:v45+s22+$0x0], $0xffff;
	v5 =	vadd.f32 v6, v5;
	v6 =	vmul.f32 v43, v11  }
0x245: {  	v53 =	vor.u32 $0x1B, v3;
	v12 =	vld.idx.msk [tilespmem:v44+s20+$0x0], $0xffff  }
0x246: {  	v52 =	vor.u32 $0x1B, v4;
	v14 =	vld.idx.msk [tilespmem:v46+s20+$0x0], $0xffff;
	v5 =	vadd.f32 v6, v5;
	v6 =	vmul.f32 v7, v13  }
0x247: {  	v54 =	vor.u32 $0x1C, v4;
	v7 =	vld.idx.msk [tilespmem:v47+s22+$0x0], $0xffff  }
0x248: {  	v55 =	vor.u32 $0x1C, v3;
	v56 =	vld.idx.msk [tilespmem:v50+s22+$0x0], $0xffff;
	v5 =	vadd.f32 v6, v5;
	v6 =	vmul.f32 v48, v15  }
0x249: {  	v58 =	vor.u32 $0x1D, v3;
	v9 =	vld.idx.msk [tilespmem:v49+s20+$0x0], $0xffff  }
0x24a: {  	v57 =	vor.u32 $0x1D, v4;
	v59 =	vld.idx.msk [tilespmem:v53+s22+$0x0], $0xffff;
	v5 =	vadd.f32 v6, v5;
	v6 =	vmul.f32 v51, v12  }
0x24b: {  	v61 =	vor.u32 $0x1E, v3;
	v11 =	vld.idx.msk [tilespmem:v52+s20+$0x0], $0xffff  }
0x24c: {  	v60 =	vor.u32 $0x1E, v4;
	v13 =	vld.idx.msk [tilespmem:v54+s20+$0x0], $0xffff;
	v5 =	vadd.f32 v6, v5;
	v6 =	vmul.f32 v7, v14  }
0x24d: {  	v62 =	vor.u32 $0x1F, v4;
	v7 =	vld.idx.msk [tilespmem:v55+s22+$0x0], $0xffff  }
0x24e: {  	v63 =	vor.u32 $0x1F, v3;
	v21 =	vld.idx.msk [tilespmem:v58+s22+$0x0], $0xffff;
	v5 =	vadd.f32 v6, v5;
	v6 =	vmul.f32 v56, v9  }
0x24f: {  	v23 =	vor.u32 $0x20, v3;
	v15 =	vld.idx.msk [tilespmem:v57+s20+$0x0], $0xffff  }
0x250: {  	v22 =	vor.u32 $0x20, v4;
	v24 =	vld.idx.msk [tilespmem:v61+s22+$0x0], $0xffff;
	v5 =	vadd.f32 v6, v5;
	v6 =	vmul.f32 v59, v11  }
0x251: {  	v26 =	vor.u32 $0x21, v3;
	v12 =	vld.idx.msk [tilespmem:v60+s20+$0x0], $0xffff  }
0x252: {  	v25 =	vor.u32 $0x21, v4;
	v14 =	vld.idx.msk [tilespmem:v62+s20+$0x0], $0xffff;
	v5 =	vadd.f32 v6, v5;
	v6 =	vmul.f32 v7, v13  }
0x253: {  	v27 =	vor.u32 $0x22, v4;
	v7 =	vld.idx.msk [tilespmem:v63+s22+$0x0], $0xffff  }
0x254: {  	v28 =	vor.u32 $0x22, v3;
	v29 =	vld.idx.msk [tilespmem:v23+s22+$0x0], $0xffff;
	v5 =	vadd.f32 v6, v5;
	v6 =	vmul.f32 v21, v15  }
0x255: {  	v31 =	vor.u32 $0x23, v3;
	v9 =	vld.idx.msk [tilespmem:v22+s20+$0x0], $0xffff  }
0x256: {  	v30 =	vor.u32 $0x23, v4;
	v32 =	vld.idx.msk [tilespmem:v26+s22+$0x0], $0xffff;
	v5 =	vadd.f32 v6, v5;
	v6 =	vmul.f32 v24, v12  }
0x257: {  	v34 =	vor.u32 $0x24, v3;
	v11 =	vld.idx.msk [tilespmem:v25+s20+$0x0], $0xffff  }
0x258: {  	v33 =	vor.u32 $0x24, v4;
	v13 =	vld.idx.msk [tilespmem:v27+s20+$0x0], $0xffff;
	v5 =	vadd.f32 v6, v5;
	v6 =	vmul.f32 v7, v14  }
0x259: {  	v35 =	vor.u32 $0x25, v4;
	v7 =	vld.idx.msk [tilespmem:v28+s22+$0x0], $0xffff  }
0x25a: {  	v36 =	vor.u32 $0x25, v3;
	v37 =	vld.idx.msk [tilespmem:v31+s22+$0x0], $0xffff;
	v5 =	vadd.f32 v6, v5;
	v6 =	vmul.f32 v29, v9  }
0x25b: {  	v39 =	vor.u32 $0x26, v3;
	v15 =	vld.idx.msk [tilespmem:v30+s20+$0x0], $0xffff  }
0x25c: {  	v38 =	vor.u32 $0x26, v4;
	v40 =	vld.idx.msk [tilespmem:v34+s22+$0x0], $0xffff;
	v5 =	vadd.f32 v6, v5;
	v6 =	vmul.f32 v32, v11  }
0x25d: {  	v42 =	vor.u32 $0x27, v3;
	v12 =	vld.idx.msk [tilespmem:v33+s20+$0x0], $0xffff  }
0x25e: {  	v41 =	vor.u32 $0x27, v4;
	v14 =	vld.idx.msk [tilespmem:v35+s20+$0x0], $0xffff;
	v5 =	vadd.f32 v6, v5;
	v6 =	vmul.f32 v7, v13  }
0x25f: {  	v43 =	vor.u32 $0x28, v4;
	v7 =	vld.idx.msk [tilespmem:v36+s22+$0x0], $0xffff  }
0x260: {  	v44 =	vor.u32 $0x28, v3;
	v45 =	vld.idx.msk [tilespmem:v39+s22+$0x0], $0xffff;
	v5 =	vadd.f32 v6, v5;
	v6 =	vmul.f32 v37, v15  }
0x261: {  	v47 =	vor.u32 $0x29, v3;
	v9 =	vld.idx.msk [tilespmem:v38+s20+$0x0], $0xffff  }
0x262: {  	v46 =	vor.u32 $0x29, v4;
	v48 =	vld.idx.msk [tilespmem:v42+s22+$0x0], $0xffff;
	v5 =	vadd.f32 v6, v5;
	v6 =	vmul.f32 v40, v12  }
0x263: {  	v50 =	vor.u32 $0x2A, v3;
	v11 =	vld.idx.msk [tilespmem:v41+s20+$0x0], $0xffff  }
0x264: {  	v49 =	vor.u32 $0x2A, v4;
	v13 =	vld.idx.msk [tilespmem:v43+s20+$0x0], $0xffff;
	v5 =	vadd.f32 v6, v5;
	v6 =	vmul.f32 v7, v14  }
0x265: {  	v51 =	vor.u32 $0x2B, v4;
	v7 =	vld.idx.msk [tilespmem:v44+s22+$0x0], $0xffff  }
0x266: {  	v52 =	vor.u32 $0x2B, v3;
	v53 =	vld.idx.msk [tilespmem:v47+s22+$0x0], $0xffff;
	v5 =	vadd.f32 v6, v5;
	v6 =	vmul.f32 v45, v9  }
0x267: {  	v55 =	vor.u32 $0x2C, v3;
	v15 =	vld.idx.msk [tilespmem:v46+s20+$0x0], $0xffff  }
0x268: {  	v54 =	vor.u32 $0x2C, v4;
	v56 =	vld.idx.msk [tilespmem:v50+s22+$0x0], $0xffff;
	v5 =	vadd.f32 v6, v5;
	v6 =	vmul.f32 v48, v11  }
0x269: {  	v58 =	vor.u32 $0x2D, v3;
	v12 =	vld.idx.msk [tilespmem:v49+s20+$0x0], $0xffff  }
0x26a: {  	v57 =	vor.u32 $0x2D, v4;
	v14 =	vld.idx.msk [tilespmem:v51+s20+$0x0], $0xffff;
	v5 =	vadd.f32 v6, v5;
	v6 =	vmul.f32 v7, v13  }
0x26b: {  	v59 =	vor.u32 $0x2E, v4;
	v7 =	vld.idx.msk [tilespmem:v52+s22+$0x0], $0xffff  }
0x26c: {  	v60 =	vor.u32 $0x2E, v3;
	v61 =	vld.idx.msk [tilespmem:v55+s22+$0x0], $0xffff;
	v5 =	vadd.f32 v6, v5;
	v6 =	vmul.f32 v53, v15  }
0x26d: {  	v63 =	vor.u32 $0x2F, v3;
	v9 =	vld.idx.msk [tilespmem:v54+s20+$0x0], $0xffff  }
0x26e: {  	v62 =	vor.u32 $0x2F, v4;
	v21 =	vld.idx.msk [tilespmem:v58+s22+$0x0], $0xffff;
	v5 =	vadd.f32 v6, v5;
	v6 =	vmul.f32 v56, v12  }
0x26f: {  	v23 =	vor.u32 $0x30, v3;
	v11 =	vld.idx.msk [tilespmem:v57+s20+$0x0], $0xffff  }
0x270: {  	v22 =	vor.u32 $0x30, v4;
	v13 =	vld.idx.msk [tilespmem:v59+s20+$0x0], $0xffff;
	v5 =	vadd.f32 v6, v5;
	v6 =	vmul.f32 v7, v14  }
0x271: {  	v24 =	vor.u32 $0x31, v4;
	v7 =	vld.idx.msk [tilespmem:v60+s22+$0x0], $0xffff  }
0x272: {  	v25 =	vor.u32 $0x31, v3;
	v26 =	vld.idx.msk [tilespmem:v63+s22+$0x0], $0xffff;
	v5 =	vadd.f32 v6, v5;
	v6 =	vmul.f32 v61, v9  }
0x273: {  	v28 =	vor.u32 $0x32, v3;
	v15 =	vld.idx.msk [tilespmem:v62+s20+$0x0], $0xffff  }
0x274: {  	v27 =	vor.u32 $0x32, v4;
	v29 =	vld.idx.msk [tilespmem:v23+s22+$0x0], $0xffff;
	v5 =	vadd.f32 v6, v5;
	v6 =	vmul.f32 v21, v11  }
0x275: {  	v31 =	vor.u32 $0x33, v3;
	v12 =	vld.idx.msk [tilespmem:v22+s20+$0x0], $0xffff  }
0x276: {  	v30 =	vor.u32 $0x33, v4;
	v14 =	vld.idx.msk [tilespmem:v24+s20+$0x0], $0xffff;
	v5 =	vadd.f32 v6, v5;
	v6 =	vmul.f32 v7, v13  }
0x277: {  	v32 =	vor.u32 $0x34, v4;
	v7 =	vld.idx.msk [tilespmem:v25+s22+$0x0], $0xffff  }
0x278: {  	v33 =	vor.u32 $0x34, v3;
	v34 =	vld.idx.msk [tilespmem:v28+s22+$0x0], $0xffff;
	v5 =	vadd.f32 v6, v5;
	v6 =	vmul.f32 v26, v15  }
0x279: {  	v36 =	vor.u32 $0x35, v3;
	v9 =	vld.idx.msk [tilespmem:v27+s20+$0x0], $0xffff  }
0x27a: {  	v35 =	vor.u32 $0x35, v4;
	v37 =	vld.idx.msk [tilespmem:v31+s22+$0x0], $0xffff;
	v5 =	vadd.f32 v6, v5;
	v6 =	vmul.f32 v29, v12  }
0x27b: {  	v39 =	vor.u32 $0x36, v3;
	v11 =	vld.idx.msk [tilespmem:v30+s20+$0x0], $0xffff  }
0x27c: {  	v38 =	vor.u32 $0x36, v4;
	v13 =	vld.idx.msk [tilespmem:v32+s20+$0x0], $0xffff;
	v5 =	vadd.f32 v6, v5;
	v6 =	vmul.f32 v7, v14  }
0x27d: {  	v40 =	vor.u32 $0x37, v4;
	v7 =	vld.idx.msk [tilespmem:v33+s22+$0x0], $0xffff  }
0x27e: {  	v41 =	vor.u32 $0x37, v3;
	v42 =	vld.idx.msk [tilespmem:v36+s22+$0x0], $0xffff;
	v5 =	vadd.f32 v6, v5;
	v6 =	vmul.f32 v34, v9  }
0x27f: {  	v44 =	vor.u32 $0x38, v3;
	v15 =	vld.idx.msk [tilespmem:v35+s20+$0x0], $0xffff  }
0x280: {  	v43 =	vor.u32 $0x38, v4;
	v45 =	vld.idx.msk [tilespmem:v39+s22+$0x0], $0xffff;
	v5 =	vadd.f32 v6, v5;
	v6 =	vmul.f32 v37, v11  }
0x281: {  	v47 =	vor.u32 $0x39, v3;
	v12 =	vld.idx.msk [tilespmem:v38+s20+$0x0], $0xffff  }
0x282: {  	v46 =	vor.u32 $0x39, v4;
	v14 =	vld.idx.msk [tilespmem:v40+s20+$0x0], $0xffff;
	v5 =	vadd.f32 v6, v5;
	v6 =	vmul.f32 v7, v13  }
0x283: {  	v48 =	vor.u32 $0x3A, v4;
	v7 =	vld.idx.msk [tilespmem:v41+s22+$0x0], $0xffff  }
0x284: {  	v49 =	vor.u32 $0x3A, v3;
	v50 =	vld.idx.msk [tilespmem:v44+s22+$0x0], $0xffff;
	v5 =	vadd.f32 v6, v5;
	v6 =	vmul.f32 v42, v15  }
0x285: {  	v52 =	vor.u32 $0x3B, v3;
	v9 =	vld.idx.msk [tilespmem:v43+s20+$0x0], $0xffff  }
0x286: {  	v51 =	vor.u32 $0x3B, v4;
	v53 =	vld.idx.msk [tilespmem:v47+s22+$0x0], $0xffff;
	v5 =	vadd.f32 v6, v5;
	v6 =	vmul.f32 v45, v12  }
0x287: {  	v55 =	vor.u32 $0x3C, v3;
	v11 =	vld.idx.msk [tilespmem:v46+s20+$0x0], $0xffff  }
0x288: {  	v54 =	vor.u32 $0x3C, v4;
	v13 =	vld.idx.msk [tilespmem:v48+s20+$0x0], $0xffff;
	v5 =	vadd.f32 v6, v5;
	v6 =	vmul.f32 v7, v14  }
0x289: {  	v56 =	vor.u32 $0x3D, v4;
	v7 =	vld.idx.msk [tilespmem:v49+s22+$0x0], $0xffff  }
0x28a: {  	v57 =	vor.u32 $0x3D, v3;
	v58 =	vld.idx.msk [tilespmem:v52+s22+$0x0], $0xffff;
	v5 =	vadd.f32 v6, v5;
	v6 =	vmul.f32 v50, v9  }
0x28b: {  	v60 =	vor.u32 $0x3E, v3;
	v15 =	vld.idx.msk [tilespmem:v51+s20+$0x0], $0xffff  }
0x28c: {  	v59 =	vor.u32 $0x3E, v4;
	v61 =	vld.idx.msk [tilespmem:v55+s22+$0x0], $0xffff;
	v5 =	vadd.f32 v6, v5;
	v6 =	vmul.f32 v53, v11  }
0x28d: {  	v4 =	vor.u32 $0x3F, v4;
	v12 =	vld.idx.msk [tilespmem:v54+s20+$0x0], $0xffff  }
0x28e: {  	v3 =	vor.u32 $0x3F, v3;
	v62 =	vld.idx.msk [tilespmem:v56+s20+$0x0], $0xffff;
	v5 =	vadd.f32 v6, v5;
	v6 =	vmul.f32 v7, v13  }
0x28f: {  	v7 =	vld.idx.msk [tilespmem:v57+s22+$0x0], $0xffff  }
0x290: {  	v63 =	vld.idx.msk [tilespmem:v60+s22+$0x0], $0xffff;
	v5 =	vadd.f32 v6, v5;
	v6 =	vmul.f32 v58, v15  }
0x291: {  	v9 =	vld.idx.msk [tilespmem:v59+s20+$0x0], $0xffff  }
0x292: {  	v4 =	vld.idx.msk [tilespmem:v4+s20+$0x0], $0xffff;
	v5 =	vadd.f32 v6, v5;
	v6 =	vmul.f32 v61, v12  }
0x293: {  	v3 =	vld.idx.msk [tilespmem:v3+s22+$0x0], $0xffff  }
0x294: {  	v5 =	vadd.f32 v6, v5;
	v6 =	vmul.f32 v7, v62;
	_ =	sdelay $0x1  }
0x295: {  	s28 =	simm.s32 $0x10900;
	v5 =	vadd.f32 v6, v5;
	v6 =	vmul.f32 v63, v9  }
0x296: {  	v7 =	vld [tilespmem:s28+$0x0]  }
0x297: {  	s29 =	simm.s32 $0x10B00;
	v3 =	vmul.f32 v3, v4;
	v5 =	vadd.f32 v6, v5  }
0x298: {  	v4 =	vld [tilespmem:s29+$0x0]  }
0x299: {  	v3 =	vadd.f32 v3, v5;
	_ =	sdelay $0x1  }
0x29a: {  	v3 =	vadd.f32 v3, v7;
	_ =	sdelay $0x1  }
0x29b: {  	v3 =	vadd.f32 v3, v4;
	_ =	sdelay $0x1  }
0x29c: {  	v3 =	vadd.f32 v3, v2  }
0x29d: {  	s30 =	simm.s32 $0x10D80  }
0x29e: {  	s31 =	simm.s32 $0x110;
	[tilespmem:s30+$0x0] =	vst v3  }
0x29f: {  	s0 =	simm.s32 $0x310;
	v4 =	vld [tilespmem:s31+$0x0]  }
0x2a0: {  	s1 =	simm.s32 $0x20;
	s4 =	simm.s32 $0x10;
	v3 =	vld [tilespmem:s0+$0x0]  }
.LBB2_6:
0x2a1: {  	p0 =	sne.s32 s1, $0xF0;
	_ =	sdelay $0x2  }
0x2a2: {  	v5 =	vmov s4;
	s4 =	smov.u32 s1;
	v4 =	vadd.s32 $0xFFF85F00, v4  }
0x2a3: {  	v5 =	vshll.u32 v5, $0x7;
	vm0 =	vlt.u32 v4, $0x7A100;
	v3 =	vadd.s32 $0xFFF85F00, v3  }
0x2a4: {  	v4 =	vsel vm0, $0x40, v0;
	vm0 =	vlt.u32 v3, $0x7A100;
	v3 =	vor.u32 v1, v5  }
0x2a5: {  	v5 =	vsel vm0, $0x40, v0;
	v4 =	vor.u32 v3, v4  }
0x2a6: {  	v3 =	vor.u32 v3, v5  }
0x2a7: {  	v5 =	vor.u32 $0x1, v4  }
0x2a8: {  	v6 =	vor.u32 $0x1, v3  }
0x2a9: {  	v7 =	vor.u32 $0x2, v4  }
0x2aa: {  	v9 =	vor.u32 $0x2, v3;
	v8 =	vld.idx.msk [tilespmem:v4+s20+$0x0], $0xffff  }
0x2ab: {  	v11 =	vor.u32 $0x3, v4;
	v10 =	vld.idx.msk [tilespmem:v3+s22+$0x0], $0xffff  }
0x2ac: {  	v12 =	vor.u32 $0x3, v3;
	v5 =	vld.idx.msk [tilespmem:v5+s20+$0x0], $0xffff  }
0x2ad: {  	v13 =	vor.u32 $0x4, v4;
	v6 =	vld.idx.msk [tilespmem:v6+s22+$0x0], $0xffff  }
0x2ae: {  	v14 =	vor.u32 $0x4, v3;
	v7 =	vld.idx.msk [tilespmem:v7+s20+$0x0], $0xffff  }
0x2af: {  	v15 =	vor.u32 $0x5, v4;
	v9 =	vld.idx.msk [tilespmem:v9+s22+$0x0], $0xffff  }
0x2b0: {  	v16 =	vor.u32 $0x5, v3;
	v11 =	vld.idx.msk [tilespmem:v11+s20+$0x0], $0xffff  }
0x2b1: {  	v8 =	vmul.f32 v10, v8;
	v10 =	vld.idx.msk [tilespmem:v12+s22+$0x0], $0xffff;
	v12 =	vor.u32 $0x6, v4  }
0x2b2: {  	v17 =	vor.u32 $0x6, v3;
	v13 =	vld.idx.msk [tilespmem:v13+s20+$0x0], $0xffff  }
0x2b3: {  	v8 =	vadd.f32 $0.0e+00, v8;
	v5 =	vmul.f32 v6, v5;
	v6 =	vld.idx.msk [tilespmem:v14+s22+$0x0], $0xffff;
	v14 =	vor.u32 $0x7, v4  }
0x2b4: {  	v18 =	vor.u32 $0x7, v3;
	v15 =	vld.idx.msk [tilespmem:v15+s20+$0x0], $0xffff  }
0x2b5: {  	v5 =	vadd.f32 v5, v8;
	v7 =	vmul.f32 v9, v7;
	v9 =	vor.u32 $0x8, v4;
	v8 =	vld.idx.msk [tilespmem:v16+s22+$0x0], $0xffff  }
0x2b6: {  	v16 =	vor.u32 $0x8, v3;
	v12 =	vld.idx.msk [tilespmem:v12+s20+$0x0], $0xffff  }
0x2b7: {  	v5 =	vadd.f32 v7, v5;
	v7 =	vmul.f32 v10, v11;
	v11 =	vor.u32 $0x9, v4;
	v10 =	vld.idx.msk [tilespmem:v17+s22+$0x0], $0xffff  }
0x2b8: {  	v17 =	vor.u32 $0x9, v3;
	v14 =	vld.idx.msk [tilespmem:v14+s20+$0x0], $0xffff  }
0x2b9: {  	v5 =	vadd.f32 v7, v5;
	v6 =	vmul.f32 v6, v13;
	v13 =	vor.u32 $0xA, v4;
	v7 =	vld.idx.msk [tilespmem:v18+s22+$0x0], $0xffff  }
0x2ba: {  	v18 =	vor.u32 $0xA, v3;
	v9 =	vld.idx.msk [tilespmem:v9+s20+$0x0], $0xffff  }
0x2bb: {  	v5 =	vadd.f32 v6, v5;
	v6 =	vmul.f32 v8, v15;
	v15 =	vor.u32 $0xB, v4;
	v8 =	vld.idx.msk [tilespmem:v16+s22+$0x0], $0xffff  }
0x2bc: {  	v16 =	vor.u32 $0xB, v3;
	v11 =	vld.idx.msk [tilespmem:v11+s20+$0x0], $0xffff  }
0x2bd: {  	v5 =	vadd.f32 v6, v5;
	v6 =	vmul.f32 v10, v12;
	v12 =	vor.u32 $0xC, v4;
	v10 =	vld.idx.msk [tilespmem:v17+s22+$0x0], $0xffff  }
0x2be: {  	v17 =	vor.u32 $0xC, v3;
	v13 =	vld.idx.msk [tilespmem:v13+s20+$0x0], $0xffff  }
0x2bf: {  	v5 =	vadd.f32 v6, v5;
	v6 =	vmul.f32 v7, v14;
	v14 =	vor.u32 $0xD, v4;
	v7 =	vld.idx.msk [tilespmem:v18+s22+$0x0], $0xffff  }
0x2c0: {  	v18 =	vor.u32 $0xD, v3;
	v15 =	vld.idx.msk [tilespmem:v15+s20+$0x0], $0xffff  }
0x2c1: {  	v5 =	vadd.f32 v6, v5;
	v6 =	vmul.f32 v8, v9;
	v9 =	vor.u32 $0xE, v4;
	v8 =	vld.idx.msk [tilespmem:v16+s22+$0x0], $0xffff  }
0x2c2: {  	v16 =	vor.u32 $0xE, v3;
	v12 =	vld.idx.msk [tilespmem:v12+s20+$0x0], $0xffff  }
0x2c3: {  	v5 =	vadd.f32 v6, v5;
	v6 =	vmul.f32 v10, v11;
	v11 =	vor.u32 $0xF, v4;
	v10 =	vld.idx.msk [tilespmem:v17+s22+$0x0], $0xffff  }
0x2c4: {  	v17 =	vor.u32 $0xF, v3;
	v14 =	vld.idx.msk [tilespmem:v14+s20+$0x0], $0xffff  }
0x2c5: {  	v5 =	vadd.f32 v6, v5;
	v6 =	vmul.f32 v7, v13;
	v13 =	vor.u32 $0x10, v4;
	v7 =	vld.idx.msk [tilespmem:v18+s22+$0x0], $0xffff  }
0x2c6: {  	v18 =	vor.u32 $0x10, v3;
	v9 =	vld.idx.msk [tilespmem:v9+s20+$0x0], $0xffff  }
0x2c7: {  	v5 =	vadd.f32 v6, v5;
	v6 =	vmul.f32 v8, v15;
	v15 =	vor.u32 $0x11, v4;
	v8 =	vld.idx.msk [tilespmem:v16+s22+$0x0], $0xffff  }
0x2c8: {  	v16 =	vor.u32 $0x11, v3;
	v11 =	vld.idx.msk [tilespmem:v11+s20+$0x0], $0xffff  }
0x2c9: {  	v5 =	vadd.f32 v6, v5;
	v6 =	vmul.f32 v10, v12;
	v12 =	vor.u32 $0x12, v4;
	v10 =	vld.idx.msk [tilespmem:v17+s22+$0x0], $0xffff  }
0x2ca: {  	v17 =	vor.u32 $0x12, v3;
	v13 =	vld.idx.msk [tilespmem:v13+s20+$0x0], $0xffff  }
0x2cb: {  	v5 =	vadd.f32 v6, v5;
	v6 =	vmul.f32 v7, v14;
	v14 =	vor.u32 $0x13, v4;
	v7 =	vld.idx.msk [tilespmem:v18+s22+$0x0], $0xffff  }
0x2cc: {  	v18 =	vor.u32 $0x13, v3;
	v15 =	vld.idx.msk [tilespmem:v15+s20+$0x0], $0xffff  }
0x2cd: {  	v5 =	vadd.f32 v6, v5;
	v6 =	vmul.f32 v8, v9;
	v9 =	vor.u32 $0x14, v4;
	v8 =	vld.idx.msk [tilespmem:v16+s22+$0x0], $0xffff  }
0x2ce: {  	v16 =	vor.u32 $0x14, v3;
	v12 =	vld.idx.msk [tilespmem:v12+s20+$0x0], $0xffff  }
0x2cf: {  	v5 =	vadd.f32 v6, v5;
	v6 =	vmul.f32 v10, v11;
	v11 =	vor.u32 $0x15, v4;
	v10 =	vld.idx.msk [tilespmem:v17+s22+$0x0], $0xffff  }
0x2d0: {  	v17 =	vor.u32 $0x15, v3;
	v14 =	vld.idx.msk [tilespmem:v14+s20+$0x0], $0xffff  }
0x2d1: {  	v5 =	vadd.f32 v6, v5;
	v6 =	vmul.f32 v7, v13;
	v13 =	vor.u32 $0x16, v4;
	v7 =	vld.idx.msk [tilespmem:v18+s22+$0x0], $0xffff  }
0x2d2: {  	v18 =	vor.u32 $0x16, v3;
	v9 =	vld.idx.msk [tilespmem:v9+s20+$0x0], $0xffff  }
0x2d3: {  	v5 =	vadd.f32 v6, v5;
	v6 =	vmul.f32 v8, v15;
	v15 =	vor.u32 $0x17, v4;
	v8 =	vld.idx.msk [tilespmem:v16+s22+$0x0], $0xffff  }
0x2d4: {  	v16 =	vor.u32 $0x17, v3;
	v11 =	vld.idx.msk [tilespmem:v11+s20+$0x0], $0xffff  }
0x2d5: {  	v5 =	vadd.f32 v6, v5;
	v6 =	vmul.f32 v10, v12;
	v12 =	vor.u32 $0x18, v4;
	v10 =	vld.idx.msk [tilespmem:v17+s22+$0x0], $0xffff  }
0x2d6: {  	v17 =	vor.u32 $0x18, v3;
	v13 =	vld.idx.msk [tilespmem:v13+s20+$0x0], $0xffff  }
0x2d7: {  	v5 =	vadd.f32 v6, v5;
	v6 =	vmul.f32 v7, v14;
	v14 =	vor.u32 $0x19, v4;
	v7 =	vld.idx.msk [tilespmem:v18+s22+$0x0], $0xffff  }
0x2d8: {  	v18 =	vor.u32 $0x19, v3;
	v15 =	vld.idx.msk [tilespmem:v15+s20+$0x0], $0xffff  }
0x2d9: {  	v5 =	vadd.f32 v6, v5;
	v6 =	vmul.f32 v8, v9;
	v9 =	vor.u32 $0x1A, v4;
	v8 =	vld.idx.msk [tilespmem:v16+s22+$0x0], $0xffff  }
0x2da: {  	v16 =	vor.u32 $0x1A, v3;
	v12 =	vld.idx.msk [tilespmem:v12+s20+$0x0], $0xffff  }
0x2db: {  	v5 =	vadd.f32 v6, v5;
	v6 =	vmul.f32 v10, v11;
	v11 =	vor.u32 $0x1B, v4;
	v10 =	vld.idx.msk [tilespmem:v17+s22+$0x0], $0xffff  }
0x2dc: {  	v17 =	vor.u32 $0x1B, v3;
	v14 =	vld.idx.msk [tilespmem:v14+s20+$0x0], $0xffff  }
0x2dd: {  	v5 =	vadd.f32 v6, v5;
	v6 =	vmul.f32 v7, v13;
	v13 =	vor.u32 $0x1C, v4;
	v7 =	vld.idx.msk [tilespmem:v18+s22+$0x0], $0xffff  }
0x2de: {  	v18 =	vor.u32 $0x1C, v3;
	v9 =	vld.idx.msk [tilespmem:v9+s20+$0x0], $0xffff  }
0x2df: {  	v5 =	vadd.f32 v6, v5;
	v6 =	vmul.f32 v8, v15;
	v15 =	vor.u32 $0x1D, v4;
	v8 =	vld.idx.msk [tilespmem:v16+s22+$0x0], $0xffff  }
0x2e0: {  	v16 =	vor.u32 $0x1D, v3;
	v11 =	vld.idx.msk [tilespmem:v11+s20+$0x0], $0xffff  }
0x2e1: {  	v5 =	vadd.f32 v6, v5;
	v6 =	vmul.f32 v10, v12;
	v12 =	vor.u32 $0x1E, v4;
	v10 =	vld.idx.msk [tilespmem:v17+s22+$0x0], $0xffff  }
0x2e2: {  	v17 =	vor.u32 $0x1E, v3;
	v13 =	vld.idx.msk [tilespmem:v13+s20+$0x0], $0xffff  }
0x2e3: {  	v5 =	vadd.f32 v6, v5;
	v6 =	vmul.f32 v7, v14;
	v14 =	vor.u32 $0x1F, v4;
	v7 =	vld.idx.msk [tilespmem:v18+s22+$0x0], $0xffff  }
0x2e4: {  	v18 =	vor.u32 $0x1F, v3;
	v15 =	vld.idx.msk [tilespmem:v15+s20+$0x0], $0xffff  }
0x2e5: {  	v5 =	vadd.f32 v6, v5;
	v6 =	vmul.f32 v8, v9;
	v9 =	vor.u32 $0x20, v4;
	v8 =	vld.idx.msk [tilespmem:v16+s22+$0x0], $0xffff  }
0x2e6: {  	v16 =	vor.u32 $0x20, v3;
	v12 =	vld.idx.msk [tilespmem:v12+s20+$0x0], $0xffff  }
0x2e7: {  	v5 =	vadd.f32 v6, v5;
	v6 =	vmul.f32 v10, v11;
	v11 =	vor.u32 $0x21, v4;
	v10 =	vld.idx.msk [tilespmem:v17+s22+$0x0], $0xffff  }
0x2e8: {  	v17 =	vor.u32 $0x21, v3;
	v14 =	vld.idx.msk [tilespmem:v14+s20+$0x0], $0xffff  }
0x2e9: {  	v5 =	vadd.f32 v6, v5;
	v6 =	vmul.f32 v7, v13;
	v13 =	vor.u32 $0x22, v4;
	v7 =	vld.idx.msk [tilespmem:v18+s22+$0x0], $0xffff  }
0x2ea: {  	v18 =	vor.u32 $0x22, v3;
	v9 =	vld.idx.msk [tilespmem:v9+s20+$0x0], $0xffff  }
0x2eb: {  	v5 =	vadd.f32 v6, v5;
	v6 =	vmul.f32 v8, v15;
	v15 =	vor.u32 $0x23, v4;
	v8 =	vld.idx.msk [tilespmem:v16+s22+$0x0], $0xffff  }
0x2ec: {  	v16 =	vor.u32 $0x23, v3;
	v11 =	vld.idx.msk [tilespmem:v11+s20+$0x0], $0xffff  }
0x2ed: {  	v5 =	vadd.f32 v6, v5;
	v6 =	vmul.f32 v10, v12;
	v12 =	vor.u32 $0x24, v4;
	v10 =	vld.idx.msk [tilespmem:v17+s22+$0x0], $0xffff  }
0x2ee: {  	v17 =	vor.u32 $0x24, v3;
	v13 =	vld.idx.msk [tilespmem:v13+s20+$0x0], $0xffff  }
0x2ef: {  	v5 =	vadd.f32 v6, v5;
	v6 =	vmul.f32 v7, v14;
	v14 =	vor.u32 $0x25, v4;
	v7 =	vld.idx.msk [tilespmem:v18+s22+$0x0], $0xffff  }
0x2f0: {  	v18 =	vor.u32 $0x25, v3;
	v15 =	vld.idx.msk [tilespmem:v15+s20+$0x0], $0xffff  }
0x2f1: {  	v5 =	vadd.f32 v6, v5;
	v6 =	vmul.f32 v8, v9;
	v9 =	vor.u32 $0x26, v4;
	v8 =	vld.idx.msk [tilespmem:v16+s22+$0x0], $0xffff  }
0x2f2: {  	v16 =	vor.u32 $0x26, v3;
	v12 =	vld.idx.msk [tilespmem:v12+s20+$0x0], $0xffff  }
0x2f3: {  	v5 =	vadd.f32 v6, v5;
	v6 =	vmul.f32 v10, v11;
	v11 =	vor.u32 $0x27, v4;
	v10 =	vld.idx.msk [tilespmem:v17+s22+$0x0], $0xffff  }
0x2f4: {  	v17 =	vor.u32 $0x27, v3;
	v14 =	vld.idx.msk [tilespmem:v14+s20+$0x0], $0xffff  }
0x2f5: {  	v5 =	vadd.f32 v6, v5;
	v6 =	vmul.f32 v7, v13;
	v13 =	vor.u32 $0x28, v4;
	v7 =	vld.idx.msk [tilespmem:v18+s22+$0x0], $0xffff  }
0x2f6: {  	v18 =	vor.u32 $0x28, v3;
	v9 =	vld.idx.msk [tilespmem:v9+s20+$0x0], $0xffff  }
0x2f7: {  	v5 =	vadd.f32 v6, v5;
	v6 =	vmul.f32 v8, v15;
	v15 =	vor.u32 $0x29, v4;
	v8 =	vld.idx.msk [tilespmem:v16+s22+$0x0], $0xffff  }
0x2f8: {  	v16 =	vor.u32 $0x29, v3;
	v11 =	vld.idx.msk [tilespmem:v11+s20+$0x0], $0xffff  }
0x2f9: {  	v5 =	vadd.f32 v6, v5;
	v6 =	vmul.f32 v10, v12;
	v12 =	vor.u32 $0x2A, v4;
	v10 =	vld.idx.msk [tilespmem:v17+s22+$0x0], $0xffff  }
0x2fa: {  	v17 =	vor.u32 $0x2A, v3;
	v13 =	vld.idx.msk [tilespmem:v13+s20+$0x0], $0xffff  }
0x2fb: {  	v5 =	vadd.f32 v6, v5;
	v6 =	vmul.f32 v7, v14;
	v14 =	vor.u32 $0x2B, v4;
	v7 =	vld.idx.msk [tilespmem:v18+s22+$0x0], $0xffff  }
0x2fc: {  	v18 =	vor.u32 $0x2B, v3;
	v15 =	vld.idx.msk [tilespmem:v15+s20+$0x0], $0xffff  }
0x2fd: {  	v5 =	vadd.f32 v6, v5;
	v6 =	vmul.f32 v8, v9;
	v9 =	vor.u32 $0x2C, v4;
	v8 =	vld.idx.msk [tilespmem:v16+s22+$0x0], $0xffff  }
0x2fe: {  	v16 =	vor.u32 $0x2C, v3;
	v12 =	vld.idx.msk [tilespmem:v12+s20+$0x0], $0xffff  }
0x2ff: {  	v5 =	vadd.f32 v6, v5;
	v6 =	vmul.f32 v10, v11;
	v11 =	vor.u32 $0x2D, v4;
	v10 =	vld.idx.msk [tilespmem:v17+s22+$0x0], $0xffff  }
0x300: {  	v17 =	vor.u32 $0x2D, v3;
	v14 =	vld.idx.msk [tilespmem:v14+s20+$0x0], $0xffff  }
0x301: {  	v5 =	vadd.f32 v6, v5;
	v6 =	vmul.f32 v7, v13;
	v13 =	vor.u32 $0x2E, v4;
	v7 =	vld.idx.msk [tilespmem:v18+s22+$0x0], $0xffff  }
0x302: {  	v18 =	vor.u32 $0x2E, v3;
	v9 =	vld.idx.msk [tilespmem:v9+s20+$0x0], $0xffff  }
0x303: {  	v5 =	vadd.f32 v6, v5;
	v6 =	vmul.f32 v8, v15;
	v15 =	vor.u32 $0x2F, v4;
	v8 =	vld.idx.msk [tilespmem:v16+s22+$0x0], $0xffff  }
0x304: {  	v16 =	vor.u32 $0x2F, v3;
	v11 =	vld.idx.msk [tilespmem:v11+s20+$0x0], $0xffff  }
0x305: {  	v5 =	vadd.f32 v6, v5;
	v6 =	vmul.f32 v10, v12;
	v12 =	vor.u32 $0x30, v4;
	v10 =	vld.idx.msk [tilespmem:v17+s22+$0x0], $0xffff  }
0x306: {  	v17 =	vor.u32 $0x30, v3;
	v13 =	vld.idx.msk [tilespmem:v13+s20+$0x0], $0xffff  }
0x307: {  	v5 =	vadd.f32 v6, v5;
	v6 =	vmul.f32 v7, v14;
	v14 =	vor.u32 $0x31, v4;
	v7 =	vld.idx.msk [tilespmem:v18+s22+$0x0], $0xffff  }
0x308: {  	v18 =	vor.u32 $0x31, v3;
	v15 =	vld.idx.msk [tilespmem:v15+s20+$0x0], $0xffff  }
0x309: {  	v5 =	vadd.f32 v6, v5;
	v6 =	vmul.f32 v8, v9;
	v9 =	vor.u32 $0x32, v4;
	v8 =	vld.idx.msk [tilespmem:v16+s22+$0x0], $0xffff  }
0x30a: {  	v16 =	vor.u32 $0x32, v3;
	v12 =	vld.idx.msk [tilespmem:v12+s20+$0x0], $0xffff  }
0x30b: {  	v5 =	vadd.f32 v6, v5;
	v6 =	vmul.f32 v10, v11;
	v11 =	vor.u32 $0x33, v4;
	v10 =	vld.idx.msk [tilespmem:v17+s22+$0x0], $0xffff  }
0x30c: {  	v17 =	vor.u32 $0x33, v3;
	v14 =	vld.idx.msk [tilespmem:v14+s20+$0x0], $0xffff  }
0x30d: {  	v5 =	vadd.f32 v6, v5;
	v6 =	vmul.f32 v7, v13;
	v13 =	vor.u32 $0x34, v4;
	v7 =	vld.idx.msk [tilespmem:v18+s22+$0x0], $0xffff  }
0x30e: {  	v18 =	vor.u32 $0x34, v3;
	v9 =	vld.idx.msk [tilespmem:v9+s20+$0x0], $0xffff  }
0x30f: {  	v5 =	vadd.f32 v6, v5;
	v6 =	vmul.f32 v8, v15;
	v15 =	vor.u32 $0x35, v4;
	v8 =	vld.idx.msk [tilespmem:v16+s22+$0x0], $0xffff  }
0x310: {  	v16 =	vor.u32 $0x35, v3;
	v11 =	vld.idx.msk [tilespmem:v11+s20+$0x0], $0xffff  }
0x311: {  	v5 =	vadd.f32 v6, v5;
	v6 =	vmul.f32 v10, v12;
	v12 =	vor.u32 $0x36, v4;
	v10 =	vld.idx.msk [tilespmem:v17+s22+$0x0], $0xffff  }
0x312: {  	v17 =	vor.u32 $0x36, v3;
	v13 =	vld.idx.msk [tilespmem:v13+s20+$0x0], $0xffff  }
0x313: {  	v5 =	vadd.f32 v6, v5;
	v6 =	vmul.f32 v7, v14;
	v14 =	vor.u32 $0x37, v4;
	v7 =	vld.idx.msk [tilespmem:v18+s22+$0x0], $0xffff  }
0x314: {  	v18 =	vor.u32 $0x37, v3;
	v15 =	vld.idx.msk [tilespmem:v15+s20+$0x0], $0xffff  }
0x315: {  	v5 =	vadd.f32 v6, v5;
	v6 =	vmul.f32 v8, v9;
	v9 =	vor.u32 $0x38, v4;
	v8 =	vld.idx.msk [tilespmem:v16+s22+$0x0], $0xffff  }
0x316: {  	v16 =	vor.u32 $0x38, v3;
	v12 =	vld.idx.msk [tilespmem:v12+s20+$0x0], $0xffff  }
0x317: {  	v5 =	vadd.f32 v6, v5;
	v6 =	vmul.f32 v10, v11;
	v11 =	vor.u32 $0x39, v4;
	v10 =	vld.idx.msk [tilespmem:v17+s22+$0x0], $0xffff  }
0x318: {  	v17 =	vor.u32 $0x39, v3;
	v14 =	vld.idx.msk [tilespmem:v14+s20+$0x0], $0xffff  }
0x319: {  	v5 =	vadd.f32 v6, v5;
	v6 =	vmul.f32 v7, v13;
	v13 =	vor.u32 $0x3A, v4;
	v7 =	vld.idx.msk [tilespmem:v18+s22+$0x0], $0xffff  }
0x31a: {  	v18 =	vor.u32 $0x3A, v3;
	v9 =	vld.idx.msk [tilespmem:v9+s20+$0x0], $0xffff  }
0x31b: {  	v5 =	vadd.f32 v6, v5;
	v6 =	vmul.f32 v8, v15;
	v15 =	vor.u32 $0x3B, v4;
	v8 =	vld.idx.msk [tilespmem:v16+s22+$0x0], $0xffff  }
0x31c: {  	v16 =	vor.u32 $0x3B, v3;
	v11 =	vld.idx.msk [tilespmem:v11+s20+$0x0], $0xffff  }
0x31d: {  	v5 =	vadd.f32 v6, v5;
	v6 =	vmul.f32 v10, v12;
	v12 =	vor.u32 $0x3C, v4;
	v10 =	vld.idx.msk [tilespmem:v17+s22+$0x0], $0xffff  }
0x31e: {  	v17 =	vor.u32 $0x3C, v3;
	v13 =	vld.idx.msk [tilespmem:v13+s20+$0x0], $0xffff  }
0x31f: {  	v5 =	vadd.f32 v6, v5;
	v6 =	vmul.f32 v7, v14;
	v14 =	vor.u32 $0x3D, v4;
	v7 =	vld.idx.msk [tilespmem:v18+s22+$0x0], $0xffff  }
0x320: {  	v18 =	vor.u32 $0x3D, v3;
	v15 =	vld.idx.msk [tilespmem:v15+s20+$0x0], $0xffff  }
0x321: {  	v5 =	vadd.f32 v6, v5;
	v6 =	vmul.f32 v8, v9;
	v9 =	vor.u32 $0x3E, v4;
	v8 =	vld.idx.msk [tilespmem:v16+s22+$0x0], $0xffff  }
0x322: {  	v16 =	vor.u32 $0x3E, v3;
	v12 =	vld.idx.msk [tilespmem:v12+s20+$0x0], $0xffff  }
0x323: {  	v4 =	vor.u32 $0x3F, v4;
	v5 =	vadd.f32 v6, v5;
	v6 =	vmul.f32 v10, v11;
	v10 =	vld.idx.msk [tilespmem:v17+s22+$0x0], $0xffff  }
0x324: {  	v3 =	vor.u32 $0x3F, v3;
	v11 =	vld.idx.msk [tilespmem:v14+s20+$0x0], $0xffff  }
0x325: {  	v5 =	vadd.f32 v6, v5;
	v6 =	vmul.f32 v7, v13;
	v7 =	vld.idx.msk [tilespmem:v18+s22+$0x0], $0xffff  }
0x326: {  	v9 =	vld.idx.msk [tilespmem:v9+s20+$0x0], $0xffff  }
0x327: {  	v5 =	vadd.f32 v6, v5;
	v6 =	vmul.f32 v8, v15;
	v8 =	vld.idx.msk [tilespmem:v16+s22+$0x0], $0xffff  }
0x328: {  	v4 =	vld.idx.msk [tilespmem:v4+s20+$0x0], $0xffff  }
0x329: {  	v5 =	vadd.f32 v6, v5;
	v6 =	vmul.f32 v10, v12;
	v3 =	vld.idx.msk [tilespmem:v3+s22+$0x0], $0xffff;
	_ =	sdelay $0x1  }
0x32a: {  	v5 =	vadd.f32 v6, v5;
	v6 =	vmul.f32 v7, v11;
	_ =	sdelay $0x1  }
0x32b: {  	s28 =	sadd.s32 $0x10, s28;
	v5 =	vadd.f32 v6, v5;
	v6 =	vmul.f32 v8, v9  }
0x32c: {  	v7 =	vld [tilespmem:s28+$0x0]  }
0x32d: {  	s29 =	sadd.s32 $0x10, s29;
	v5 =	vadd.f32 v6, v5;
	v3 =	vmul.f32 v3, v4  }
0x32e: {  	v4 =	vld [tilespmem:s29+$0x0]  }
0x32f: {  	v3 =	vadd.f32 v3, v5;
	_ =	sdelay $0x1  }
0x330: {  	v3 =	vadd.f32 v3, v7;
	_ =	sdelay $0x1  }
0x331: {  	v3 =	vadd.f32 v3, v4;
	_ =	sdelay $0x1  }
.Ltmp2:
0x332: {  	v3 =	vadd.f32 v3, v2;
	(pc) =	sbr.rel @p0 .LBB2_6-.Ltmp2, $4  }
0x333: {  	s30 =	sadd.s32 $0x10, s30  }
0x334: {  	s31 =	sadd.s32 $0x10, s31;
	[tilespmem:s30+$0x0] =	vst v3  }
0x335: {  	s0 =	sadd.s32 $0x10, s0;
	v4 =	vld [tilespmem:s31+$0x0]  }
0x336: {  	s1 =	sadd.s32 $0x10, s1;
	v3 =	vld [tilespmem:s0+$0x0]  }
0x337: {  	_ =	sdelay $0x2  }
0x338: {  	v5 =	vmov s4;
	v4 =	vadd.s32 $0xFFF85F00, v4  }
0x339: {  	v5 =	vshll.u32 v5, $0x7;
	vm0 =	vlt.u32 v4, $0x7A100;
	v3 =	vadd.s32 $0xFFF85F00, v3  }
0x33a: {  	v4 =	vsel vm0, $0x40, v0;
	vm15 =	vlt.u32 v3, $0x7A100;
	v3 =	vor.u32 v1, v5  }
0x33b: {  	v44 =	vsel vm15, $0x40, v0;
	v4 =	vor.u32 v3, v4  }
0x33c: {  	v3 =	vor.u32 v3, v44  }
0x33d: {  	v45 =	vor.u32 $0x1, v4  }
0x33e: {  	v6 =	vor.u32 $0x1, v3  }
0x33f: {  	v7 =	vor.u32 $0x2, v4  }
0x340: {  	v9 =	vor.u32 $0x2, v3;
	v8 =	vld.idx.msk [tilespmem:v4+s20+$0x0], $0xffff  }
0x341: {  	v11 =	vor.u32 $0x3, v4;
	v10 =	vld.idx.msk [tilespmem:v3+s22+$0x0], $0xffff  }
0x342: {  	v12 =	vor.u32 $0x3, v3;
	v5 =	vld.idx.msk [tilespmem:v45+s20+$0x0], $0xffff  }
0x343: {  	v13 =	vor.u32 $0x4, v4;
	v6 =	vld.idx.msk [tilespmem:v6+s22+$0x0], $0xffff  }
0x344: {  	v14 =	vor.u32 $0x4, v3;
	v7 =	vld.idx.msk [tilespmem:v7+s20+$0x0], $0xffff  }
0x345: {  	v15 =	vor.u32 $0x5, v4;
	v9 =	vld.idx.msk [tilespmem:v9+s22+$0x0], $0xffff  }
0x346: {  	v16 =	vor.u32 $0x5, v3;
	v11 =	vld.idx.msk [tilespmem:v11+s20+$0x0], $0xffff;
	v8 =	vmul.f32 v10, v8  }
0x347: {  	v47 =	vor.u32 $0x6, v4;
	v46 =	vld.idx.msk [tilespmem:v12+s22+$0x0], $0xffff  }
0x348: {  	v17 =	vor.u32 $0x6, v3;
	v13 =	vld.idx.msk [tilespmem:v13+s20+$0x0], $0xffff;
	v5 =	vmul.f32 v6, v5;
	v8 =	vadd.f32 $0.0e+00, v8  }
0x349: {  	v49 =	vor.u32 $0x7, v4;
	v48 =	vld.idx.msk [tilespmem:v14+s22+$0x0], $0xffff  }
0x34a: {  	v18 =	vor.u32 $0x7, v3;
	v15 =	vld.idx.msk [tilespmem:v15+s20+$0x0], $0xffff;
	v7 =	vmul.f32 v9, v7;
	v5 =	vadd.f32 v5, v8  }
0x34b: {  	v52 =	vor.u32 $0x8, v3;
	v50 =	vld.idx.msk [tilespmem:v16+s22+$0x0], $0xffff  }
0x34c: {  	v51 =	vor.u32 $0x8, v4;
	v12 =	vld.idx.msk [tilespmem:v47+s20+$0x0], $0xffff;
	v53 =	vmul.f32 v46, v11;
	v5 =	vadd.f32 v7, v5  }
0x34d: {  	v56 =	vor.u32 $0x9, v3;
	v54 =	vld.idx.msk [tilespmem:v17+s22+$0x0], $0xffff  }
0x34e: {  	v55 =	vor.u32 $0x9, v4;
	v14 =	vld.idx.msk [tilespmem:v49+s20+$0x0], $0xffff;
	v6 =	vmul.f32 v48, v13;
	v5 =	vadd.f32 v53, v5  }
0x34f: {  	v59 =	vor.u32 $0xA, v3;
	v57 =	vld.idx.msk [tilespmem:v18+s22+$0x0], $0xffff  }
0x350: {  	v58 =	vor.u32 $0xA, v4;
	v61 =	vld.idx.msk [tilespmem:v52+s22+$0x0], $0xffff;
	v60 =	vmul.f32 v50, v15;
	v5 =	vadd.f32 v6, v5  }
0x351: {  	v63 =	vor.u32 $0xB, v3;
	v9 =	vld.idx.msk [tilespmem:v51+s20+$0x0], $0xffff  }
0x352: {  	v62 =	vor.u32 $0xB, v4;
	v21 =	vld.idx.msk [tilespmem:v56+s22+$0x0], $0xffff;
	v20 =	vmul.f32 v54, v12;
	v5 =	vadd.f32 v60, v5  }
0x353: {  	v23 =	vor.u32 $0xC, v3;
	v11 =	vld.idx.msk [tilespmem:v55+s20+$0x0], $0xffff  }
0x354: {  	v22 =	vor.u32 $0xC, v4;
	v25 =	vld.idx.msk [tilespmem:v59+s22+$0x0], $0xffff;
	v24 =	vmul.f32 v57, v14;
	v5 =	vadd.f32 v20, v5  }
0x355: {  	v27 =	vor.u32 $0xD, v3;
	v13 =	vld.idx.msk [tilespmem:v58+s20+$0x0], $0xffff  }
0x356: {  	v26 =	vor.u32 $0xD, v4;
	v29 =	vld.idx.msk [tilespmem:v63+s22+$0x0], $0xffff;
	v28 =	vmul.f32 v61, v9;
	v5 =	vadd.f32 v24, v5  }
0x357: {  	v31 =	vor.u32 $0xE, v3;
	v15 =	vld.idx.msk [tilespmem:v62+s20+$0x0], $0xffff  }
0x358: {  	v30 =	vor.u32 $0xE, v4;
	v33 =	vld.idx.msk [tilespmem:v23+s22+$0x0], $0xffff;
	v32 =	vmul.f32 v21, v11;
	v5 =	vadd.f32 v28, v5  }
0x359: {  	v35 =	vor.u32 $0xF, v3;
	v12 =	vld.idx.msk [tilespmem:v22+s20+$0x0], $0xffff  }
0x35a: {  	v34 =	vor.u32 $0xF, v4;
	v37 =	vld.idx.msk [tilespmem:v27+s22+$0x0], $0xffff;
	v36 =	vmul.f32 v25, v13;
	v5 =	vadd.f32 v32, v5  }
0x35b: {  	v39 =	vor.u32 $0x10, v3;
	v14 =	vld.idx.msk [tilespmem:v26+s20+$0x0], $0xffff  }
0x35c: {  	v38 =	vor.u32 $0x10, v4;
	v41 =	vld.idx.msk [tilespmem:v31+s22+$0x0], $0xffff;
	v40 =	vmul.f32 v29, v15;
	v5 =	vadd.f32 v36, v5  }
0x35d: {  	v42 =	vor.u32 $0x11, v4;
	v9 =	vld.idx.msk [tilespmem:v30+s20+$0x0], $0xffff  }
0x35e: {  	v43 =	vor.u32 $0x11, v3;
	v45 =	vld.idx.msk [tilespmem:v35+s22+$0x0], $0xffff;
	v44 =	vmul.f32 v33, v12;
	v5 =	vadd.f32 v40, v5  }
0x35f: {  	v47 =	vor.u32 $0x12, v3;
	v11 =	vld.idx.msk [tilespmem:v34+s20+$0x0], $0xffff  }
0x360: {  	v49 =	vld.idx.msk [tilespmem:v39+s22+$0x0], $0xffff;
	v46 =	vor.u32 $0x12, v4;
	v48 =	vmul.f32 v37, v14;
	v5 =	vadd.f32 v44, v5  }
0x361: {  	v50 =	vor.u32 $0x13, v4;
	v13 =	vld.idx.msk [tilespmem:v38+s20+$0x0], $0xffff  }
0x362: {  	v51 =	vor.u32 $0x13, v3;
	v15 =	vld.idx.msk [tilespmem:v42+s20+$0x0], $0xffff;
	v52 =	vmul.f32 v41, v9;
	v5 =	vadd.f32 v48, v5  }
0x363: {  	v55 =	vor.u32 $0x14, v3;
	v53 =	vld.idx.msk [tilespmem:v43+s22+$0x0], $0xffff  }
0x364: {  	v54 =	vor.u32 $0x14, v4;
	v57 =	vld.idx.msk [tilespmem:v47+s22+$0x0], $0xffff;
	v56 =	vmul.f32 v45, v11;
	v5 =	vadd.f32 v52, v5  }
0x365: {  	v59 =	vor.u32 $0x15, v3;
	v12 =	vld.idx.msk [tilespmem:v46+s20+$0x0], $0xffff  }
0x366: {  	v58 =	vor.u32 $0x15, v4;
	v14 =	vld.idx.msk [tilespmem:v50+s20+$0x0], $0xffff;
	v60 =	vmul.f32 v49, v13;
	v5 =	vadd.f32 v56, v5  }
0x367: {  	v63 =	vor.u32 $0x16, v3;
	v61 =	vld.idx.msk [tilespmem:v51+s22+$0x0], $0xffff  }
0x368: {  	v62 =	vor.u32 $0x16, v4;
	v22 =	vld.idx.msk [tilespmem:v55+s22+$0x0], $0xffff;
	v21 =	vmul.f32 v53, v15;
	v5 =	vadd.f32 v60, v5  }
0x369: {  	v23 =	vor.u32 $0x17, v4;
	v9 =	vld.idx.msk [tilespmem:v54+s20+$0x0], $0xffff  }
0x36a: {  	v26 =	vld.idx.msk [tilespmem:v59+s22+$0x0], $0xffff;
	v25 =	vmul.f32 v57, v12;
	v24 =	vor.u32 $0x17, v3;
	v5 =	vadd.f32 v21, v5  }
0x36b: {  	v27 =	vor.u32 $0x18, v4;
	v11 =	vld.idx.msk [tilespmem:v58+s20+$0x0], $0xffff  }
0x36c: {  	v30 =	vld.idx.msk [tilespmem:v63+s22+$0x0], $0xffff;
	v29 =	vmul.f32 v61, v14;
	v28 =	vor.u32 $0x18, v3;
	v5 =	vadd.f32 v25, v5  }
0x36d: {  	v31 =	vor.u32 $0x19, v4;
	v13 =	vld.idx.msk [tilespmem:v62+s20+$0x0], $0xffff  }
0x36e: {  	v15 =	vld.idx.msk [tilespmem:v23+s20+$0x0], $0xffff;
	v33 =	vmul.f32 v22, v9;
	v32 =	vor.u32 $0x19, v3;
	v5 =	vadd.f32 v29, v5  }
0x36f: {  	v35 =	vor.u32 $0x1A, v4;
	v34 =	vld.idx.msk [tilespmem:v24+s22+$0x0], $0xffff  }
0x370: {  	v12 =	vld.idx.msk [tilespmem:v27+s20+$0x0], $0xffff;
	v37 =	vmul.f32 v26, v11;
	v36 =	vor.u32 $0x1A, v3;
	v5 =	vadd.f32 v33, v5  }
0x371: {  	v39 =	vor.u32 $0x1B, v4;
	v38 =	vld.idx.msk [tilespmem:v28+s22+$0x0], $0xffff  }
0x372: {  	v14 =	vld.idx.msk [tilespmem:v31+s20+$0x0], $0xffff;
	v41 =	vmul.f32 v30, v13;
	v40 =	vor.u32 $0x1B, v3;
	v5 =	vadd.f32 v37, v5  }
0x373: {  	v43 =	vor.u32 $0x1C, v4;
	v42 =	vld.idx.msk [tilespmem:v32+s22+$0x0], $0xffff  }
0x374: {  	v9 =	vld.idx.msk [tilespmem:v35+s20+$0x0], $0xffff;
	v44 =	vor.u32 $0x1C, v3;
	v45 =	vmul.f32 v34, v15;
	v5 =	vadd.f32 v41, v5  }
0x375: {  	v47 =	vor.u32 $0x1D, v4;
	v46 =	vld.idx.msk [tilespmem:v36+s22+$0x0], $0xffff  }
0x376: {  	v11 =	vld.idx.msk [tilespmem:v39+s20+$0x0], $0xffff;
	v48 =	vor.u32 $0x1D, v3;
	v49 =	vmul.f32 v38, v12;
	v5 =	vadd.f32 v45, v5  }
0x377: {  	v51 =	vor.u32 $0x1E, v4;
	v50 =	vld.idx.msk [tilespmem:v40+s22+$0x0], $0xffff  }
0x378: {  	v13 =	vld.idx.msk [tilespmem:v43+s20+$0x0], $0xffff;
	v52 =	vor.u32 $0x1E, v3;
	v53 =	vmul.f32 v42, v14;
	v5 =	vadd.f32 v49, v5  }
0x379: {  	v55 =	vor.u32 $0x1F, v4;
	v54 =	vld.idx.msk [tilespmem:v44+s22+$0x0], $0xffff  }
0x37a: {  	v15 =	vld.idx.msk [tilespmem:v47+s20+$0x0], $0xffff;
	v56 =	vor.u32 $0x1F, v3;
	v57 =	vmul.f32 v46, v9;
	v5 =	vadd.f32 v53, v5  }
0x37b: {  	v59 =	vor.u32 $0x20, v4;
	v58 =	vld.idx.msk [tilespmem:v48+s22+$0x0], $0xffff  }
0x37c: {  	v12 =	vld.idx.msk [tilespmem:v51+s20+$0x0], $0xffff;
	v60 =	vor.u32 $0x20, v3;
	v61 =	vmul.f32 v50, v11;
	v5 =	vadd.f32 v57, v5  }
0x37d: {  	v63 =	vor.u32 $0x21, v4;
	v62 =	vld.idx.msk [tilespmem:v52+s22+$0x0], $0xffff  }
0x37e: {  	v14 =	vld.idx.msk [tilespmem:v55+s20+$0x0], $0xffff;
	v21 =	vor.u32 $0x21, v3;
	v22 =	vmul.f32 v54, v13;
	v5 =	vadd.f32 v61, v5  }
0x37f: {  	v24 =	vor.u32 $0x22, v4;
	v23 =	vld.idx.msk [tilespmem:v56+s22+$0x0], $0xffff  }
0x380: {  	v9 =	vld.idx.msk [tilespmem:v59+s20+$0x0], $0xffff;
	v25 =	vor.u32 $0x22, v3;
	v26 =	vmul.f32 v58, v15;
	v5 =	vadd.f32 v22, v5  }
0x381: {  	v28 =	vor.u32 $0x23, v4;
	v27 =	vld.idx.msk [tilespmem:v60+s22+$0x0], $0xffff  }
0x382: {  	v11 =	vld.idx.msk [tilespmem:v63+s20+$0x0], $0xffff;
	v29 =	vor.u32 $0x23, v3;
	v30 =	vmul.f32 v62, v12;
	v5 =	vadd.f32 v26, v5  }
0x383: {  	v32 =	vor.u32 $0x24, v4;
	v31 =	vld.idx.msk [tilespmem:v21+s22+$0x0], $0xffff  }
0x384: {  	v13 =	vld.idx.msk [tilespmem:v24+s20+$0x0], $0xffff;
	v33 =	vor.u32 $0x24, v3;
	v34 =	vmul.f32 v23, v14;
	v5 =	vadd.f32 v30, v5  }
0x385: {  	v36 =	vor.u32 $0x25, v4;
	v35 =	vld.idx.msk [tilespmem:v25+s22+$0x0], $0xffff  }
0x386: {  	v15 =	vld.idx.msk [tilespmem:v28+s20+$0x0], $0xffff;
	v37 =	vor.u32 $0x25, v3;
	v38 =	vmul.f32 v27, v9;
	v5 =	vadd.f32 v34, v5  }
0x387: {  	v40 =	vor.u32 $0x26, v4;
	v39 =	vld.idx.msk [tilespmem:v29+s22+$0x0], $0xffff  }
0x388: {  	v12 =	vld.idx.msk [tilespmem:v32+s20+$0x0], $0xffff;
	v41 =	vor.u32 $0x26, v3;
	v42 =	vmul.f32 v31, v11;
	v5 =	vadd.f32 v38, v5  }
0x389: {  	v44 =	vor.u32 $0x27, v4;
	v43 =	vld.idx.msk [tilespmem:v33+s22+$0x0], $0xffff  }
0x38a: {  	v14 =	vld.idx.msk [tilespmem:v36+s20+$0x0], $0xffff;
	v45 =	vor.u32 $0x27, v3;
	v46 =	vmul.f32 v35, v13;
	v5 =	vadd.f32 v42, v5  }
0x38b: {  	v48 =	vor.u32 $0x28, v4;
	v47 =	vld.idx.msk [tilespmem:v37+s22+$0x0], $0xffff  }
0x38c: {  	v9 =	vld.idx.msk [tilespmem:v40+s20+$0x0], $0xffff;
	v49 =	vor.u32 $0x28, v3;
	v50 =	vmul.f32 v39, v15;
	v5 =	vadd.f32 v46, v5  }
0x38d: {  	v52 =	vor.u32 $0x29, v4;
	v51 =	vld.idx.msk [tilespmem:v41+s22+$0x0], $0xffff  }
0x38e: {  	v11 =	vld.idx.msk [tilespmem:v44+s20+$0x0], $0xffff;
	v53 =	vor.u32 $0x29, v3;
	v54 =	vmul.f32 v43, v12;
	v5 =	vadd.f32 v50, v5  }
0x38f: {  	v56 =	vor.u32 $0x2A, v4;
	v55 =	vld.idx.msk [tilespmem:v45+s22+$0x0], $0xffff  }
0x390: {  	v13 =	vld.idx.msk [tilespmem:v48+s20+$0x0], $0xffff;
	v57 =	vor.u32 $0x2A, v3;
	v58 =	vmul.f32 v47, v14;
	v5 =	vadd.f32 v54, v5  }
0x391: {  	v60 =	vor.u32 $0x2B, v4;
	v59 =	vld.idx.msk [tilespmem:v49+s22+$0x0], $0xffff  }
0x392: {  	v15 =	vld.idx.msk [tilespmem:v52+s20+$0x0], $0xffff;
	v61 =	vor.u32 $0x2B, v3;
	v62 =	vmul.f32 v51, v9;
	v5 =	vadd.f32 v58, v5  }
0x393: {  	v21 =	vor.u32 $0x2C, v4;
	v63 =	vld.idx.msk [tilespmem:v53+s22+$0x0], $0xffff  }
0x394: {  	v12 =	vld.idx.msk [tilespmem:v56+s20+$0x0], $0xffff;
	v22 =	vor.u32 $0x2C, v3;
	v23 =	vmul.f32 v55, v11;
	v5 =	vadd.f32 v62, v5  }
0x395: {  	v25 =	vor.u32 $0x2D, v4;
	v24 =	vld.idx.msk [tilespmem:v57+s22+$0x0], $0xffff  }
0x396: {  	v14 =	vld.idx.msk [tilespmem:v60+s20+$0x0], $0xffff;
	v26 =	vor.u32 $0x2D, v3;
	v27 =	vmul.f32 v59, v13;
	v5 =	vadd.f32 v23, v5  }
0x397: {  	v29 =	vor.u32 $0x2E, v4;
	v28 =	vld.idx.msk [tilespmem:v61+s22+$0x0], $0xffff  }
0x398: {  	v9 =	vld.idx.msk [tilespmem:v21+s20+$0x0], $0xffff;
	v30 =	vor.u32 $0x2E, v3;
	v31 =	vmul.f32 v63, v15;
	v5 =	vadd.f32 v27, v5  }
0x399: {  	v33 =	vor.u32 $0x2F, v4;
	v32 =	vld.idx.msk [tilespmem:v22+s22+$0x0], $0xffff  }
0x39a: {  	v11 =	vld.idx.msk [tilespmem:v25+s20+$0x0], $0xffff;
	v34 =	vor.u32 $0x2F, v3;
	v35 =	vmul.f32 v24, v12;
	v5 =	vadd.f32 v31, v5  }
0x39b: {  	v37 =	vor.u32 $0x30, v4;
	v36 =	vld.idx.msk [tilespmem:v26+s22+$0x0], $0xffff  }
0x39c: {  	v13 =	vld.idx.msk [tilespmem:v29+s20+$0x0], $0xffff;
	v38 =	vor.u32 $0x30, v3;
	v39 =	vmul.f32 v28, v14;
	v5 =	vadd.f32 v35, v5  }
0x39d: {  	v41 =	vor.u32 $0x31, v4;
	v40 =	vld.idx.msk [tilespmem:v30+s22+$0x0], $0xffff  }
0x39e: {  	v15 =	vld.idx.msk [tilespmem:v33+s20+$0x0], $0xffff;
	v42 =	vor.u32 $0x31, v3;
	v43 =	vmul.f32 v32, v9;
	v5 =	vadd.f32 v39, v5  }
0x39f: {  	v45 =	vor.u32 $0x32, v4;
	v44 =	vld.idx.msk [tilespmem:v34+s22+$0x0], $0xffff  }
0x3a0: {  	v12 =	vld.idx.msk [tilespmem:v37+s20+$0x0], $0xffff;
	v46 =	vor.u32 $0x32, v3;
	v47 =	vmul.f32 v36, v11;
	v5 =	vadd.f32 v43, v5  }
0x3a1: {  	v49 =	vor.u32 $0x33, v4;
	v48 =	vld.idx.msk [tilespmem:v38+s22+$0x0], $0xffff  }
0x3a2: {  	v14 =	vld.idx.msk [tilespmem:v41+s20+$0x0], $0xffff;
	v50 =	vor.u32 $0x33, v3;
	v51 =	vmul.f32 v40, v13;
	v5 =	vadd.f32 v47, v5  }
0x3a3: {  	v53 =	vor.u32 $0x34, v4;
	v52 =	vld.idx.msk [tilespmem:v42+s22+$0x0], $0xffff  }
0x3a4: {  	v9 =	vld.idx.msk [tilespmem:v45+s20+$0x0], $0xffff;
	v54 =	vor.u32 $0x34, v3;
	v55 =	vmul.f32 v44, v15;
	v5 =	vadd.f32 v51, v5  }
0x3a5: {  	v57 =	vor.u32 $0x35, v4;
	v56 =	vld.idx.msk [tilespmem:v46+s22+$0x0], $0xffff  }
0x3a6: {  	v11 =	vld.idx.msk [tilespmem:v49+s20+$0x0], $0xffff;
	v58 =	vor.u32 $0x35, v3;
	v59 =	vmul.f32 v48, v12;
	v5 =	vadd.f32 v55, v5  }
0x3a7: {  	v61 =	vor.u32 $0x36, v4;
	v60 =	vld.idx.msk [tilespmem:v50+s22+$0x0], $0xffff  }
0x3a8: {  	v13 =	vld.idx.msk [tilespmem:v53+s20+$0x0], $0xffff;
	v62 =	vor.u32 $0x36, v3;
	v63 =	vmul.f32 v52, v14;
	v5 =	vadd.f32 v59, v5  }
0x3a9: {  	v22 =	vor.u32 $0x37, v4;
	v21 =	vld.idx.msk [tilespmem:v54+s22+$0x0], $0xffff  }
0x3aa: {  	v15 =	vld.idx.msk [tilespmem:v57+s20+$0x0], $0xffff;
	v23 =	vor.u32 $0x37, v3;
	v24 =	vmul.f32 v56, v9;
	v5 =	vadd.f32 v63, v5  }
0x3ab: {  	v26 =	vor.u32 $0x38, v4;
	v25 =	vld.idx.msk [tilespmem:v58+s22+$0x0], $0xffff  }
0x3ac: {  	v12 =	vld.idx.msk [tilespmem:v61+s20+$0x0], $0xffff;
	v27 =	vor.u32 $0x38, v3;
	v28 =	vmul.f32 v60, v11;
	v5 =	vadd.f32 v24, v5  }
0x3ad: {  	v30 =	vor.u32 $0x39, v4;
	v29 =	vld.idx.msk [tilespmem:v62+s22+$0x0], $0xffff  }
0x3ae: {  	v14 =	vld.idx.msk [tilespmem:v22+s20+$0x0], $0xffff;
	v31 =	vor.u32 $0x39, v3;
	v32 =	vmul.f32 v21, v13;
	v5 =	vadd.f32 v28, v5  }
0x3af: {  	v34 =	vor.u32 $0x3A, v4;
	v33 =	vld.idx.msk [tilespmem:v23+s22+$0x0], $0xffff  }
0x3b0: {  	v9 =	vld.idx.msk [tilespmem:v26+s20+$0x0], $0xffff;
	v35 =	vor.u32 $0x3A, v3;
	v36 =	vmul.f32 v25, v15;
	v5 =	vadd.f32 v32, v5  }
0x3b1: {  	v38 =	vor.u32 $0x3B, v4;
	v37 =	vld.idx.msk [tilespmem:v27+s22+$0x0], $0xffff  }
0x3b2: {  	v11 =	vld.idx.msk [tilespmem:v30+s20+$0x0], $0xffff;
	v39 =	vor.u32 $0x3B, v3;
	v40 =	vmul.f32 v29, v12;
	v5 =	vadd.f32 v36, v5  }
0x3b3: {  	v42 =	vor.u32 $0x3C, v4;
	v41 =	vld.idx.msk [tilespmem:v31+s22+$0x0], $0xffff  }
0x3b4: {  	v13 =	vld.idx.msk [tilespmem:v34+s20+$0x0], $0xffff;
	v43 =	vor.u32 $0x3C, v3;
	v44 =	vmul.f32 v33, v14;
	v5 =	vadd.f32 v40, v5  }
0x3b5: {  	v46 =	vor.u32 $0x3D, v4;
	v45 =	vld.idx.msk [tilespmem:v35+s22+$0x0], $0xffff  }
0x3b6: {  	v15 =	vld.idx.msk [tilespmem:v38+s20+$0x0], $0xffff;
	v47 =	vor.u32 $0x3D, v3;
	v48 =	vmul.f32 v37, v9;
	v5 =	vadd.f32 v44, v5  }
0x3b7: {  	v50 =	vor.u32 $0x3E, v4;
	v49 =	vld.idx.msk [tilespmem:v39+s22+$0x0], $0xffff  }
0x3b8: {  	v12 =	vld.idx.msk [tilespmem:v42+s20+$0x0], $0xffff;
	v51 =	vor.u32 $0x3E, v3;
	v52 =	vmul.f32 v41, v11;
	v5 =	vadd.f32 v48, v5  }
0x3b9: {  	v4 =	vor.u32 $0x3F, v4;
	v53 =	vld.idx.msk [tilespmem:v43+s22+$0x0], $0xffff  }
0x3ba: {  	v54 =	vld.idx.msk [tilespmem:v46+s20+$0x0], $0xffff;
	v3 =	vor.u32 $0x3F, v3;
	v55 =	vmul.f32 v45, v13;
	v5 =	vadd.f32 v52, v5  }
0x3bb: {  	v56 =	vld.idx.msk [tilespmem:v47+s22+$0x0], $0xffff  }
0x3bc: {  	v9 =	vld.idx.msk [tilespmem:v50+s20+$0x0], $0xffff;
	v57 =	vmul.f32 v49, v15;
	v5 =	vadd.f32 v55, v5  }
0x3bd: {  	v58 =	vld.idx.msk [tilespmem:v51+s22+$0x0], $0xffff  }
0x3be: {  	v4 =	vld.idx.msk [tilespmem:v4+s20+$0x0], $0xffff;
	v59 =	vmul.f32 v53, v12;
	v5 =	vadd.f32 v57, v5  }
0x3bf: {  	v3 =	vld.idx.msk [tilespmem:v3+s22+$0x0], $0xffff  }
0x3c0: {  	v60 =	vmul.f32 v56, v54;
	v5 =	vadd.f32 v59, v5;
	_ =	sdelay $0x1  }
0x3c1: {  	s0 =	sadd.s32 $0x10, s28;
	v61 =	vmul.f32 v58, v9;
	v5 =	vadd.f32 v60, v5  }
0x3c2: {  	v62 =	vld [tilespmem:s0+$0x0]  }
0x3c3: {  	s29 =	sadd.s32 $0x10, s29;
	v3 =	vmul.f32 v3, v4;
	v5 =	vadd.f32 v61, v5  }
0x3c4: {  	v63 =	vld [tilespmem:s29+$0x0]  }
0x3c5: {  	v3 =	vadd.f32 v3, v5;
	_ =	sdelay $0x1  }
0x3c6: {  	v3 =	vadd.f32 v3, v62;
	_ =	sdelay $0x1  }
0x3c7: {  	v3 =	vadd.f32 v3, v63;
	_ =	sdelay $0x1  }
0x3c8: {  	s26 =	sadd.s32 $0x1, s26;
	v2 =	vadd.f32 v3, v2  }
0x3c9: {  	s31 =	sadd.s32 $0x10, s30;
	p0 =	sne.s32 s26, s11  }
.Ltmp3:
0x3ca: {  	[tilespmem:s31+$0x0] =	vst v2;
	(pc) =	sbr.rel @p0 .LBB2_1-.Ltmp3, $4  }
0x3cb: {  	[hbm4b:s10+s5] =	stream.linear.scatter [tilespmem:s25], [sflag:$0x2], $0x200, $0x38;
	[tilespmem:$0x10E80] =	vst v63  }
0x3cc: {  	_ =	swait.ge [sflag:s12], $0x200  }
0x3cd: {  	[sflag:s12] =	ssyncset.done $0x0  }
0x3ce: {  	[sflag:s12] =	ssyncadd.s32 $0xFFFFFE00  }
0x3cf: {  	_ =	sfence.sel $0x180000  }
0x3d0: {  	[bflag:$0x0] =	sbarrier.arrive $0xFFFF  }
0x3d1: {  	_ =	strace $0x90000047  }
0x3d2: {  	s0 =	stileid.u32;
	[bflag:$0x2] =	sbarrier.arrive $0xFFFF  }
0x3d3: {  	p0 =	sne.s32 s0, $0x0;
	s0 =	rddreg [dreg:$0x7]  }
0x3d4: {  	s0 =	sadd.s32 @!p0 $0x100000, s0  }
0x3d5: {  	[sflag:s0] =	ssyncadd.tile.s32 @!p0 $0x1;
	_ =	shalt  }
.Lfunc_end2:
_tile_overlayer_lowered:
.L_overlay_start_2:
0x3d6: {  	(tag) =	ssettag $0x2  }
0x3d7: {  	s0 =	rddreg [dreg:$0x0];
	s2 =	stileid.u32  }
0x3d8: {  	s1 =	rddreg [dreg:$0x1];
	p0 =	sne.s32 s2, $0x0  }
0x3d9: {  	s3 =	rddreg [dreg:$0x2];
	[bflag:$0x3] =	sbarrier.arrive $0xFFFF;
	s2 =	simm.s32 @!p0 $0x1C02  }
0x3da: {  	[timem:s3], [sflag:s2] =	dma.local @!p0 [hbm:s0], s1  }
0x3db: {  	s0 =	simm.s32 @!p0 $0x2  }
0x3dc: {  	_ =	swait.ge @!p0 [sflag:s0], s1  }
0x3dd: {  	s1 =	ssub.s32 @!p0 $0x0, s1;
	[sflag:s0] =	ssyncset.done @!p0 $0x0  }
0x3de: {  	[sflag:s0] =	ssyncadd.s32 @!p0 s1  }
0x3df: {  	[bflag:$0x3] =	sbarrier.arrive $0xFFFF  }
0x3e0: {  	_ =	shalt  }

</sc_bundles>
